<compile_context>
chip_gen: v7x
topology: tpu7x:2x2x1
jax: 0.10.2.dev20260603
libtpu: 0.0.44.dev20260713+nightly
codegen_flags: <defaults>
</compile_context>

<pallas_src>
import functools

import jax
import jax.numpy as jnp
from jax import lax
from jax.experimental import pallas as pl
from jax.experimental.pallas import tpu as pltpu
from jax.experimental.pallas import tpu_sc as plsc

BATCH = 16384
EMBED = 32
HIDDEN = 64
ROLES = 16
PEDS = 8

NC = 2
NS = 16
NW = NC * NS
BPW = BATCH // NW
CH = 32
NCHUNK = BPW // CH
LANES = 16
WIDE = 128
PACK = WIDE // EMBED


TILE_H = 8


NG = BPW // LANES


def _fire_group(idx_v, tab_hbm, buf_v, sem, g):
    vec = idx_v[pl.ds(g * LANES, LANES)]
    tvec = lax.shift_right_logical(vec, 3)
    for j in range(LANES):
        pltpu.async_copy(tab_hbm.at[tvec[j]],
                         buf_v.at[pl.ds(j * TILE_H, TILE_H)], sem)


def _drain_extract_group(idx_v, tab_hbm, buf_v, out_v, sem, g):
    iota = lax.iota(jnp.int32, LANES)
    for j in range(LANES):
        pltpu.make_async_copy(
            tab_hbm.at[0],
            buf_v.at[pl.ds(j * TILE_H, TILE_H)], sem).wait()
    vec = idx_v[pl.ds(g * LANES, LANES)]
    grows = g * LANES + iota
    sub = vec & 7
    rowv = iota * TILE_H + sub
    orow = lax.shift_right_logical(grows, 2)
    ocol0 = (grows & 3) * EMBED
    for w in range(EMBED):
        wv = jnp.full((LANES,), w, jnp.int32)
        val = plsc.load_gather(buf_v, [rowv, wv])
        plsc.store_scatter(out_v, [orow, ocol0 + w], val)


def _gather_body(cidx_hbm, sidx_hbm, ctab_hbm, stab_hbm,
                 cembw_hbm, sembw_hbm,
                 cidx_v, sidx_v,
                 cbuf0_v, cbuf1_v, sbuf0_v, sbuf1_v,
                 cout_v, sout_v, sem_c0, sem_c1, sem_s0, sem_s1):
    wid = lax.axis_index("s") * NC + lax.axis_index("c")
    base = pl.multiple_of(wid * BPW, BPW)
    pltpu.sync_copy(cidx_hbm.at[pl.ds(base, BPW)], cidx_v)
    pltpu.sync_copy(sidx_hbm.at[pl.ds(base, BPW)], sidx_v)

    cbufs = (cbuf0_v, cbuf1_v)
    sbufs = (sbuf0_v, sbuf1_v)
    csems = (sem_c0, sem_c1)
    ssems = (sem_s0, sem_s1)

    _fire_group(cidx_v, ctab_hbm, cbuf0_v, sem_c0, 0)
    _fire_group(sidx_v, stab_hbm, sbuf0_v, sem_s0, 0)

    def body(g2, carry):
        for b in range(2):
            grp = g2 * 2 + b
            nxt = grp + 1
            nb = 1 - b

            @pl.when(nxt < NG)
            def _():
                _fire_group(cidx_v, ctab_hbm, cbufs[nb], csems[nb], nxt)
                _fire_group(sidx_v, stab_hbm, sbufs[nb], ssems[nb], nxt)
            _drain_extract_group(cidx_v, ctab_hbm, cbufs[b], cout_v,
                                 csems[b], grp)
            _drain_extract_group(sidx_v, stab_hbm, sbufs[b], sout_v,
                                 ssems[b], grp)
        return carry
    lax.fori_loop(0, NG // 2, body, 0)

    obase = pl.multiple_of(base // PACK, BPW // PACK)
    pltpu.sync_copy(cout_v, cembw_hbm.at[pl.ds(obase, BPW // PACK)])
    pltpu.sync_copy(sout_v, sembw_hbm.at[pl.ds(obase, BPW // PACK)])


@functools.cache
def _make_gather():
    return pl.kernel(
        _gather_body,
        out_type=(
            jax.ShapeDtypeStruct((BATCH // PACK, WIDE), jnp.float32),
            jax.ShapeDtypeStruct((BATCH // PACK, WIDE), jnp.float32),
        ),
        mesh=plsc.VectorSubcoreMesh(
            core_axis_name="c", subcore_axis_name="s",
            num_cores=NC, num_subcores=NS,
        ),
        scratch_types=[
            pltpu.VMEM((BPW,), jnp.int32),
            pltpu.VMEM((BPW,), jnp.int32),
            pltpu.VMEM((LANES * TILE_H, EMBED), jnp.float32),
            pltpu.VMEM((LANES * TILE_H, EMBED), jnp.float32),
            pltpu.VMEM((LANES * TILE_H, EMBED), jnp.float32),
            pltpu.VMEM((LANES * TILE_H, EMBED), jnp.float32),
            pltpu.VMEM((BPW // PACK, WIDE), jnp.float32),
            pltpu.VMEM((BPW // PACK, WIDE), jnp.float32),
            pltpu.SemaphoreType.DMA,
            pltpu.SemaphoreType.DMA,
            pltpu.SemaphoreType.DMA,
            pltpu.SemaphoreType.DMA,
        ],
        compiler_params=pltpu.CompilerParams(needs_layout_passes=False),
    )


BLK4 = 512


def _mlp_body(c_ref, s_ref, wh_ref, bh_ref, wr_ref, br_ref, wp_ref, bp_ref,
              role_ref, ped_ref):
    cw = c_ref[...]
    sw = s_ref[...]
    wh = wh_ref[...]
    top = wh[:EMBED, :]
    bot = wh[EMBED:, :]
    for k in range(PACK):
        c = cw[:, k * EMBED:(k + 1) * EMBED]
        s = sw[:, k * EMBED:(k + 1) * EMBED]
        h = jnp.dot(c, top, preferred_element_type=jnp.float32)
        h = h + jnp.dot(s, bot, preferred_element_type=jnp.float32)
        h = jnp.maximum(h + bh_ref[...], 0.0)
        role_ref[:, k * ROLES:(k + 1) * ROLES] = (
            jnp.dot(h, wr_ref[...], preferred_element_type=jnp.float32)
            + br_ref[...])
        ped_ref[:, k * PEDS:(k + 1) * PEDS] = (
            jnp.dot(h, wp_ref[...], preferred_element_type=jnp.float32)
            + bp_ref[...])


def _mlp(cembw, sembw, W_h, b_h2, W_r, b_r2, W_p, b_p2, interpret=False):
    rep = lambda shape: pl.BlockSpec(shape, lambda i: (0, 0))
    nwide = BATCH // PACK
    return pl.pallas_call(
        _mlp_body,
        grid=(nwide // BLK4,),
        in_specs=[
            pl.BlockSpec((BLK4, WIDE), lambda i: (i, 0)),
            pl.BlockSpec((BLK4, WIDE), lambda i: (i, 0)),
            rep((2 * EMBED, HIDDEN)),
            rep((1, HIDDEN)),
            rep((HIDDEN, ROLES)),
            rep((1, ROLES)),
            rep((HIDDEN, PEDS)),
            rep((1, PEDS)),
        ],
        out_specs=[
            pl.BlockSpec((BLK4, PACK * ROLES), lambda i: (i, 0)),
            pl.BlockSpec((BLK4, PACK * PEDS), lambda i: (i, 0)),
        ],
        out_shape=[
            jax.ShapeDtypeStruct((nwide, PACK * ROLES), jnp.float32),
            jax.ShapeDtypeStruct((nwide, PACK * PEDS), jnp.float32),
        ],
        interpret=interpret,
    )(cembw, sembw, W_h, b_h2, W_r, b_r2, W_p, b_p2)


def kernel(concept_idx, style_idx, concept_table, style_table,
           W_h, b_h, W_r, b_r, W_p, b_p):
    cembw, sembw = _make_gather()(concept_idx.astype(jnp.int32),
                                  style_idx.astype(jnp.int32),
                                  concept_table.reshape(-1, TILE_H, EMBED),
                                  style_table.reshape(-1, TILE_H, EMBED))
    role_w, ped_w = _mlp(cembw, sembw, W_h, b_h.reshape(1, HIDDEN),
                         W_r, b_r.reshape(1, ROLES),
                         W_p, b_p.reshape(1, PEDS))
    return (role_w.reshape(BATCH, ROLES), ped_w.reshape(BATCH, PEDS))

# --- scband reference (transcript-rebuilt; emitter-appended) ---
"""Pipeline reference for scband-neural-network-36842229465665 (READ-ONLY COPY).

The authoritative reference and input builder live on the scoring server;
editing this copy changes nothing except your own understanding.
"""

import jax, jax.numpy as jnp
import numpy as np

NUM_CONCEPTS = 1000000
NUM_STYLES = 100000
NUM_ROLES = 16
NUM_PEDAGOGIES = 8
EMBED_DIM = 32
HIDDEN_DIM = 64
BATCH = 16384


def setup_inputs(seed: int = 0) -> dict:
    key = jax.random.key(seed)
    ks = jax.random.split(key, 10)
    concept_idx = jax.random.randint(ks[0], (BATCH,), 0, NUM_CONCEPTS, dtype=jnp.int64) if jax.config.read('jax_enable_x64') else jax.random.randint(ks[0], (BATCH,), 0, NUM_CONCEPTS, dtype=jnp.int32)
    style_idx = jax.random.randint(ks[1], (BATCH,), 0, NUM_STYLES, dtype=jnp.int32)
    concept_table = jax.random.normal(ks[2], (NUM_CONCEPTS, EMBED_DIM), dtype=jnp.float32) * 0.05
    style_table = jax.random.normal(ks[3], (NUM_STYLES, EMBED_DIM), dtype=jnp.float32) * 0.05
    W_h = jax.random.normal(ks[4], (2 * EMBED_DIM, HIDDEN_DIM), dtype=jnp.float32) * (1.0 / np.sqrt(2 * EMBED_DIM))
    b_h = jnp.zeros((HIDDEN_DIM,), dtype=jnp.float32)
    W_r = jax.random.normal(ks[5], (HIDDEN_DIM, NUM_ROLES), dtype=jnp.float32) * (1.0 / np.sqrt(HIDDEN_DIM))
    b_r = jnp.zeros((NUM_ROLES,), dtype=jnp.float32)
    W_p = jax.random.normal(ks[6], (HIDDEN_DIM, NUM_PEDAGOGIES), dtype=jnp.float32) * (1.0 / np.sqrt(HIDDEN_DIM))
    b_p = jnp.zeros((NUM_PEDAGOGIES,), dtype=jnp.float32)
    return {
        'concept_idx': concept_idx,
        'style_idx': style_idx,
        'concept_table': concept_table,
        'style_table': style_table,
        'W_h': W_h, 'b_h': b_h,
        'W_r': W_r, 'b_r': b_r,
        'W_p': W_p, 'b_p': b_p,
    }


def reference(concept_idx, style_idx, concept_table, style_table, W_h, b_h, W_r, b_r, W_p, b_p):
    concept_emb = jnp.take(concept_table, concept_idx, axis=0)
    style_emb = jnp.take(style_table, style_idx, axis=0)
    combined = jnp.concatenate([concept_emb, style_emb], axis=-1)
    hidden = jax.nn.relu(combined @ W_h + b_h)
    role_logits = hidden @ W_r + b_r
    pedagogy_logits = hidden @ W_p + b_p
    return (role_logits, pedagogy_logits)

if __name__ == "__main__":
    import jax
    _d = setup_inputs()
    print(jax.jit(kernel)(*tuple(_d.values())))

</pallas_src>

<mosaic_0001>
#map = affine_map<(d0, d1) -> (0)>
#map1 = affine_map<(d0, d1) -> (0, 0, 0)>
#map2 = affine_map<(d0, d1) -> (0, 0)>
module attributes {stable_mosaic.version = 14 : i64} {
  func.func @_gather_body(%arg0: i32, %arg1: i32, %arg2: memref<16384xi32, #tpu.memory_space<hbm>>, %arg3: memref<16384xi32, #tpu.memory_space<hbm>>, %arg4: memref<125000x8x32xf32, #tpu.memory_space<hbm>>, %arg5: memref<12500x8x32xf32, #tpu.memory_space<hbm>>, %arg6: memref<4096x128xf32, #tpu.memory_space<hbm>>, %arg7: memref<4096x128xf32, #tpu.memory_space<hbm>>, %arg8: memref<512xi32, #tpu.memory_space<vmem>>, %arg9: memref<512xi32, #tpu.memory_space<vmem>>, %arg10: memref<128x32xf32, #tpu.memory_space<vmem>>, %arg11: memref<128x32xf32, #tpu.memory_space<vmem>>, %arg12: memref<128x32xf32, #tpu.memory_space<vmem>>, %arg13: memref<128x32xf32, #tpu.memory_space<vmem>>, %arg14: memref<128x128xf32, #tpu.memory_space<vmem>>, %arg15: memref<128x128xf32, #tpu.memory_space<vmem>>, %arg16: memref<!tpu.dma_semaphore, #tpu.memory_space<semaphore_mem>>, %arg17: memref<!tpu.dma_semaphore, #tpu.memory_space<semaphore_mem>>, %arg18: memref<!tpu.dma_semaphore, #tpu.memory_space<semaphore_mem>>, %arg19: memref<!tpu.dma_semaphore, #tpu.memory_space<semaphore_mem>>) attributes {dimension_semantics = [#tpu.dimension_semantics<core_parallel>, #tpu.dimension_semantics<subcore_parallel>], iteration_bounds = array<i64: 2, 16>, scalar_prefetch = 0 : i64, scratch_operands = 12 : i64, tpu.core_type = #tpu.core_type<sc_vector_subcore>, window_params = [{transform_indices = #map}, {transform_indices = #map}, {transform_indices = #map1}, {transform_indices = #map1}, {transform_indices = #map2}, {transform_indices = #map2}]} {
    %mul3A = arith.constant 2 : i32
    %mul3A_0 = arith.muli %arg1, %mul3A : i32
    %add3A = arith.addi %mul3A_0, %arg0 : i32
    %mul3A_1 = arith.constant 512 : i32
    %mul3A_2 = arith.muli %add3A, %mul3A_1 : i32
    %multiple_of3A = tpu.assume_multiple %mul3A_2, 512 : i32
    "tpu.region"() ({
      %run_scoped3A = tpu.sem_alloc : memref<!tpu.dma_semaphore, #tpu.memory_space<semaphore_mem>>
      %dma_start3A_542 = tpu.memref_slice %arg2[%multiple_of3A] : memref<16384xi32, #tpu.memory_space<hbm>> -> memref<512xi32, #tpu.memory_space<hbm>>
      %dma_start3A_543 = tpu.memref_slice %arg2[%multiple_of3A] : memref<16384xi32, #tpu.memory_space<hbm>> -> memref<512xi32, #tpu.memory_space<hbm>>
      tpu.enqueue_dma source(%dma_start3A_543 : memref<512xi32, #tpu.memory_space<hbm>>) target(%arg8 : memref<512xi32, #tpu.memory_space<vmem>>) target_semaphore(%run_scoped3A : memref<!tpu.dma_semaphore, #tpu.memory_space<semaphore_mem>>)
      %dma_wait3A = tpu.memref_slice %arg2[%multiple_of3A] : memref<16384xi32, #tpu.memory_space<hbm>> -> memref<512xi32, #tpu.memory_space<hbm>>
      %dma_wait3A_544 = tpu.memref_slice %arg2[%multiple_of3A] : memref<16384xi32, #tpu.memory_space<hbm>> -> memref<512xi32, #tpu.memory_space<hbm>>
      tpu.wait_dma2 semaphore(%run_scoped3A : memref<!tpu.dma_semaphore, #tpu.memory_space<semaphore_mem>>) src(%dma_wait3A_544 : memref<512xi32, #tpu.memory_space<hbm>>) dst(%arg8 : memref<512xi32, #tpu.memory_space<vmem>>)
      tpu.yield
    }) : () -> ()
    "tpu.region"() ({
      %run_scoped3A = tpu.sem_alloc : memref<!tpu.dma_semaphore, #tpu.memory_space<semaphore_mem>>
      %dma_start3A_542 = tpu.memref_slice %arg3[%multiple_of3A] : memref<16384xi32, #tpu.memory_space<hbm>> -> memref<512xi32, #tpu.memory_space<hbm>>
      %dma_start3A_543 = tpu.memref_slice %arg3[%multiple_of3A] : memref<16384xi32, #tpu.memory_space<hbm>> -> memref<512xi32, #tpu.memory_space<hbm>>
      tpu.enqueue_dma source(%dma_start3A_543 : memref<512xi32, #tpu.memory_space<hbm>>) target(%arg9 : memref<512xi32, #tpu.memory_space<vmem>>) target_semaphore(%run_scoped3A : memref<!tpu.dma_semaphore, #tpu.memory_space<semaphore_mem>>)
      %dma_wait3A = tpu.memref_slice %arg3[%multiple_of3A] : memref<16384xi32, #tpu.memory_space<hbm>> -> memref<512xi32, #tpu.memory_space<hbm>>
      %dma_wait3A_544 = tpu.memref_slice %arg3[%multiple_of3A] : memref<16384xi32, #tpu.memory_space<hbm>> -> memref<512xi32, #tpu.memory_space<hbm>>
      tpu.wait_dma2 semaphore(%run_scoped3A : memref<!tpu.dma_semaphore, #tpu.memory_space<semaphore_mem>>) src(%dma_wait3A_544 : memref<512xi32, #tpu.memory_space<hbm>>) dst(%arg9 : memref<512xi32, #tpu.memory_space<vmem>>)
      tpu.yield
    }) : () -> ()
    %get3A = arith.constant 0 : index
    %get3A_3 = tpu.vector_load %arg8[%get3A] {strides = array<i32>} : memref<512xi32, #tpu.memory_space<vmem>>, vector<16xi32>,
    %shift_right_logical3A = arith.constant 3 : i32
    %shift_right_logical3A_4 = vector.broadcast %shift_right_logical3A : i32 to vector<16xi32>
    %shift_right_logical3A_5 = arith.shrui %get3A_3, %shift_right_logical3A_4 : vector<16xi32>
    %slice3A = vector.extract_strided_slice %shift_right_logical3A_5 {offsets = [0], sizes = [1], strides = [1]} : vector<16xi32> to vector<1xi32>
    %squeeze3A = vector.extract %slice3A[0] : i32 from vector<1xi32>
    %dma_start3A = arith.constant 0 : i32
    %dma_start3A_6 = arith.constant 0 : i32
    %dma_start3A_7 = tpu.memref_slice %arg10[%dma_start3A, %dma_start3A_6] : memref<128x32xf32, #tpu.memory_space<vmem>> -> memref<8x32xf32, #tpu.memory_space<vmem>>
    %dma_start3A_8 = arith.constant 0 : i32
    %dma_start3A_9 = arith.constant 0 : i32
    %dma_start3A_10 = tpu.memref_slice %arg4[%squeeze3A, %dma_start3A_8, %dma_start3A_9] : memref<125000x8x32xf32, #tpu.memory_space<hbm>> -> memref<1x8x32xf32, #tpu.memory_space<hbm>>
    %dma_start3A_11 = tpu.memref_squeeze %dma_start3A_10 : memref<1x8x32xf32, #tpu.memory_space<hbm>> -> memref<8x32xf32, #tpu.memory_space<hbm>>
    %dma_start3A_12 = arith.constant 0 : i32
    %dma_start3A_13 = arith.constant 0 : i32
    %dma_start3A_14 = tpu.memref_slice %arg10[%dma_start3A_12, %dma_start3A_13] : memref<128x32xf32, #tpu.memory_space<vmem>> -> memref<8x32xf32, #tpu.memory_space<vmem>>
    %dma_start3A_15 = arith.constant 0 : i32
    %dma_start3A_16 = arith.constant 0 : i32
    %dma_start3A_17 = tpu.memref_slice %arg4[%squeeze3A, %dma_start3A_15, %dma_start3A_16] : memref<125000x8x32xf32, #tpu.memory_space<hbm>> -> memref<1x8x32xf32, #tpu.memory_space<hbm>>
    %dma_start3A_18 = tpu.memref_squeeze %dma_start3A_17 : memref<1x8x32xf32, #tpu.memory_space<hbm>> -> memref<8x32xf32, #tpu.memory_space<hbm>>
    tpu.enqueue_dma source(%dma_start3A_18 : memref<8x32xf32, #tpu.memory_space<hbm>>) target(%dma_start3A_14 : memref<8x32xf32, #tpu.memory_space<vmem>>) target_semaphore(%arg16 : memref<!tpu.dma_semaphore, #tpu.memory_space<semaphore_mem>>)
    %slice3A_19 = vector.extract_strided_slice %shift_right_logical3A_5 {offsets = [1], sizes = [1], strides = [1]} : vector<16xi32> to vector<1xi32>
    %squeeze3A_20 = vector.extract %slice3A_19[0] : i32 from vector<1xi32>
    %dma_start3A_21 = arith.constant 8 : i32
    %dma_start3A_22 = arith.constant 0 : i32
    %dma_start3A_23 = tpu.memref_slice %arg10[%dma_start3A_21, %dma_start3A_22] : memref<128x32xf32, #tpu.memory_space<vmem>> -> memref<8x32xf32, #tpu.memory_space<vmem>>
    %dma_start3A_24 = arith.constant 0 : i32
    %dma_start3A_25 = arith.constant 0 : i32
    %dma_start3A_26 = tpu.memref_slice %arg4[%squeeze3A_20, %dma_start3A_24, %dma_start3A_25] : memref<125000x8x32xf32, #tpu.memory_space<hbm>> -> memref<1x8x32xf32, #tpu.memory_space<hbm>>
    %dma_start3A_27 = tpu.memref_squeeze %dma_start3A_26 : memref<1x8x32xf32, #tpu.memory_space<hbm>> -> memref<8x32xf32, #tpu.memory_space<hbm>>
    %dma_start3A_28 = arith.constant 8 : i32
    %dma_start3A_29 = arith.constant 0 : i32
    %dma_start3A_30 = tpu.memref_slice %arg10[%dma_start3A_28, %dma_start3A_29] : memref<128x32xf32, #tpu.memory_space<vmem>> -> memref<8x32xf32, #tpu.memory_space<vmem>>
    %dma_start3A_31 = arith.constant 0 : i32
    %dma_start3A_32 = arith.constant 0 : i32
    %dma_start3A_33 = tpu.memref_slice %arg4[%squeeze3A_20, %dma_start3A_31, %dma_start3A_32] : memref<125000x8x32xf32, #tpu.memory_space<hbm>> -> memref<1x8x32xf32, #tpu.memory_space<hbm>>
    %dma_start3A_34 = tpu.memref_squeeze %dma_start3A_33 : memref<1x8x32xf32, #tpu.memory_space<hbm>> -> memref<8x32xf32, #tpu.memory_space<hbm>>
    tpu.enqueue_dma source(%dma_start3A_34 : memref<8x32xf32, #tpu.memory_space<hbm>>) target(%dma_start3A_30 : memref<8x32xf32, #tpu.memory_space<vmem>>) target_semaphore(%arg16 : memref<!tpu.dma_semaphore, #tpu.memory_space<semaphore_mem>>)
    %slice3A_35 = vector.extract_strided_slice %shift_right_logical3A_5 {offsets = [2], sizes = [1], strides = [1]} : vector<16xi32> to vector<1xi32>
    %squeeze3A_36 = vector.extract %slice3A_35[0] : i32 from vector<1xi32>
    %dma_start3A_37 = arith.constant 16 : i32
    %dma_start3A_38 = arith.constant 0 : i32
    %dma_start3A_39 = tpu.memref_slice %arg10[%dma_start3A_37, %dma_start3A_38] : memref<128x32xf32, #tpu.memory_space<vmem>> -> memref<8x32xf32, #tpu.memory_space<vmem>>
    %dma_start3A_40 = arith.constant 0 : i32
    %dma_start3A_41 = arith.constant 0 : i32
    %dma_start3A_42 = tpu.memref_slice %arg4[%squeeze3A_36, %dma_start3A_40, %dma_start3A_41] : memref<125000x8x32xf32, #tpu.memory_space<hbm>> -> memref<1x8x32xf32, #tpu.memory_space<hbm>>
    %dma_start3A_43 = tpu.memref_squeeze %dma_start3A_42 : memref<1x8x32xf32, #tpu.memory_space<hbm>> -> memref<8x32xf32, #tpu.memory_space<hbm>>
    %dma_start3A_44 = arith.constant 16 : i32
    %dma_start3A_45 = arith.constant 0 : i32
    %dma_start3A_46 = tpu.memref_slice %arg10[%dma_start3A_44, %dma_start3A_45] : memref<128x32xf32, #tpu.memory_space<vmem>> -> memref<8x32xf32, #tpu.memory_space<vmem>>
    %dma_start3A_47 = arith.constant 0 : i32
    %dma_start3A_48 = arith.constant 0 : i32
    %dma_start3A_49 = tpu.memref_slice %arg4[%squeeze3A_36, %dma_start3A_47, %dma_start3A_48] : memref<125000x8x32xf32, #tpu.memory_space<hbm>> -> memref<1x8x32xf32, #tpu.memory_space<hbm>>
    %dma_start3A_50 = tpu.memref_squeeze %dma_start3A_49 : memref<1x8x32xf32, #tpu.memory_space<hbm>> -> memref<8x32xf32, #tpu.memory_space<hbm>>
    tpu.enqueue_dma source(%dma_start3A_50 : memref<8x32xf32, #tpu.memory_space<hbm>>) target(%dma_start3A_46 : memref<8x32xf32, #tpu.memory_space<vmem>>) target_semaphore(%arg16 : memref<!tpu.dma_semaphore, #tpu.memory_space<semaphore_mem>>)
    %slice3A_51 = vector.extract_strided_slice %shift_right_logical3A_5 {offsets = [3], sizes = [1], strides = [1]} : vector<16xi32> to vector<1xi32>
    %squeeze3A_52 = vector.extract %slice3A_51[0] : i32 from vector<1xi32>
    %dma_start3A_53 = arith.constant 24 : i32
    %dma_start3A_54 = arith.constant 0 : i32
    %dma_start3A_55 = tpu.memref_slice %arg10[%dma_start3A_53, %dma_start3A_54] : memref<128x32xf32, #tpu.memory_space<vmem>> -> memref<8x32xf32, #tpu.memory_space<vmem>>
    %dma_start3A_56 = arith.constant 0 : i32
    %dma_start3A_57 = arith.constant 0 : i32
    %dma_start3A_58 = tpu.memref_slice %arg4[%squeeze3A_52, %dma_start3A_56, %dma_start3A_57] : memref<125000x8x32xf32, #tpu.memory_space<hbm>> -> memref<1x8x32xf32, #tpu.memory_space<hbm>>
    %dma_start3A_59 = tpu.memref_squeeze %dma_start3A_58 : memref<1x8x32xf32, #tpu.memory_space<hbm>> -> memref<8x32xf32, #tpu.memory_space<hbm>>
    %dma_start3A_60 = arith.constant 24 : i32
    %dma_start3A_61 = arith.constant 0 : i32
    %dma_start3A_62 = tpu.memref_slice %arg10[%dma_start3A_60, %dma_start3A_61] : memref<128x32xf32, #tpu.memory_space<vmem>> -> memref<8x32xf32, #tpu.memory_space<vmem>>
    %dma_start3A_63 = arith.constant 0 : i32
    %dma_start3A_64 = arith.constant 0 : i32
    %dma_start3A_65 = tpu.memref_slice %arg4[%squeeze3A_52, %dma_start3A_63, %dma_start3A_64] : memref<125000x8x32xf32, #tpu.memory_space<hbm>> -> memref<1x8x32xf32, #tpu.memory_space<hbm>>
    %dma_start3A_66 = tpu.memref_squeeze %dma_start3A_65 : memref<1x8x32xf32, #tpu.memory_space<hbm>> -> memref<8x32xf32, #tpu.memory_space<hbm>>
    tpu.enqueue_dma source(%dma_start3A_66 : memref<8x32xf32, #tpu.memory_space<hbm>>) target(%dma_start3A_62 : memref<8x32xf32, #tpu.memory_space<vmem>>) target_semaphore(%arg16 : memref<!tpu.dma_semaphore, #tpu.memory_space<semaphore_mem>>)
    %slice3A_67 = vector.extract_strided_slice %shift_right_logical3A_5 {offsets = [4], sizes = [1], strides = [1]} : vector<16xi32> to vector<1xi32>
    %squeeze3A_68 = vector.extract %slice3A_67[0] : i32 from vector<1xi32>
    %dma_start3A_69 = arith.constant 32 : i32
    %dma_start3A_70 = arith.constant 0 : i32
    %dma_start3A_71 = tpu.memref_slice %arg10[%dma_start3A_69, %dma_start3A_70] : memref<128x32xf32, #tpu.memory_space<vmem>> -> memref<8x32xf32, #tpu.memory_space<vmem>>
    %dma_start3A_72 = arith.constant 0 : i32
    %dma_start3A_73 = arith.constant 0 : i32
    %dma_start3A_74 = tpu.memref_slice %arg4[%squeeze3A_68, %dma_start3A_72, %dma_start3A_73] : memref<125000x8x32xf32, #tpu.memory_space<hbm>> -> memref<1x8x32xf32, #tpu.memory_space<hbm>>
    %dma_start3A_75 = tpu.memref_squeeze %dma_start3A_74 : memref<1x8x32xf32, #tpu.memory_space<hbm>> -> memref<8x32xf32, #tpu.memory_space<hbm>>
    %dma_start3A_76 = arith.constant 32 : i32
    %dma_start3A_77 = arith.constant 0 : i32
    %dma_start3A_78 = tpu.memref_slice %arg10[%dma_start3A_76, %dma_start3A_77] : memref<128x32xf32, #tpu.memory_space<vmem>> -> memref<8x32xf32, #tpu.memory_space<vmem>>
    %dma_start3A_79 = arith.constant 0 : i32
    %dma_start3A_80 = arith.constant 0 : i32
    %dma_start3A_81 = tpu.memref_slice %arg4[%squeeze3A_68, %dma_start3A_79, %dma_start3A_80] : memref<125000x8x32xf32, #tpu.memory_space<hbm>> -> memref<1x8x32xf32, #tpu.memory_space<hbm>>
    %dma_start3A_82 = tpu.memref_squeeze %dma_start3A_81 : memref<1x8x32xf32, #tpu.memory_space<hbm>> -> memref<8x32xf32, #tpu.memory_space<hbm>>
    tpu.enqueue_dma source(%dma_start3A_82 : memref<8x32xf32, #tpu.memory_space<hbm>>) target(%dma_start3A_78 : memref<8x32xf32, #tpu.memory_space<vmem>>) target_semaphore(%arg16 : memref<!tpu.dma_semaphore, #tpu.memory_space<semaphore_mem>>)
    %slice3A_83 = vector.extract_strided_slice %shift_right_logical3A_5 {offsets = [5], sizes = [1], strides = [1]} : vector<16xi32> to vector<1xi32>
    %squeeze3A_84 = vector.extract %slice3A_83[0] : i32 from vector<1xi32>
    %dma_start3A_85 = arith.constant 40 : i32
    %dma_start3A_86 = arith.constant 0 : i32
    %dma_start3A_87 = tpu.memref_slice %arg10[%dma_start3A_85, %dma_start3A_86] : memref<128x32xf32, #tpu.memory_space<vmem>> -> memref<8x32xf32, #tpu.memory_space<vmem>>
    %dma_start3A_88 = arith.constant 0 : i32
    %dma_start3A_89 = arith.constant 0 : i32
    %dma_start3A_90 = tpu.memref_slice %arg4[%squeeze3A_84, %dma_start3A_88, %dma_start3A_89] : memref<125000x8x32xf32, #tpu.memory_space<hbm>> -> memref<1x8x32xf32, #tpu.memory_space<hbm>>
    %dma_start3A_91 = tpu.memref_squeeze %dma_start3A_90 : memref<1x8x32xf32, #tpu.memory_space<hbm>> -> memref<8x32xf32, #tpu.memory_space<hbm>>
    %dma_start3A_92 = arith.constant 40 : i32
    %dma_start3A_93 = arith.constant 0 : i32
    %dma_start3A_94 = tpu.memref_slice %arg10[%dma_start3A_92, %dma_start3A_93] : memref<128x32xf32, #tpu.memory_space<vmem>> -> memref<8x32xf32, #tpu.memory_space<vmem>>
    %dma_start3A_95 = arith.constant 0 : i32
    %dma_start3A_96 = arith.constant 0 : i32
    %dma_start3A_97 = tpu.memref_slice %arg4[%squeeze3A_84, %dma_start3A_95, %dma_start3A_96] : memref<125000x8x32xf32, #tpu.memory_space<hbm>> -> memref<1x8x32xf32, #tpu.memory_space<hbm>>
    %dma_start3A_98 = tpu.memref_squeeze %dma_start3A_97 : memref<1x8x32xf32, #tpu.memory_space<hbm>> -> memref<8x32xf32, #tpu.memory_space<hbm>>
    tpu.enqueue_dma source(%dma_start3A_98 : memref<8x32xf32, #tpu.memory_space<hbm>>) target(%dma_start3A_94 : memref<8x32xf32, #tpu.memory_space<vmem>>) target_semaphore(%arg16 : memref<!tpu.dma_semaphore, #tpu.memory_space<semaphore_mem>>)
    %slice3A_99 = vector.extract_strided_slice %shift_right_logical3A_5 {offsets = [6], sizes = [1], strides = [1]} : vector<16xi32> to vector<1xi32>
    %squeeze3A_100 = vector.extract %slice3A_99[0] : i32 from vector<1xi32>
    %dma_start3A_101 = arith.constant 48 : i32
    %dma_start3A_102 = arith.constant 0 : i32
    %dma_start3A_103 = tpu.memref_slice %arg10[%dma_start3A_101, %dma_start3A_102] : memref<128x32xf32, #tpu.memory_space<vmem>> -> memref<8x32xf32, #tpu.memory_space<vmem>>
    %dma_start3A_104 = arith.constant 0 : i32
    %dma_start3A_105 = arith.constant 0 : i32
    %dma_start3A_106 = tpu.memref_slice %arg4[%squeeze3A_100, %dma_start3A_104, %dma_start3A_105] : memref<125000x8x32xf32, #tpu.memory_space<hbm>> -> memref<1x8x32xf32, #tpu.memory_space<hbm>>
    %dma_start3A_107 = tpu.memref_squeeze %dma_start3A_106 : memref<1x8x32xf32, #tpu.memory_space<hbm>> -> memref<8x32xf32, #tpu.memory_space<hbm>>
    %dma_start3A_108 = arith.constant 48 : i32
    %dma_start3A_109 = arith.constant 0 : i32
    %dma_start3A_110 = tpu.memref_slice %arg10[%dma_start3A_108, %dma_start3A_109] : memref<128x32xf32, #tpu.memory_space<vmem>> -> memref<8x32xf32, #tpu.memory_space<vmem>>
    %dma_start3A_111 = arith.constant 0 : i32
    %dma_start3A_112 = arith.constant 0 : i32
    %dma_start3A_113 = tpu.memref_slice %arg4[%squeeze3A_100, %dma_start3A_111, %dma_start3A_112] : memref<125000x8x32xf32, #tpu.memory_space<hbm>> -> memref<1x8x32xf32, #tpu.memory_space<hbm>>
    %dma_start3A_114 = tpu.memref_squeeze %dma_start3A_113 : memref<1x8x32xf32, #tpu.memory_space<hbm>> -> memref<8x32xf32, #tpu.memory_space<hbm>>
    tpu.enqueue_dma source(%dma_start3A_114 : memref<8x32xf32, #tpu.memory_space<hbm>>) target(%dma_start3A_110 : memref<8x32xf32, #tpu.memory_space<vmem>>) target_semaphore(%arg16 : memref<!tpu.dma_semaphore, #tpu.memory_space<semaphore_mem>>)
    %slice3A_115 = vector.extract_strided_slice %shift_right_logical3A_5 {offsets = [7], sizes = [1], strides = [1]} : vector<16xi32> to vector<1xi32>
    %squeeze3A_116 = vector.extract %slice3A_115[0] : i32 from vector<1xi32>
    %dma_start3A_117 = arith.constant 56 : i32
    %dma_start3A_118 = arith.constant 0 : i32
    %dma_start3A_119 = tpu.memref_slice %arg10[%dma_start3A_117, %dma_start3A_118] : memref<128x32xf32, #tpu.memory_space<vmem>> -> memref<8x32xf32, #tpu.memory_space<vmem>>
    %dma_start3A_120 = arith.constant 0 : i32
    %dma_start3A_121 = arith.constant 0 : i32
    %dma_start3A_122 = tpu.memref_slice %arg4[%squeeze3A_116, %dma_start3A_120, %dma_start3A_121] : memref<125000x8x32xf32, #tpu.memory_space<hbm>> -> memref<1x8x32xf32, #tpu.memory_space<hbm>>
    %dma_start3A_123 = tpu.memref_squeeze %dma_start3A_122 : memref<1x8x32xf32, #tpu.memory_space<hbm>> -> memref<8x32xf32, #tpu.memory_space<hbm>>
    %dma_start3A_124 = arith.constant 56 : i32
    %dma_start3A_125 = arith.constant 0 : i32
    %dma_start3A_126 = tpu.memref_slice %arg10[%dma_start3A_124, %dma_start3A_125] : memref<128x32xf32, #tpu.memory_space<vmem>> -> memref<8x32xf32, #tpu.memory_space<vmem>>
    %dma_start3A_127 = arith.constant 0 : i32
    %dma_start3A_128 = arith.constant 0 : i32
    %dma_start3A_129 = tpu.memref_slice %arg4[%squeeze3A_116, %dma_start3A_127, %dma_start3A_128] : memref<125000x8x32xf32, #tpu.memory_space<hbm>> -> memref<1x8x32xf32, #tpu.memory_space<hbm>>
    %dma_start3A_130 = tpu.memref_squeeze %dma_start3A_129 : memref<1x8x32xf32, #tpu.memory_space<hbm>> -> memref<8x32xf32, #tpu.memory_space<hbm>>
    tpu.enqueue_dma source(%dma_start3A_130 : memref<8x32xf32, #tpu.memory_space<hbm>>) target(%dma_start3A_126 : memref<8x32xf32, #tpu.memory_space<vmem>>) target_semaphore(%arg16 : memref<!tpu.dma_semaphore, #tpu.memory_space<semaphore_mem>>)
    %slice3A_131 = vector.extract_strided_slice %shift_right_logical3A_5 {offsets = [8], sizes = [1], strides = [1]} : vector<16xi32> to vector<1xi32>
    %squeeze3A_132 = vector.extract %slice3A_131[0] : i32 from vector<1xi32>
    %dma_start3A_133 = arith.constant 64 : i32
    %dma_start3A_134 = arith.constant 0 : i32
    %dma_start3A_135 = tpu.memref_slice %arg10[%dma_start3A_133, %dma_start3A_134] : memref<128x32xf32, #tpu.memory_space<vmem>> -> memref<8x32xf32, #tpu.memory_space<vmem>>
    %dma_start3A_136 = arith.constant 0 : i32
    %dma_start3A_137 = arith.constant 0 : i32
    %dma_start3A_138 = tpu.memref_slice %arg4[%squeeze3A_132, %dma_start3A_136, %dma_start3A_137] : memref<125000x8x32xf32, #tpu.memory_space<hbm>> -> memref<1x8x32xf32, #tpu.memory_space<hbm>>
    %dma_start3A_139 = tpu.memref_squeeze %dma_start3A_138 : memref<1x8x32xf32, #tpu.memory_space<hbm>> -> memref<8x32xf32, #tpu.memory_space<hbm>>
    %dma_start3A_140 = arith.constant 64 : i32
    %dma_start3A_141 = arith.constant 0 : i32
    %dma_start3A_142 = tpu.memref_slice %arg10[%dma_start3A_140, %dma_start3A_141] : memref<128x32xf32, #tpu.memory_space<vmem>> -> memref<8x32xf32, #tpu.memory_space<vmem>>
    %dma_start3A_143 = arith.constant 0 : i32
    %dma_start3A_144 = arith.constant 0 : i32
    %dma_start3A_145 = tpu.memref_slice %arg4[%squeeze3A_132, %dma_start3A_143, %dma_start3A_144] : memref<125000x8x32xf32, #tpu.memory_space<hbm>> -> memref<1x8x32xf32, #tpu.memory_space<hbm>>
    %dma_start3A_146 = tpu.memref_squeeze %dma_start3A_145 : memref<1x8x32xf32, #tpu.memory_space<hbm>> -> memref<8x32xf32, #tpu.memory_space<hbm>>
    tpu.enqueue_dma source(%dma_start3A_146 : memref<8x32xf32, #tpu.memory_space<hbm>>) target(%dma_start3A_142 : memref<8x32xf32, #tpu.memory_space<vmem>>) target_semaphore(%arg16 : memref<!tpu.dma_semaphore, #tpu.memory_space<semaphore_mem>>)
    %slice3A_147 = vector.extract_strided_slice %shift_right_logical3A_5 {offsets = [9], sizes = [1], strides = [1]} : vector<16xi32> to vector<1xi32>
    %squeeze3A_148 = vector.extract %slice3A_147[0] : i32 from vector<1xi32>
    %dma_start3A_149 = arith.constant 72 : i32
    %dma_start3A_150 = arith.constant 0 : i32
    %dma_start3A_151 = tpu.memref_slice %arg10[%dma_start3A_149, %dma_start3A_150] : memref<128x32xf32, #tpu.memory_space<vmem>> -> memref<8x32xf32, #tpu.memory_space<vmem>>
    %dma_start3A_152 = arith.constant 0 : i32
    %dma_start3A_153 = arith.constant 0 : i32
    %dma_start3A_154 = tpu.memref_slice %arg4[%squeeze3A_148, %dma_start3A_152, %dma_start3A_153] : memref<125000x8x32xf32, #tpu.memory_space<hbm>> -> memref<1x8x32xf32, #tpu.memory_space<hbm>>
    %dma_start3A_155 = tpu.memref_squeeze %dma_start3A_154 : memref<1x8x32xf32, #tpu.memory_space<hbm>> -> memref<8x32xf32, #tpu.memory_space<hbm>>
    %dma_start3A_156 = arith.constant 72 : i32
    %dma_start3A_157 = arith.constant 0 : i32
    %dma_start3A_158 = tpu.memref_slice %arg10[%dma_start3A_156, %dma_start3A_157] : memref<128x32xf32, #tpu.memory_space<vmem>> -> memref<8x32xf32, #tpu.memory_space<vmem>>
    %dma_start3A_159 = arith.constant 0 : i32
    %dma_start3A_160 = arith.constant 0 : i32
    %dma_start3A_161 = tpu.memref_slice %arg4[%squeeze3A_148, %dma_start3A_159, %dma_start3A_160] : memref<125000x8x32xf32, #tpu.memory_space<hbm>> -> memref<1x8x32xf32, #tpu.memory_space<hbm>>
    %dma_start3A_162 = tpu.memref_squeeze %dma_start3A_161 : memref<1x8x32xf32, #tpu.memory_space<hbm>> -> memref<8x32xf32, #tpu.memory_space<hbm>>
    tpu.enqueue_dma source(%dma_start3A_162 : memref<8x32xf32, #tpu.memory_space<hbm>>) target(%dma_start3A_158 : memref<8x32xf32, #tpu.memory_space<vmem>>) target_semaphore(%arg16 : memref<!tpu.dma_semaphore, #tpu.memory_space<semaphore_mem>>)
    %slice3A_163 = vector.extract_strided_slice %shift_right_logical3A_5 {offsets = [10], sizes = [1], strides = [1]} : vector<16xi32> to vector<1xi32>
    %squeeze3A_164 = vector.extract %slice3A_163[0] : i32 from vector<1xi32>
    %dma_start3A_165 = arith.constant 80 : i32
    %dma_start3A_166 = arith.constant 0 : i32
    %dma_start3A_167 = tpu.memref_slice %arg10[%dma_start3A_165, %dma_start3A_166] : memref<128x32xf32, #tpu.memory_space<vmem>> -> memref<8x32xf32, #tpu.memory_space<vmem>>
    %dma_start3A_168 = arith.constant 0 : i32
    %dma_start3A_169 = arith.constant 0 : i32
    %dma_start3A_170 = tpu.memref_slice %arg4[%squeeze3A_164, %dma_start3A_168, %dma_start3A_169] : memref<125000x8x32xf32, #tpu.memory_space<hbm>> -> memref<1x8x32xf32, #tpu.memory_space<hbm>>
    %dma_start3A_171 = tpu.memref_squeeze %dma_start3A_170 : memref<1x8x32xf32, #tpu.memory_space<hbm>> -> memref<8x32xf32, #tpu.memory_space<hbm>>
    %dma_start3A_172 = arith.constant 80 : i32
    %dma_start3A_173 = arith.constant 0 : i32
    %dma_start3A_174 = tpu.memref_slice %arg10[%dma_start3A_172, %dma_start3A_173] : memref<128x32xf32, #tpu.memory_space<vmem>> -> memref<8x32xf32, #tpu.memory_space<vmem>>
    %dma_start3A_175 = arith.constant 0 : i32
    %dma_start3A_176 = arith.constant 0 : i32
    %dma_start3A_177 = tpu.memref_slice %arg4[%squeeze3A_164, %dma_start3A_175, %dma_start3A_176] : memref<125000x8x32xf32, #tpu.memory_space<hbm>> -> memref<1x8x32xf32, #tpu.memory_space<hbm>>
    %dma_start3A_178 = tpu.memref_squeeze %dma_start3A_177 : memref<1x8x32xf32, #tpu.memory_space<hbm>> -> memref<8x32xf32, #tpu.memory_space<hbm>>
    tpu.enqueue_dma source(%dma_start3A_178 : memref<8x32xf32, #tpu.memory_space<hbm>>) target(%dma_start3A_174 : memref<8x32xf32, #tpu.memory_space<vmem>>) target_semaphore(%arg16 : memref<!tpu.dma_semaphore, #tpu.memory_space<semaphore_mem>>)
    %slice3A_179 = vector.extract_strided_slice %shift_right_logical3A_5 {offsets = [11], sizes = [1], strides = [1]} : vector<16xi32> to vector<1xi32>
    %squeeze3A_180 = vector.extract %slice3A_179[0] : i32 from vector<1xi32>
    %dma_start3A_181 = arith.constant 88 : i32
    %dma_start3A_182 = arith.constant 0 : i32
    %dma_start3A_183 = tpu.memref_slice %arg10[%dma_start3A_181, %dma_start3A_182] : memref<128x32xf32, #tpu.memory_space<vmem>> -> memref<8x32xf32, #tpu.memory_space<vmem>>
    %dma_start3A_184 = arith.constant 0 : i32
    %dma_start3A_185 = arith.constant 0 : i32
    %dma_start3A_186 = tpu.memref_slice %arg4[%squeeze3A_180, %dma_start3A_184, %dma_start3A_185] : memref<125000x8x32xf32, #tpu.memory_space<hbm>> -> memref<1x8x32xf32, #tpu.memory_space<hbm>>
    %dma_start3A_187 = tpu.memref_squeeze %dma_start3A_186 : memref<1x8x32xf32, #tpu.memory_space<hbm>> -> memref<8x32xf32, #tpu.memory_space<hbm>>
    %dma_start3A_188 = arith.constant 88 : i32
    %dma_start3A_189 = arith.constant 0 : i32
    %dma_start3A_190 = tpu.memref_slice %arg10[%dma_start3A_188, %dma_start3A_189] : memref<128x32xf32, #tpu.memory_space<vmem>> -> memref<8x32xf32, #tpu.memory_space<vmem>>
    %dma_start3A_191 = arith.constant 0 : i32
    %dma_start3A_192 = arith.constant 0 : i32
    %dma_start3A_193 = tpu.memref_slice %arg4[%squeeze3A_180, %dma_start3A_191, %dma_start3A_192] : memref<125000x8x32xf32, #tpu.memory_space<hbm>> -> memref<1x8x32xf32, #tpu.memory_space<hbm>>
    %dma_start3A_194 = tpu.memref_squeeze %dma_start3A_193 : memref<1x8x32xf32, #tpu.memory_space<hbm>> -> memref<8x32xf32, #tpu.memory_space<hbm>>
    tpu.enqueue_dma source(%dma_start3A_194 : memref<8x32xf32, #tpu.memory_space<hbm>>) target(%dma_start3A_190 : memref<8x32xf32, #tpu.memory_space<vmem>>) target_semaphore(%arg16 : memref<!tpu.dma_semaphore, #tpu.memory_space<semaphore_mem>>)
    %slice3A_195 = vector.extract_strided_slice %shift_right_logical3A_5 {offsets = [12], sizes = [1], strides = [1]} : vector<16xi32> to vector<1xi32>
    %squeeze3A_196 = vector.extract %slice3A_195[0] : i32 from vector<1xi32>
    %dma_start3A_197 = arith.constant 96 : i32
    %dma_start3A_198 = arith.constant 0 : i32
    %dma_start3A_199 = tpu.memref_slice %arg10[%dma_start3A_197, %dma_start3A_198] : memref<128x32xf32, #tpu.memory_space<vmem>> -> memref<8x32xf32, #tpu.memory_space<vmem>>
    %dma_start3A_200 = arith.constant 0 : i32
    %dma_start3A_201 = arith.constant 0 : i32
    %dma_start3A_202 = tpu.memref_slice %arg4[%squeeze3A_196, %dma_start3A_200, %dma_start3A_201] : memref<125000x8x32xf32, #tpu.memory_space<hbm>> -> memref<1x8x32xf32, #tpu.memory_space<hbm>>
    %dma_start3A_203 = tpu.memref_squeeze %dma_start3A_202 : memref<1x8x32xf32, #tpu.memory_space<hbm>> -> memref<8x32xf32, #tpu.memory_space<hbm>>
    %dma_start3A_204 = arith.constant 96 : i32
    %dma_start3A_205 = arith.constant 0 : i32
    %dma_start3A_206 = tpu.memref_slice %arg10[%dma_start3A_204, %dma_start3A_205] : memref<128x32xf32, #tpu.memory_space<vmem>> -> memref<8x32xf32, #tpu.memory_space<vmem>>
    %dma_start3A_207 = arith.constant 0 : i32
    %dma_start3A_208 = arith.constant 0 : i32
    %dma_start3A_209 = tpu.memref_slice %arg4[%squeeze3A_196, %dma_start3A_207, %dma_start3A_208] : memref<125000x8x32xf32, #tpu.memory_space<hbm>> -> memref<1x8x32xf32, #tpu.memory_space<hbm>>
    %dma_start3A_210 = tpu.memref_squeeze %dma_start3A_209 : memref<1x8x32xf32, #tpu.memory_space<hbm>> -> memref<8x32xf32, #tpu.memory_space<hbm>>
    tpu.enqueue_dma source(%dma_start3A_210 : memref<8x32xf32, #tpu.memory_space<hbm>>) target(%dma_start3A_206 : memref<8x32xf32, #tpu.memory_space<vmem>>) target_semaphore(%arg16 : memref<!tpu.dma_semaphore, #tpu.memory_space<semaphore_mem>>)
    %slice3A_211 = vector.extract_strided_slice %shift_right_logical3A_5 {offsets = [13], sizes = [1], strides = [1]} : vector<16xi32> to vector<1xi32>
    %squeeze3A_212 = vector.extract %slice3A_211[0] : i32 from vector<1xi32>
    %dma_start3A_213 = arith.constant 104 : i32
    %dma_start3A_214 = arith.constant 0 : i32
    %dma_start3A_215 = tpu.memref_slice %arg10[%dma_start3A_213, %dma_start3A_214] : memref<128x32xf32, #tpu.memory_space<vmem>> -> memref<8x32xf32, #tpu.memory_space<vmem>>
    %dma_start3A_216 = arith.constant 0 : i32
    %dma_start3A_217 = arith.constant 0 : i32
    %dma_start3A_218 = tpu.memref_slice %arg4[%squeeze3A_212, %dma_start3A_216, %dma_start3A_217] : memref<125000x8x32xf32, #tpu.memory_space<hbm>> -> memref<1x8x32xf32, #tpu.memory_space<hbm>>
    %dma_start3A_219 = tpu.memref_squeeze %dma_start3A_218 : memref<1x8x32xf32, #tpu.memory_space<hbm>> -> memref<8x32xf32, #tpu.memory_space<hbm>>
    %dma_start3A_220 = arith.constant 104 : i32
    %dma_start3A_221 = arith.constant 0 : i32
    %dma_start3A_222 = tpu.memref_slice %arg10[%dma_start3A_220, %dma_start3A_221] : memref<128x32xf32, #tpu.memory_space<vmem>> -> memref<8x32xf32, #tpu.memory_space<vmem>>
    %dma_start3A_223 = arith.constant 0 : i32
    %dma_start3A_224 = arith.constant 0 : i32
    %dma_start3A_225 = tpu.memref_slice %arg4[%squeeze3A_212, %dma_start3A_223, %dma_start3A_224] : memref<125000x8x32xf32, #tpu.memory_space<hbm>> -> memref<1x8x32xf32, #tpu.memory_space<hbm>>
    %dma_start3A_226 = tpu.memref_squeeze %dma_start3A_225 : memref<1x8x32xf32, #tpu.memory_space<hbm>> -> memref<8x32xf32, #tpu.memory_space<hbm>>
    tpu.enqueue_dma source(%dma_start3A_226 : memref<8x32xf32, #tpu.memory_space<hbm>>) target(%dma_start3A_222 : memref<8x32xf32, #tpu.memory_space<vmem>>) target_semaphore(%arg16 : memref<!tpu.dma_semaphore, #tpu.memory_space<semaphore_mem>>)
    %slice3A_227 = vector.extract_strided_slice %shift_right_logical3A_5 {offsets = [14], sizes = [1], strides = [1]} : vector<16xi32> to vector<1xi32>
    %squeeze3A_228 = vector.extract %slice3A_227[0] : i32 from vector<1xi32>
    %dma_start3A_229 = arith.constant 112 : i32
    %dma_start3A_230 = arith.constant 0 : i32
    %dma_start3A_231 = tpu.memref_slice %arg10[%dma_start3A_229, %dma_start3A_230] : memref<128x32xf32, #tpu.memory_space<vmem>> -> memref<8x32xf32, #tpu.memory_space<vmem>>
    %dma_start3A_232 = arith.constant 0 : i32
    %dma_start3A_233 = arith.constant 0 : i32
    %dma_start3A_234 = tpu.memref_slice %arg4[%squeeze3A_228, %dma_start3A_232, %dma_start3A_233] : memref<125000x8x32xf32, #tpu.memory_space<hbm>> -> memref<1x8x32xf32, #tpu.memory_space<hbm>>
    %dma_start3A_235 = tpu.memref_squeeze %dma_start3A_234 : memref<1x8x32xf32, #tpu.memory_space<hbm>> -> memref<8x32xf32, #tpu.memory_space<hbm>>
    %dma_start3A_236 = arith.constant 112 : i32
    %dma_start3A_237 = arith.constant 0 : i32
    %dma_start3A_238 = tpu.memref_slice %arg10[%dma_start3A_236, %dma_start3A_237] : memref<128x32xf32, #tpu.memory_space<vmem>> -> memref<8x32xf32, #tpu.memory_space<vmem>>
    %dma_start3A_239 = arith.constant 0 : i32
    %dma_start3A_240 = arith.constant 0 : i32
    %dma_start3A_241 = tpu.memref_slice %arg4[%squeeze3A_228, %dma_start3A_239, %dma_start3A_240] : memref<125000x8x32xf32, #tpu.memory_space<hbm>> -> memref<1x8x32xf32, #tpu.memory_space<hbm>>
    %dma_start3A_242 = tpu.memref_squeeze %dma_start3A_241 : memref<1x8x32xf32, #tpu.memory_space<hbm>> -> memref<8x32xf32, #tpu.memory_space<hbm>>
    tpu.enqueue_dma source(%dma_start3A_242 : memref<8x32xf32, #tpu.memory_space<hbm>>) target(%dma_start3A_238 : memref<8x32xf32, #tpu.memory_space<vmem>>) target_semaphore(%arg16 : memref<!tpu.dma_semaphore, #tpu.memory_space<semaphore_mem>>)
    %slice3A_243 = vector.extract_strided_slice %shift_right_logical3A_5 {offsets = [15], sizes = [1], strides = [1]} : vector<16xi32> to vector<1xi32>
    %squeeze3A_244 = vector.extract %slice3A_243[0] : i32 from vector<1xi32>
    %dma_start3A_245 = arith.constant 120 : i32
    %dma_start3A_246 = arith.constant 0 : i32
    %dma_start3A_247 = tpu.memref_slice %arg10[%dma_start3A_245, %dma_start3A_246] : memref<128x32xf32, #tpu.memory_space<vmem>> -> memref<8x32xf32, #tpu.memory_space<vmem>>
    %dma_start3A_248 = arith.constant 0 : i32
    %dma_start3A_249 = arith.constant 0 : i32
    %dma_start3A_250 = tpu.memref_slice %arg4[%squeeze3A_244, %dma_start3A_248, %dma_start3A_249] : memref<125000x8x32xf32, #tpu.memory_space<hbm>> -> memref<1x8x32xf32, #tpu.memory_space<hbm>>
    %dma_start3A_251 = tpu.memref_squeeze %dma_start3A_250 : memref<1x8x32xf32, #tpu.memory_space<hbm>> -> memref<8x32xf32, #tpu.memory_space<hbm>>
    %dma_start3A_252 = arith.constant 120 : i32
    %dma_start3A_253 = arith.constant 0 : i32
    %dma_start3A_254 = tpu.memref_slice %arg10[%dma_start3A_252, %dma_start3A_253] : memref<128x32xf32, #tpu.memory_space<vmem>> -> memref<8x32xf32, #tpu.memory_space<vmem>>
    %dma_start3A_255 = arith.constant 0 : i32
    %dma_start3A_256 = arith.constant 0 : i32
    %dma_start3A_257 = tpu.memref_slice %arg4[%squeeze3A_244, %dma_start3A_255, %dma_start3A_256] : memref<125000x8x32xf32, #tpu.memory_space<hbm>> -> memref<1x8x32xf32, #tpu.memory_space<hbm>>
    %dma_start3A_258 = tpu.memref_squeeze %dma_start3A_257 : memref<1x8x32xf32, #tpu.memory_space<hbm>> -> memref<8x32xf32, #tpu.memory_space<hbm>>
    tpu.enqueue_dma source(%dma_start3A_258 : memref<8x32xf32, #tpu.memory_space<hbm>>) target(%dma_start3A_254 : memref<8x32xf32, #tpu.memory_space<vmem>>) target_semaphore(%arg16 : memref<!tpu.dma_semaphore, #tpu.memory_space<semaphore_mem>>)
    %get3A_259 = arith.constant 0 : index
    %get3A_260 = tpu.vector_load %arg9[%get3A_259] {strides = array<i32>} : memref<512xi32, #tpu.memory_space<vmem>>, vector<16xi32>,
    %shift_right_logical3A_261 = arith.constant 3 : i32
    %shift_right_logical3A_262 = vector.broadcast %shift_right_logical3A_261 : i32 to vector<16xi32>
    %shift_right_logical3A_263 = arith.shrui %get3A_260, %shift_right_logical3A_262 : vector<16xi32>
    %slice3A_264 = vector.extract_strided_slice %shift_right_logical3A_263 {offsets = [0], sizes = [1], strides = [1]} : vector<16xi32> to vector<1xi32>
    %squeeze3A_265 = vector.extract %slice3A_264[0] : i32 from vector<1xi32>
    %dma_start3A_266 = arith.constant 0 : i32
    %dma_start3A_267 = arith.constant 0 : i32
    %dma_start3A_268 = tpu.memref_slice %arg12[%dma_start3A_266, %dma_start3A_267] : memref<128x32xf32, #tpu.memory_space<vmem>> -> memref<8x32xf32, #tpu.memory_space<vmem>>
    %dma_start3A_269 = arith.constant 0 : i32
    %dma_start3A_270 = arith.constant 0 : i32
    %dma_start3A_271 = tpu.memref_slice %arg5[%squeeze3A_265, %dma_start3A_269, %dma_start3A_270] : memref<12500x8x32xf32, #tpu.memory_space<hbm>> -> memref<1x8x32xf32, #tpu.memory_space<hbm>>
    %dma_start3A_272 = tpu.memref_squeeze %dma_start3A_271 : memref<1x8x32xf32, #tpu.memory_space<hbm>> -> memref<8x32xf32, #tpu.memory_space<hbm>>
    %dma_start3A_273 = arith.constant 0 : i32
    %dma_start3A_274 = arith.constant 0 : i32
    %dma_start3A_275 = tpu.memref_slice %arg12[%dma_start3A_273, %dma_start3A_274] : memref<128x32xf32, #tpu.memory_space<vmem>> -> memref<8x32xf32, #tpu.memory_space<vmem>>
    %dma_start3A_276 = arith.constant 0 : i32
    %dma_start3A_277 = arith.constant 0 : i32
    %dma_start3A_278 = tpu.memref_slice %arg5[%squeeze3A_265, %dma_start3A_276, %dma_start3A_277] : memref<12500x8x32xf32, #tpu.memory_space<hbm>> -> memref<1x8x32xf32, #tpu.memory_space<hbm>>
    %dma_start3A_279 = tpu.memref_squeeze %dma_start3A_278 : memref<1x8x32xf32, #tpu.memory_space<hbm>> -> memref<8x32xf32, #tpu.memory_space<hbm>>
    tpu.enqueue_dma source(%dma_start3A_279 : memref<8x32xf32, #tpu.memory_space<hbm>>) target(%dma_start3A_275 : memref<8x32xf32, #tpu.memory_space<vmem>>) target_semaphore(%arg18 : memref<!tpu.dma_semaphore, #tpu.memory_space<semaphore_mem>>)
    %slice3A_280 = vector.extract_strided_slice %shift_right_logical3A_263 {offsets = [1], sizes = [1], strides = [1]} : vector<16xi32> to vector<1xi32>
    %squeeze3A_281 = vector.extract %slice3A_280[0] : i32 from vector<1xi32>
    %dma_start3A_282 = arith.constant 8 : i32
    %dma_start3A_283 = arith.constant 0 : i32
    %dma_start3A_284 = tpu.memref_slice %arg12[%dma_start3A_282, %dma_start3A_283] : memref<128x32xf32, #tpu.memory_space<vmem>> -> memref<8x32xf32, #tpu.memory_space<vmem>>
    %dma_start3A_285 = arith.constant 0 : i32
    %dma_start3A_286 = arith.constant 0 : i32
    %dma_start3A_287 = tpu.memref_slice %arg5[%squeeze3A_281, %dma_start3A_285, %dma_start3A_286] : memref<12500x8x32xf32, #tpu.memory_space<hbm>> -> memref<1x8x32xf32, #tpu.memory_space<hbm>>
    %dma_start3A_288 = tpu.memref_squeeze %dma_start3A_287 : memref<1x8x32xf32, #tpu.memory_space<hbm>> -> memref<8x32xf32, #tpu.memory_space<hbm>>
    %dma_start3A_289 = arith.constant 8 : i32
    %dma_start3A_290 = arith.constant 0 : i32
    %dma_start3A_291 = tpu.memref_slice %arg12[%dma_start3A_289, %dma_start3A_290] : memref<128x32xf32, #tpu.memory_space<vmem>> -> memref<8x32xf32, #tpu.memory_space<vmem>>
    %dma_start3A_292 = arith.constant 0 : i32
    %dma_start3A_293 = arith.constant 0 : i32
    %dma_start3A_294 = tpu.memref_slice %arg5[%squeeze3A_281, %dma_start3A_292, %dma_start3A_293] : memref<12500x8x32xf32, #tpu.memory_space<hbm>> -> memref<1x8x32xf32, #tpu.memory_space<hbm>>
    %dma_start3A_295 = tpu.memref_squeeze %dma_start3A_294 : memref<1x8x32xf32, #tpu.memory_space<hbm>> -> memref<8x32xf32, #tpu.memory_space<hbm>>
    tpu.enqueue_dma source(%dma_start3A_295 : memref<8x32xf32, #tpu.memory_space<hbm>>) target(%dma_start3A_291 : memref<8x32xf32, #tpu.memory_space<vmem>>) target_semaphore(%arg18 : memref<!tpu.dma_semaphore, #tpu.memory_space<semaphore_mem>>)
    %slice3A_296 = vector.extract_strided_slice %shift_right_logical3A_263 {offsets = [2], sizes = [1], strides = [1]} : vector<16xi32> to vector<1xi32>
    %squeeze3A_297 = vector.extract %slice3A_296[0] : i32 from vector<1xi32>
    %dma_start3A_298 = arith.constant 16 : i32
    %dma_start3A_299 = arith.constant 0 : i32
    %dma_start3A_300 = tpu.memref_slice %arg12[%dma_start3A_298, %dma_start3A_299] : memref<128x32xf32, #tpu.memory_space<vmem>> -> memref<8x32xf32, #tpu.memory_space<vmem>>
    %dma_start3A_301 = arith.constant 0 : i32
    %dma_start3A_302 = arith.constant 0 : i32
    %dma_start3A_303 = tpu.memref_slice %arg5[%squeeze3A_297, %dma_start3A_301, %dma_start3A_302] : memref<12500x8x32xf32, #tpu.memory_space<hbm>> -> memref<1x8x32xf32, #tpu.memory_space<hbm>>
    %dma_start3A_304 = tpu.memref_squeeze %dma_start3A_303 : memref<1x8x32xf32, #tpu.memory_space<hbm>> -> memref<8x32xf32, #tpu.memory_space<hbm>>
    %dma_start3A_305 = arith.constant 16 : i32
    %dma_start3A_306 = arith.constant 0 : i32
    %dma_start3A_307 = tpu.memref_slice %arg12[%dma_start3A_305, %dma_start3A_306] : memref<128x32xf32, #tpu.memory_space<vmem>> -> memref<8x32xf32, #tpu.memory_space<vmem>>
    %dma_start3A_308 = arith.constant 0 : i32
    %dma_start3A_309 = arith.constant 0 : i32
    %dma_start3A_310 = tpu.memref_slice %arg5[%squeeze3A_297, %dma_start3A_308, %dma_start3A_309] : memref<12500x8x32xf32, #tpu.memory_space<hbm>> -> memref<1x8x32xf32, #tpu.memory_space<hbm>>
    %dma_start3A_311 = tpu.memref_squeeze %dma_start3A_310 : memref<1x8x32xf32, #tpu.memory_space<hbm>> -> memref<8x32xf32, #tpu.memory_space<hbm>>
    tpu.enqueue_dma source(%dma_start3A_311 : memref<8x32xf32, #tpu.memory_space<hbm>>) target(%dma_start3A_307 : memref<8x32xf32, #tpu.memory_space<vmem>>) target_semaphore(%arg18 : memref<!tpu.dma_semaphore, #tpu.memory_space<semaphore_mem>>)
    %slice3A_312 = vector.extract_strided_slice %shift_right_logical3A_263 {offsets = [3], sizes = [1], strides = [1]} : vector<16xi32> to vector<1xi32>
    %squeeze3A_313 = vector.extract %slice3A_312[0] : i32 from vector<1xi32>
    %dma_start3A_314 = arith.constant 24 : i32
    %dma_start3A_315 = arith.constant 0 : i32
    %dma_start3A_316 = tpu.memref_slice %arg12[%dma_start3A_314, %dma_start3A_315] : memref<128x32xf32, #tpu.memory_space<vmem>> -> memref<8x32xf32, #tpu.memory_space<vmem>>
    %dma_start3A_317 = arith.constant 0 : i32
    %dma_start3A_318 = arith.constant 0 : i32
    %dma_start3A_319 = tpu.memref_slice %arg5[%squeeze3A_313, %dma_start3A_317, %dma_start3A_318] : memref<12500x8x32xf32, #tpu.memory_space<hbm>> -> memref<1x8x32xf32, #tpu.memory_space<hbm>>
    %dma_start3A_320 = tpu.memref_squeeze %dma_start3A_319 : memref<1x8x32xf32, #tpu.memory_space<hbm>> -> memref<8x32xf32, #tpu.memory_space<hbm>>
    %dma_start3A_321 = arith.constant 24 : i32
    %dma_start3A_322 = arith.constant 0 : i32
    %dma_start3A_323 = tpu.memref_slice %arg12[%dma_start3A_321, %dma_start3A_322] : memref<128x32xf32, #tpu.memory_space<vmem>> -> memref<8x32xf32, #tpu.memory_space<vmem>>
    %dma_start3A_324 = arith.constant 0 : i32
    %dma_start3A_325 = arith.constant 0 : i32
    %dma_start3A_326 = tpu.memref_slice %arg5[%squeeze3A_313, %dma_start3A_324, %dma_start3A_325] : memref<12500x8x32xf32, #tpu.memory_space<hbm>> -> memref<1x8x32xf32, #tpu.memory_space<hbm>>
    %dma_start3A_327 = tpu.memref_squeeze %dma_start3A_326 : memref<1x8x32xf32, #tpu.memory_space<hbm>> -> memref<8x32xf32, #tpu.memory_space<hbm>>
    tpu.enqueue_dma source(%dma_start3A_327 : memref<8x32xf32, #tpu.memory_space<hbm>>) target(%dma_start3A_323 : memref<8x32xf32, #tpu.memory_space<vmem>>) target_semaphore(%arg18 : memref<!tpu.dma_semaphore, #tpu.memory_space<semaphore_mem>>)
    %slice3A_328 = vector.extract_strided_slice %shift_right_logical3A_263 {offsets = [4], sizes = [1], strides = [1]} : vector<16xi32> to vector<1xi32>
    %squeeze3A_329 = vector.extract %slice3A_328[0] : i32 from vector<1xi32>
    %dma_start3A_330 = arith.constant 32 : i32
    %dma_start3A_331 = arith.constant 0 : i32
    %dma_start3A_332 = tpu.memref_slice %arg12[%dma_start3A_330, %dma_start3A_331] : memref<128x32xf32, #tpu.memory_space<vmem>> -> memref<8x32xf32, #tpu.memory_space<vmem>>
    %dma_start3A_333 = arith.constant 0 : i32
    %dma_start3A_334 = arith.constant 0 : i32
    %dma_start3A_335 = tpu.memref_slice %arg5[%squeeze3A_329, %dma_start3A_333, %dma_start3A_334] : memref<12500x8x32xf32, #tpu.memory_space<hbm>> -> memref<1x8x32xf32, #tpu.memory_space<hbm>>
    %dma_start3A_336 = tpu.memref_squeeze %dma_start3A_335 : memref<1x8x32xf32, #tpu.memory_space<hbm>> -> memref<8x32xf32, #tpu.memory_space<hbm>>
    %dma_start3A_337 = arith.constant 32 : i32
    %dma_start3A_338 = arith.constant 0 : i32
    %dma_start3A_339 = tpu.memref_slice %arg12[%dma_start3A_337, %dma_start3A_338] : memref<128x32xf32, #tpu.memory_space<vmem>> -> memref<8x32xf32, #tpu.memory_space<vmem>>
    %dma_start3A_340 = arith.constant 0 : i32
    %dma_start3A_341 = arith.constant 0 : i32
    %dma_start3A_342 = tpu.memref_slice %arg5[%squeeze3A_329, %dma_start3A_340, %dma_start3A_341] : memref<12500x8x32xf32, #tpu.memory_space<hbm>> -> memref<1x8x32xf32, #tpu.memory_space<hbm>>
    %dma_start3A_343 = tpu.memref_squeeze %dma_start3A_342 : memref<1x8x32xf32, #tpu.memory_space<hbm>> -> memref<8x32xf32, #tpu.memory_space<hbm>>
    tpu.enqueue_dma source(%dma_start3A_343 : memref<8x32xf32, #tpu.memory_space<hbm>>) target(%dma_start3A_339 : memref<8x32xf32, #tpu.memory_space<vmem>>) target_semaphore(%arg18 : memref<!tpu.dma_semaphore, #tpu.memory_space<semaphore_mem>>)
    %slice3A_344 = vector.extract_strided_slice %shift_right_logical3A_263 {offsets = [5], sizes = [1], strides = [1]} : vector<16xi32> to vector<1xi32>
    %squeeze3A_345 = vector.extract %slice3A_344[0] : i32 from vector<1xi32>
    %dma_start3A_346 = arith.constant 40 : i32
    %dma_start3A_347 = arith.constant 0 : i32
    %dma_start3A_348 = tpu.memref_slice %arg12[%dma_start3A_346, %dma_start3A_347] : memref<128x32xf32, #tpu.memory_space<vmem>> -> memref<8x32xf32, #tpu.memory_space<vmem>>
    %dma_start3A_349 = arith.constant 0 : i32
    %dma_start3A_350 = arith.constant 0 : i32
    %dma_start3A_351 = tpu.memref_slice %arg5[%squeeze3A_345, %dma_start3A_349, %dma_start3A_350] : memref<12500x8x32xf32, #tpu.memory_space<hbm>> -> memref<1x8x32xf32, #tpu.memory_space<hbm>>
    %dma_start3A_352 = tpu.memref_squeeze %dma_start3A_351 : memref<1x8x32xf32, #tpu.memory_space<hbm>> -> memref<8x32xf32, #tpu.memory_space<hbm>>
    %dma_start3A_353 = arith.constant 40 : i32
    %dma_start3A_354 = arith.constant 0 : i32
    %dma_start3A_355 = tpu.memref_slice %arg12[%dma_start3A_353, %dma_start3A_354] : memref<128x32xf32, #tpu.memory_space<vmem>> -> memref<8x32xf32, #tpu.memory_space<vmem>>
    %dma_start3A_356 = arith.constant 0 : i32
    %dma_start3A_357 = arith.constant 0 : i32
    %dma_start3A_358 = tpu.memref_slice %arg5[%squeeze3A_345, %dma_start3A_356, %dma_start3A_357] : memref<12500x8x32xf32, #tpu.memory_space<hbm>> -> memref<1x8x32xf32, #tpu.memory_space<hbm>>
    %dma_start3A_359 = tpu.memref_squeeze %dma_start3A_358 : memref<1x8x32xf32, #tpu.memory_space<hbm>> -> memref<8x32xf32, #tpu.memory_space<hbm>>
    tpu.enqueue_dma source(%dma_start3A_359 : memref<8x32xf32, #tpu.memory_space<hbm>>) target(%dma_start3A_355 : memref<8x32xf32, #tpu.memory_space<vmem>>) target_semaphore(%arg18 : memref<!tpu.dma_semaphore, #tpu.memory_space<semaphore_mem>>)
    %slice3A_360 = vector.extract_strided_slice %shift_right_logical3A_263 {offsets = [6], sizes = [1], strides = [1]} : vector<16xi32> to vector<1xi32>
    %squeeze3A_361 = vector.extract %slice3A_360[0] : i32 from vector<1xi32>
    %dma_start3A_362 = arith.constant 48 : i32
    %dma_start3A_363 = arith.constant 0 : i32
    %dma_start3A_364 = tpu.memref_slice %arg12[%dma_start3A_362, %dma_start3A_363] : memref<128x32xf32, #tpu.memory_space<vmem>> -> memref<8x32xf32, #tpu.memory_space<vmem>>
    %dma_start3A_365 = arith.constant 0 : i32
    %dma_start3A_366 = arith.constant 0 : i32
    %dma_start3A_367 = tpu.memref_slice %arg5[%squeeze3A_361, %dma_start3A_365, %dma_start3A_366] : memref<12500x8x32xf32, #tpu.memory_space<hbm>> -> memref<1x8x32xf32, #tpu.memory_space<hbm>>
    %dma_start3A_368 = tpu.memref_squeeze %dma_start3A_367 : memref<1x8x32xf32, #tpu.memory_space<hbm>> -> memref<8x32xf32, #tpu.memory_space<hbm>>
    %dma_start3A_369 = arith.constant 48 : i32
    %dma_start3A_370 = arith.constant 0 : i32
    %dma_start3A_371 = tpu.memref_slice %arg12[%dma_start3A_369, %dma_start3A_370] : memref<128x32xf32, #tpu.memory_space<vmem>> -> memref<8x32xf32, #tpu.memory_space<vmem>>
    %dma_start3A_372 = arith.constant 0 : i32
    %dma_start3A_373 = arith.constant 0 : i32
    %dma_start3A_374 = tpu.memref_slice %arg5[%squeeze3A_361, %dma_start3A_372, %dma_start3A_373] : memref<12500x8x32xf32, #tpu.memory_space<hbm>> -> memref<1x8x32xf32, #tpu.memory_space<hbm>>
    %dma_start3A_375 = tpu.memref_squeeze %dma_start3A_374 : memref<1x8x32xf32, #tpu.memory_space<hbm>> -> memref<8x32xf32, #tpu.memory_space<hbm>>
    tpu.enqueue_dma source(%dma_start3A_375 : memref<8x32xf32, #tpu.memory_space<hbm>>) target(%dma_start3A_371 : memref<8x32xf32, #tpu.memory_space<vmem>>) target_semaphore(%arg18 : memref<!tpu.dma_semaphore, #tpu.memory_space<semaphore_mem>>)
    %slice3A_376 = vector.extract_strided_slice %shift_right_logical3A_263 {offsets = [7], sizes = [1], strides = [1]} : vector<16xi32> to vector<1xi32>
    %squeeze3A_377 = vector.extract %slice3A_376[0] : i32 from vector<1xi32>
    %dma_start3A_378 = arith.constant 56 : i32
    %dma_start3A_379 = arith.constant 0 : i32
    %dma_start3A_380 = tpu.memref_slice %arg12[%dma_start3A_378, %dma_start3A_379] : memref<128x32xf32, #tpu.memory_space<vmem>> -> memref<8x32xf32, #tpu.memory_space<vmem>>
    %dma_start3A_381 = arith.constant 0 : i32
    %dma_start3A_382 = arith.constant 0 : i32
    %dma_start3A_383 = tpu.memref_slice %arg5[%squeeze3A_377, %dma_start3A_381, %dma_start3A_382] : memref<12500x8x32xf32, #tpu.memory_space<hbm>> -> memref<1x8x32xf32, #tpu.memory_space<hbm>>
    %dma_start3A_384 = tpu.memref_squeeze %dma_start3A_383 : memref<1x8x32xf32, #tpu.memory_space<hbm>> -> memref<8x32xf32, #tpu.memory_space<hbm>>
    %dma_start3A_385 = arith.constant 56 : i32
    %dma_start3A_386 = arith.constant 0 : i32
    %dma_start3A_387 = tpu.memref_slice %arg12[%dma_start3A_385, %dma_start3A_386] : memref<128x32xf32, #tpu.memory_space<vmem>> -> memref<8x32xf32, #tpu.memory_space<vmem>>
    %dma_start3A_388 = arith.constant 0 : i32
    %dma_start3A_389 = arith.constant 0 : i32
    %dma_start3A_390 = tpu.memref_slice %arg5[%squeeze3A_377, %dma_start3A_388, %dma_start3A_389] : memref<12500x8x32xf32, #tpu.memory_space<hbm>> -> memref<1x8x32xf32, #tpu.memory_space<hbm>>
    %dma_start3A_391 = tpu.memref_squeeze %dma_start3A_390 : memref<1x8x32xf32, #tpu.memory_space<hbm>> -> memref<8x32xf32, #tpu.memory_space<hbm>>
    tpu.enqueue_dma source(%dma_start3A_391 : memref<8x32xf32, #tpu.memory_space<hbm>>) target(%dma_start3A_387 : memref<8x32xf32, #tpu.memory_space<vmem>>) target_semaphore(%arg18 : memref<!tpu.dma_semaphore, #tpu.memory_space<semaphore_mem>>)
    %slice3A_392 = vector.extract_strided_slice %shift_right_logical3A_263 {offsets = [8], sizes = [1], strides = [1]} : vector<16xi32> to vector<1xi32>
    %squeeze3A_393 = vector.extract %slice3A_392[0] : i32 from vector<1xi32>
    %dma_start3A_394 = arith.constant 64 : i32
    %dma_start3A_395 = arith.constant 0 : i32
    %dma_start3A_396 = tpu.memref_slice %arg12[%dma_start3A_394, %dma_start3A_395] : memref<128x32xf32, #tpu.memory_space<vmem>> -> memref<8x32xf32, #tpu.memory_space<vmem>>
    %dma_start3A_397 = arith.constant 0 : i32
    %dma_start3A_398 = arith.constant 0 : i32
    %dma_start3A_399 = tpu.memref_slice %arg5[%squeeze3A_393, %dma_start3A_397, %dma_start3A_398] : memref<12500x8x32xf32, #tpu.memory_space<hbm>> -> memref<1x8x32xf32, #tpu.memory_space<hbm>>
    %dma_start3A_400 = tpu.memref_squeeze %dma_start3A_399 : memref<1x8x32xf32, #tpu.memory_space<hbm>> -> memref<8x32xf32, #tpu.memory_space<hbm>>
    %dma_start3A_401 = arith.constant 64 : i32
    %dma_start3A_402 = arith.constant 0 : i32
    %dma_start3A_403 = tpu.memref_slice %arg12[%dma_start3A_401, %dma_start3A_402] : memref<128x32xf32, #tpu.memory_space<vmem>> -> memref<8x32xf32, #tpu.memory_space<vmem>>
    %dma_start3A_404 = arith.constant 0 : i32
    %dma_start3A_405 = arith.constant 0 : i32
    %dma_start3A_406 = tpu.memref_slice %arg5[%squeeze3A_393, %dma_start3A_404, %dma_start3A_405] : memref<12500x8x32xf32, #tpu.memory_space<hbm>> -> memref<1x8x32xf32, #tpu.memory_space<hbm>>
    %dma_start3A_407 = tpu.memref_squeeze %dma_start3A_406 : memref<1x8x32xf32, #tpu.memory_space<hbm>> -> memref<8x32xf32, #tpu.memory_space<hbm>>
    tpu.enqueue_dma source(%dma_start3A_407 : memref<8x32xf32, #tpu.memory_space<hbm>>) target(%dma_start3A_403 : memref<8x32xf32, #tpu.memory_space<vmem>>) target_semaphore(%arg18 : memref<!tpu.dma_semaphore, #tpu.memory_space<semaphore_mem>>)
    %slice3A_408 = vector.extract_strided_slice %shift_right_logical3A_263 {offsets = [9], sizes = [1], strides = [1]} : vector<16xi32> to vector<1xi32>
    %squeeze3A_409 = vector.extract %slice3A_408[0] : i32 from vector<1xi32>
    %dma_start3A_410 = arith.constant 72 : i32
    %dma_start3A_411 = arith.constant 0 : i32
    %dma_start3A_412 = tpu.memref_slice %arg12[%dma_start3A_410, %dma_start3A_411] : memref<128x32xf32, #tpu.memory_space<vmem>> -> memref<8x32xf32, #tpu.memory_space<vmem>>
    %dma_start3A_413 = arith.constant 0 : i32
    %dma_start3A_414 = arith.constant 0 : i32
    %dma_start3A_415 = tpu.memref_slice %arg5[%squeeze3A_409, %dma_start3A_413, %dma_start3A_414] : memref<12500x8x32xf32, #tpu.memory_space<hbm>> -> memref<1x8x32xf32, #tpu.memory_space<hbm>>
    %dma_start3A_416 = tpu.memref_squeeze %dma_start3A_415 : memref<1x8x32xf32, #tpu.memory_space<hbm>> -> memref<8x32xf32, #tpu.memory_space<hbm>>
    %dma_start3A_417 = arith.constant 72 : i32
    %dma_start3A_418 = arith.constant 0 : i32
    %dma_start3A_419 = tpu.memref_slice %arg12[%dma_start3A_417, %dma_start3A_418] : memref<128x32xf32, #tpu.memory_space<vmem>> -> memref<8x32xf32, #tpu.memory_space<vmem>>
    %dma_start3A_420 = arith.constant 0 : i32
    %dma_start3A_421 = arith.constant 0 : i32
    %dma_start3A_422 = tpu.memref_slice %arg5[%squeeze3A_409, %dma_start3A_420, %dma_start3A_421] : memref<12500x8x32xf32, #tpu.memory_space<hbm>> -> memref<1x8x32xf32, #tpu.memory_space<hbm>>
    %dma_start3A_423 = tpu.memref_squeeze %dma_start3A_422 : memref<1x8x32xf32, #tpu.memory_space<hbm>> -> memref<8x32xf32, #tpu.memory_space<hbm>>
    tpu.enqueue_dma source(%dma_start3A_423 : memref<8x32xf32, #tpu.memory_space<hbm>>) target(%dma_start3A_419 : memref<8x32xf32, #tpu.memory_space<vmem>>) target_semaphore(%arg18 : memref<!tpu.dma_semaphore, #tpu.memory_space<semaphore_mem>>)
    %slice3A_424 = vector.extract_strided_slice %shift_right_logical3A_263 {offsets = [10], sizes = [1], strides = [1]} : vector<16xi32> to vector<1xi32>
    %squeeze3A_425 = vector.extract %slice3A_424[0] : i32 from vector<1xi32>
    %dma_start3A_426 = arith.constant 80 : i32
    %dma_start3A_427 = arith.constant 0 : i32
    %dma_start3A_428 = tpu.memref_slice %arg12[%dma_start3A_426, %dma_start3A_427] : memref<128x32xf32, #tpu.memory_space<vmem>> -> memref<8x32xf32, #tpu.memory_space<vmem>>
    %dma_start3A_429 = arith.constant 0 : i32
    %dma_start3A_430 = arith.constant 0 : i32
    %dma_start3A_431 = tpu.memref_slice %arg5[%squeeze3A_425, %dma_start3A_429, %dma_start3A_430] : memref<12500x8x32xf32, #tpu.memory_space<hbm>> -> memref<1x8x32xf32, #tpu.memory_space<hbm>>
    %dma_start3A_432 = tpu.memref_squeeze %dma_start3A_431 : memref<1x8x32xf32, #tpu.memory_space<hbm>> -> memref<8x32xf32, #tpu.memory_space<hbm>>
    %dma_start3A_433 = arith.constant 80 : i32
    %dma_start3A_434 = arith.constant 0 : i32
    %dma_start3A_435 = tpu.memref_slice %arg12[%dma_start3A_433, %dma_start3A_434] : memref<128x32xf32, #tpu.memory_space<vmem>> -> memref<8x32xf32, #tpu.memory_space<vmem>>
    %dma_start3A_436 = arith.constant 0 : i32
    %dma_start3A_437 = arith.constant 0 : i32
    %dma_start3A_438 = tpu.memref_slice %arg5[%squeeze3A_425, %dma_start3A_436, %dma_start3A_437] : memref<12500x8x32xf32, #tpu.memory_space<hbm>> -> memref<1x8x32xf32, #tpu.memory_space<hbm>>
    %dma_start3A_439 = tpu.memref_squeeze %dma_start3A_438 : memref<1x8x32xf32, #tpu.memory_space<hbm>> -> memref<8x32xf32, #tpu.memory_space<hbm>>
    tpu.enqueue_dma source(%dma_start3A_439 : memref<8x32xf32, #tpu.memory_space<hbm>>) target(%dma_start3A_435 : memref<8x32xf32, #tpu.memory_space<vmem>>) target_semaphore(%arg18 : memref<!tpu.dma_semaphore, #tpu.memory_space<semaphore_mem>>)
    %slice3A_440 = vector.extract_strided_slice %shift_right_logical3A_263 {offsets = [11], sizes = [1], strides = [1]} : vector<16xi32> to vector<1xi32>
    %squeeze3A_441 = vector.extract %slice3A_440[0] : i32 from vector<1xi32>
    %dma_start3A_442 = arith.constant 88 : i32
    %dma_start3A_443 = arith.constant 0 : i32
    %dma_start3A_444 = tpu.memref_slice %arg12[%dma_start3A_442, %dma_start3A_443] : memref<128x32xf32, #tpu.memory_space<vmem>> -> memref<8x32xf32, #tpu.memory_space<vmem>>
    %dma_start3A_445 = arith.constant 0 : i32
    %dma_start3A_446 = arith.constant 0 : i32
    %dma_start3A_447 = tpu.memref_slice %arg5[%squeeze3A_441, %dma_start3A_445, %dma_start3A_446] : memref<12500x8x32xf32, #tpu.memory_space<hbm>> -> memref<1x8x32xf32, #tpu.memory_space<hbm>>
    %dma_start3A_448 = tpu.memref_squeeze %dma_start3A_447 : memref<1x8x32xf32, #tpu.memory_space<hbm>> -> memref<8x32xf32, #tpu.memory_space<hbm>>
    %dma_start3A_449 = arith.constant 88 : i32
    %dma_start3A_450 = arith.constant 0 : i32
    %dma_start3A_451 = tpu.memref_slice %arg12[%dma_start3A_449, %dma_start3A_450] : memref<128x32xf32, #tpu.memory_space<vmem>> -> memref<8x32xf32, #tpu.memory_space<vmem>>
    %dma_start3A_452 = arith.constant 0 : i32
    %dma_start3A_453 = arith.constant 0 : i32
    %dma_start3A_454 = tpu.memref_slice %arg5[%squeeze3A_441, %dma_start3A_452, %dma_start3A_453] : memref<12500x8x32xf32, #tpu.memory_space<hbm>> -> memref<1x8x32xf32, #tpu.memory_space<hbm>>
    %dma_start3A_455 = tpu.memref_squeeze %dma_start3A_454 : memref<1x8x32xf32, #tpu.memory_space<hbm>> -> memref<8x32xf32, #tpu.memory_space<hbm>>
    tpu.enqueue_dma source(%dma_start3A_455 : memref<8x32xf32, #tpu.memory_space<hbm>>) target(%dma_start3A_451 : memref<8x32xf32, #tpu.memory_space<vmem>>) target_semaphore(%arg18 : memref<!tpu.dma_semaphore, #tpu.memory_space<semaphore_mem>>)
    %slice3A_456 = vector.extract_strided_slice %shift_right_logical3A_263 {offsets = [12], sizes = [1], strides = [1]} : vector<16xi32> to vector<1xi32>
    %squeeze3A_457 = vector.extract %slice3A_456[0] : i32 from vector<1xi32>
    %dma_start3A_458 = arith.constant 96 : i32
    %dma_start3A_459 = arith.constant 0 : i32
    %dma_start3A_460 = tpu.memref_slice %arg12[%dma_start3A_458, %dma_start3A_459] : memref<128x32xf32, #tpu.memory_space<vmem>> -> memref<8x32xf32, #tpu.memory_space<vmem>>
    %dma_start3A_461 = arith.constant 0 : i32
    %dma_start3A_462 = arith.constant 0 : i32
    %dma_start3A_463 = tpu.memref_slice %arg5[%squeeze3A_457, %dma_start3A_461, %dma_start3A_462] : memref<12500x8x32xf32, #tpu.memory_space<hbm>> -> memref<1x8x32xf32, #tpu.memory_space<hbm>>
    %dma_start3A_464 = tpu.memref_squeeze %dma_start3A_463 : memref<1x8x32xf32, #tpu.memory_space<hbm>> -> memref<8x32xf32, #tpu.memory_space<hbm>>
    %dma_start3A_465 = arith.constant 96 : i32
    %dma_start3A_466 = arith.constant 0 : i32
    %dma_start3A_467 = tpu.memref_slice %arg12[%dma_start3A_465, %dma_start3A_466] : memref<128x32xf32, #tpu.memory_space<vmem>> -> memref<8x32xf32, #tpu.memory_space<vmem>>
    %dma_start3A_468 = arith.constant 0 : i32
    %dma_start3A_469 = arith.constant 0 : i32
    %dma_start3A_470 = tpu.memref_slice %arg5[%squeeze3A_457, %dma_start3A_468, %dma_start3A_469] : memref<12500x8x32xf32, #tpu.memory_space<hbm>> -> memref<1x8x32xf32, #tpu.memory_space<hbm>>
    %dma_start3A_471 = tpu.memref_squeeze %dma_start3A_470 : memref<1x8x32xf32, #tpu.memory_space<hbm>> -> memref<8x32xf32, #tpu.memory_space<hbm>>
    tpu.enqueue_dma source(%dma_start3A_471 : memref<8x32xf32, #tpu.memory_space<hbm>>) target(%dma_start3A_467 : memref<8x32xf32, #tpu.memory_space<vmem>>) target_semaphore(%arg18 : memref<!tpu.dma_semaphore, #tpu.memory_space<semaphore_mem>>)
    %slice3A_472 = vector.extract_strided_slice %shift_right_logical3A_263 {offsets = [13], sizes = [1], strides = [1]} : vector<16xi32> to vector<1xi32>
    %squeeze3A_473 = vector.extract %slice3A_472[0] : i32 from vector<1xi32>
    %dma_start3A_474 = arith.constant 104 : i32
    %dma_start3A_475 = arith.constant 0 : i32
    %dma_start3A_476 = tpu.memref_slice %arg12[%dma_start3A_474, %dma_start3A_475] : memref<128x32xf32, #tpu.memory_space<vmem>> -> memref<8x32xf32, #tpu.memory_space<vmem>>
    %dma_start3A_477 = arith.constant 0 : i32
    %dma_start3A_478 = arith.constant 0 : i32
    %dma_start3A_479 = tpu.memref_slice %arg5[%squeeze3A_473, %dma_start3A_477, %dma_start3A_478] : memref<12500x8x32xf32, #tpu.memory_space<hbm>> -> memref<1x8x32xf32, #tpu.memory_space<hbm>>
    %dma_start3A_480 = tpu.memref_squeeze %dma_start3A_479 : memref<1x8x32xf32, #tpu.memory_space<hbm>> -> memref<8x32xf32, #tpu.memory_space<hbm>>
    %dma_start3A_481 = arith.constant 104 : i32
    %dma_start3A_482 = arith.constant 0 : i32
    %dma_start3A_483 = tpu.memref_slice %arg12[%dma_start3A_481, %dma_start3A_482] : memref<128x32xf32, #tpu.memory_space<vmem>> -> memref<8x32xf32, #tpu.memory_space<vmem>>
    %dma_start3A_484 = arith.constant 0 : i32
    %dma_start3A_485 = arith.constant 0 : i32
    %dma_start3A_486 = tpu.memref_slice %arg5[%squeeze3A_473, %dma_start3A_484, %dma_start3A_485] : memref<12500x8x32xf32, #tpu.memory_space<hbm>> -> memref<1x8x32xf32, #tpu.memory_space<hbm>>
    %dma_start3A_487 = tpu.memref_squeeze %dma_start3A_486 : memref<1x8x32xf32, #tpu.memory_space<hbm>> -> memref<8x32xf32, #tpu.memory_space<hbm>>
    tpu.enqueue_dma source(%dma_start3A_487 : memref<8x32xf32, #tpu.memory_space<hbm>>) target(%dma_start3A_483 : memref<8x32xf32, #tpu.memory_space<vmem>>) target_semaphore(%arg18 : memref<!tpu.dma_semaphore, #tpu.memory_space<semaphore_mem>>)
    %slice3A_488 = vector.extract_strided_slice %shift_right_logical3A_263 {offsets = [14], sizes = [1], strides = [1]} : vector<16xi32> to vector<1xi32>
    %squeeze3A_489 = vector.extract %slice3A_488[0] : i32 from vector<1xi32>
    %dma_start3A_490 = arith.constant 112 : i32
    %dma_start3A_491 = arith.constant 0 : i32
    %dma_start3A_492 = tpu.memref_slice %arg12[%dma_start3A_490, %dma_start3A_491] : memref<128x32xf32, #tpu.memory_space<vmem>> -> memref<8x32xf32, #tpu.memory_space<vmem>>
    %dma_start3A_493 = arith.constant 0 : i32
    %dma_start3A_494 = arith.constant 0 : i32
    %dma_start3A_495 = tpu.memref_slice %arg5[%squeeze3A_489, %dma_start3A_493, %dma_start3A_494] : memref<12500x8x32xf32, #tpu.memory_space<hbm>> -> memref<1x8x32xf32, #tpu.memory_space<hbm>>
    %dma_start3A_496 = tpu.memref_squeeze %dma_start3A_495 : memref<1x8x32xf32, #tpu.memory_space<hbm>> -> memref<8x32xf32, #tpu.memory_space<hbm>>
    %dma_start3A_497 = arith.constant 112 : i32
    %dma_start3A_498 = arith.constant 0 : i32
    %dma_start3A_499 = tpu.memref_slice %arg12[%dma_start3A_497, %dma_start3A_498] : memref<128x32xf32, #tpu.memory_space<vmem>> -> memref<8x32xf32, #tpu.memory_space<vmem>>
    %dma_start3A_500 = arith.constant 0 : i32
    %dma_start3A_501 = arith.constant 0 : i32
    %dma_start3A_502 = tpu.memref_slice %arg5[%squeeze3A_489, %dma_start3A_500, %dma_start3A_501] : memref<12500x8x32xf32, #tpu.memory_space<hbm>> -> memref<1x8x32xf32, #tpu.memory_space<hbm>>
    %dma_start3A_503 = tpu.memref_squeeze %dma_start3A_502 : memref<1x8x32xf32, #tpu.memory_space<hbm>> -> memref<8x32xf32, #tpu.memory_space<hbm>>
    tpu.enqueue_dma source(%dma_start3A_503 : memref<8x32xf32, #tpu.memory_space<hbm>>) target(%dma_start3A_499 : memref<8x32xf32, #tpu.memory_space<vmem>>) target_semaphore(%arg18 : memref<!tpu.dma_semaphore, #tpu.memory_space<semaphore_mem>>)
    %slice3A_504 = vector.extract_strided_slice %shift_right_logical3A_263 {offsets = [15], sizes = [1], strides = [1]} : vector<16xi32> to vector<1xi32>
    %squeeze3A_505 = vector.extract %slice3A_504[0] : i32 from vector<1xi32>
    %dma_start3A_506 = arith.constant 120 : i32
    %dma_start3A_507 = arith.constant 0 : i32
    %dma_start3A_508 = tpu.memref_slice %arg12[%dma_start3A_506, %dma_start3A_507] : memref<128x32xf32, #tpu.memory_space<vmem>> -> memref<8x32xf32, #tpu.memory_space<vmem>>
    %dma_start3A_509 = arith.constant 0 : i32
    %dma_start3A_510 = arith.constant 0 : i32
    %dma_start3A_511 = tpu.memref_slice %arg5[%squeeze3A_505, %dma_start3A_509, %dma_start3A_510] : memref<12500x8x32xf32, #tpu.memory_space<hbm>> -> memref<1x8x32xf32, #tpu.memory_space<hbm>>
    %dma_start3A_512 = tpu.memref_squeeze %dma_start3A_511 : memref<1x8x32xf32, #tpu.memory_space<hbm>> -> memref<8x32xf32, #tpu.memory_space<hbm>>
    %dma_start3A_513 = arith.constant 120 : i32
    %dma_start3A_514 = arith.constant 0 : i32
    %dma_start3A_515 = tpu.memref_slice %arg12[%dma_start3A_513, %dma_start3A_514] : memref<128x32xf32, #tpu.memory_space<vmem>> -> memref<8x32xf32, #tpu.memory_space<vmem>>
    %dma_start3A_516 = arith.constant 0 : i32
    %dma_start3A_517 = arith.constant 0 : i32
    %dma_start3A_518 = tpu.memref_slice %arg5[%squeeze3A_505, %dma_start3A_516, %dma_start3A_517] : memref<12500x8x32xf32, #tpu.memory_space<hbm>> -> memref<1x8x32xf32, #tpu.memory_space<hbm>>
    %dma_start3A_519 = tpu.memref_squeeze %dma_start3A_518 : memref<1x8x32xf32, #tpu.memory_space<hbm>> -> memref<8x32xf32, #tpu.memory_space<hbm>>
    tpu.enqueue_dma source(%dma_start3A_519 : memref<8x32xf32, #tpu.memory_space<hbm>>) target(%dma_start3A_515 : memref<8x32xf32, #tpu.memory_space<vmem>>) target_semaphore(%arg18 : memref<!tpu.dma_semaphore, #tpu.memory_space<semaphore_mem>>)
    %scan3A = arith.constant 0 : i32
    %scan3A_520 = arith.constant 0 : i32
    %scan3A_521 = arith.constant 16 : i32
    %scan3A_522 = arith.addi %scan3A_520, %scan3A_521 : i32
    %scan3A_523 = arith.constant 1 : i32
    scf.for %scan3A_542 = %scan3A_520 to %scan3A_522 step %scan3A_523  : i32 {
      %mul3A_543 = arith.constant 2 : i32
      %mul3A_544 = arith.muli %scan3A_542, %mul3A_543 : i32
      %add3A_545 = arith.constant 0 : i32
      %add3A_546 = arith.addi %mul3A_544, %add3A_545 : i32
      %add3A_547 = arith.constant 1 : i32
      %add3A_548 = arith.addi %add3A_546, %add3A_547 : i32
      %lt3A = arith.constant 32 : i32
      %lt3A_549 = arith.cmpi slt, %add3A_548, %lt3A : i32
      %convert_element_type3A = arith.extui %lt3A_549 : i1 to i32
      %cond3A = arith.constant 0 : i32
      %cond3A_550 = arith.cmpi ne, %convert_element_type3A, %cond3A : i32
      scf.if %cond3A_550 {
        %mul3A_2386 = arith.constant 16 : i32
        %mul3A_2387 = arith.muli %add3A_548, %mul3A_2386 : i32
        %get3A_2388 = arith.index_cast %mul3A_2387 : i32 to index
        %get3A_2389 = tpu.vector_load %arg8[%get3A_2388] {strides = array<i32>} : memref<512xi32, #tpu.memory_space<vmem>>, vector<16xi32>,
        %shift_right_logical3A_2390 = arith.constant 3 : i32
        %shift_right_logical3A_2391 = vector.broadcast %shift_right_logical3A_2390 : i32 to vector<16xi32>
        %shift_right_logical3A_2392 = arith.shrui %get3A_2389, %shift_right_logical3A_2391 : vector<16xi32>
        %slice3A_2393 = vector.extract_strided_slice %shift_right_logical3A_2392 {offsets = [0], sizes = [1], strides = [1]} : vector<16xi32> to vector<1xi32>
        %squeeze3A_2394 = vector.extract %slice3A_2393[0] : i32 from vector<1xi32>
        %dma_start3A_2395 = arith.constant 0 : i32
        %dma_start3A_2396 = arith.constant 0 : i32
        %dma_start3A_2397 = tpu.memref_slice %arg11[%dma_start3A_2395, %dma_start3A_2396] : memref<128x32xf32, #tpu.memory_space<vmem>> -> memref<8x32xf32, #tpu.memory_space<vmem>>
        %dma_start3A_2398 = arith.constant 0 : i32
        %dma_start3A_2399 = arith.constant 0 : i32
        %dma_start3A_2400 = tpu.memref_slice %arg4[%squeeze3A_2394, %dma_start3A_2398, %dma_start3A_2399] : memref<125000x8x32xf32, #tpu.memory_space<hbm>> -> memref<1x8x32xf32, #tpu.memory_space<hbm>>
        %dma_start3A_2401 = tpu.memref_squeeze %dma_start3A_2400 : memref<1x8x32xf32, #tpu.memory_space<hbm>> -> memref<8x32xf32, #tpu.memory_space<hbm>>
        %dma_start3A_2402 = arith.constant 0 : i32
        %dma_start3A_2403 = arith.constant 0 : i32
        %dma_start3A_2404 = tpu.memref_slice %arg11[%dma_start3A_2402, %dma_start3A_2403] : memref<128x32xf32, #tpu.memory_space<vmem>> -> memref<8x32xf32, #tpu.memory_space<vmem>>
        %dma_start3A_2405 = arith.constant 0 : i32
        %dma_start3A_2406 = arith.constant 0 : i32
        %dma_start3A_2407 = tpu.memref_slice %arg4[%squeeze3A_2394, %dma_start3A_2405, %dma_start3A_2406] : memref<125000x8x32xf32, #tpu.memory_space<hbm>> -> memref<1x8x32xf32, #tpu.memory_space<hbm>>
        %dma_start3A_2408 = tpu.memref_squeeze %dma_start3A_2407 : memref<1x8x32xf32, #tpu.memory_space<hbm>> -> memref<8x32xf32, #tpu.memory_space<hbm>>
        tpu.enqueue_dma source(%dma_start3A_2408 : memref<8x32xf32, #tpu.memory_space<hbm>>) target(%dma_start3A_2404 : memref<8x32xf32, #tpu.memory_space<vmem>>) target_semaphore(%arg17 : memref<!tpu.dma_semaphore, #tpu.memory_space<semaphore_mem>>)
        %slice3A_2409 = vector.extract_strided_slice %shift_right_logical3A_2392 {offsets = [1], sizes = [1], strides = [1]} : vector<16xi32> to vector<1xi32>
        %squeeze3A_2410 = vector.extract %slice3A_2409[0] : i32 from vector<1xi32>
        %dma_start3A_2411 = arith.constant 8 : i32
        %dma_start3A_2412 = arith.constant 0 : i32
        %dma_start3A_2413 = tpu.memref_slice %arg11[%dma_start3A_2411, %dma_start3A_2412] : memref<128x32xf32, #tpu.memory_space<vmem>> -> memref<8x32xf32, #tpu.memory_space<vmem>>
        %dma_start3A_2414 = arith.constant 0 : i32
        %dma_start3A_2415 = arith.constant 0 : i32
        %dma_start3A_2416 = tpu.memref_slice %arg4[%squeeze3A_2410, %dma_start3A_2414, %dma_start3A_2415] : memref<125000x8x32xf32, #tpu.memory_space<hbm>> -> memref<1x8x32xf32, #tpu.memory_space<hbm>>
        %dma_start3A_2417 = tpu.memref_squeeze %dma_start3A_2416 : memref<1x8x32xf32, #tpu.memory_space<hbm>> -> memref<8x32xf32, #tpu.memory_space<hbm>>
        %dma_start3A_2418 = arith.constant 8 : i32
        %dma_start3A_2419 = arith.constant 0 : i32
        %dma_start3A_2420 = tpu.memref_slice %arg11[%dma_start3A_2418, %dma_start3A_2419] : memref<128x32xf32, #tpu.memory_space<vmem>> -> memref<8x32xf32, #tpu.memory_space<vmem>>
        %dma_start3A_2421 = arith.constant 0 : i32
        %dma_start3A_2422 = arith.constant 0 : i32
        %dma_start3A_2423 = tpu.memref_slice %arg4[%squeeze3A_2410, %dma_start3A_2421, %dma_start3A_2422] : memref<125000x8x32xf32, #tpu.memory_space<hbm>> -> memref<1x8x32xf32, #tpu.memory_space<hbm>>
        %dma_start3A_2424 = tpu.memref_squeeze %dma_start3A_2423 : memref<1x8x32xf32, #tpu.memory_space<hbm>> -> memref<8x32xf32, #tpu.memory_space<hbm>>
        tpu.enqueue_dma source(%dma_start3A_2424 : memref<8x32xf32, #tpu.memory_space<hbm>>) target(%dma_start3A_2420 : memref<8x32xf32, #tpu.memory_space<vmem>>) target_semaphore(%arg17 : memref<!tpu.dma_semaphore, #tpu.memory_space<semaphore_mem>>)
        %slice3A_2425 = vector.extract_strided_slice %shift_right_logical3A_2392 {offsets = [2], sizes = [1], strides = [1]} : vector<16xi32> to vector<1xi32>
        %squeeze3A_2426 = vector.extract %slice3A_2425[0] : i32 from vector<1xi32>
        %dma_start3A_2427 = arith.constant 16 : i32
        %dma_start3A_2428 = arith.constant 0 : i32
        %dma_start3A_2429 = tpu.memref_slice %arg11[%dma_start3A_2427, %dma_start3A_2428] : memref<128x32xf32, #tpu.memory_space<vmem>> -> memref<8x32xf32, #tpu.memory_space<vmem>>
        %dma_start3A_2430 = arith.constant 0 : i32
        %dma_start3A_2431 = arith.constant 0 : i32
        %dma_start3A_2432 = tpu.memref_slice %arg4[%squeeze3A_2426, %dma_start3A_2430, %dma_start3A_2431] : memref<125000x8x32xf32, #tpu.memory_space<hbm>> -> memref<1x8x32xf32, #tpu.memory_space<hbm>>
        %dma_start3A_2433 = tpu.memref_squeeze %dma_start3A_2432 : memref<1x8x32xf32, #tpu.memory_space<hbm>> -> memref<8x32xf32, #tpu.memory_space<hbm>>
        %dma_start3A_2434 = arith.constant 16 : i32
        %dma_start3A_2435 = arith.constant 0 : i32
        %dma_start3A_2436 = tpu.memref_slice %arg11[%dma_start3A_2434, %dma_start3A_2435] : memref<128x32xf32, #tpu.memory_space<vmem>> -> memref<8x32xf32, #tpu.memory_space<vmem>>
        %dma_start3A_2437 = arith.constant 0 : i32
        %dma_start3A_2438 = arith.constant 0 : i32
        %dma_start3A_2439 = tpu.memref_slice %arg4[%squeeze3A_2426, %dma_start3A_2437, %dma_start3A_2438] : memref<125000x8x32xf32, #tpu.memory_space<hbm>> -> memref<1x8x32xf32, #tpu.memory_space<hbm>>
        %dma_start3A_2440 = tpu.memref_squeeze %dma_start3A_2439 : memref<1x8x32xf32, #tpu.memory_space<hbm>> -> memref<8x32xf32, #tpu.memory_space<hbm>>
        tpu.enqueue_dma source(%dma_start3A_2440 : memref<8x32xf32, #tpu.memory_space<hbm>>) target(%dma_start3A_2436 : memref<8x32xf32, #tpu.memory_space<vmem>>) target_semaphore(%arg17 : memref<!tpu.dma_semaphore, #tpu.memory_space<semaphore_mem>>)
        %slice3A_2441 = vector.extract_strided_slice %shift_right_logical3A_2392 {offsets = [3], sizes = [1], strides = [1]} : vector<16xi32> to vector<1xi32>
        %squeeze3A_2442 = vector.extract %slice3A_2441[0] : i32 from vector<1xi32>
        %dma_start3A_2443 = arith.constant 24 : i32
        %dma_start3A_2444 = arith.constant 0 : i32
        %dma_start3A_2445 = tpu.memref_slice %arg11[%dma_start3A_2443, %dma_start3A_2444] : memref<128x32xf32, #tpu.memory_space<vmem>> -> memref<8x32xf32, #tpu.memory_space<vmem>>
        %dma_start3A_2446 = arith.constant 0 : i32
        %dma_start3A_2447 = arith.constant 0 : i32
        %dma_start3A_2448 = tpu.memref_slice %arg4[%squeeze3A_2442, %dma_start3A_2446, %dma_start3A_2447] : memref<125000x8x32xf32, #tpu.memory_space<hbm>> -> memref<1x8x32xf32, #tpu.memory_space<hbm>>
        %dma_start3A_2449 = tpu.memref_squeeze %dma_start3A_2448 : memref<1x8x32xf32, #tpu.memory_space<hbm>> -> memref<8x32xf32, #tpu.memory_space<hbm>>
        %dma_start3A_2450 = arith.constant 24 : i32
        %dma_start3A_2451 = arith.constant 0 : i32
        %dma_start3A_2452 = tpu.memref_slice %arg11[%dma_start3A_2450, %dma_start3A_2451] : memref<128x32xf32, #tpu.memory_space<vmem>> -> memref<8x32xf32, #tpu.memory_space<vmem>>
        %dma_start3A_2453 = arith.constant 0 : i32
        %dma_start3A_2454 = arith.constant 0 : i32
        %dma_start3A_2455 = tpu.memref_slice %arg4[%squeeze3A_2442, %dma_start3A_2453, %dma_start3A_2454] : memref<125000x8x32xf32, #tpu.memory_space<hbm>> -> memref<1x8x32xf32, #tpu.memory_space<hbm>>
        %dma_start3A_2456 = tpu.memref_squeeze %dma_start3A_2455 : memref<1x8x32xf32, #tpu.memory_space<hbm>> -> memref<8x32xf32, #tpu.memory_space<hbm>>
        tpu.enqueue_dma source(%dma_start3A_2456 : memref<8x32xf32, #tpu.memory_space<hbm>>) target(%dma_start3A_2452 : memref<8x32xf32, #tpu.memory_space<vmem>>) target_semaphore(%arg17 : memref<!tpu.dma_semaphore, #tpu.memory_space<semaphore_mem>>)
        %slice3A_2457 = vector.extract_strided_slice %shift_right_logical3A_2392 {offsets = [4], sizes = [1], strides = [1]} : vector<16xi32> to vector<1xi32>
        %squeeze3A_2458 = vector.extract %slice3A_2457[0] : i32 from vector<1xi32>
        %dma_start3A_2459 = arith.constant 32 : i32
        %dma_start3A_2460 = arith.constant 0 : i32
        %dma_start3A_2461 = tpu.memref_slice %arg11[%dma_start3A_2459, %dma_start3A_2460] : memref<128x32xf32, #tpu.memory_space<vmem>> -> memref<8x32xf32, #tpu.memory_space<vmem>>
        %dma_start3A_2462 = arith.constant 0 : i32
        %dma_start3A_2463 = arith.constant 0 : i32
        %dma_start3A_2464 = tpu.memref_slice %arg4[%squeeze3A_2458, %dma_start3A_2462, %dma_start3A_2463] : memref<125000x8x32xf32, #tpu.memory_space<hbm>> -> memref<1x8x32xf32, #tpu.memory_space<hbm>>
        %dma_start3A_2465 = tpu.memref_squeeze %dma_start3A_2464 : memref<1x8x32xf32, #tpu.memory_space<hbm>> -> memref<8x32xf32, #tpu.memory_space<hbm>>
        %dma_start3A_2466 = arith.constant 32 : i32
        %dma_start3A_2467 = arith.constant 0 : i32
        %dma_start3A_2468 = tpu.memref_slice %arg11[%dma_start3A_2466, %dma_start3A_2467] : memref<128x32xf32, #tpu.memory_space<vmem>> -> memref<8x32xf32, #tpu.memory_space<vmem>>
        %dma_start3A_2469 = arith.constant 0 : i32
        %dma_start3A_2470 = arith.constant 0 : i32
        %dma_start3A_2471 = tpu.memref_slice %arg4[%squeeze3A_2458, %dma_start3A_2469, %dma_start3A_2470] : memref<125000x8x32xf32, #tpu.memory_space<hbm>> -> memref<1x8x32xf32, #tpu.memory_space<hbm>>
        %dma_start3A_2472 = tpu.memref_squeeze %dma_start3A_2471 : memref<1x8x32xf32, #tpu.memory_space<hbm>> -> memref<8x32xf32, #tpu.memory_space<hbm>>
        tpu.enqueue_dma source(%dma_start3A_2472 : memref<8x32xf32, #tpu.memory_space<hbm>>) target(%dma_start3A_2468 : memref<8x32xf32, #tpu.memory_space<vmem>>) target_semaphore(%arg17 : memref<!tpu.dma_semaphore, #tpu.memory_space<semaphore_mem>>)
        %slice3A_2473 = vector.extract_strided_slice %shift_right_logical3A_2392 {offsets = [5], sizes = [1], strides = [1]} : vector<16xi32> to vector<1xi32>
        %squeeze3A_2474 = vector.extract %slice3A_2473[0] : i32 from vector<1xi32>
        %dma_start3A_2475 = arith.constant 40 : i32
        %dma_start3A_2476 = arith.constant 0 : i32
        %dma_start3A_2477 = tpu.memref_slice %arg11[%dma_start3A_2475, %dma_start3A_2476] : memref<128x32xf32, #tpu.memory_space<vmem>> -> memref<8x32xf32, #tpu.memory_space<vmem>>
        %dma_start3A_2478 = arith.constant 0 : i32
        %dma_start3A_2479 = arith.constant 0 : i32
        %dma_start3A_2480 = tpu.memref_slice %arg4[%squeeze3A_2474, %dma_start3A_2478, %dma_start3A_2479] : memref<125000x8x32xf32, #tpu.memory_space<hbm>> -> memref<1x8x32xf32, #tpu.memory_space<hbm>>
        %dma_start3A_2481 = tpu.memref_squeeze %dma_start3A_2480 : memref<1x8x32xf32, #tpu.memory_space<hbm>> -> memref<8x32xf32, #tpu.memory_space<hbm>>
        %dma_start3A_2482 = arith.constant 40 : i32
        %dma_start3A_2483 = arith.constant 0 : i32
        %dma_start3A_2484 = tpu.memref_slice %arg11[%dma_start3A_2482, %dma_start3A_2483] : memref<128x32xf32, #tpu.memory_space<vmem>> -> memref<8x32xf32, #tpu.memory_space<vmem>>
        %dma_start3A_2485 = arith.constant 0 : i32
        %dma_start3A_2486 = arith.constant 0 : i32
        %dma_start3A_2487 = tpu.memref_slice %arg4[%squeeze3A_2474, %dma_start3A_2485, %dma_start3A_2486] : memref<125000x8x32xf32, #tpu.memory_space<hbm>> -> memref<1x8x32xf32, #tpu.memory_space<hbm>>
        %dma_start3A_2488 = tpu.memref_squeeze %dma_start3A_2487 : memref<1x8x32xf32, #tpu.memory_space<hbm>> -> memref<8x32xf32, #tpu.memory_space<hbm>>
        tpu.enqueue_dma source(%dma_start3A_2488 : memref<8x32xf32, #tpu.memory_space<hbm>>) target(%dma_start3A_2484 : memref<8x32xf32, #tpu.memory_space<vmem>>) target_semaphore(%arg17 : memref<!tpu.dma_semaphore, #tpu.memory_space<semaphore_mem>>)
        %slice3A_2489 = vector.extract_strided_slice %shift_right_logical3A_2392 {offsets = [6], sizes = [1], strides = [1]} : vector<16xi32> to vector<1xi32>
        %squeeze3A_2490 = vector.extract %slice3A_2489[0] : i32 from vector<1xi32>
        %dma_start3A_2491 = arith.constant 48 : i32
        %dma_start3A_2492 = arith.constant 0 : i32
        %dma_start3A_2493 = tpu.memref_slice %arg11[%dma_start3A_2491, %dma_start3A_2492] : memref<128x32xf32, #tpu.memory_space<vmem>> -> memref<8x32xf32, #tpu.memory_space<vmem>>
        %dma_start3A_2494 = arith.constant 0 : i32
        %dma_start3A_2495 = arith.constant 0 : i32
        %dma_start3A_2496 = tpu.memref_slice %arg4[%squeeze3A_2490, %dma_start3A_2494, %dma_start3A_2495] : memref<125000x8x32xf32, #tpu.memory_space<hbm>> -> memref<1x8x32xf32, #tpu.memory_space<hbm>>
        %dma_start3A_2497 = tpu.memref_squeeze %dma_start3A_2496 : memref<1x8x32xf32, #tpu.memory_space<hbm>> -> memref<8x32xf32, #tpu.memory_space<hbm>>
        %dma_start3A_2498 = arith.constant 48 : i32
        %dma_start3A_2499 = arith.constant 0 : i32
        %dma_start3A_2500 = tpu.memref_slice %arg11[%dma_start3A_2498, %dma_start3A_2499] : memref<128x32xf32, #tpu.memory_space<vmem>> -> memref<8x32xf32, #tpu.memory_space<vmem>>
        %dma_start3A_2501 = arith.constant 0 : i32
        %dma_start3A_2502 = arith.constant 0 : i32
        %dma_start3A_2503 = tpu.memref_slice %arg4[%squeeze3A_2490, %dma_start3A_2501, %dma_start3A_2502] : memref<125000x8x32xf32, #tpu.memory_space<hbm>> -> memref<1x8x32xf32, #tpu.memory_space<hbm>>
        %dma_start3A_2504 = tpu.memref_squeeze %dma_start3A_2503 : memref<1x8x32xf32, #tpu.memory_space<hbm>> -> memref<8x32xf32, #tpu.memory_space<hbm>>
        tpu.enqueue_dma source(%dma_start3A_2504 : memref<8x32xf32, #tpu.memory_space<hbm>>) target(%dma_start3A_2500 : memref<8x32xf32, #tpu.memory_space<vmem>>) target_semaphore(%arg17 : memref<!tpu.dma_semaphore, #tpu.memory_space<semaphore_mem>>)
        %slice3A_2505 = vector.extract_strided_slice %shift_right_logical3A_2392 {offsets = [7], sizes = [1], strides = [1]} : vector<16xi32> to vector<1xi32>
        %squeeze3A_2506 = vector.extract %slice3A_2505[0] : i32 from vector<1xi32>
        %dma_start3A_2507 = arith.constant 56 : i32
        %dma_start3A_2508 = arith.constant 0 : i32
        %dma_start3A_2509 = tpu.memref_slice %arg11[%dma_start3A_2507, %dma_start3A_2508] : memref<128x32xf32, #tpu.memory_space<vmem>> -> memref<8x32xf32, #tpu.memory_space<vmem>>
        %dma_start3A_2510 = arith.constant 0 : i32
        %dma_start3A_2511 = arith.constant 0 : i32
        %dma_start3A_2512 = tpu.memref_slice %arg4[%squeeze3A_2506, %dma_start3A_2510, %dma_start3A_2511] : memref<125000x8x32xf32, #tpu.memory_space<hbm>> -> memref<1x8x32xf32, #tpu.memory_space<hbm>>
        %dma_start3A_2513 = tpu.memref_squeeze %dma_start3A_2512 : memref<1x8x32xf32, #tpu.memory_space<hbm>> -> memref<8x32xf32, #tpu.memory_space<hbm>>
        %dma_start3A_2514 = arith.constant 56 : i32
        %dma_start3A_2515 = arith.constant 0 : i32
        %dma_start3A_2516 = tpu.memref_slice %arg11[%dma_start3A_2514, %dma_start3A_2515] : memref<128x32xf32, #tpu.memory_space<vmem>> -> memref<8x32xf32, #tpu.memory_space<vmem>>
        %dma_start3A_2517 = arith.constant 0 : i32
        %dma_start3A_2518 = arith.constant 0 : i32
        %dma_start3A_2519 = tpu.memref_slice %arg4[%squeeze3A_2506, %dma_start3A_2517, %dma_start3A_2518] : memref<125000x8x32xf32, #tpu.memory_space<hbm>> -> memref<1x8x32xf32, #tpu.memory_space<hbm>>
        %dma_start3A_2520 = tpu.memref_squeeze %dma_start3A_2519 : memref<1x8x32xf32, #tpu.memory_space<hbm>> -> memref<8x32xf32, #tpu.memory_space<hbm>>
        tpu.enqueue_dma source(%dma_start3A_2520 : memref<8x32xf32, #tpu.memory_space<hbm>>) target(%dma_start3A_2516 : memref<8x32xf32, #tpu.memory_space<vmem>>) target_semaphore(%arg17 : memref<!tpu.dma_semaphore, #tpu.memory_space<semaphore_mem>>)
        %slice3A_2521 = vector.extract_strided_slice %shift_right_logical3A_2392 {offsets = [8], sizes = [1], strides = [1]} : vector<16xi32> to vector<1xi32>
        %squeeze3A_2522 = vector.extract %slice3A_2521[0] : i32 from vector<1xi32>
        %dma_start3A_2523 = arith.constant 64 : i32
        %dma_start3A_2524 = arith.constant 0 : i32
        %dma_start3A_2525 = tpu.memref_slice %arg11[%dma_start3A_2523, %dma_start3A_2524] : memref<128x32xf32, #tpu.memory_space<vmem>> -> memref<8x32xf32, #tpu.memory_space<vmem>>
        %dma_start3A_2526 = arith.constant 0 : i32
        %dma_start3A_2527 = arith.constant 0 : i32
        %dma_start3A_2528 = tpu.memref_slice %arg4[%squeeze3A_2522, %dma_start3A_2526, %dma_start3A_2527] : memref<125000x8x32xf32, #tpu.memory_space<hbm>> -> memref<1x8x32xf32, #tpu.memory_space<hbm>>
        %dma_start3A_2529 = tpu.memref_squeeze %dma_start3A_2528 : memref<1x8x32xf32, #tpu.memory_space<hbm>> -> memref<8x32xf32, #tpu.memory_space<hbm>>
        %dma_start3A_2530 = arith.constant 64 : i32
        %dma_start3A_2531 = arith.constant 0 : i32
        %dma_start3A_2532 = tpu.memref_slice %arg11[%dma_start3A_2530, %dma_start3A_2531] : memref<128x32xf32, #tpu.memory_space<vmem>> -> memref<8x32xf32, #tpu.memory_space<vmem>>
        %dma_start3A_2533 = arith.constant 0 : i32
        %dma_start3A_2534 = arith.constant 0 : i32
        %dma_start3A_2535 = tpu.memref_slice %arg4[%squeeze3A_2522, %dma_start3A_2533, %dma_start3A_2534] : memref<125000x8x32xf32, #tpu.memory_space<hbm>> -> memref<1x8x32xf32, #tpu.memory_space<hbm>>
        %dma_start3A_2536 = tpu.memref_squeeze %dma_start3A_2535 : memref<1x8x32xf32, #tpu.memory_space<hbm>> -> memref<8x32xf32, #tpu.memory_space<hbm>>
        tpu.enqueue_dma source(%dma_start3A_2536 : memref<8x32xf32, #tpu.memory_space<hbm>>) target(%dma_start3A_2532 : memref<8x32xf32, #tpu.memory_space<vmem>>) target_semaphore(%arg17 : memref<!tpu.dma_semaphore, #tpu.memory_space<semaphore_mem>>)
        %slice3A_2537 = vector.extract_strided_slice %shift_right_logical3A_2392 {offsets = [9], sizes = [1], strides = [1]} : vector<16xi32> to vector<1xi32>
        %squeeze3A_2538 = vector.extract %slice3A_2537[0] : i32 from vector<1xi32>
        %dma_start3A_2539 = arith.constant 72 : i32
        %dma_start3A_2540 = arith.constant 0 : i32
        %dma_start3A_2541 = tpu.memref_slice %arg11[%dma_start3A_2539, %dma_start3A_2540] : memref<128x32xf32, #tpu.memory_space<vmem>> -> memref<8x32xf32, #tpu.memory_space<vmem>>
        %dma_start3A_2542 = arith.constant 0 : i32
        %dma_start3A_2543 = arith.constant 0 : i32
        %dma_start3A_2544 = tpu.memref_slice %arg4[%squeeze3A_2538, %dma_start3A_2542, %dma_start3A_2543] : memref<125000x8x32xf32, #tpu.memory_space<hbm>> -> memref<1x8x32xf32, #tpu.memory_space<hbm>>
        %dma_start3A_2545 = tpu.memref_squeeze %dma_start3A_2544 : memref<1x8x32xf32, #tpu.memory_space<hbm>> -> memref<8x32xf32, #tpu.memory_space<hbm>>
        %dma_start3A_2546 = arith.constant 72 : i32
        %dma_start3A_2547 = arith.constant 0 : i32
        %dma_start3A_2548 = tpu.memref_slice %arg11[%dma_start3A_2546, %dma_start3A_2547] : memref<128x32xf32, #tpu.memory_space<vmem>> -> memref<8x32xf32, #tpu.memory_space<vmem>>
        %dma_start3A_2549 = arith.constant 0 : i32
        %dma_start3A_2550 = arith.constant 0 : i32
        %dma_start3A_2551 = tpu.memref_slice %arg4[%squeeze3A_2538, %dma_start3A_2549, %dma_start3A_2550] : memref<125000x8x32xf32, #tpu.memory_space<hbm>> -> memref<1x8x32xf32, #tpu.memory_space<hbm>>
        %dma_start3A_2552 = tpu.memref_squeeze %dma_start3A_2551 : memref<1x8x32xf32, #tpu.memory_space<hbm>> -> memref<8x32xf32, #tpu.memory_space<hbm>>
        tpu.enqueue_dma source(%dma_start3A_2552 : memref<8x32xf32, #tpu.memory_space<hbm>>) target(%dma_start3A_2548 : memref<8x32xf32, #tpu.memory_space<vmem>>) target_semaphore(%arg17 : memref<!tpu.dma_semaphore, #tpu.memory_space<semaphore_mem>>)
        %slice3A_2553 = vector.extract_strided_slice %shift_right_logical3A_2392 {offsets = [10], sizes = [1], strides = [1]} : vector<16xi32> to vector<1xi32>
        %squeeze3A_2554 = vector.extract %slice3A_2553[0] : i32 from vector<1xi32>
        %dma_start3A_2555 = arith.constant 80 : i32
        %dma_start3A_2556 = arith.constant 0 : i32
        %dma_start3A_2557 = tpu.memref_slice %arg11[%dma_start3A_2555, %dma_start3A_2556] : memref<128x32xf32, #tpu.memory_space<vmem>> -> memref<8x32xf32, #tpu.memory_space<vmem>>
        %dma_start3A_2558 = arith.constant 0 : i32
        %dma_start3A_2559 = arith.constant 0 : i32
        %dma_start3A_2560 = tpu.memref_slice %arg4[%squeeze3A_2554, %dma_start3A_2558, %dma_start3A_2559] : memref<125000x8x32xf32, #tpu.memory_space<hbm>> -> memref<1x8x32xf32, #tpu.memory_space<hbm>>
        %dma_start3A_2561 = tpu.memref_squeeze %dma_start3A_2560 : memref<1x8x32xf32, #tpu.memory_space<hbm>> -> memref<8x32xf32, #tpu.memory_space<hbm>>
        %dma_start3A_2562 = arith.constant 80 : i32
        %dma_start3A_2563 = arith.constant 0 : i32
        %dma_start3A_2564 = tpu.memref_slice %arg11[%dma_start3A_2562, %dma_start3A_2563] : memref<128x32xf32, #tpu.memory_space<vmem>> -> memref<8x32xf32, #tpu.memory_space<vmem>>
        %dma_start3A_2565 = arith.constant 0 : i32
        %dma_start3A_2566 = arith.constant 0 : i32
        %dma_start3A_2567 = tpu.memref_slice %arg4[%squeeze3A_2554, %dma_start3A_2565, %dma_start3A_2566] : memref<125000x8x32xf32, #tpu.memory_space<hbm>> -> memref<1x8x32xf32, #tpu.memory_space<hbm>>
        %dma_start3A_2568 = tpu.memref_squeeze %dma_start3A_2567 : memref<1x8x32xf32, #tpu.memory_space<hbm>> -> memref<8x32xf32, #tpu.memory_space<hbm>>
        tpu.enqueue_dma source(%dma_start3A_2568 : memref<8x32xf32, #tpu.memory_space<hbm>>) target(%dma_start3A_2564 : memref<8x32xf32, #tpu.memory_space<vmem>>) target_semaphore(%arg17 : memref<!tpu.dma_semaphore, #tpu.memory_space<semaphore_mem>>)
        %slice3A_2569 = vector.extract_strided_slice %shift_right_logical3A_2392 {offsets = [11], sizes = [1], strides = [1]} : vector<16xi32> to vector<1xi32>
        %squeeze3A_2570 = vector.extract %slice3A_2569[0] : i32 from vector<1xi32>
        %dma_start3A_2571 = arith.constant 88 : i32
        %dma_start3A_2572 = arith.constant 0 : i32
        %dma_start3A_2573 = tpu.memref_slice %arg11[%dma_start3A_2571, %dma_start3A_2572] : memref<128x32xf32, #tpu.memory_space<vmem>> -> memref<8x32xf32, #tpu.memory_space<vmem>>
        %dma_start3A_2574 = arith.constant 0 : i32
        %dma_start3A_2575 = arith.constant 0 : i32
        %dma_start3A_2576 = tpu.memref_slice %arg4[%squeeze3A_2570, %dma_start3A_2574, %dma_start3A_2575] : memref<125000x8x32xf32, #tpu.memory_space<hbm>> -> memref<1x8x32xf32, #tpu.memory_space<hbm>>
        %dma_start3A_2577 = tpu.memref_squeeze %dma_start3A_2576 : memref<1x8x32xf32, #tpu.memory_space<hbm>> -> memref<8x32xf32, #tpu.memory_space<hbm>>
        %dma_start3A_2578 = arith.constant 88 : i32
        %dma_start3A_2579 = arith.constant 0 : i32
        %dma_start3A_2580 = tpu.memref_slice %arg11[%dma_start3A_2578, %dma_start3A_2579] : memref<128x32xf32, #tpu.memory_space<vmem>> -> memref<8x32xf32, #tpu.memory_space<vmem>>
        %dma_start3A_2581 = arith.constant 0 : i32
        %dma_start3A_2582 = arith.constant 0 : i32
        %dma_start3A_2583 = tpu.memref_slice %arg4[%squeeze3A_2570, %dma_start3A_2581, %dma_start3A_2582] : memref<125000x8x32xf32, #tpu.memory_space<hbm>> -> memref<1x8x32xf32, #tpu.memory_space<hbm>>
        %dma_start3A_2584 = tpu.memref_squeeze %dma_start3A_2583 : memref<1x8x32xf32, #tpu.memory_space<hbm>> -> memref<8x32xf32, #tpu.memory_space<hbm>>
        tpu.enqueue_dma source(%dma_start3A_2584 : memref<8x32xf32, #tpu.memory_space<hbm>>) target(%dma_start3A_2580 : memref<8x32xf32, #tpu.memory_space<vmem>>) target_semaphore(%arg17 : memref<!tpu.dma_semaphore, #tpu.memory_space<semaphore_mem>>)
        %slice3A_2585 = vector.extract_strided_slice %shift_right_logical3A_2392 {offsets = [12], sizes = [1], strides = [1]} : vector<16xi32> to vector<1xi32>
        %squeeze3A_2586 = vector.extract %slice3A_2585[0] : i32 from vector<1xi32>
        %dma_start3A_2587 = arith.constant 96 : i32
        %dma_start3A_2588 = arith.constant 0 : i32
        %dma_start3A_2589 = tpu.memref_slice %arg11[%dma_start3A_2587, %dma_start3A_2588] : memref<128x32xf32, #tpu.memory_space<vmem>> -> memref<8x32xf32, #tpu.memory_space<vmem>>
        %dma_start3A_2590 = arith.constant 0 : i32
        %dma_start3A_2591 = arith.constant 0 : i32
        %dma_start3A_2592 = tpu.memref_slice %arg4[%squeeze3A_2586, %dma_start3A_2590, %dma_start3A_2591] : memref<125000x8x32xf32, #tpu.memory_space<hbm>> -> memref<1x8x32xf32, #tpu.memory_space<hbm>>
        %dma_start3A_2593 = tpu.memref_squeeze %dma_start3A_2592 : memref<1x8x32xf32, #tpu.memory_space<hbm>> -> memref<8x32xf32, #tpu.memory_space<hbm>>
        %dma_start3A_2594 = arith.constant 96 : i32
        %dma_start3A_2595 = arith.constant 0 : i32
        %dma_start3A_2596 = tpu.memref_slice %arg11[%dma_start3A_2594, %dma_start3A_2595] : memref<128x32xf32, #tpu.memory_space<vmem>> -> memref<8x32xf32, #tpu.memory_space<vmem>>
        %dma_start3A_2597 = arith.constant 0 : i32
        %dma_start3A_2598 = arith.constant 0 : i32
        %dma_start3A_2599 = tpu.memref_slice %arg4[%squeeze3A_2586, %dma_start3A_2597, %dma_start3A_2598] : memref<125000x8x32xf32, #tpu.memory_space<hbm>> -> memref<1x8x32xf32, #tpu.memory_space<hbm>>
        %dma_start3A_2600 = tpu.memref_squeeze %dma_start3A_2599 : memref<1x8x32xf32, #tpu.memory_space<hbm>> -> memref<8x32xf32, #tpu.memory_space<hbm>>
        tpu.enqueue_dma source(%dma_start3A_2600 : memref<8x32xf32, #tpu.memory_space<hbm>>) target(%dma_start3A_2596 : memref<8x32xf32, #tpu.memory_space<vmem>>) target_semaphore(%arg17 : memref<!tpu.dma_semaphore, #tpu.memory_space<semaphore_mem>>)
        %slice3A_2601 = vector.extract_strided_slice %shift_right_logical3A_2392 {offsets = [13], sizes = [1], strides = [1]} : vector<16xi32> to vector<1xi32>
        %squeeze3A_2602 = vector.extract %slice3A_2601[0] : i32 from vector<1xi32>
        %dma_start3A_2603 = arith.constant 104 : i32
        %dma_start3A_2604 = arith.constant 0 : i32
        %dma_start3A_2605 = tpu.memref_slice %arg11[%dma_start3A_2603, %dma_start3A_2604] : memref<128x32xf32, #tpu.memory_space<vmem>> -> memref<8x32xf32, #tpu.memory_space<vmem>>
        %dma_start3A_2606 = arith.constant 0 : i32
        %dma_start3A_2607 = arith.constant 0 : i32
        %dma_start3A_2608 = tpu.memref_slice %arg4[%squeeze3A_2602, %dma_start3A_2606, %dma_start3A_2607] : memref<125000x8x32xf32, #tpu.memory_space<hbm>> -> memref<1x8x32xf32, #tpu.memory_space<hbm>>
        %dma_start3A_2609 = tpu.memref_squeeze %dma_start3A_2608 : memref<1x8x32xf32, #tpu.memory_space<hbm>> -> memref<8x32xf32, #tpu.memory_space<hbm>>
        %dma_start3A_2610 = arith.constant 104 : i32
        %dma_start3A_2611 = arith.constant 0 : i32
        %dma_start3A_2612 = tpu.memref_slice %arg11[%dma_start3A_2610, %dma_start3A_2611] : memref<128x32xf32, #tpu.memory_space<vmem>> -> memref<8x32xf32, #tpu.memory_space<vmem>>
        %dma_start3A_2613 = arith.constant 0 : i32
        %dma_start3A_2614 = arith.constant 0 : i32
        %dma_start3A_2615 = tpu.memref_slice %arg4[%squeeze3A_2602, %dma_start3A_2613, %dma_start3A_2614] : memref<125000x8x32xf32, #tpu.memory_space<hbm>> -> memref<1x8x32xf32, #tpu.memory_space<hbm>>
        %dma_start3A_2616 = tpu.memref_squeeze %dma_start3A_2615 : memref<1x8x32xf32, #tpu.memory_space<hbm>> -> memref<8x32xf32, #tpu.memory_space<hbm>>
        tpu.enqueue_dma source(%dma_start3A_2616 : memref<8x32xf32, #tpu.memory_space<hbm>>) target(%dma_start3A_2612 : memref<8x32xf32, #tpu.memory_space<vmem>>) target_semaphore(%arg17 : memref<!tpu.dma_semaphore, #tpu.memory_space<semaphore_mem>>)
        %slice3A_2617 = vector.extract_strided_slice %shift_right_logical3A_2392 {offsets = [14], sizes = [1], strides = [1]} : vector<16xi32> to vector<1xi32>
        %squeeze3A_2618 = vector.extract %slice3A_2617[0] : i32 from vector<1xi32>
        %dma_start3A_2619 = arith.constant 112 : i32
        %dma_start3A_2620 = arith.constant 0 : i32
        %dma_start3A_2621 = tpu.memref_slice %arg11[%dma_start3A_2619, %dma_start3A_2620] : memref<128x32xf32, #tpu.memory_space<vmem>> -> memref<8x32xf32, #tpu.memory_space<vmem>>
        %dma_start3A_2622 = arith.constant 0 : i32
        %dma_start3A_2623 = arith.constant 0 : i32
        %dma_start3A_2624 = tpu.memref_slice %arg4[%squeeze3A_2618, %dma_start3A_2622, %dma_start3A_2623] : memref<125000x8x32xf32, #tpu.memory_space<hbm>> -> memref<1x8x32xf32, #tpu.memory_space<hbm>>
        %dma_start3A_2625 = tpu.memref_squeeze %dma_start3A_2624 : memref<1x8x32xf32, #tpu.memory_space<hbm>> -> memref<8x32xf32, #tpu.memory_space<hbm>>
        %dma_start3A_2626 = arith.constant 112 : i32
        %dma_start3A_2627 = arith.constant 0 : i32
        %dma_start3A_2628 = tpu.memref_slice %arg11[%dma_start3A_2626, %dma_start3A_2627] : memref<128x32xf32, #tpu.memory_space<vmem>> -> memref<8x32xf32, #tpu.memory_space<vmem>>
        %dma_start3A_2629 = arith.constant 0 : i32
        %dma_start3A_2630 = arith.constant 0 : i32
        %dma_start3A_2631 = tpu.memref_slice %arg4[%squeeze3A_2618, %dma_start3A_2629, %dma_start3A_2630] : memref<125000x8x32xf32, #tpu.memory_space<hbm>> -> memref<1x8x32xf32, #tpu.memory_space<hbm>>
        %dma_start3A_2632 = tpu.memref_squeeze %dma_start3A_2631 : memref<1x8x32xf32, #tpu.memory_space<hbm>> -> memref<8x32xf32, #tpu.memory_space<hbm>>
        tpu.enqueue_dma source(%dma_start3A_2632 : memref<8x32xf32, #tpu.memory_space<hbm>>) target(%dma_start3A_2628 : memref<8x32xf32, #tpu.memory_space<vmem>>) target_semaphore(%arg17 : memref<!tpu.dma_semaphore, #tpu.memory_space<semaphore_mem>>)
        %slice3A_2633 = vector.extract_strided_slice %shift_right_logical3A_2392 {offsets = [15], sizes = [1], strides = [1]} : vector<16xi32> to vector<1xi32>
        %squeeze3A_2634 = vector.extract %slice3A_2633[0] : i32 from vector<1xi32>
        %dma_start3A_2635 = arith.constant 120 : i32
        %dma_start3A_2636 = arith.constant 0 : i32
        %dma_start3A_2637 = tpu.memref_slice %arg11[%dma_start3A_2635, %dma_start3A_2636] : memref<128x32xf32, #tpu.memory_space<vmem>> -> memref<8x32xf32, #tpu.memory_space<vmem>>
        %dma_start3A_2638 = arith.constant 0 : i32
        %dma_start3A_2639 = arith.constant 0 : i32
        %dma_start3A_2640 = tpu.memref_slice %arg4[%squeeze3A_2634, %dma_start3A_2638, %dma_start3A_2639] : memref<125000x8x32xf32, #tpu.memory_space<hbm>> -> memref<1x8x32xf32, #tpu.memory_space<hbm>>
        %dma_start3A_2641 = tpu.memref_squeeze %dma_start3A_2640 : memref<1x8x32xf32, #tpu.memory_space<hbm>> -> memref<8x32xf32, #tpu.memory_space<hbm>>
        %dma_start3A_2642 = arith.constant 120 : i32
        %dma_start3A_2643 = arith.constant 0 : i32
        %dma_start3A_2644 = tpu.memref_slice %arg11[%dma_start3A_2642, %dma_start3A_2643] : memref<128x32xf32, #tpu.memory_space<vmem>> -> memref<8x32xf32, #tpu.memory_space<vmem>>
        %dma_start3A_2645 = arith.constant 0 : i32
        %dma_start3A_2646 = arith.constant 0 : i32
        %dma_start3A_2647 = tpu.memref_slice %arg4[%squeeze3A_2634, %dma_start3A_2645, %dma_start3A_2646] : memref<125000x8x32xf32, #tpu.memory_space<hbm>> -> memref<1x8x32xf32, #tpu.memory_space<hbm>>
        %dma_start3A_2648 = tpu.memref_squeeze %dma_start3A_2647 : memref<1x8x32xf32, #tpu.memory_space<hbm>> -> memref<8x32xf32, #tpu.memory_space<hbm>>
        tpu.enqueue_dma source(%dma_start3A_2648 : memref<8x32xf32, #tpu.memory_space<hbm>>) target(%dma_start3A_2644 : memref<8x32xf32, #tpu.memory_space<vmem>>) target_semaphore(%arg17 : memref<!tpu.dma_semaphore, #tpu.memory_space<semaphore_mem>>)
        %mul3A_2649 = arith.constant 16 : i32
        %mul3A_2650 = arith.muli %add3A_548, %mul3A_2649 : i32
        %get3A_2651 = arith.index_cast %mul3A_2650 : i32 to index
        %get3A_2652 = tpu.vector_load %arg9[%get3A_2651] {strides = array<i32>} : memref<512xi32, #tpu.memory_space<vmem>>, vector<16xi32>,
        %shift_right_logical3A_2653 = arith.constant 3 : i32
        %shift_right_logical3A_2654 = vector.broadcast %shift_right_logical3A_2653 : i32 to vector<16xi32>
        %shift_right_logical3A_2655 = arith.shrui %get3A_2652, %shift_right_logical3A_2654 : vector<16xi32>
        %slice3A_2656 = vector.extract_strided_slice %shift_right_logical3A_2655 {offsets = [0], sizes = [1], strides = [1]} : vector<16xi32> to vector<1xi32>
        %squeeze3A_2657 = vector.extract %slice3A_2656[0] : i32 from vector<1xi32>
        %dma_start3A_2658 = arith.constant 0 : i32
        %dma_start3A_2659 = arith.constant 0 : i32
        %dma_start3A_2660 = tpu.memref_slice %arg13[%dma_start3A_2658, %dma_start3A_2659] : memref<128x32xf32, #tpu.memory_space<vmem>> -> memref<8x32xf32, #tpu.memory_space<vmem>>
        %dma_start3A_2661 = arith.constant 0 : i32
        %dma_start3A_2662 = arith.constant 0 : i32
        %dma_start3A_2663 = tpu.memref_slice %arg5[%squeeze3A_2657, %dma_start3A_2661, %dma_start3A_2662] : memref<12500x8x32xf32, #tpu.memory_space<hbm>> -> memref<1x8x32xf32, #tpu.memory_space<hbm>>
        %dma_start3A_2664 = tpu.memref_squeeze %dma_start3A_2663 : memref<1x8x32xf32, #tpu.memory_space<hbm>> -> memref<8x32xf32, #tpu.memory_space<hbm>>
        %dma_start3A_2665 = arith.constant 0 : i32
        %dma_start3A_2666 = arith.constant 0 : i32
        %dma_start3A_2667 = tpu.memref_slice %arg13[%dma_start3A_2665, %dma_start3A_2666] : memref<128x32xf32, #tpu.memory_space<vmem>> -> memref<8x32xf32, #tpu.memory_space<vmem>>
        %dma_start3A_2668 = arith.constant 0 : i32
        %dma_start3A_2669 = arith.constant 0 : i32
        %dma_start3A_2670 = tpu.memref_slice %arg5[%squeeze3A_2657, %dma_start3A_2668, %dma_start3A_2669] : memref<12500x8x32xf32, #tpu.memory_space<hbm>> -> memref<1x8x32xf32, #tpu.memory_space<hbm>>
        %dma_start3A_2671 = tpu.memref_squeeze %dma_start3A_2670 : memref<1x8x32xf32, #tpu.memory_space<hbm>> -> memref<8x32xf32, #tpu.memory_space<hbm>>
        tpu.enqueue_dma source(%dma_start3A_2671 : memref<8x32xf32, #tpu.memory_space<hbm>>) target(%dma_start3A_2667 : memref<8x32xf32, #tpu.memory_space<vmem>>) target_semaphore(%arg19 : memref<!tpu.dma_semaphore, #tpu.memory_space<semaphore_mem>>)
        %slice3A_2672 = vector.extract_strided_slice %shift_right_logical3A_2655 {offsets = [1], sizes = [1], strides = [1]} : vector<16xi32> to vector<1xi32>
        %squeeze3A_2673 = vector.extract %slice3A_2672[0] : i32 from vector<1xi32>
        %dma_start3A_2674 = arith.constant 8 : i32
        %dma_start3A_2675 = arith.constant 0 : i32
        %dma_start3A_2676 = tpu.memref_slice %arg13[%dma_start3A_2674, %dma_start3A_2675] : memref<128x32xf32, #tpu.memory_space<vmem>> -> memref<8x32xf32, #tpu.memory_space<vmem>>
        %dma_start3A_2677 = arith.constant 0 : i32
        %dma_start3A_2678 = arith.constant 0 : i32
        %dma_start3A_2679 = tpu.memref_slice %arg5[%squeeze3A_2673, %dma_start3A_2677, %dma_start3A_2678] : memref<12500x8x32xf32, #tpu.memory_space<hbm>> -> memref<1x8x32xf32, #tpu.memory_space<hbm>>
        %dma_start3A_2680 = tpu.memref_squeeze %dma_start3A_2679 : memref<1x8x32xf32, #tpu.memory_space<hbm>> -> memref<8x32xf32, #tpu.memory_space<hbm>>
        %dma_start3A_2681 = arith.constant 8 : i32
        %dma_start3A_2682 = arith.constant 0 : i32
        %dma_start3A_2683 = tpu.memref_slice %arg13[%dma_start3A_2681, %dma_start3A_2682] : memref<128x32xf32, #tpu.memory_space<vmem>> -> memref<8x32xf32, #tpu.memory_space<vmem>>
        %dma_start3A_2684 = arith.constant 0 : i32
        %dma_start3A_2685 = arith.constant 0 : i32
        %dma_start3A_2686 = tpu.memref_slice %arg5[%squeeze3A_2673, %dma_start3A_2684, %dma_start3A_2685] : memref<12500x8x32xf32, #tpu.memory_space<hbm>> -> memref<1x8x32xf32, #tpu.memory_space<hbm>>
        %dma_start3A_2687 = tpu.memref_squeeze %dma_start3A_2686 : memref<1x8x32xf32, #tpu.memory_space<hbm>> -> memref<8x32xf32, #tpu.memory_space<hbm>>
        tpu.enqueue_dma source(%dma_start3A_2687 : memref<8x32xf32, #tpu.memory_space<hbm>>) target(%dma_start3A_2683 : memref<8x32xf32, #tpu.memory_space<vmem>>) target_semaphore(%arg19 : memref<!tpu.dma_semaphore, #tpu.memory_space<semaphore_mem>>)
        %slice3A_2688 = vector.extract_strided_slice %shift_right_logical3A_2655 {offsets = [2], sizes = [1], strides = [1]} : vector<16xi32> to vector<1xi32>
        %squeeze3A_2689 = vector.extract %slice3A_2688[0] : i32 from vector<1xi32>
        %dma_start3A_2690 = arith.constant 16 : i32
        %dma_start3A_2691 = arith.constant 0 : i32
        %dma_start3A_2692 = tpu.memref_slice %arg13[%dma_start3A_2690, %dma_start3A_2691] : memref<128x32xf32, #tpu.memory_space<vmem>> -> memref<8x32xf32, #tpu.memory_space<vmem>>
        %dma_start3A_2693 = arith.constant 0 : i32
        %dma_start3A_2694 = arith.constant 0 : i32
        %dma_start3A_2695 = tpu.memref_slice %arg5[%squeeze3A_2689, %dma_start3A_2693, %dma_start3A_2694] : memref<12500x8x32xf32, #tpu.memory_space<hbm>> -> memref<1x8x32xf32, #tpu.memory_space<hbm>>
        %dma_start3A_2696 = tpu.memref_squeeze %dma_start3A_2695 : memref<1x8x32xf32, #tpu.memory_space<hbm>> -> memref<8x32xf32, #tpu.memory_space<hbm>>
        %dma_start3A_2697 = arith.constant 16 : i32
        %dma_start3A_2698 = arith.constant 0 : i32
        %dma_start3A_2699 = tpu.memref_slice %arg13[%dma_start3A_2697, %dma_start3A_2698] : memref<128x32xf32, #tpu.memory_space<vmem>> -> memref<8x32xf32, #tpu.memory_space<vmem>>
        %dma_start3A_2700 = arith.constant 0 : i32
        %dma_start3A_2701 = arith.constant 0 : i32
        %dma_start3A_2702 = tpu.memref_slice %arg5[%squeeze3A_2689, %dma_start3A_2700, %dma_start3A_2701] : memref<12500x8x32xf32, #tpu.memory_space<hbm>> -> memref<1x8x32xf32, #tpu.memory_space<hbm>>
        %dma_start3A_2703 = tpu.memref_squeeze %dma_start3A_2702 : memref<1x8x32xf32, #tpu.memory_space<hbm>> -> memref<8x32xf32, #tpu.memory_space<hbm>>
        tpu.enqueue_dma source(%dma_start3A_2703 : memref<8x32xf32, #tpu.memory_space<hbm>>) target(%dma_start3A_2699 : memref<8x32xf32, #tpu.memory_space<vmem>>) target_semaphore(%arg19 : memref<!tpu.dma_semaphore, #tpu.memory_space<semaphore_mem>>)
        %slice3A_2704 = vector.extract_strided_slice %shift_right_logical3A_2655 {offsets = [3], sizes = [1], strides = [1]} : vector<16xi32> to vector<1xi32>
        %squeeze3A_2705 = vector.extract %slice3A_2704[0] : i32 from vector<1xi32>
        %dma_start3A_2706 = arith.constant 24 : i32
        %dma_start3A_2707 = arith.constant 0 : i32
        %dma_start3A_2708 = tpu.memref_slice %arg13[%dma_start3A_2706, %dma_start3A_2707] : memref<128x32xf32, #tpu.memory_space<vmem>> -> memref<8x32xf32, #tpu.memory_space<vmem>>
        %dma_start3A_2709 = arith.constant 0 : i32
        %dma_start3A_2710 = arith.constant 0 : i32
        %dma_start3A_2711 = tpu.memref_slice %arg5[%squeeze3A_2705, %dma_start3A_2709, %dma_start3A_2710] : memref<12500x8x32xf32, #tpu.memory_space<hbm>> -> memref<1x8x32xf32, #tpu.memory_space<hbm>>
        %dma_start3A_2712 = tpu.memref_squeeze %dma_start3A_2711 : memref<1x8x32xf32, #tpu.memory_space<hbm>> -> memref<8x32xf32, #tpu.memory_space<hbm>>
        %dma_start3A_2713 = arith.constant 24 : i32
        %dma_start3A_2714 = arith.constant 0 : i32
        %dma_start3A_2715 = tpu.memref_slice %arg13[%dma_start3A_2713, %dma_start3A_2714] : memref<128x32xf32, #tpu.memory_space<vmem>> -> memref<8x32xf32, #tpu.memory_space<vmem>>
        %dma_start3A_2716 = arith.constant 0 : i32
        %dma_start3A_2717 = arith.constant 0 : i32
        %dma_start3A_2718 = tpu.memref_slice %arg5[%squeeze3A_2705, %dma_start3A_2716, %dma_start3A_2717] : memref<12500x8x32xf32, #tpu.memory_space<hbm>> -> memref<1x8x32xf32, #tpu.memory_space<hbm>>
        %dma_start3A_2719 = tpu.memref_squeeze %dma_start3A_2718 : memref<1x8x32xf32, #tpu.memory_space<hbm>> -> memref<8x32xf32, #tpu.memory_space<hbm>>
        tpu.enqueue_dma source(%dma_start3A_2719 : memref<8x32xf32, #tpu.memory_space<hbm>>) target(%dma_start3A_2715 : memref<8x32xf32, #tpu.memory_space<vmem>>) target_semaphore(%arg19 : memref<!tpu.dma_semaphore, #tpu.memory_space<semaphore_mem>>)
        %slice3A_2720 = vector.extract_strided_slice %shift_right_logical3A_2655 {offsets = [4], sizes = [1], strides = [1]} : vector<16xi32> to vector<1xi32>
        %squeeze3A_2721 = vector.extract %slice3A_2720[0] : i32 from vector<1xi32>
        %dma_start3A_2722 = arith.constant 32 : i32
        %dma_start3A_2723 = arith.constant 0 : i32
        %dma_start3A_2724 = tpu.memref_slice %arg13[%dma_start3A_2722, %dma_start3A_2723] : memref<128x32xf32, #tpu.memory_space<vmem>> -> memref<8x32xf32, #tpu.memory_space<vmem>>
        %dma_start3A_2725 = arith.constant 0 : i32
        %dma_start3A_2726 = arith.constant 0 : i32
        %dma_start3A_2727 = tpu.memref_slice %arg5[%squeeze3A_2721, %dma_start3A_2725, %dma_start3A_2726] : memref<12500x8x32xf32, #tpu.memory_space<hbm>> -> memref<1x8x32xf32, #tpu.memory_space<hbm>>
        %dma_start3A_2728 = tpu.memref_squeeze %dma_start3A_2727 : memref<1x8x32xf32, #tpu.memory_space<hbm>> -> memref<8x32xf32, #tpu.memory_space<hbm>>
        %dma_start3A_2729 = arith.constant 32 : i32
        %dma_start3A_2730 = arith.constant 0 : i32
        %dma_start3A_2731 = tpu.memref_slice %arg13[%dma_start3A_2729, %dma_start3A_2730] : memref<128x32xf32, #tpu.memory_space<vmem>> -> memref<8x32xf32, #tpu.memory_space<vmem>>
        %dma_start3A_2732 = arith.constant 0 : i32
        %dma_start3A_2733 = arith.constant 0 : i32
        %dma_start3A_2734 = tpu.memref_slice %arg5[%squeeze3A_2721, %dma_start3A_2732, %dma_start3A_2733] : memref<12500x8x32xf32, #tpu.memory_space<hbm>> -> memref<1x8x32xf32, #tpu.memory_space<hbm>>
        %dma_start3A_2735 = tpu.memref_squeeze %dma_start3A_2734 : memref<1x8x32xf32, #tpu.memory_space<hbm>> -> memref<8x32xf32, #tpu.memory_space<hbm>>
        tpu.enqueue_dma source(%dma_start3A_2735 : memref<8x32xf32, #tpu.memory_space<hbm>>) target(%dma_start3A_2731 : memref<8x32xf32, #tpu.memory_space<vmem>>) target_semaphore(%arg19 : memref<!tpu.dma_semaphore, #tpu.memory_space<semaphore_mem>>)
        %slice3A_2736 = vector.extract_strided_slice %shift_right_logical3A_2655 {offsets = [5], sizes = [1], strides = [1]} : vector<16xi32> to vector<1xi32>
        %squeeze3A_2737 = vector.extract %slice3A_2736[0] : i32 from vector<1xi32>
        %dma_start3A_2738 = arith.constant 40 : i32
        %dma_start3A_2739 = arith.constant 0 : i32
        %dma_start3A_2740 = tpu.memref_slice %arg13[%dma_start3A_2738, %dma_start3A_2739] : memref<128x32xf32, #tpu.memory_space<vmem>> -> memref<8x32xf32, #tpu.memory_space<vmem>>
        %dma_start3A_2741 = arith.constant 0 : i32
        %dma_start3A_2742 = arith.constant 0 : i32
        %dma_start3A_2743 = tpu.memref_slice %arg5[%squeeze3A_2737, %dma_start3A_2741, %dma_start3A_2742] : memref<12500x8x32xf32, #tpu.memory_space<hbm>> -> memref<1x8x32xf32, #tpu.memory_space<hbm>>
        %dma_start3A_2744 = tpu.memref_squeeze %dma_start3A_2743 : memref<1x8x32xf32, #tpu.memory_space<hbm>> -> memref<8x32xf32, #tpu.memory_space<hbm>>
        %dma_start3A_2745 = arith.constant 40 : i32
        %dma_start3A_2746 = arith.constant 0 : i32
        %dma_start3A_2747 = tpu.memref_slice %arg13[%dma_start3A_2745, %dma_start3A_2746] : memref<128x32xf32, #tpu.memory_space<vmem>> -> memref<8x32xf32, #tpu.memory_space<vmem>>
        %dma_start3A_2748 = arith.constant 0 : i32
        %dma_start3A_2749 = arith.constant 0 : i32
        %dma_start3A_2750 = tpu.memref_slice %arg5[%squeeze3A_2737, %dma_start3A_2748, %dma_start3A_2749] : memref<12500x8x32xf32, #tpu.memory_space<hbm>> -> memref<1x8x32xf32, #tpu.memory_space<hbm>>
        %dma_start3A_2751 = tpu.memref_squeeze %dma_start3A_2750 : memref<1x8x32xf32, #tpu.memory_space<hbm>> -> memref<8x32xf32, #tpu.memory_space<hbm>>
        tpu.enqueue_dma source(%dma_start3A_2751 : memref<8x32xf32, #tpu.memory_space<hbm>>) target(%dma_start3A_2747 : memref<8x32xf32, #tpu.memory_space<vmem>>) target_semaphore(%arg19 : memref<!tpu.dma_semaphore, #tpu.memory_space<semaphore_mem>>)
        %slice3A_2752 = vector.extract_strided_slice %shift_right_logical3A_2655 {offsets = [6], sizes = [1], strides = [1]} : vector<16xi32> to vector<1xi32>
        %squeeze3A_2753 = vector.extract %slice3A_2752[0] : i32 from vector<1xi32>
        %dma_start3A_2754 = arith.constant 48 : i32
        %dma_start3A_2755 = arith.constant 0 : i32
        %dma_start3A_2756 = tpu.memref_slice %arg13[%dma_start3A_2754, %dma_start3A_2755] : memref<128x32xf32, #tpu.memory_space<vmem>> -> memref<8x32xf32, #tpu.memory_space<vmem>>
        %dma_start3A_2757 = arith.constant 0 : i32
        %dma_start3A_2758 = arith.constant 0 : i32
        %dma_start3A_2759 = tpu.memref_slice %arg5[%squeeze3A_2753, %dma_start3A_2757, %dma_start3A_2758] : memref<12500x8x32xf32, #tpu.memory_space<hbm>> -> memref<1x8x32xf32, #tpu.memory_space<hbm>>
        %dma_start3A_2760 = tpu.memref_squeeze %dma_start3A_2759 : memref<1x8x32xf32, #tpu.memory_space<hbm>> -> memref<8x32xf32, #tpu.memory_space<hbm>>
        %dma_start3A_2761 = arith.constant 48 : i32
        %dma_start3A_2762 = arith.constant 0 : i32
        %dma_start3A_2763 = tpu.memref_slice %arg13[%dma_start3A_2761, %dma_start3A_2762] : memref<128x32xf32, #tpu.memory_space<vmem>> -> memref<8x32xf32, #tpu.memory_space<vmem>>
        %dma_start3A_2764 = arith.constant 0 : i32
        %dma_start3A_2765 = arith.constant 0 : i32
        %dma_start3A_2766 = tpu.memref_slice %arg5[%squeeze3A_2753, %dma_start3A_2764, %dma_start3A_2765] : memref<12500x8x32xf32, #tpu.memory_space<hbm>> -> memref<1x8x32xf32, #tpu.memory_space<hbm>>
        %dma_start3A_2767 = tpu.memref_squeeze %dma_start3A_2766 : memref<1x8x32xf32, #tpu.memory_space<hbm>> -> memref<8x32xf32, #tpu.memory_space<hbm>>
        tpu.enqueue_dma source(%dma_start3A_2767 : memref<8x32xf32, #tpu.memory_space<hbm>>) target(%dma_start3A_2763 : memref<8x32xf32, #tpu.memory_space<vmem>>) target_semaphore(%arg19 : memref<!tpu.dma_semaphore, #tpu.memory_space<semaphore_mem>>)
        %slice3A_2768 = vector.extract_strided_slice %shift_right_logical3A_2655 {offsets = [7], sizes = [1], strides = [1]} : vector<16xi32> to vector<1xi32>
        %squeeze3A_2769 = vector.extract %slice3A_2768[0] : i32 from vector<1xi32>
        %dma_start3A_2770 = arith.constant 56 : i32
        %dma_start3A_2771 = arith.constant 0 : i32
        %dma_start3A_2772 = tpu.memref_slice %arg13[%dma_start3A_2770, %dma_start3A_2771] : memref<128x32xf32, #tpu.memory_space<vmem>> -> memref<8x32xf32, #tpu.memory_space<vmem>>
        %dma_start3A_2773 = arith.constant 0 : i32
        %dma_start3A_2774 = arith.constant 0 : i32
        %dma_start3A_2775 = tpu.memref_slice %arg5[%squeeze3A_2769, %dma_start3A_2773, %dma_start3A_2774] : memref<12500x8x32xf32, #tpu.memory_space<hbm>> -> memref<1x8x32xf32, #tpu.memory_space<hbm>>
        %dma_start3A_2776 = tpu.memref_squeeze %dma_start3A_2775 : memref<1x8x32xf32, #tpu.memory_space<hbm>> -> memref<8x32xf32, #tpu.memory_space<hbm>>
        %dma_start3A_2777 = arith.constant 56 : i32
        %dma_start3A_2778 = arith.constant 0 : i32
        %dma_start3A_2779 = tpu.memref_slice %arg13[%dma_start3A_2777, %dma_start3A_2778] : memref<128x32xf32, #tpu.memory_space<vmem>> -> memref<8x32xf32, #tpu.memory_space<vmem>>
        %dma_start3A_2780 = arith.constant 0 : i32
        %dma_start3A_2781 = arith.constant 0 : i32
        %dma_start3A_2782 = tpu.memref_slice %arg5[%squeeze3A_2769, %dma_start3A_2780, %dma_start3A_2781] : memref<12500x8x32xf32, #tpu.memory_space<hbm>> -> memref<1x8x32xf32, #tpu.memory_space<hbm>>
        %dma_start3A_2783 = tpu.memref_squeeze %dma_start3A_2782 : memref<1x8x32xf32, #tpu.memory_space<hbm>> -> memref<8x32xf32, #tpu.memory_space<hbm>>
        tpu.enqueue_dma source(%dma_start3A_2783 : memref<8x32xf32, #tpu.memory_space<hbm>>) target(%dma_start3A_2779 : memref<8x32xf32, #tpu.memory_space<vmem>>) target_semaphore(%arg19 : memref<!tpu.dma_semaphore, #tpu.memory_space<semaphore_mem>>)
        %slice3A_2784 = vector.extract_strided_slice %shift_right_logical3A_2655 {offsets = [8], sizes = [1], strides = [1]} : vector<16xi32> to vector<1xi32>
        %squeeze3A_2785 = vector.extract %slice3A_2784[0] : i32 from vector<1xi32>
        %dma_start3A_2786 = arith.constant 64 : i32
        %dma_start3A_2787 = arith.constant 0 : i32
        %dma_start3A_2788 = tpu.memref_slice %arg13[%dma_start3A_2786, %dma_start3A_2787] : memref<128x32xf32, #tpu.memory_space<vmem>> -> memref<8x32xf32, #tpu.memory_space<vmem>>
        %dma_start3A_2789 = arith.constant 0 : i32
        %dma_start3A_2790 = arith.constant 0 : i32
        %dma_start3A_2791 = tpu.memref_slice %arg5[%squeeze3A_2785, %dma_start3A_2789, %dma_start3A_2790] : memref<12500x8x32xf32, #tpu.memory_space<hbm>> -> memref<1x8x32xf32, #tpu.memory_space<hbm>>
        %dma_start3A_2792 = tpu.memref_squeeze %dma_start3A_2791 : memref<1x8x32xf32, #tpu.memory_space<hbm>> -> memref<8x32xf32, #tpu.memory_space<hbm>>
        %dma_start3A_2793 = arith.constant 64 : i32
        %dma_start3A_2794 = arith.constant 0 : i32
        %dma_start3A_2795 = tpu.memref_slice %arg13[%dma_start3A_2793, %dma_start3A_2794] : memref<128x32xf32, #tpu.memory_space<vmem>> -> memref<8x32xf32, #tpu.memory_space<vmem>>
        %dma_start3A_2796 = arith.constant 0 : i32
        %dma_start3A_2797 = arith.constant 0 : i32
        %dma_start3A_2798 = tpu.memref_slice %arg5[%squeeze3A_2785, %dma_start3A_2796, %dma_start3A_2797] : memref<12500x8x32xf32, #tpu.memory_space<hbm>> -> memref<1x8x32xf32, #tpu.memory_space<hbm>>
        %dma_start3A_2799 = tpu.memref_squeeze %dma_start3A_2798 : memref<1x8x32xf32, #tpu.memory_space<hbm>> -> memref<8x32xf32, #tpu.memory_space<hbm>>
        tpu.enqueue_dma source(%dma_start3A_2799 : memref<8x32xf32, #tpu.memory_space<hbm>>) target(%dma_start3A_2795 : memref<8x32xf32, #tpu.memory_space<vmem>>) target_semaphore(%arg19 : memref<!tpu.dma_semaphore, #tpu.memory_space<semaphore_mem>>)
        %slice3A_2800 = vector.extract_strided_slice %shift_right_logical3A_2655 {offsets = [9], sizes = [1], strides = [1]} : vector<16xi32> to vector<1xi32>
        %squeeze3A_2801 = vector.extract %slice3A_2800[0] : i32 from vector<1xi32>
        %dma_start3A_2802 = arith.constant 72 : i32
        %dma_start3A_2803 = arith.constant 0 : i32
        %dma_start3A_2804 = tpu.memref_slice %arg13[%dma_start3A_2802, %dma_start3A_2803] : memref<128x32xf32, #tpu.memory_space<vmem>> -> memref<8x32xf32, #tpu.memory_space<vmem>>
        %dma_start3A_2805 = arith.constant 0 : i32
        %dma_start3A_2806 = arith.constant 0 : i32
        %dma_start3A_2807 = tpu.memref_slice %arg5[%squeeze3A_2801, %dma_start3A_2805, %dma_start3A_2806] : memref<12500x8x32xf32, #tpu.memory_space<hbm>> -> memref<1x8x32xf32, #tpu.memory_space<hbm>>
        %dma_start3A_2808 = tpu.memref_squeeze %dma_start3A_2807 : memref<1x8x32xf32, #tpu.memory_space<hbm>> -> memref<8x32xf32, #tpu.memory_space<hbm>>
        %dma_start3A_2809 = arith.constant 72 : i32
        %dma_start3A_2810 = arith.constant 0 : i32
        %dma_start3A_2811 = tpu.memref_slice %arg13[%dma_start3A_2809, %dma_start3A_2810] : memref<128x32xf32, #tpu.memory_space<vmem>> -> memref<8x32xf32, #tpu.memory_space<vmem>>
        %dma_start3A_2812 = arith.constant 0 : i32
        %dma_start3A_2813 = arith.constant 0 : i32
        %dma_start3A_2814 = tpu.memref_slice %arg5[%squeeze3A_2801, %dma_start3A_2812, %dma_start3A_2813] : memref<12500x8x32xf32, #tpu.memory_space<hbm>> -> memref<1x8x32xf32, #tpu.memory_space<hbm>>
        %dma_start3A_2815 = tpu.memref_squeeze %dma_start3A_2814 : memref<1x8x32xf32, #tpu.memory_space<hbm>> -> memref<8x32xf32, #tpu.memory_space<hbm>>
        tpu.enqueue_dma source(%dma_start3A_2815 : memref<8x32xf32, #tpu.memory_space<hbm>>) target(%dma_start3A_2811 : memref<8x32xf32, #tpu.memory_space<vmem>>) target_semaphore(%arg19 : memref<!tpu.dma_semaphore, #tpu.memory_space<semaphore_mem>>)
        %slice3A_2816 = vector.extract_strided_slice %shift_right_logical3A_2655 {offsets = [10], sizes = [1], strides = [1]} : vector<16xi32> to vector<1xi32>
        %squeeze3A_2817 = vector.extract %slice3A_2816[0] : i32 from vector<1xi32>
        %dma_start3A_2818 = arith.constant 80 : i32
        %dma_start3A_2819 = arith.constant 0 : i32
        %dma_start3A_2820 = tpu.memref_slice %arg13[%dma_start3A_2818, %dma_start3A_2819] : memref<128x32xf32, #tpu.memory_space<vmem>> -> memref<8x32xf32, #tpu.memory_space<vmem>>
        %dma_start3A_2821 = arith.constant 0 : i32
        %dma_start3A_2822 = arith.constant 0 : i32
        %dma_start3A_2823 = tpu.memref_slice %arg5[%squeeze3A_2817, %dma_start3A_2821, %dma_start3A_2822] : memref<12500x8x32xf32, #tpu.memory_space<hbm>> -> memref<1x8x32xf32, #tpu.memory_space<hbm>>
        %dma_start3A_2824 = tpu.memref_squeeze %dma_start3A_2823 : memref<1x8x32xf32, #tpu.memory_space<hbm>> -> memref<8x32xf32, #tpu.memory_space<hbm>>
        %dma_start3A_2825 = arith.constant 80 : i32
        %dma_start3A_2826 = arith.constant 0 : i32
        %dma_start3A_2827 = tpu.memref_slice %arg13[%dma_start3A_2825, %dma_start3A_2826] : memref<128x32xf32, #tpu.memory_space<vmem>> -> memref<8x32xf32, #tpu.memory_space<vmem>>
        %dma_start3A_2828 = arith.constant 0 : i32
        %dma_start3A_2829 = arith.constant 0 : i32
        %dma_start3A_2830 = tpu.memref_slice %arg5[%squeeze3A_2817, %dma_start3A_2828, %dma_start3A_2829] : memref<12500x8x32xf32, #tpu.memory_space<hbm>> -> memref<1x8x32xf32, #tpu.memory_space<hbm>>
        %dma_start3A_2831 = tpu.memref_squeeze %dma_start3A_2830 : memref<1x8x32xf32, #tpu.memory_space<hbm>> -> memref<8x32xf32, #tpu.memory_space<hbm>>
        tpu.enqueue_dma source(%dma_start3A_2831 : memref<8x32xf32, #tpu.memory_space<hbm>>) target(%dma_start3A_2827 : memref<8x32xf32, #tpu.memory_space<vmem>>) target_semaphore(%arg19 : memref<!tpu.dma_semaphore, #tpu.memory_space<semaphore_mem>>)
        %slice3A_2832 = vector.extract_strided_slice %shift_right_logical3A_2655 {offsets = [11], sizes = [1], strides = [1]} : vector<16xi32> to vector<1xi32>
        %squeeze3A_2833 = vector.extract %slice3A_2832[0] : i32 from vector<1xi32>
        %dma_start3A_2834 = arith.constant 88 : i32
        %dma_start3A_2835 = arith.constant 0 : i32
        %dma_start3A_2836 = tpu.memref_slice %arg13[%dma_start3A_2834, %dma_start3A_2835] : memref<128x32xf32, #tpu.memory_space<vmem>> -> memref<8x32xf32, #tpu.memory_space<vmem>>
        %dma_start3A_2837 = arith.constant 0 : i32
        %dma_start3A_2838 = arith.constant 0 : i32
        %dma_start3A_2839 = tpu.memref_slice %arg5[%squeeze3A_2833, %dma_start3A_2837, %dma_start3A_2838] : memref<12500x8x32xf32, #tpu.memory_space<hbm>> -> memref<1x8x32xf32, #tpu.memory_space<hbm>>
        %dma_start3A_2840 = tpu.memref_squeeze %dma_start3A_2839 : memref<1x8x32xf32, #tpu.memory_space<hbm>> -> memref<8x32xf32, #tpu.memory_space<hbm>>
        %dma_start3A_2841 = arith.constant 88 : i32
        %dma_start3A_2842 = arith.constant 0 : i32
        %dma_start3A_2843 = tpu.memref_slice %arg13[%dma_start3A_2841, %dma_start3A_2842] : memref<128x32xf32, #tpu.memory_space<vmem>> -> memref<8x32xf32, #tpu.memory_space<vmem>>
        %dma_start3A_2844 = arith.constant 0 : i32
        %dma_start3A_2845 = arith.constant 0 : i32
        %dma_start3A_2846 = tpu.memref_slice %arg5[%squeeze3A_2833, %dma_start3A_2844, %dma_start3A_2845] : memref<12500x8x32xf32, #tpu.memory_space<hbm>> -> memref<1x8x32xf32, #tpu.memory_space<hbm>>
        %dma_start3A_2847 = tpu.memref_squeeze %dma_start3A_2846 : memref<1x8x32xf32, #tpu.memory_space<hbm>> -> memref<8x32xf32, #tpu.memory_space<hbm>>
        tpu.enqueue_dma source(%dma_start3A_2847 : memref<8x32xf32, #tpu.memory_space<hbm>>) target(%dma_start3A_2843 : memref<8x32xf32, #tpu.memory_space<vmem>>) target_semaphore(%arg19 : memref<!tpu.dma_semaphore, #tpu.memory_space<semaphore_mem>>)
        %slice3A_2848 = vector.extract_strided_slice %shift_right_logical3A_2655 {offsets = [12], sizes = [1], strides = [1]} : vector<16xi32> to vector<1xi32>
        %squeeze3A_2849 = vector.extract %slice3A_2848[0] : i32 from vector<1xi32>
        %dma_start3A_2850 = arith.constant 96 : i32
        %dma_start3A_2851 = arith.constant 0 : i32
        %dma_start3A_2852 = tpu.memref_slice %arg13[%dma_start3A_2850, %dma_start3A_2851] : memref<128x32xf32, #tpu.memory_space<vmem>> -> memref<8x32xf32, #tpu.memory_space<vmem>>
        %dma_start3A_2853 = arith.constant 0 : i32
        %dma_start3A_2854 = arith.constant 0 : i32
        %dma_start3A_2855 = tpu.memref_slice %arg5[%squeeze3A_2849, %dma_start3A_2853, %dma_start3A_2854] : memref<12500x8x32xf32, #tpu.memory_space<hbm>> -> memref<1x8x32xf32, #tpu.memory_space<hbm>>
        %dma_start3A_2856 = tpu.memref_squeeze %dma_start3A_2855 : memref<1x8x32xf32, #tpu.memory_space<hbm>> -> memref<8x32xf32, #tpu.memory_space<hbm>>
        %dma_start3A_2857 = arith.constant 96 : i32
        %dma_start3A_2858 = arith.constant 0 : i32
        %dma_start3A_2859 = tpu.memref_slice %arg13[%dma_start3A_2857, %dma_start3A_2858] : memref<128x32xf32, #tpu.memory_space<vmem>> -> memref<8x32xf32, #tpu.memory_space<vmem>>
        %dma_start3A_2860 = arith.constant 0 : i32
        %dma_start3A_2861 = arith.constant 0 : i32
        %dma_start3A_2862 = tpu.memref_slice %arg5[%squeeze3A_2849, %dma_start3A_2860, %dma_start3A_2861] : memref<12500x8x32xf32, #tpu.memory_space<hbm>> -> memref<1x8x32xf32, #tpu.memory_space<hbm>>
        %dma_start3A_2863 = tpu.memref_squeeze %dma_start3A_2862 : memref<1x8x32xf32, #tpu.memory_space<hbm>> -> memref<8x32xf32, #tpu.memory_space<hbm>>
        tpu.enqueue_dma source(%dma_start3A_2863 : memref<8x32xf32, #tpu.memory_space<hbm>>) target(%dma_start3A_2859 : memref<8x32xf32, #tpu.memory_space<vmem>>) target_semaphore(%arg19 : memref<!tpu.dma_semaphore, #tpu.memory_space<semaphore_mem>>)
        %slice3A_2864 = vector.extract_strided_slice %shift_right_logical3A_2655 {offsets = [13], sizes = [1], strides = [1]} : vector<16xi32> to vector<1xi32>
        %squeeze3A_2865 = vector.extract %slice3A_2864[0] : i32 from vector<1xi32>
        %dma_start3A_2866 = arith.constant 104 : i32
        %dma_start3A_2867 = arith.constant 0 : i32
        %dma_start3A_2868 = tpu.memref_slice %arg13[%dma_start3A_2866, %dma_start3A_2867] : memref<128x32xf32, #tpu.memory_space<vmem>> -> memref<8x32xf32, #tpu.memory_space<vmem>>
        %dma_start3A_2869 = arith.constant 0 : i32
        %dma_start3A_2870 = arith.constant 0 : i32
        %dma_start3A_2871 = tpu.memref_slice %arg5[%squeeze3A_2865, %dma_start3A_2869, %dma_start3A_2870] : memref<12500x8x32xf32, #tpu.memory_space<hbm>> -> memref<1x8x32xf32, #tpu.memory_space<hbm>>
        %dma_start3A_2872 = tpu.memref_squeeze %dma_start3A_2871 : memref<1x8x32xf32, #tpu.memory_space<hbm>> -> memref<8x32xf32, #tpu.memory_space<hbm>>
        %dma_start3A_2873 = arith.constant 104 : i32
        %dma_start3A_2874 = arith.constant 0 : i32
        %dma_start3A_2875 = tpu.memref_slice %arg13[%dma_start3A_2873, %dma_start3A_2874] : memref<128x32xf32, #tpu.memory_space<vmem>> -> memref<8x32xf32, #tpu.memory_space<vmem>>
        %dma_start3A_2876 = arith.constant 0 : i32
        %dma_start3A_2877 = arith.constant 0 : i32
        %dma_start3A_2878 = tpu.memref_slice %arg5[%squeeze3A_2865, %dma_start3A_2876, %dma_start3A_2877] : memref<12500x8x32xf32, #tpu.memory_space<hbm>> -> memref<1x8x32xf32, #tpu.memory_space<hbm>>
        %dma_start3A_2879 = tpu.memref_squeeze %dma_start3A_2878 : memref<1x8x32xf32, #tpu.memory_space<hbm>> -> memref<8x32xf32, #tpu.memory_space<hbm>>
        tpu.enqueue_dma source(%dma_start3A_2879 : memref<8x32xf32, #tpu.memory_space<hbm>>) target(%dma_start3A_2875 : memref<8x32xf32, #tpu.memory_space<vmem>>) target_semaphore(%arg19 : memref<!tpu.dma_semaphore, #tpu.memory_space<semaphore_mem>>)
        %slice3A_2880 = vector.extract_strided_slice %shift_right_logical3A_2655 {offsets = [14], sizes = [1], strides = [1]} : vector<16xi32> to vector<1xi32>
        %squeeze3A_2881 = vector.extract %slice3A_2880[0] : i32 from vector<1xi32>
        %dma_start3A_2882 = arith.constant 112 : i32
        %dma_start3A_2883 = arith.constant 0 : i32
        %dma_start3A_2884 = tpu.memref_slice %arg13[%dma_start3A_2882, %dma_start3A_2883] : memref<128x32xf32, #tpu.memory_space<vmem>> -> memref<8x32xf32, #tpu.memory_space<vmem>>
        %dma_start3A_2885 = arith.constant 0 : i32
        %dma_start3A_2886 = arith.constant 0 : i32
        %dma_start3A_2887 = tpu.memref_slice %arg5[%squeeze3A_2881, %dma_start3A_2885, %dma_start3A_2886] : memref<12500x8x32xf32, #tpu.memory_space<hbm>> -> memref<1x8x32xf32, #tpu.memory_space<hbm>>
        %dma_start3A_2888 = tpu.memref_squeeze %dma_start3A_2887 : memref<1x8x32xf32, #tpu.memory_space<hbm>> -> memref<8x32xf32, #tpu.memory_space<hbm>>
        %dma_start3A_2889 = arith.constant 112 : i32
        %dma_start3A_2890 = arith.constant 0 : i32
        %dma_start3A_2891 = tpu.memref_slice %arg13[%dma_start3A_2889, %dma_start3A_2890] : memref<128x32xf32, #tpu.memory_space<vmem>> -> memref<8x32xf32, #tpu.memory_space<vmem>>
        %dma_start3A_2892 = arith.constant 0 : i32
        %dma_start3A_2893 = arith.constant 0 : i32
        %dma_start3A_2894 = tpu.memref_slice %arg5[%squeeze3A_2881, %dma_start3A_2892, %dma_start3A_2893] : memref<12500x8x32xf32, #tpu.memory_space<hbm>> -> memref<1x8x32xf32, #tpu.memory_space<hbm>>
        %dma_start3A_2895 = tpu.memref_squeeze %dma_start3A_2894 : memref<1x8x32xf32, #tpu.memory_space<hbm>> -> memref<8x32xf32, #tpu.memory_space<hbm>>
        tpu.enqueue_dma source(%dma_start3A_2895 : memref<8x32xf32, #tpu.memory_space<hbm>>) target(%dma_start3A_2891 : memref<8x32xf32, #tpu.memory_space<vmem>>) target_semaphore(%arg19 : memref<!tpu.dma_semaphore, #tpu.memory_space<semaphore_mem>>)
        %slice3A_2896 = vector.extract_strided_slice %shift_right_logical3A_2655 {offsets = [15], sizes = [1], strides = [1]} : vector<16xi32> to vector<1xi32>
        %squeeze3A_2897 = vector.extract %slice3A_2896[0] : i32 from vector<1xi32>
        %dma_start3A_2898 = arith.constant 120 : i32
        %dma_start3A_2899 = arith.constant 0 : i32
        %dma_start3A_2900 = tpu.memref_slice %arg13[%dma_start3A_2898, %dma_start3A_2899] : memref<128x32xf32, #tpu.memory_space<vmem>> -> memref<8x32xf32, #tpu.memory_space<vmem>>
        %dma_start3A_2901 = arith.constant 0 : i32
        %dma_start3A_2902 = arith.constant 0 : i32
        %dma_start3A_2903 = tpu.memref_slice %arg5[%squeeze3A_2897, %dma_start3A_2901, %dma_start3A_2902] : memref<12500x8x32xf32, #tpu.memory_space<hbm>> -> memref<1x8x32xf32, #tpu.memory_space<hbm>>
        %dma_start3A_2904 = tpu.memref_squeeze %dma_start3A_2903 : memref<1x8x32xf32, #tpu.memory_space<hbm>> -> memref<8x32xf32, #tpu.memory_space<hbm>>
        %dma_start3A_2905 = arith.constant 120 : i32
        %dma_start3A_2906 = arith.constant 0 : i32
        %dma_start3A_2907 = tpu.memref_slice %arg13[%dma_start3A_2905, %dma_start3A_2906] : memref<128x32xf32, #tpu.memory_space<vmem>> -> memref<8x32xf32, #tpu.memory_space<vmem>>
        %dma_start3A_2908 = arith.constant 0 : i32
        %dma_start3A_2909 = arith.constant 0 : i32
        %dma_start3A_2910 = tpu.memref_slice %arg5[%squeeze3A_2897, %dma_start3A_2908, %dma_start3A_2909] : memref<12500x8x32xf32, #tpu.memory_space<hbm>> -> memref<1x8x32xf32, #tpu.memory_space<hbm>>
        %dma_start3A_2911 = tpu.memref_squeeze %dma_start3A_2910 : memref<1x8x32xf32, #tpu.memory_space<hbm>> -> memref<8x32xf32, #tpu.memory_space<hbm>>
        tpu.enqueue_dma source(%dma_start3A_2911 : memref<8x32xf32, #tpu.memory_space<hbm>>) target(%dma_start3A_2907 : memref<8x32xf32, #tpu.memory_space<vmem>>) target_semaphore(%arg19 : memref<!tpu.dma_semaphore, #tpu.memory_space<semaphore_mem>>)
      } else {
      }
      %iota3A = tpu.iota {dimensions = array<i32: 0>} : vector<16xi32>
      %dma_wait3A = arith.constant 0 : i32
      %dma_wait3A_551 = arith.constant 0 : i32
      %dma_wait3A_552 = arith.constant 0 : i32
      %dma_wait3A_553 = tpu.memref_slice %arg10[%dma_wait3A_551, %dma_wait3A_552] : memref<128x32xf32, #tpu.memory_space<vmem>> -> memref<8x32xf32, #tpu.memory_space<vmem>>
      %dma_wait3A_554 = arith.constant 0 : i32
      %dma_wait3A_555 = arith.constant 0 : i32
      %dma_wait3A_556 = tpu.memref_slice %arg4[%dma_wait3A, %dma_wait3A_554, %dma_wait3A_555] : memref<125000x8x32xf32, #tpu.memory_space<hbm>> -> memref<1x8x32xf32, #tpu.memory_space<hbm>>
      %dma_wait3A_557 = tpu.memref_squeeze %dma_wait3A_556 : memref<1x8x32xf32, #tpu.memory_space<hbm>> -> memref<8x32xf32, #tpu.memory_space<hbm>>
      %dma_wait3A_558 = arith.constant 0 : i32
      %dma_wait3A_559 = arith.constant 0 : i32
      %dma_wait3A_560 = tpu.memref_slice %arg10[%dma_wait3A_558, %dma_wait3A_559] : memref<128x32xf32, #tpu.memory_space<vmem>> -> memref<8x32xf32, #tpu.memory_space<vmem>>
      %dma_wait3A_561 = arith.constant 0 : i32
      %dma_wait3A_562 = arith.constant 0 : i32
      %dma_wait3A_563 = tpu.memref_slice %arg4[%dma_wait3A, %dma_wait3A_561, %dma_wait3A_562] : memref<125000x8x32xf32, #tpu.memory_space<hbm>> -> memref<1x8x32xf32, #tpu.memory_space<hbm>>
      %dma_wait3A_564 = tpu.memref_squeeze %dma_wait3A_563 : memref<1x8x32xf32, #tpu.memory_space<hbm>> -> memref<8x32xf32, #tpu.memory_space<hbm>>
      tpu.wait_dma2 semaphore(%arg16 : memref<!tpu.dma_semaphore, #tpu.memory_space<semaphore_mem>>) src(%dma_wait3A_564 : memref<8x32xf32, #tpu.memory_space<hbm>>) dst(%dma_wait3A_560 : memref<8x32xf32, #tpu.memory_space<vmem>>)
      %dma_wait3A_565 = arith.constant 0 : i32
      %dma_wait3A_566 = arith.constant 8 : i32
      %dma_wait3A_567 = arith.constant 0 : i32
      %dma_wait3A_568 = tpu.memref_slice %arg10[%dma_wait3A_566, %dma_wait3A_567] : memref<128x32xf32, #tpu.memory_space<vmem>> -> memref<8x32xf32, #tpu.memory_space<vmem>>
      %dma_wait3A_569 = arith.constant 0 : i32
      %dma_wait3A_570 = arith.constant 0 : i32
      %dma_wait3A_571 = tpu.memref_slice %arg4[%dma_wait3A_565, %dma_wait3A_569, %dma_wait3A_570] : memref<125000x8x32xf32, #tpu.memory_space<hbm>> -> memref<1x8x32xf32, #tpu.memory_space<hbm>>
      %dma_wait3A_572 = tpu.memref_squeeze %dma_wait3A_571 : memref<1x8x32xf32, #tpu.memory_space<hbm>> -> memref<8x32xf32, #tpu.memory_space<hbm>>
      %dma_wait3A_573 = arith.constant 8 : i32
      %dma_wait3A_574 = arith.constant 0 : i32
      %dma_wait3A_575 = tpu.memref_slice %arg10[%dma_wait3A_573, %dma_wait3A_574] : memref<128x32xf32, #tpu.memory_space<vmem>> -> memref<8x32xf32, #tpu.memory_space<vmem>>
      %dma_wait3A_576 = arith.constant 0 : i32
      %dma_wait3A_577 = arith.constant 0 : i32
      %dma_wait3A_578 = tpu.memref_slice %arg4[%dma_wait3A_565, %dma_wait3A_576, %dma_wait3A_577] : memref<125000x8x32xf32, #tpu.memory_space<hbm>> -> memref<1x8x32xf32, #tpu.memory_space<hbm>>
      %dma_wait3A_579 = tpu.memref_squeeze %dma_wait3A_578 : memref<1x8x32xf32, #tpu.memory_space<hbm>> -> memref<8x32xf32, #tpu.memory_space<hbm>>
      tpu.wait_dma2 semaphore(%arg16 : memref<!tpu.dma_semaphore, #tpu.memory_space<semaphore_mem>>) src(%dma_wait3A_579 : memref<8x32xf32, #tpu.memory_space<hbm>>) dst(%dma_wait3A_575 : memref<8x32xf32, #tpu.memory_space<vmem>>)
      %dma_wait3A_580 = arith.constant 0 : i32
      %dma_wait3A_581 = arith.constant 16 : i32
      %dma_wait3A_582 = arith.constant 0 : i32
      %dma_wait3A_583 = tpu.memref_slice %arg10[%dma_wait3A_581, %dma_wait3A_582] : memref<128x32xf32, #tpu.memory_space<vmem>> -> memref<8x32xf32, #tpu.memory_space<vmem>>
      %dma_wait3A_584 = arith.constant 0 : i32
      %dma_wait3A_585 = arith.constant 0 : i32
      %dma_wait3A_586 = tpu.memref_slice %arg4[%dma_wait3A_580, %dma_wait3A_584, %dma_wait3A_585] : memref<125000x8x32xf32, #tpu.memory_space<hbm>> -> memref<1x8x32xf32, #tpu.memory_space<hbm>>
      %dma_wait3A_587 = tpu.memref_squeeze %dma_wait3A_586 : memref<1x8x32xf32, #tpu.memory_space<hbm>> -> memref<8x32xf32, #tpu.memory_space<hbm>>
      %dma_wait3A_588 = arith.constant 16 : i32
      %dma_wait3A_589 = arith.constant 0 : i32
      %dma_wait3A_590 = tpu.memref_slice %arg10[%dma_wait3A_588, %dma_wait3A_589] : memref<128x32xf32, #tpu.memory_space<vmem>> -> memref<8x32xf32, #tpu.memory_space<vmem>>
      %dma_wait3A_591 = arith.constant 0 : i32
      %dma_wait3A_592 = arith.constant 0 : i32
      %dma_wait3A_593 = tpu.memref_slice %arg4[%dma_wait3A_580, %dma_wait3A_591, %dma_wait3A_592] : memref<125000x8x32xf32, #tpu.memory_space<hbm>> -> memref<1x8x32xf32, #tpu.memory_space<hbm>>
      %dma_wait3A_594 = tpu.memref_squeeze %dma_wait3A_593 : memref<1x8x32xf32, #tpu.memory_space<hbm>> -> memref<8x32xf32, #tpu.memory_space<hbm>>
      tpu.wait_dma2 semaphore(%arg16 : memref<!tpu.dma_semaphore, #tpu.memory_space<semaphore_mem>>) src(%dma_wait3A_594 : memref<8x32xf32, #tpu.memory_space<hbm>>) dst(%dma_wait3A_590 : memref<8x32xf32, #tpu.memory_space<vmem>>)
      %dma_wait3A_595 = arith.constant 0 : i32
      %dma_wait3A_596 = arith.constant 24 : i32
      %dma_wait3A_597 = arith.constant 0 : i32
      %dma_wait3A_598 = tpu.memref_slice %arg10[%dma_wait3A_596, %dma_wait3A_597] : memref<128x32xf32, #tpu.memory_space<vmem>> -> memref<8x32xf32, #tpu.memory_space<vmem>>
      %dma_wait3A_599 = arith.constant 0 : i32
      %dma_wait3A_600 = arith.constant 0 : i32
      %dma_wait3A_601 = tpu.memref_slice %arg4[%dma_wait3A_595, %dma_wait3A_599, %dma_wait3A_600] : memref<125000x8x32xf32, #tpu.memory_space<hbm>> -> memref<1x8x32xf32, #tpu.memory_space<hbm>>
      %dma_wait3A_602 = tpu.memref_squeeze %dma_wait3A_601 : memref<1x8x32xf32, #tpu.memory_space<hbm>> -> memref<8x32xf32, #tpu.memory_space<hbm>>
      %dma_wait3A_603 = arith.constant 24 : i32
      %dma_wait3A_604 = arith.constant 0 : i32
      %dma_wait3A_605 = tpu.memref_slice %arg10[%dma_wait3A_603, %dma_wait3A_604] : memref<128x32xf32, #tpu.memory_space<vmem>> -> memref<8x32xf32, #tpu.memory_space<vmem>>
      %dma_wait3A_606 = arith.constant 0 : i32
      %dma_wait3A_607 = arith.constant 0 : i32
      %dma_wait3A_608 = tpu.memref_slice %arg4[%dma_wait3A_595, %dma_wait3A_606, %dma_wait3A_607] : memref<125000x8x32xf32, #tpu.memory_space<hbm>> -> memref<1x8x32xf32, #tpu.memory_space<hbm>>
      %dma_wait3A_609 = tpu.memref_squeeze %dma_wait3A_608 : memref<1x8x32xf32, #tpu.memory_space<hbm>> -> memref<8x32xf32, #tpu.memory_space<hbm>>
      tpu.wait_dma2 semaphore(%arg16 : memref<!tpu.dma_semaphore, #tpu.memory_space<semaphore_mem>>) src(%dma_wait3A_609 : memref<8x32xf32, #tpu.memory_space<hbm>>) dst(%dma_wait3A_605 : memref<8x32xf32, #tpu.memory_space<vmem>>)
      %dma_wait3A_610 = arith.constant 0 : i32
      %dma_wait3A_611 = arith.constant 32 : i32
      %dma_wait3A_612 = arith.constant 0 : i32
      %dma_wait3A_613 = tpu.memref_slice %arg10[%dma_wait3A_611, %dma_wait3A_612] : memref<128x32xf32, #tpu.memory_space<vmem>> -> memref<8x32xf32, #tpu.memory_space<vmem>>
      %dma_wait3A_614 = arith.constant 0 : i32
      %dma_wait3A_615 = arith.constant 0 : i32
      %dma_wait3A_616 = tpu.memref_slice %arg4[%dma_wait3A_610, %dma_wait3A_614, %dma_wait3A_615] : memref<125000x8x32xf32, #tpu.memory_space<hbm>> -> memref<1x8x32xf32, #tpu.memory_space<hbm>>
      %dma_wait3A_617 = tpu.memref_squeeze %dma_wait3A_616 : memref<1x8x32xf32, #tpu.memory_space<hbm>> -> memref<8x32xf32, #tpu.memory_space<hbm>>
      %dma_wait3A_618 = arith.constant 32 : i32
      %dma_wait3A_619 = arith.constant 0 : i32
      %dma_wait3A_620 = tpu.memref_slice %arg10[%dma_wait3A_618, %dma_wait3A_619] : memref<128x32xf32, #tpu.memory_space<vmem>> -> memref<8x32xf32, #tpu.memory_space<vmem>>
      %dma_wait3A_621 = arith.constant 0 : i32
      %dma_wait3A_622 = arith.constant 0 : i32
      %dma_wait3A_623 = tpu.memref_slice %arg4[%dma_wait3A_610, %dma_wait3A_621, %dma_wait3A_622] : memref<125000x8x32xf32, #tpu.memory_space<hbm>> -> memref<1x8x32xf32, #tpu.memory_space<hbm>>
      %dma_wait3A_624 = tpu.memref_squeeze %dma_wait3A_623 : memref<1x8x32xf32, #tpu.memory_space<hbm>> -> memref<8x32xf32, #tpu.memory_space<hbm>>
      tpu.wait_dma2 semaphore(%arg16 : memref<!tpu.dma_semaphore, #tpu.memory_space<semaphore_mem>>) src(%dma_wait3A_624 : memref<8x32xf32, #tpu.memory_space<hbm>>) dst(%dma_wait3A_620 : memref<8x32xf32, #tpu.memory_space<vmem>>)
      %dma_wait3A_625 = arith.constant 0 : i32
      %dma_wait3A_626 = arith.constant 40 : i32
      %dma_wait3A_627 = arith.constant 0 : i32
      %dma_wait3A_628 = tpu.memref_slice %arg10[%dma_wait3A_626, %dma_wait3A_627] : memref<128x32xf32, #tpu.memory_space<vmem>> -> memref<8x32xf32, #tpu.memory_space<vmem>>
      %dma_wait3A_629 = arith.constant 0 : i32
      %dma_wait3A_630 = arith.constant 0 : i32
      %dma_wait3A_631 = tpu.memref_slice %arg4[%dma_wait3A_625, %dma_wait3A_629, %dma_wait3A_630] : memref<125000x8x32xf32, #tpu.memory_space<hbm>> -> memref<1x8x32xf32, #tpu.memory_space<hbm>>
      %dma_wait3A_632 = tpu.memref_squeeze %dma_wait3A_631 : memref<1x8x32xf32, #tpu.memory_space<hbm>> -> memref<8x32xf32, #tpu.memory_space<hbm>>
      %dma_wait3A_633 = arith.constant 40 : i32
      %dma_wait3A_634 = arith.constant 0 : i32
      %dma_wait3A_635 = tpu.memref_slice %arg10[%dma_wait3A_633, %dma_wait3A_634] : memref<128x32xf32, #tpu.memory_space<vmem>> -> memref<8x32xf32, #tpu.memory_space<vmem>>
      %dma_wait3A_636 = arith.constant 0 : i32
      %dma_wait3A_637 = arith.constant 0 : i32
      %dma_wait3A_638 = tpu.memref_slice %arg4[%dma_wait3A_625, %dma_wait3A_636, %dma_wait3A_637] : memref<125000x8x32xf32, #tpu.memory_space<hbm>> -> memref<1x8x32xf32, #tpu.memory_space<hbm>>
      %dma_wait3A_639 = tpu.memref_squeeze %dma_wait3A_638 : memref<1x8x32xf32, #tpu.memory_space<hbm>> -> memref<8x32xf32, #tpu.memory_space<hbm>>
      tpu.wait_dma2 semaphore(%arg16 : memref<!tpu.dma_semaphore, #tpu.memory_space<semaphore_mem>>) src(%dma_wait3A_639 : memref<8x32xf32, #tpu.memory_space<hbm>>) dst(%dma_wait3A_635 : memref<8x32xf32, #tpu.memory_space<vmem>>)
      %dma_wait3A_640 = arith.constant 0 : i32
      %dma_wait3A_641 = arith.constant 48 : i32
      %dma_wait3A_642 = arith.constant 0 : i32
      %dma_wait3A_643 = tpu.memref_slice %arg10[%dma_wait3A_641, %dma_wait3A_642] : memref<128x32xf32, #tpu.memory_space<vmem>> -> memref<8x32xf32, #tpu.memory_space<vmem>>
      %dma_wait3A_644 = arith.constant 0 : i32
      %dma_wait3A_645 = arith.constant 0 : i32
      %dma_wait3A_646 = tpu.memref_slice %arg4[%dma_wait3A_640, %dma_wait3A_644, %dma_wait3A_645] : memref<125000x8x32xf32, #tpu.memory_space<hbm>> -> memref<1x8x32xf32, #tpu.memory_space<hbm>>
      %dma_wait3A_647 = tpu.memref_squeeze %dma_wait3A_646 : memref<1x8x32xf32, #tpu.memory_space<hbm>> -> memref<8x32xf32, #tpu.memory_space<hbm>>
      %dma_wait3A_648 = arith.constant 48 : i32
      %dma_wait3A_649 = arith.constant 0 : i32
      %dma_wait3A_650 = tpu.memref_slice %arg10[%dma_wait3A_648, %dma_wait3A_649] : memref<128x32xf32, #tpu.memory_space<vmem>> -> memref<8x32xf32, #tpu.memory_space<vmem>>
      %dma_wait3A_651 = arith.constant 0 : i32
      %dma_wait3A_652 = arith.constant 0 : i32
      %dma_wait3A_653 = tpu.memref_slice %arg4[%dma_wait3A_640, %dma_wait3A_651, %dma_wait3A_652] : memref<125000x8x32xf32, #tpu.memory_space<hbm>> -> memref<1x8x32xf32, #tpu.memory_space<hbm>>
      %dma_wait3A_654 = tpu.memref_squeeze %dma_wait3A_653 : memref<1x8x32xf32, #tpu.memory_space<hbm>> -> memref<8x32xf32, #tpu.memory_space<hbm>>
      tpu.wait_dma2 semaphore(%arg16 : memref<!tpu.dma_semaphore, #tpu.memory_space<semaphore_mem>>) src(%dma_wait3A_654 : memref<8x32xf32, #tpu.memory_space<hbm>>) dst(%dma_wait3A_650 : memref<8x32xf32, #tpu.memory_space<vmem>>)
      %dma_wait3A_655 = arith.constant 0 : i32
      %dma_wait3A_656 = arith.constant 56 : i32
      %dma_wait3A_657 = arith.constant 0 : i32
      %dma_wait3A_658 = tpu.memref_slice %arg10[%dma_wait3A_656, %dma_wait3A_657] : memref<128x32xf32, #tpu.memory_space<vmem>> -> memref<8x32xf32, #tpu.memory_space<vmem>>
      %dma_wait3A_659 = arith.constant 0 : i32
      %dma_wait3A_660 = arith.constant 0 : i32
      %dma_wait3A_661 = tpu.memref_slice %arg4[%dma_wait3A_655, %dma_wait3A_659, %dma_wait3A_660] : memref<125000x8x32xf32, #tpu.memory_space<hbm>> -> memref<1x8x32xf32, #tpu.memory_space<hbm>>
      %dma_wait3A_662 = tpu.memref_squeeze %dma_wait3A_661 : memref<1x8x32xf32, #tpu.memory_space<hbm>> -> memref<8x32xf32, #tpu.memory_space<hbm>>
      %dma_wait3A_663 = arith.constant 56 : i32
      %dma_wait3A_664 = arith.constant 0 : i32
      %dma_wait3A_665 = tpu.memref_slice %arg10[%dma_wait3A_663, %dma_wait3A_664] : memref<128x32xf32, #tpu.memory_space<vmem>> -> memref<8x32xf32, #tpu.memory_space<vmem>>
      %dma_wait3A_666 = arith.constant 0 : i32
      %dma_wait3A_667 = arith.constant 0 : i32
      %dma_wait3A_668 = tpu.memref_slice %arg4[%dma_wait3A_655, %dma_wait3A_666, %dma_wait3A_667] : memref<125000x8x32xf32, #tpu.memory_space<hbm>> -> memref<1x8x32xf32, #tpu.memory_space<hbm>>
      %dma_wait3A_669 = tpu.memref_squeeze %dma_wait3A_668 : memref<1x8x32xf32, #tpu.memory_space<hbm>> -> memref<8x32xf32, #tpu.memory_space<hbm>>
      tpu.wait_dma2 semaphore(%arg16 : memref<!tpu.dma_semaphore, #tpu.memory_space<semaphore_mem>>) src(%dma_wait3A_669 : memref<8x32xf32, #tpu.memory_space<hbm>>) dst(%dma_wait3A_665 : memref<8x32xf32, #tpu.memory_space<vmem>>)
      %dma_wait3A_670 = arith.constant 0 : i32
      %dma_wait3A_671 = arith.constant 64 : i32
      %dma_wait3A_672 = arith.constant 0 : i32
      %dma_wait3A_673 = tpu.memref_slice %arg10[%dma_wait3A_671, %dma_wait3A_672] : memref<128x32xf32, #tpu.memory_space<vmem>> -> memref<8x32xf32, #tpu.memory_space<vmem>>
      %dma_wait3A_674 = arith.constant 0 : i32
      %dma_wait3A_675 = arith.constant 0 : i32
      %dma_wait3A_676 = tpu.memref_slice %arg4[%dma_wait3A_670, %dma_wait3A_674, %dma_wait3A_675] : memref<125000x8x32xf32, #tpu.memory_space<hbm>> -> memref<1x8x32xf32, #tpu.memory_space<hbm>>
      %dma_wait3A_677 = tpu.memref_squeeze %dma_wait3A_676 : memref<1x8x32xf32, #tpu.memory_space<hbm>> -> memref<8x32xf32, #tpu.memory_space<hbm>>
      %dma_wait3A_678 = arith.constant 64 : i32
      %dma_wait3A_679 = arith.constant 0 : i32
      %dma_wait3A_680 = tpu.memref_slice %arg10[%dma_wait3A_678, %dma_wait3A_679] : memref<128x32xf32, #tpu.memory_space<vmem>> -> memref<8x32xf32, #tpu.memory_space<vmem>>
      %dma_wait3A_681 = arith.constant 0 : i32
      %dma_wait3A_682 = arith.constant 0 : i32
      %dma_wait3A_683 = tpu.memref_slice %arg4[%dma_wait3A_670, %dma_wait3A_681, %dma_wait3A_682] : memref<125000x8x32xf32, #tpu.memory_space<hbm>> -> memref<1x8x32xf32, #tpu.memory_space<hbm>>
      %dma_wait3A_684 = tpu.memref_squeeze %dma_wait3A_683 : memref<1x8x32xf32, #tpu.memory_space<hbm>> -> memref<8x32xf32, #tpu.memory_space<hbm>>
      tpu.wait_dma2 semaphore(%arg16 : memref<!tpu.dma_semaphore, #tpu.memory_space<semaphore_mem>>) src(%dma_wait3A_684 : memref<8x32xf32, #tpu.memory_space<hbm>>) dst(%dma_wait3A_680 : memref<8x32xf32, #tpu.memory_space<vmem>>)
      %dma_wait3A_685 = arith.constant 0 : i32
      %dma_wait3A_686 = arith.constant 72 : i32
      %dma_wait3A_687 = arith.constant 0 : i32
      %dma_wait3A_688 = tpu.memref_slice %arg10[%dma_wait3A_686, %dma_wait3A_687] : memref<128x32xf32, #tpu.memory_space<vmem>> -> memref<8x32xf32, #tpu.memory_space<vmem>>
      %dma_wait3A_689 = arith.constant 0 : i32
      %dma_wait3A_690 = arith.constant 0 : i32
      %dma_wait3A_691 = tpu.memref_slice %arg4[%dma_wait3A_685, %dma_wait3A_689, %dma_wait3A_690] : memref<125000x8x32xf32, #tpu.memory_space<hbm>> -> memref<1x8x32xf32, #tpu.memory_space<hbm>>
      %dma_wait3A_692 = tpu.memref_squeeze %dma_wait3A_691 : memref<1x8x32xf32, #tpu.memory_space<hbm>> -> memref<8x32xf32, #tpu.memory_space<hbm>>
      %dma_wait3A_693 = arith.constant 72 : i32
      %dma_wait3A_694 = arith.constant 0 : i32
      %dma_wait3A_695 = tpu.memref_slice %arg10[%dma_wait3A_693, %dma_wait3A_694] : memref<128x32xf32, #tpu.memory_space<vmem>> -> memref<8x32xf32, #tpu.memory_space<vmem>>
      %dma_wait3A_696 = arith.constant 0 : i32
      %dma_wait3A_697 = arith.constant 0 : i32
      %dma_wait3A_698 = tpu.memref_slice %arg4[%dma_wait3A_685, %dma_wait3A_696, %dma_wait3A_697] : memref<125000x8x32xf32, #tpu.memory_space<hbm>> -> memref<1x8x32xf32, #tpu.memory_space<hbm>>
      %dma_wait3A_699 = tpu.memref_squeeze %dma_wait3A_698 : memref<1x8x32xf32, #tpu.memory_space<hbm>> -> memref<8x32xf32, #tpu.memory_space<hbm>>
      tpu.wait_dma2 semaphore(%arg16 : memref<!tpu.dma_semaphore, #tpu.memory_space<semaphore_mem>>) src(%dma_wait3A_699 : memref<8x32xf32, #tpu.memory_space<hbm>>) dst(%dma_wait3A_695 : memref<8x32xf32, #tpu.memory_space<vmem>>)
      %dma_wait3A_700 = arith.constant 0 : i32
      %dma_wait3A_701 = arith.constant 80 : i32
      %dma_wait3A_702 = arith.constant 0 : i32
      %dma_wait3A_703 = tpu.memref_slice %arg10[%dma_wait3A_701, %dma_wait3A_702] : memref<128x32xf32, #tpu.memory_space<vmem>> -> memref<8x32xf32, #tpu.memory_space<vmem>>
      %dma_wait3A_704 = arith.constant 0 : i32
      %dma_wait3A_705 = arith.constant 0 : i32
      %dma_wait3A_706 = tpu.memref_slice %arg4[%dma_wait3A_700, %dma_wait3A_704, %dma_wait3A_705] : memref<125000x8x32xf32, #tpu.memory_space<hbm>> -> memref<1x8x32xf32, #tpu.memory_space<hbm>>
      %dma_wait3A_707 = tpu.memref_squeeze %dma_wait3A_706 : memref<1x8x32xf32, #tpu.memory_space<hbm>> -> memref<8x32xf32, #tpu.memory_space<hbm>>
      %dma_wait3A_708 = arith.constant 80 : i32
      %dma_wait3A_709 = arith.constant 0 : i32
      %dma_wait3A_710 = tpu.memref_slice %arg10[%dma_wait3A_708, %dma_wait3A_709] : memref<128x32xf32, #tpu.memory_space<vmem>> -> memref<8x32xf32, #tpu.memory_space<vmem>>
      %dma_wait3A_711 = arith.constant 0 : i32
      %dma_wait3A_712 = arith.constant 0 : i32
      %dma_wait3A_713 = tpu.memref_slice %arg4[%dma_wait3A_700, %dma_wait3A_711, %dma_wait3A_712] : memref<125000x8x32xf32, #tpu.memory_space<hbm>> -> memref<1x8x32xf32, #tpu.memory_space<hbm>>
      %dma_wait3A_714 = tpu.memref_squeeze %dma_wait3A_713 : memref<1x8x32xf32, #tpu.memory_space<hbm>> -> memref<8x32xf32, #tpu.memory_space<hbm>>
      tpu.wait_dma2 semaphore(%arg16 : memref<!tpu.dma_semaphore, #tpu.memory_space<semaphore_mem>>) src(%dma_wait3A_714 : memref<8x32xf32, #tpu.memory_space<hbm>>) dst(%dma_wait3A_710 : memref<8x32xf32, #tpu.memory_space<vmem>>)
      %dma_wait3A_715 = arith.constant 0 : i32
      %dma_wait3A_716 = arith.constant 88 : i32
      %dma_wait3A_717 = arith.constant 0 : i32
      %dma_wait3A_718 = tpu.memref_slice %arg10[%dma_wait3A_716, %dma_wait3A_717] : memref<128x32xf32, #tpu.memory_space<vmem>> -> memref<8x32xf32, #tpu.memory_space<vmem>>
      %dma_wait3A_719 = arith.constant 0 : i32
      %dma_wait3A_720 = arith.constant 0 : i32
      %dma_wait3A_721 = tpu.memref_slice %arg4[%dma_wait3A_715, %dma_wait3A_719, %dma_wait3A_720] : memref<125000x8x32xf32, #tpu.memory_space<hbm>> -> memref<1x8x32xf32, #tpu.memory_space<hbm>>
      %dma_wait3A_722 = tpu.memref_squeeze %dma_wait3A_721 : memref<1x8x32xf32, #tpu.memory_space<hbm>> -> memref<8x32xf32, #tpu.memory_space<hbm>>
      %dma_wait3A_723 = arith.constant 88 : i32
      %dma_wait3A_724 = arith.constant 0 : i32
      %dma_wait3A_725 = tpu.memref_slice %arg10[%dma_wait3A_723, %dma_wait3A_724] : memref<128x32xf32, #tpu.memory_space<vmem>> -> memref<8x32xf32, #tpu.memory_space<vmem>>
      %dma_wait3A_726 = arith.constant 0 : i32
      %dma_wait3A_727 = arith.constant 0 : i32
      %dma_wait3A_728 = tpu.memref_slice %arg4[%dma_wait3A_715, %dma_wait3A_726, %dma_wait3A_727] : memref<125000x8x32xf32, #tpu.memory_space<hbm>> -> memref<1x8x32xf32, #tpu.memory_space<hbm>>
      %dma_wait3A_729 = tpu.memref_squeeze %dma_wait3A_728 : memref<1x8x32xf32, #tpu.memory_space<hbm>> -> memref<8x32xf32, #tpu.memory_space<hbm>>
      tpu.wait_dma2 semaphore(%arg16 : memref<!tpu.dma_semaphore, #tpu.memory_space<semaphore_mem>>) src(%dma_wait3A_729 : memref<8x32xf32, #tpu.memory_space<hbm>>) dst(%dma_wait3A_725 : memref<8x32xf32, #tpu.memory_space<vmem>>)
      %dma_wait3A_730 = arith.constant 0 : i32
      %dma_wait3A_731 = arith.constant 96 : i32
      %dma_wait3A_732 = arith.constant 0 : i32
      %dma_wait3A_733 = tpu.memref_slice %arg10[%dma_wait3A_731, %dma_wait3A_732] : memref<128x32xf32, #tpu.memory_space<vmem>> -> memref<8x32xf32, #tpu.memory_space<vmem>>
      %dma_wait3A_734 = arith.constant 0 : i32
      %dma_wait3A_735 = arith.constant 0 : i32
      %dma_wait3A_736 = tpu.memref_slice %arg4[%dma_wait3A_730, %dma_wait3A_734, %dma_wait3A_735] : memref<125000x8x32xf32, #tpu.memory_space<hbm>> -> memref<1x8x32xf32, #tpu.memory_space<hbm>>
      %dma_wait3A_737 = tpu.memref_squeeze %dma_wait3A_736 : memref<1x8x32xf32, #tpu.memory_space<hbm>> -> memref<8x32xf32, #tpu.memory_space<hbm>>
      %dma_wait3A_738 = arith.constant 96 : i32
      %dma_wait3A_739 = arith.constant 0 : i32
      %dma_wait3A_740 = tpu.memref_slice %arg10[%dma_wait3A_738, %dma_wait3A_739] : memref<128x32xf32, #tpu.memory_space<vmem>> -> memref<8x32xf32, #tpu.memory_space<vmem>>
      %dma_wait3A_741 = arith.constant 0 : i32
      %dma_wait3A_742 = arith.constant 0 : i32
      %dma_wait3A_743 = tpu.memref_slice %arg4[%dma_wait3A_730, %dma_wait3A_741, %dma_wait3A_742] : memref<125000x8x32xf32, #tpu.memory_space<hbm>> -> memref<1x8x32xf32, #tpu.memory_space<hbm>>
      %dma_wait3A_744 = tpu.memref_squeeze %dma_wait3A_743 : memref<1x8x32xf32, #tpu.memory_space<hbm>> -> memref<8x32xf32, #tpu.memory_space<hbm>>
      tpu.wait_dma2 semaphore(%arg16 : memref<!tpu.dma_semaphore, #tpu.memory_space<semaphore_mem>>) src(%dma_wait3A_744 : memref<8x32xf32, #tpu.memory_space<hbm>>) dst(%dma_wait3A_740 : memref<8x32xf32, #tpu.memory_space<vmem>>)
      %dma_wait3A_745 = arith.constant 0 : i32
      %dma_wait3A_746 = arith.constant 104 : i32
      %dma_wait3A_747 = arith.constant 0 : i32
      %dma_wait3A_748 = tpu.memref_slice %arg10[%dma_wait3A_746, %dma_wait3A_747] : memref<128x32xf32, #tpu.memory_space<vmem>> -> memref<8x32xf32, #tpu.memory_space<vmem>>
      %dma_wait3A_749 = arith.constant 0 : i32
      %dma_wait3A_750 = arith.constant 0 : i32
      %dma_wait3A_751 = tpu.memref_slice %arg4[%dma_wait3A_745, %dma_wait3A_749, %dma_wait3A_750] : memref<125000x8x32xf32, #tpu.memory_space<hbm>> -> memref<1x8x32xf32, #tpu.memory_space<hbm>>
      %dma_wait3A_752 = tpu.memref_squeeze %dma_wait3A_751 : memref<1x8x32xf32, #tpu.memory_space<hbm>> -> memref<8x32xf32, #tpu.memory_space<hbm>>
      %dma_wait3A_753 = arith.constant 104 : i32
      %dma_wait3A_754 = arith.constant 0 : i32
      %dma_wait3A_755 = tpu.memref_slice %arg10[%dma_wait3A_753, %dma_wait3A_754] : memref<128x32xf32, #tpu.memory_space<vmem>> -> memref<8x32xf32, #tpu.memory_space<vmem>>
      %dma_wait3A_756 = arith.constant 0 : i32
      %dma_wait3A_757 = arith.constant 0 : i32
      %dma_wait3A_758 = tpu.memref_slice %arg4[%dma_wait3A_745, %dma_wait3A_756, %dma_wait3A_757] : memref<125000x8x32xf32, #tpu.memory_space<hbm>> -> memref<1x8x32xf32, #tpu.memory_space<hbm>>
      %dma_wait3A_759 = tpu.memref_squeeze %dma_wait3A_758 : memref<1x8x32xf32, #tpu.memory_space<hbm>> -> memref<8x32xf32, #tpu.memory_space<hbm>>
      tpu.wait_dma2 semaphore(%arg16 : memref<!tpu.dma_semaphore, #tpu.memory_space<semaphore_mem>>) src(%dma_wait3A_759 : memref<8x32xf32, #tpu.memory_space<hbm>>) dst(%dma_wait3A_755 : memref<8x32xf32, #tpu.memory_space<vmem>>)
      %dma_wait3A_760 = arith.constant 0 : i32
      %dma_wait3A_761 = arith.constant 112 : i32
      %dma_wait3A_762 = arith.constant 0 : i32
      %dma_wait3A_763 = tpu.memref_slice %arg10[%dma_wait3A_761, %dma_wait3A_762] : memref<128x32xf32, #tpu.memory_space<vmem>> -> memref<8x32xf32, #tpu.memory_space<vmem>>
      %dma_wait3A_764 = arith.constant 0 : i32
      %dma_wait3A_765 = arith.constant 0 : i32
      %dma_wait3A_766 = tpu.memref_slice %arg4[%dma_wait3A_760, %dma_wait3A_764, %dma_wait3A_765] : memref<125000x8x32xf32, #tpu.memory_space<hbm>> -> memref<1x8x32xf32, #tpu.memory_space<hbm>>
      %dma_wait3A_767 = tpu.memref_squeeze %dma_wait3A_766 : memref<1x8x32xf32, #tpu.memory_space<hbm>> -> memref<8x32xf32, #tpu.memory_space<hbm>>
      %dma_wait3A_768 = arith.constant 112 : i32
      %dma_wait3A_769 = arith.constant 0 : i32
      %dma_wait3A_770 = tpu.memref_slice %arg10[%dma_wait3A_768, %dma_wait3A_769] : memref<128x32xf32, #tpu.memory_space<vmem>> -> memref<8x32xf32, #tpu.memory_space<vmem>>
      %dma_wait3A_771 = arith.constant 0 : i32
      %dma_wait3A_772 = arith.constant 0 : i32
      %dma_wait3A_773 = tpu.memref_slice %arg4[%dma_wait3A_760, %dma_wait3A_771, %dma_wait3A_772] : memref<125000x8x32xf32, #tpu.memory_space<hbm>> -> memref<1x8x32xf32, #tpu.memory_space<hbm>>
      %dma_wait3A_774 = tpu.memref_squeeze %dma_wait3A_773 : memref<1x8x32xf32, #tpu.memory_space<hbm>> -> memref<8x32xf32, #tpu.memory_space<hbm>>
      tpu.wait_dma2 semaphore(%arg16 : memref<!tpu.dma_semaphore, #tpu.memory_space<semaphore_mem>>) src(%dma_wait3A_774 : memref<8x32xf32, #tpu.memory_space<hbm>>) dst(%dma_wait3A_770 : memref<8x32xf32, #tpu.memory_space<vmem>>)
      %dma_wait3A_775 = arith.constant 0 : i32
      %dma_wait3A_776 = arith.constant 120 : i32
      %dma_wait3A_777 = arith.constant 0 : i32
      %dma_wait3A_778 = tpu.memref_slice %arg10[%dma_wait3A_776, %dma_wait3A_777] : memref<128x32xf32, #tpu.memory_space<vmem>> -> memref<8x32xf32, #tpu.memory_space<vmem>>
      %dma_wait3A_779 = arith.constant 0 : i32
      %dma_wait3A_780 = arith.constant 0 : i32
      %dma_wait3A_781 = tpu.memref_slice %arg4[%dma_wait3A_775, %dma_wait3A_779, %dma_wait3A_780] : memref<125000x8x32xf32, #tpu.memory_space<hbm>> -> memref<1x8x32xf32, #tpu.memory_space<hbm>>
      %dma_wait3A_782 = tpu.memref_squeeze %dma_wait3A_781 : memref<1x8x32xf32, #tpu.memory_space<hbm>> -> memref<8x32xf32, #tpu.memory_space<hbm>>
      %dma_wait3A_783 = arith.constant 120 : i32
      %dma_wait3A_784 = arith.constant 0 : i32
      %dma_wait3A_785 = tpu.memref_slice %arg10[%dma_wait3A_783, %dma_wait3A_784] : memref<128x32xf32, #tpu.memory_space<vmem>> -> memref<8x32xf32, #tpu.memory_space<vmem>>
      %dma_wait3A_786 = arith.constant 0 : i32
      %dma_wait3A_787 = arith.constant 0 : i32
      %dma_wait3A_788 = tpu.memref_slice %arg4[%dma_wait3A_775, %dma_wait3A_786, %dma_wait3A_787] : memref<125000x8x32xf32, #tpu.memory_space<hbm>> -> memref<1x8x32xf32, #tpu.memory_space<hbm>>
      %dma_wait3A_789 = tpu.memref_squeeze %dma_wait3A_788 : memref<1x8x32xf32, #tpu.memory_space<hbm>> -> memref<8x32xf32, #tpu.memory_space<hbm>>
      tpu.wait_dma2 semaphore(%arg16 : memref<!tpu.dma_semaphore, #tpu.memory_space<semaphore_mem>>) src(%dma_wait3A_789 : memref<8x32xf32, #tpu.memory_space<hbm>>) dst(%dma_wait3A_785 : memref<8x32xf32, #tpu.memory_space<vmem>>)
      %mul3A_790 = arith.constant 16 : i32
      %mul3A_791 = arith.muli %add3A_546, %mul3A_790 : i32
      %get3A_792 = arith.index_cast %mul3A_791 : i32 to index
      %get3A_793 = tpu.vector_load %arg8[%get3A_792] {strides = array<i32>} : memref<512xi32, #tpu.memory_space<vmem>>, vector<16xi32>,
      %mul3A_794 = arith.constant 16 : i32
      %mul3A_795 = arith.muli %add3A_546, %mul3A_794 : i32
      %add3A_796 = vector.broadcast %mul3A_795 : i32 to vector<16xi32>
      %add3A_797 = arith.addi %add3A_796, %iota3A : vector<16xi32>
      %and3A_798 = arith.constant 7 : i32
      %and3A_799 = vector.broadcast %and3A_798 : i32 to vector<16xi32>
      %and3A_800 = arith.andi %get3A_793, %and3A_799 : vector<16xi32>
      %mul3A_801 = arith.constant 8 : i32
      %mul3A_802 = vector.broadcast %mul3A_801 : i32 to vector<16xi32>
      %mul3A_803 = arith.muli %iota3A, %mul3A_802 : vector<16xi32>
      %add3A_804 = arith.addi %mul3A_803, %and3A_800 : vector<16xi32>
      %shift_right_logical3A_805 = arith.constant 2 : i32
      %shift_right_logical3A_806 = vector.broadcast %shift_right_logical3A_805 : i32 to vector<16xi32>
      %shift_right_logical3A_807 = arith.shrui %add3A_797, %shift_right_logical3A_806 : vector<16xi32>
      %and3A_808 = arith.constant 3 : i32
      %and3A_809 = vector.broadcast %and3A_808 : i32 to vector<16xi32>
      %and3A_810 = arith.andi %add3A_797, %and3A_809 : vector<16xi32>
      %mul3A_811 = arith.constant 32 : i32
      %mul3A_812 = vector.broadcast %mul3A_811 : i32 to vector<16xi32>
      %mul3A_813 = arith.muli %and3A_810, %mul3A_812 : vector<16xi32>
      %broadcast_in_dim3A = arith.constant 0 : i32
      %broadcast_in_dim3A_814 = vector.broadcast %broadcast_in_dim3A : i32 to vector<16xi32>
      %gather3A = tpu.vector_load_idx %arg10[%add3A_804, %broadcast_in_dim3A_814] : memref<128x32xf32, #tpu.memory_space<vmem>>[vector<16xi32>, vector<16xi32>], vector<16xf32>,
      %add3A_815 = arith.constant 0 : i32
      %add3A_816 = vector.broadcast %add3A_815 : i32 to vector<16xi32>
      %add3A_817 = arith.addi %mul3A_813, %add3A_816 : vector<16xi32>
      tpu.vector_store_idx %arg14[%shift_right_logical3A_807, %add3A_817], %gather3A : memref<128x128xf32, #tpu.memory_space<vmem>>[vector<16xi32>, vector<16xi32>], vector<16xf32>,
      %broadcast_in_dim3A_818 = arith.constant 1 : i32
      %broadcast_in_dim3A_819 = vector.broadcast %broadcast_in_dim3A_818 : i32 to vector<16xi32>
      %gather3A_820 = tpu.vector_load_idx %arg10[%add3A_804, %broadcast_in_dim3A_819] : memref<128x32xf32, #tpu.memory_space<vmem>>[vector<16xi32>, vector<16xi32>], vector<16xf32>,
      %add3A_821 = arith.constant 1 : i32
      %add3A_822 = vector.broadcast %add3A_821 : i32 to vector<16xi32>
      %add3A_823 = arith.addi %mul3A_813, %add3A_822 : vector<16xi32>
      tpu.vector_store_idx %arg14[%shift_right_logical3A_807, %add3A_823], %gather3A_820 : memref<128x128xf32, #tpu.memory_space<vmem>>[vector<16xi32>, vector<16xi32>], vector<16xf32>,
      %broadcast_in_dim3A_824 = arith.constant 2 : i32
      %broadcast_in_dim3A_825 = vector.broadcast %broadcast_in_dim3A_824 : i32 to vector<16xi32>
      %gather3A_826 = tpu.vector_load_idx %arg10[%add3A_804, %broadcast_in_dim3A_825] : memref<128x32xf32, #tpu.memory_space<vmem>>[vector<16xi32>, vector<16xi32>], vector<16xf32>,
      %add3A_827 = arith.constant 2 : i32
      %add3A_828 = vector.broadcast %add3A_827 : i32 to vector<16xi32>
      %add3A_829 = arith.addi %mul3A_813, %add3A_828 : vector<16xi32>
      tpu.vector_store_idx %arg14[%shift_right_logical3A_807, %add3A_829], %gather3A_826 : memref<128x128xf32, #tpu.memory_space<vmem>>[vector<16xi32>, vector<16xi32>], vector<16xf32>,
      %broadcast_in_dim3A_830 = arith.constant 3 : i32
      %broadcast_in_dim3A_831 = vector.broadcast %broadcast_in_dim3A_830 : i32 to vector<16xi32>
      %gather3A_832 = tpu.vector_load_idx %arg10[%add3A_804, %broadcast_in_dim3A_831] : memref<128x32xf32, #tpu.memory_space<vmem>>[vector<16xi32>, vector<16xi32>], vector<16xf32>,
      %add3A_833 = arith.constant 3 : i32
      %add3A_834 = vector.broadcast %add3A_833 : i32 to vector<16xi32>
      %add3A_835 = arith.addi %mul3A_813, %add3A_834 : vector<16xi32>
      tpu.vector_store_idx %arg14[%shift_right_logical3A_807, %add3A_835], %gather3A_832 : memref<128x128xf32, #tpu.memory_space<vmem>>[vector<16xi32>, vector<16xi32>], vector<16xf32>,
      %broadcast_in_dim3A_836 = arith.constant 4 : i32
      %broadcast_in_dim3A_837 = vector.broadcast %broadcast_in_dim3A_836 : i32 to vector<16xi32>
      %gather3A_838 = tpu.vector_load_idx %arg10[%add3A_804, %broadcast_in_dim3A_837] : memref<128x32xf32, #tpu.memory_space<vmem>>[vector<16xi32>, vector<16xi32>], vector<16xf32>,
      %add3A_839 = arith.constant 4 : i32
      %add3A_840 = vector.broadcast %add3A_839 : i32 to vector<16xi32>
      %add3A_841 = arith.addi %mul3A_813, %add3A_840 : vector<16xi32>
      tpu.vector_store_idx %arg14[%shift_right_logical3A_807, %add3A_841], %gather3A_838 : memref<128x128xf32, #tpu.memory_space<vmem>>[vector<16xi32>, vector<16xi32>], vector<16xf32>,
      %broadcast_in_dim3A_842 = arith.constant 5 : i32
      %broadcast_in_dim3A_843 = vector.broadcast %broadcast_in_dim3A_842 : i32 to vector<16xi32>
      %gather3A_844 = tpu.vector_load_idx %arg10[%add3A_804, %broadcast_in_dim3A_843] : memref<128x32xf32, #tpu.memory_space<vmem>>[vector<16xi32>, vector<16xi32>], vector<16xf32>,
      %add3A_845 = arith.constant 5 : i32
      %add3A_846 = vector.broadcast %add3A_845 : i32 to vector<16xi32>
      %add3A_847 = arith.addi %mul3A_813, %add3A_846 : vector<16xi32>
      tpu.vector_store_idx %arg14[%shift_right_logical3A_807, %add3A_847], %gather3A_844 : memref<128x128xf32, #tpu.memory_space<vmem>>[vector<16xi32>, vector<16xi32>], vector<16xf32>,
      %broadcast_in_dim3A_848 = arith.constant 6 : i32
      %broadcast_in_dim3A_849 = vector.broadcast %broadcast_in_dim3A_848 : i32 to vector<16xi32>
      %gather3A_850 = tpu.vector_load_idx %arg10[%add3A_804, %broadcast_in_dim3A_849] : memref<128x32xf32, #tpu.memory_space<vmem>>[vector<16xi32>, vector<16xi32>], vector<16xf32>,
      %add3A_851 = arith.constant 6 : i32
      %add3A_852 = vector.broadcast %add3A_851 : i32 to vector<16xi32>
      %add3A_853 = arith.addi %mul3A_813, %add3A_852 : vector<16xi32>
      tpu.vector_store_idx %arg14[%shift_right_logical3A_807, %add3A_853], %gather3A_850 : memref<128x128xf32, #tpu.memory_space<vmem>>[vector<16xi32>, vector<16xi32>], vector<16xf32>,
      %broadcast_in_dim3A_854 = arith.constant 7 : i32
      %broadcast_in_dim3A_855 = vector.broadcast %broadcast_in_dim3A_854 : i32 to vector<16xi32>
      %gather3A_856 = tpu.vector_load_idx %arg10[%add3A_804, %broadcast_in_dim3A_855] : memref<128x32xf32, #tpu.memory_space<vmem>>[vector<16xi32>, vector<16xi32>], vector<16xf32>,
      %add3A_857 = arith.constant 7 : i32
      %add3A_858 = vector.broadcast %add3A_857 : i32 to vector<16xi32>
      %add3A_859 = arith.addi %mul3A_813, %add3A_858 : vector<16xi32>
      tpu.vector_store_idx %arg14[%shift_right_logical3A_807, %add3A_859], %gather3A_856 : memref<128x128xf32, #tpu.memory_space<vmem>>[vector<16xi32>, vector<16xi32>], vector<16xf32>,
      %broadcast_in_dim3A_860 = arith.constant 8 : i32
      %broadcast_in_dim3A_861 = vector.broadcast %broadcast_in_dim3A_860 : i32 to vector<16xi32>
      %gather3A_862 = tpu.vector_load_idx %arg10[%add3A_804, %broadcast_in_dim3A_861] : memref<128x32xf32, #tpu.memory_space<vmem>>[vector<16xi32>, vector<16xi32>], vector<16xf32>,
      %add3A_863 = arith.constant 8 : i32
      %add3A_864 = vector.broadcast %add3A_863 : i32 to vector<16xi32>
      %add3A_865 = arith.addi %mul3A_813, %add3A_864 : vector<16xi32>
      tpu.vector_store_idx %arg14[%shift_right_logical3A_807, %add3A_865], %gather3A_862 : memref<128x128xf32, #tpu.memory_space<vmem>>[vector<16xi32>, vector<16xi32>], vector<16xf32>,
      %broadcast_in_dim3A_866 = arith.constant 9 : i32
      %broadcast_in_dim3A_867 = vector.broadcast %broadcast_in_dim3A_866 : i32 to vector<16xi32>
      %gather3A_868 = tpu.vector_load_idx %arg10[%add3A_804, %broadcast_in_dim3A_867] : memref<128x32xf32, #tpu.memory_space<vmem>>[vector<16xi32>, vector<16xi32>], vector<16xf32>,
      %add3A_869 = arith.constant 9 : i32
      %add3A_870 = vector.broadcast %add3A_869 : i32 to vector<16xi32>
      %add3A_871 = arith.addi %mul3A_813, %add3A_870 : vector<16xi32>
      tpu.vector_store_idx %arg14[%shift_right_logical3A_807, %add3A_871], %gather3A_868 : memref<128x128xf32, #tpu.memory_space<vmem>>[vector<16xi32>, vector<16xi32>], vector<16xf32>,
      %broadcast_in_dim3A_872 = arith.constant 10 : i32
      %broadcast_in_dim3A_873 = vector.broadcast %broadcast_in_dim3A_872 : i32 to vector<16xi32>
      %gather3A_874 = tpu.vector_load_idx %arg10[%add3A_804, %broadcast_in_dim3A_873] : memref<128x32xf32, #tpu.memory_space<vmem>>[vector<16xi32>, vector<16xi32>], vector<16xf32>,
      %add3A_875 = arith.constant 10 : i32
      %add3A_876 = vector.broadcast %add3A_875 : i32 to vector<16xi32>
      %add3A_877 = arith.addi %mul3A_813, %add3A_876 : vector<16xi32>
      tpu.vector_store_idx %arg14[%shift_right_logical3A_807, %add3A_877], %gather3A_874 : memref<128x128xf32, #tpu.memory_space<vmem>>[vector<16xi32>, vector<16xi32>], vector<16xf32>,
      %broadcast_in_dim3A_878 = arith.constant 11 : i32
      %broadcast_in_dim3A_879 = vector.broadcast %broadcast_in_dim3A_878 : i32 to vector<16xi32>
      %gather3A_880 = tpu.vector_load_idx %arg10[%add3A_804, %broadcast_in_dim3A_879] : memref<128x32xf32, #tpu.memory_space<vmem>>[vector<16xi32>, vector<16xi32>], vector<16xf32>,
      %add3A_881 = arith.constant 11 : i32
      %add3A_882 = vector.broadcast %add3A_881 : i32 to vector<16xi32>
      %add3A_883 = arith.addi %mul3A_813, %add3A_882 : vector<16xi32>
      tpu.vector_store_idx %arg14[%shift_right_logical3A_807, %add3A_883], %gather3A_880 : memref<128x128xf32, #tpu.memory_space<vmem>>[vector<16xi32>, vector<16xi32>], vector<16xf32>,
      %broadcast_in_dim3A_884 = arith.constant 12 : i32
      %broadcast_in_dim3A_885 = vector.broadcast %broadcast_in_dim3A_884 : i32 to vector<16xi32>
      %gather3A_886 = tpu.vector_load_idx %arg10[%add3A_804, %broadcast_in_dim3A_885] : memref<128x32xf32, #tpu.memory_space<vmem>>[vector<16xi32>, vector<16xi32>], vector<16xf32>,
      %add3A_887 = arith.constant 12 : i32
      %add3A_888 = vector.broadcast %add3A_887 : i32 to vector<16xi32>
      %add3A_889 = arith.addi %mul3A_813, %add3A_888 : vector<16xi32>
      tpu.vector_store_idx %arg14[%shift_right_logical3A_807, %add3A_889], %gather3A_886 : memref<128x128xf32, #tpu.memory_space<vmem>>[vector<16xi32>, vector<16xi32>], vector<16xf32>,
      %broadcast_in_dim3A_890 = arith.constant 13 : i32
      %broadcast_in_dim3A_891 = vector.broadcast %broadcast_in_dim3A_890 : i32 to vector<16xi32>
      %gather3A_892 = tpu.vector_load_idx %arg10[%add3A_804, %broadcast_in_dim3A_891] : memref<128x32xf32, #tpu.memory_space<vmem>>[vector<16xi32>, vector<16xi32>], vector<16xf32>,
      %add3A_893 = arith.constant 13 : i32
      %add3A_894 = vector.broadcast %add3A_893 : i32 to vector<16xi32>
      %add3A_895 = arith.addi %mul3A_813, %add3A_894 : vector<16xi32>
      tpu.vector_store_idx %arg14[%shift_right_logical3A_807, %add3A_895], %gather3A_892 : memref<128x128xf32, #tpu.memory_space<vmem>>[vector<16xi32>, vector<16xi32>], vector<16xf32>,
      %broadcast_in_dim3A_896 = arith.constant 14 : i32
      %broadcast_in_dim3A_897 = vector.broadcast %broadcast_in_dim3A_896 : i32 to vector<16xi32>
      %gather3A_898 = tpu.vector_load_idx %arg10[%add3A_804, %broadcast_in_dim3A_897] : memref<128x32xf32, #tpu.memory_space<vmem>>[vector<16xi32>, vector<16xi32>], vector<16xf32>,
      %add3A_899 = arith.constant 14 : i32
      %add3A_900 = vector.broadcast %add3A_899 : i32 to vector<16xi32>
      %add3A_901 = arith.addi %mul3A_813, %add3A_900 : vector<16xi32>
      tpu.vector_store_idx %arg14[%shift_right_logical3A_807, %add3A_901], %gather3A_898 : memref<128x128xf32, #tpu.memory_space<vmem>>[vector<16xi32>, vector<16xi32>], vector<16xf32>,
      %broadcast_in_dim3A_902 = arith.constant 15 : i32
      %broadcast_in_dim3A_903 = vector.broadcast %broadcast_in_dim3A_902 : i32 to vector<16xi32>
      %gather3A_904 = tpu.vector_load_idx %arg10[%add3A_804, %broadcast_in_dim3A_903] : memref<128x32xf32, #tpu.memory_space<vmem>>[vector<16xi32>, vector<16xi32>], vector<16xf32>,
      %add3A_905 = arith.constant 15 : i32
      %add3A_906 = vector.broadcast %add3A_905 : i32 to vector<16xi32>
      %add3A_907 = arith.addi %mul3A_813, %add3A_906 : vector<16xi32>
      tpu.vector_store_idx %arg14[%shift_right_logical3A_807, %add3A_907], %gather3A_904 : memref<128x128xf32, #tpu.memory_space<vmem>>[vector<16xi32>, vector<16xi32>], vector<16xf32>,
      %broadcast_in_dim3A_908 = arith.constant 16 : i32
      %broadcast_in_dim3A_909 = vector.broadcast %broadcast_in_dim3A_908 : i32 to vector<16xi32>
      %gather3A_910 = tpu.vector_load_idx %arg10[%add3A_804, %broadcast_in_dim3A_909] : memref<128x32xf32, #tpu.memory_space<vmem>>[vector<16xi32>, vector<16xi32>], vector<16xf32>,
      %add3A_911 = arith.constant 16 : i32
      %add3A_912 = vector.broadcast %add3A_911 : i32 to vector<16xi32>
      %add3A_913 = arith.addi %mul3A_813, %add3A_912 : vector<16xi32>
      tpu.vector_store_idx %arg14[%shift_right_logical3A_807, %add3A_913], %gather3A_910 : memref<128x128xf32, #tpu.memory_space<vmem>>[vector<16xi32>, vector<16xi32>], vector<16xf32>,
      %broadcast_in_dim3A_914 = arith.constant 17 : i32
      %broadcast_in_dim3A_915 = vector.broadcast %broadcast_in_dim3A_914 : i32 to vector<16xi32>
      %gather3A_916 = tpu.vector_load_idx %arg10[%add3A_804, %broadcast_in_dim3A_915] : memref<128x32xf32, #tpu.memory_space<vmem>>[vector<16xi32>, vector<16xi32>], vector<16xf32>,
      %add3A_917 = arith.constant 17 : i32
      %add3A_918 = vector.broadcast %add3A_917 : i32 to vector<16xi32>
      %add3A_919 = arith.addi %mul3A_813, %add3A_918 : vector<16xi32>
      tpu.vector_store_idx %arg14[%shift_right_logical3A_807, %add3A_919], %gather3A_916 : memref<128x128xf32, #tpu.memory_space<vmem>>[vector<16xi32>, vector<16xi32>], vector<16xf32>,
      %broadcast_in_dim3A_920 = arith.constant 18 : i32
      %broadcast_in_dim3A_921 = vector.broadcast %broadcast_in_dim3A_920 : i32 to vector<16xi32>
      %gather3A_922 = tpu.vector_load_idx %arg10[%add3A_804, %broadcast_in_dim3A_921] : memref<128x32xf32, #tpu.memory_space<vmem>>[vector<16xi32>, vector<16xi32>], vector<16xf32>,
      %add3A_923 = arith.constant 18 : i32
      %add3A_924 = vector.broadcast %add3A_923 : i32 to vector<16xi32>
      %add3A_925 = arith.addi %mul3A_813, %add3A_924 : vector<16xi32>
      tpu.vector_store_idx %arg14[%shift_right_logical3A_807, %add3A_925], %gather3A_922 : memref<128x128xf32, #tpu.memory_space<vmem>>[vector<16xi32>, vector<16xi32>], vector<16xf32>,
      %broadcast_in_dim3A_926 = arith.constant 19 : i32
      %broadcast_in_dim3A_927 = vector.broadcast %broadcast_in_dim3A_926 : i32 to vector<16xi32>
      %gather3A_928 = tpu.vector_load_idx %arg10[%add3A_804, %broadcast_in_dim3A_927] : memref<128x32xf32, #tpu.memory_space<vmem>>[vector<16xi32>, vector<16xi32>], vector<16xf32>,
      %add3A_929 = arith.constant 19 : i32
      %add3A_930 = vector.broadcast %add3A_929 : i32 to vector<16xi32>
      %add3A_931 = arith.addi %mul3A_813, %add3A_930 : vector<16xi32>
      tpu.vector_store_idx %arg14[%shift_right_logical3A_807, %add3A_931], %gather3A_928 : memref<128x128xf32, #tpu.memory_space<vmem>>[vector<16xi32>, vector<16xi32>], vector<16xf32>,
      %broadcast_in_dim3A_932 = arith.constant 20 : i32
      %broadcast_in_dim3A_933 = vector.broadcast %broadcast_in_dim3A_932 : i32 to vector<16xi32>
      %gather3A_934 = tpu.vector_load_idx %arg10[%add3A_804, %broadcast_in_dim3A_933] : memref<128x32xf32, #tpu.memory_space<vmem>>[vector<16xi32>, vector<16xi32>], vector<16xf32>,
      %add3A_935 = arith.constant 20 : i32
      %add3A_936 = vector.broadcast %add3A_935 : i32 to vector<16xi32>
      %add3A_937 = arith.addi %mul3A_813, %add3A_936 : vector<16xi32>
      tpu.vector_store_idx %arg14[%shift_right_logical3A_807, %add3A_937], %gather3A_934 : memref<128x128xf32, #tpu.memory_space<vmem>>[vector<16xi32>, vector<16xi32>], vector<16xf32>,
      %broadcast_in_dim3A_938 = arith.constant 21 : i32
      %broadcast_in_dim3A_939 = vector.broadcast %broadcast_in_dim3A_938 : i32 to vector<16xi32>
      %gather3A_940 = tpu.vector_load_idx %arg10[%add3A_804, %broadcast_in_dim3A_939] : memref<128x32xf32, #tpu.memory_space<vmem>>[vector<16xi32>, vector<16xi32>], vector<16xf32>,
      %add3A_941 = arith.constant 21 : i32
      %add3A_942 = vector.broadcast %add3A_941 : i32 to vector<16xi32>
      %add3A_943 = arith.addi %mul3A_813, %add3A_942 : vector<16xi32>
      tpu.vector_store_idx %arg14[%shift_right_logical3A_807, %add3A_943], %gather3A_940 : memref<128x128xf32, #tpu.memory_space<vmem>>[vector<16xi32>, vector<16xi32>], vector<16xf32>,
      %broadcast_in_dim3A_944 = arith.constant 22 : i32
      %broadcast_in_dim3A_945 = vector.broadcast %broadcast_in_dim3A_944 : i32 to vector<16xi32>
      %gather3A_946 = tpu.vector_load_idx %arg10[%add3A_804, %broadcast_in_dim3A_945] : memref<128x32xf32, #tpu.memory_space<vmem>>[vector<16xi32>, vector<16xi32>], vector<16xf32>,
      %add3A_947 = arith.constant 22 : i32
      %add3A_948 = vector.broadcast %add3A_947 : i32 to vector<16xi32>
      %add3A_949 = arith.addi %mul3A_813, %add3A_948 : vector<16xi32>
      tpu.vector_store_idx %arg14[%shift_right_logical3A_807, %add3A_949], %gather3A_946 : memref<128x128xf32, #tpu.memory_space<vmem>>[vector<16xi32>, vector<16xi32>], vector<16xf32>,
      %broadcast_in_dim3A_950 = arith.constant 23 : i32
      %broadcast_in_dim3A_951 = vector.broadcast %broadcast_in_dim3A_950 : i32 to vector<16xi32>
      %gather3A_952 = tpu.vector_load_idx %arg10[%add3A_804, %broadcast_in_dim3A_951] : memref<128x32xf32, #tpu.memory_space<vmem>>[vector<16xi32>, vector<16xi32>], vector<16xf32>,
      %add3A_953 = arith.constant 23 : i32
      %add3A_954 = vector.broadcast %add3A_953 : i32 to vector<16xi32>
      %add3A_955 = arith.addi %mul3A_813, %add3A_954 : vector<16xi32>
      tpu.vector_store_idx %arg14[%shift_right_logical3A_807, %add3A_955], %gather3A_952 : memref<128x128xf32, #tpu.memory_space<vmem>>[vector<16xi32>, vector<16xi32>], vector<16xf32>,
      %broadcast_in_dim3A_956 = arith.constant 24 : i32
      %broadcast_in_dim3A_957 = vector.broadcast %broadcast_in_dim3A_956 : i32 to vector<16xi32>
      %gather3A_958 = tpu.vector_load_idx %arg10[%add3A_804, %broadcast_in_dim3A_957] : memref<128x32xf32, #tpu.memory_space<vmem>>[vector<16xi32>, vector<16xi32>], vector<16xf32>,
      %add3A_959 = arith.constant 24 : i32
      %add3A_960 = vector.broadcast %add3A_959 : i32 to vector<16xi32>
      %add3A_961 = arith.addi %mul3A_813, %add3A_960 : vector<16xi32>
      tpu.vector_store_idx %arg14[%shift_right_logical3A_807, %add3A_961], %gather3A_958 : memref<128x128xf32, #tpu.memory_space<vmem>>[vector<16xi32>, vector<16xi32>], vector<16xf32>,
      %broadcast_in_dim3A_962 = arith.constant 25 : i32
      %broadcast_in_dim3A_963 = vector.broadcast %broadcast_in_dim3A_962 : i32 to vector<16xi32>
      %gather3A_964 = tpu.vector_load_idx %arg10[%add3A_804, %broadcast_in_dim3A_963] : memref<128x32xf32, #tpu.memory_space<vmem>>[vector<16xi32>, vector<16xi32>], vector<16xf32>,
      %add3A_965 = arith.constant 25 : i32
      %add3A_966 = vector.broadcast %add3A_965 : i32 to vector<16xi32>
      %add3A_967 = arith.addi %mul3A_813, %add3A_966 : vector<16xi32>
      tpu.vector_store_idx %arg14[%shift_right_logical3A_807, %add3A_967], %gather3A_964 : memref<128x128xf32, #tpu.memory_space<vmem>>[vector<16xi32>, vector<16xi32>], vector<16xf32>,
      %broadcast_in_dim3A_968 = arith.constant 26 : i32
      %broadcast_in_dim3A_969 = vector.broadcast %broadcast_in_dim3A_968 : i32 to vector<16xi32>
      %gather3A_970 = tpu.vector_load_idx %arg10[%add3A_804, %broadcast_in_dim3A_969] : memref<128x32xf32, #tpu.memory_space<vmem>>[vector<16xi32>, vector<16xi32>], vector<16xf32>,
      %add3A_971 = arith.constant 26 : i32
      %add3A_972 = vector.broadcast %add3A_971 : i32 to vector<16xi32>
      %add3A_973 = arith.addi %mul3A_813, %add3A_972 : vector<16xi32>
      tpu.vector_store_idx %arg14[%shift_right_logical3A_807, %add3A_973], %gather3A_970 : memref<128x128xf32, #tpu.memory_space<vmem>>[vector<16xi32>, vector<16xi32>], vector<16xf32>,
      %broadcast_in_dim3A_974 = arith.constant 27 : i32
      %broadcast_in_dim3A_975 = vector.broadcast %broadcast_in_dim3A_974 : i32 to vector<16xi32>
      %gather3A_976 = tpu.vector_load_idx %arg10[%add3A_804, %broadcast_in_dim3A_975] : memref<128x32xf32, #tpu.memory_space<vmem>>[vector<16xi32>, vector<16xi32>], vector<16xf32>,
      %add3A_977 = arith.constant 27 : i32
      %add3A_978 = vector.broadcast %add3A_977 : i32 to vector<16xi32>
      %add3A_979 = arith.addi %mul3A_813, %add3A_978 : vector<16xi32>
      tpu.vector_store_idx %arg14[%shift_right_logical3A_807, %add3A_979], %gather3A_976 : memref<128x128xf32, #tpu.memory_space<vmem>>[vector<16xi32>, vector<16xi32>], vector<16xf32>,
      %broadcast_in_dim3A_980 = arith.constant 28 : i32
      %broadcast_in_dim3A_981 = vector.broadcast %broadcast_in_dim3A_980 : i32 to vector<16xi32>
      %gather3A_982 = tpu.vector_load_idx %arg10[%add3A_804, %broadcast_in_dim3A_981] : memref<128x32xf32, #tpu.memory_space<vmem>>[vector<16xi32>, vector<16xi32>], vector<16xf32>,
      %add3A_983 = arith.constant 28 : i32
      %add3A_984 = vector.broadcast %add3A_983 : i32 to vector<16xi32>
      %add3A_985 = arith.addi %mul3A_813, %add3A_984 : vector<16xi32>
      tpu.vector_store_idx %arg14[%shift_right_logical3A_807, %add3A_985], %gather3A_982 : memref<128x128xf32, #tpu.memory_space<vmem>>[vector<16xi32>, vector<16xi32>], vector<16xf32>,
      %broadcast_in_dim3A_986 = arith.constant 29 : i32
      %broadcast_in_dim3A_987 = vector.broadcast %broadcast_in_dim3A_986 : i32 to vector<16xi32>
      %gather3A_988 = tpu.vector_load_idx %arg10[%add3A_804, %broadcast_in_dim3A_987] : memref<128x32xf32, #tpu.memory_space<vmem>>[vector<16xi32>, vector<16xi32>], vector<16xf32>,
      %add3A_989 = arith.constant 29 : i32
      %add3A_990 = vector.broadcast %add3A_989 : i32 to vector<16xi32>
      %add3A_991 = arith.addi %mul3A_813, %add3A_990 : vector<16xi32>
      tpu.vector_store_idx %arg14[%shift_right_logical3A_807, %add3A_991], %gather3A_988 : memref<128x128xf32, #tpu.memory_space<vmem>>[vector<16xi32>, vector<16xi32>], vector<16xf32>,
      %broadcast_in_dim3A_992 = arith.constant 30 : i32
      %broadcast_in_dim3A_993 = vector.broadcast %broadcast_in_dim3A_992 : i32 to vector<16xi32>
      %gather3A_994 = tpu.vector_load_idx %arg10[%add3A_804, %broadcast_in_dim3A_993] : memref<128x32xf32, #tpu.memory_space<vmem>>[vector<16xi32>, vector<16xi32>], vector<16xf32>,
      %add3A_995 = arith.constant 30 : i32
      %add3A_996 = vector.broadcast %add3A_995 : i32 to vector<16xi32>
      %add3A_997 = arith.addi %mul3A_813, %add3A_996 : vector<16xi32>
      tpu.vector_store_idx %arg14[%shift_right_logical3A_807, %add3A_997], %gather3A_994 : memref<128x128xf32, #tpu.memory_space<vmem>>[vector<16xi32>, vector<16xi32>], vector<16xf32>,
      %broadcast_in_dim3A_998 = arith.constant 31 : i32
      %broadcast_in_dim3A_999 = vector.broadcast %broadcast_in_dim3A_998 : i32 to vector<16xi32>
      %gather3A_1000 = tpu.vector_load_idx %arg10[%add3A_804, %broadcast_in_dim3A_999] : memref<128x32xf32, #tpu.memory_space<vmem>>[vector<16xi32>, vector<16xi32>], vector<16xf32>,
      %add3A_1001 = arith.constant 31 : i32
      %add3A_1002 = vector.broadcast %add3A_1001 : i32 to vector<16xi32>
      %add3A_1003 = arith.addi %mul3A_813, %add3A_1002 : vector<16xi32>
      tpu.vector_store_idx %arg14[%shift_right_logical3A_807, %add3A_1003], %gather3A_1000 : memref<128x128xf32, #tpu.memory_space<vmem>>[vector<16xi32>, vector<16xi32>], vector<16xf32>,
      %iota3A_1004 = tpu.iota {dimensions = array<i32: 0>} : vector<16xi32>
      %dma_wait3A_1005 = arith.constant 0 : i32
      %dma_wait3A_1006 = arith.constant 0 : i32
      %dma_wait3A_1007 = arith.constant 0 : i32
      %dma_wait3A_1008 = tpu.memref_slice %arg12[%dma_wait3A_1006, %dma_wait3A_1007] : memref<128x32xf32, #tpu.memory_space<vmem>> -> memref<8x32xf32, #tpu.memory_space<vmem>>
      %dma_wait3A_1009 = arith.constant 0 : i32
      %dma_wait3A_1010 = arith.constant 0 : i32
      %dma_wait3A_1011 = tpu.memref_slice %arg5[%dma_wait3A_1005, %dma_wait3A_1009, %dma_wait3A_1010] : memref<12500x8x32xf32, #tpu.memory_space<hbm>> -> memref<1x8x32xf32, #tpu.memory_space<hbm>>
      %dma_wait3A_1012 = tpu.memref_squeeze %dma_wait3A_1011 : memref<1x8x32xf32, #tpu.memory_space<hbm>> -> memref<8x32xf32, #tpu.memory_space<hbm>>
      %dma_wait3A_1013 = arith.constant 0 : i32
      %dma_wait3A_1014 = arith.constant 0 : i32
      %dma_wait3A_1015 = tpu.memref_slice %arg12[%dma_wait3A_1013, %dma_wait3A_1014] : memref<128x32xf32, #tpu.memory_space<vmem>> -> memref<8x32xf32, #tpu.memory_space<vmem>>
      %dma_wait3A_1016 = arith.constant 0 : i32
      %dma_wait3A_1017 = arith.constant 0 : i32
      %dma_wait3A_1018 = tpu.memref_slice %arg5[%dma_wait3A_1005, %dma_wait3A_1016, %dma_wait3A_1017] : memref<12500x8x32xf32, #tpu.memory_space<hbm>> -> memref<1x8x32xf32, #tpu.memory_space<hbm>>
      %dma_wait3A_1019 = tpu.memref_squeeze %dma_wait3A_1018 : memref<1x8x32xf32, #tpu.memory_space<hbm>> -> memref<8x32xf32, #tpu.memory_space<hbm>>
      tpu.wait_dma2 semaphore(%arg18 : memref<!tpu.dma_semaphore, #tpu.memory_space<semaphore_mem>>) src(%dma_wait3A_1019 : memref<8x32xf32, #tpu.memory_space<hbm>>) dst(%dma_wait3A_1015 : memref<8x32xf32, #tpu.memory_space<vmem>>)
      %dma_wait3A_1020 = arith.constant 0 : i32
      %dma_wait3A_1021 = arith.constant 8 : i32
      %dma_wait3A_1022 = arith.constant 0 : i32
      %dma_wait3A_1023 = tpu.memref_slice %arg12[%dma_wait3A_1021, %dma_wait3A_1022] : memref<128x32xf32, #tpu.memory_space<vmem>> -> memref<8x32xf32, #tpu.memory_space<vmem>>
      %dma_wait3A_1024 = arith.constant 0 : i32
      %dma_wait3A_1025 = arith.constant 0 : i32
      %dma_wait3A_1026 = tpu.memref_slice %arg5[%dma_wait3A_1020, %dma_wait3A_1024, %dma_wait3A_1025] : memref<12500x8x32xf32, #tpu.memory_space<hbm>> -> memref<1x8x32xf32, #tpu.memory_space<hbm>>
      %dma_wait3A_1027 = tpu.memref_squeeze %dma_wait3A_1026 : memref<1x8x32xf32, #tpu.memory_space<hbm>> -> memref<8x32xf32, #tpu.memory_space<hbm>>
      %dma_wait3A_1028 = arith.constant 8 : i32
      %dma_wait3A_1029 = arith.constant 0 : i32
      %dma_wait3A_1030 = tpu.memref_slice %arg12[%dma_wait3A_1028, %dma_wait3A_1029] : memref<128x32xf32, #tpu.memory_space<vmem>> -> memref<8x32xf32, #tpu.memory_space<vmem>>
      %dma_wait3A_1031 = arith.constant 0 : i32
      %dma_wait3A_1032 = arith.constant 0 : i32
      %dma_wait3A_1033 = tpu.memref_slice %arg5[%dma_wait3A_1020, %dma_wait3A_1031, %dma_wait3A_1032] : memref<12500x8x32xf32, #tpu.memory_space<hbm>> -> memref<1x8x32xf32, #tpu.memory_space<hbm>>
      %dma_wait3A_1034 = tpu.memref_squeeze %dma_wait3A_1033 : memref<1x8x32xf32, #tpu.memory_space<hbm>> -> memref<8x32xf32, #tpu.memory_space<hbm>>
      tpu.wait_dma2 semaphore(%arg18 : memref<!tpu.dma_semaphore, #tpu.memory_space<semaphore_mem>>) src(%dma_wait3A_1034 : memref<8x32xf32, #tpu.memory_space<hbm>>) dst(%dma_wait3A_1030 : memref<8x32xf32, #tpu.memory_space<vmem>>)
      %dma_wait3A_1035 = arith.constant 0 : i32
      %dma_wait3A_1036 = arith.constant 16 : i32
      %dma_wait3A_1037 = arith.constant 0 : i32
      %dma_wait3A_1038 = tpu.memref_slice %arg12[%dma_wait3A_1036, %dma_wait3A_1037] : memref<128x32xf32, #tpu.memory_space<vmem>> -> memref<8x32xf32, #tpu.memory_space<vmem>>
      %dma_wait3A_1039 = arith.constant 0 : i32
      %dma_wait3A_1040 = arith.constant 0 : i32
      %dma_wait3A_1041 = tpu.memref_slice %arg5[%dma_wait3A_1035, %dma_wait3A_1039, %dma_wait3A_1040] : memref<12500x8x32xf32, #tpu.memory_space<hbm>> -> memref<1x8x32xf32, #tpu.memory_space<hbm>>
      %dma_wait3A_1042 = tpu.memref_squeeze %dma_wait3A_1041 : memref<1x8x32xf32, #tpu.memory_space<hbm>> -> memref<8x32xf32, #tpu.memory_space<hbm>>
      %dma_wait3A_1043 = arith.constant 16 : i32
      %dma_wait3A_1044 = arith.constant 0 : i32
      %dma_wait3A_1045 = tpu.memref_slice %arg12[%dma_wait3A_1043, %dma_wait3A_1044] : memref<128x32xf32, #tpu.memory_space<vmem>> -> memref<8x32xf32, #tpu.memory_space<vmem>>
      %dma_wait3A_1046 = arith.constant 0 : i32
      %dma_wait3A_1047 = arith.constant 0 : i32
      %dma_wait3A_1048 = tpu.memref_slice %arg5[%dma_wait3A_1035, %dma_wait3A_1046, %dma_wait3A_1047] : memref<12500x8x32xf32, #tpu.memory_space<hbm>> -> memref<1x8x32xf32, #tpu.memory_space<hbm>>
      %dma_wait3A_1049 = tpu.memref_squeeze %dma_wait3A_1048 : memref<1x8x32xf32, #tpu.memory_space<hbm>> -> memref<8x32xf32, #tpu.memory_space<hbm>>
      tpu.wait_dma2 semaphore(%arg18 : memref<!tpu.dma_semaphore, #tpu.memory_space<semaphore_mem>>) src(%dma_wait3A_1049 : memref<8x32xf32, #tpu.memory_space<hbm>>) dst(%dma_wait3A_1045 : memref<8x32xf32, #tpu.memory_space<vmem>>)
      %dma_wait3A_1050 = arith.constant 0 : i32
      %dma_wait3A_1051 = arith.constant 24 : i32
      %dma_wait3A_1052 = arith.constant 0 : i32
      %dma_wait3A_1053 = tpu.memref_slice %arg12[%dma_wait3A_1051, %dma_wait3A_1052] : memref<128x32xf32, #tpu.memory_space<vmem>> -> memref<8x32xf32, #tpu.memory_space<vmem>>
      %dma_wait3A_1054 = arith.constant 0 : i32
      %dma_wait3A_1055 = arith.constant 0 : i32
      %dma_wait3A_1056 = tpu.memref_slice %arg5[%dma_wait3A_1050, %dma_wait3A_1054, %dma_wait3A_1055] : memref<12500x8x32xf32, #tpu.memory_space<hbm>> -> memref<1x8x32xf32, #tpu.memory_space<hbm>>
      %dma_wait3A_1057 = tpu.memref_squeeze %dma_wait3A_1056 : memref<1x8x32xf32, #tpu.memory_space<hbm>> -> memref<8x32xf32, #tpu.memory_space<hbm>>
      %dma_wait3A_1058 = arith.constant 24 : i32
      %dma_wait3A_1059 = arith.constant 0 : i32
      %dma_wait3A_1060 = tpu.memref_slice %arg12[%dma_wait3A_1058, %dma_wait3A_1059] : memref<128x32xf32, #tpu.memory_space<vmem>> -> memref<8x32xf32, #tpu.memory_space<vmem>>
      %dma_wait3A_1061 = arith.constant 0 : i32
      %dma_wait3A_1062 = arith.constant 0 : i32
      %dma_wait3A_1063 = tpu.memref_slice %arg5[%dma_wait3A_1050, %dma_wait3A_1061, %dma_wait3A_1062] : memref<12500x8x32xf32, #tpu.memory_space<hbm>> -> memref<1x8x32xf32, #tpu.memory_space<hbm>>
      %dma_wait3A_1064 = tpu.memref_squeeze %dma_wait3A_1063 : memref<1x8x32xf32, #tpu.memory_space<hbm>> -> memref<8x32xf32, #tpu.memory_space<hbm>>
      tpu.wait_dma2 semaphore(%arg18 : memref<!tpu.dma_semaphore, #tpu.memory_space<semaphore_mem>>) src(%dma_wait3A_1064 : memref<8x32xf32, #tpu.memory_space<hbm>>) dst(%dma_wait3A_1060 : memref<8x32xf32, #tpu.memory_space<vmem>>)
      %dma_wait3A_1065 = arith.constant 0 : i32
      %dma_wait3A_1066 = arith.constant 32 : i32
      %dma_wait3A_1067 = arith.constant 0 : i32
      %dma_wait3A_1068 = tpu.memref_slice %arg12[%dma_wait3A_1066, %dma_wait3A_1067] : memref<128x32xf32, #tpu.memory_space<vmem>> -> memref<8x32xf32, #tpu.memory_space<vmem>>
      %dma_wait3A_1069 = arith.constant 0 : i32
      %dma_wait3A_1070 = arith.constant 0 : i32
      %dma_wait3A_1071 = tpu.memref_slice %arg5[%dma_wait3A_1065, %dma_wait3A_1069, %dma_wait3A_1070] : memref<12500x8x32xf32, #tpu.memory_space<hbm>> -> memref<1x8x32xf32, #tpu.memory_space<hbm>>
      %dma_wait3A_1072 = tpu.memref_squeeze %dma_wait3A_1071 : memref<1x8x32xf32, #tpu.memory_space<hbm>> -> memref<8x32xf32, #tpu.memory_space<hbm>>
      %dma_wait3A_1073 = arith.constant 32 : i32
      %dma_wait3A_1074 = arith.constant 0 : i32
      %dma_wait3A_1075 = tpu.memref_slice %arg12[%dma_wait3A_1073, %dma_wait3A_1074] : memref<128x32xf32, #tpu.memory_space<vmem>> -> memref<8x32xf32, #tpu.memory_space<vmem>>
      %dma_wait3A_1076 = arith.constant 0 : i32
      %dma_wait3A_1077 = arith.constant 0 : i32
      %dma_wait3A_1078 = tpu.memref_slice %arg5[%dma_wait3A_1065, %dma_wait3A_1076, %dma_wait3A_1077] : memref<12500x8x32xf32, #tpu.memory_space<hbm>> -> memref<1x8x32xf32, #tpu.memory_space<hbm>>
      %dma_wait3A_1079 = tpu.memref_squeeze %dma_wait3A_1078 : memref<1x8x32xf32, #tpu.memory_space<hbm>> -> memref<8x32xf32, #tpu.memory_space<hbm>>
      tpu.wait_dma2 semaphore(%arg18 : memref<!tpu.dma_semaphore, #tpu.memory_space<semaphore_mem>>) src(%dma_wait3A_1079 : memref<8x32xf32, #tpu.memory_space<hbm>>) dst(%dma_wait3A_1075 : memref<8x32xf32, #tpu.memory_space<vmem>>)
      %dma_wait3A_1080 = arith.constant 0 : i32
      %dma_wait3A_1081 = arith.constant 40 : i32
      %dma_wait3A_1082 = arith.constant 0 : i32
      %dma_wait3A_1083 = tpu.memref_slice %arg12[%dma_wait3A_1081, %dma_wait3A_1082] : memref<128x32xf32, #tpu.memory_space<vmem>> -> memref<8x32xf32, #tpu.memory_space<vmem>>
      %dma_wait3A_1084 = arith.constant 0 : i32
      %dma_wait3A_1085 = arith.constant 0 : i32
      %dma_wait3A_1086 = tpu.memref_slice %arg5[%dma_wait3A_1080, %dma_wait3A_1084, %dma_wait3A_1085] : memref<12500x8x32xf32, #tpu.memory_space<hbm>> -> memref<1x8x32xf32, #tpu.memory_space<hbm>>
      %dma_wait3A_1087 = tpu.memref_squeeze %dma_wait3A_1086 : memref<1x8x32xf32, #tpu.memory_space<hbm>> -> memref<8x32xf32, #tpu.memory_space<hbm>>
      %dma_wait3A_1088 = arith.constant 40 : i32
      %dma_wait3A_1089 = arith.constant 0 : i32
      %dma_wait3A_1090 = tpu.memref_slice %arg12[%dma_wait3A_1088, %dma_wait3A_1089] : memref<128x32xf32, #tpu.memory_space<vmem>> -> memref<8x32xf32, #tpu.memory_space<vmem>>
      %dma_wait3A_1091 = arith.constant 0 : i32
      %dma_wait3A_1092 = arith.constant 0 : i32
      %dma_wait3A_1093 = tpu.memref_slice %arg5[%dma_wait3A_1080, %dma_wait3A_1091, %dma_wait3A_1092] : memref<12500x8x32xf32, #tpu.memory_space<hbm>> -> memref<1x8x32xf32, #tpu.memory_space<hbm>>
      %dma_wait3A_1094 = tpu.memref_squeeze %dma_wait3A_1093 : memref<1x8x32xf32, #tpu.memory_space<hbm>> -> memref<8x32xf32, #tpu.memory_space<hbm>>
      tpu.wait_dma2 semaphore(%arg18 : memref<!tpu.dma_semaphore, #tpu.memory_space<semaphore_mem>>) src(%dma_wait3A_1094 : memref<8x32xf32, #tpu.memory_space<hbm>>) dst(%dma_wait3A_1090 : memref<8x32xf32, #tpu.memory_space<vmem>>)
      %dma_wait3A_1095 = arith.constant 0 : i32
      %dma_wait3A_1096 = arith.constant 48 : i32
      %dma_wait3A_1097 = arith.constant 0 : i32
      %dma_wait3A_1098 = tpu.memref_slice %arg12[%dma_wait3A_1096, %dma_wait3A_1097] : memref<128x32xf32, #tpu.memory_space<vmem>> -> memref<8x32xf32, #tpu.memory_space<vmem>>
      %dma_wait3A_1099 = arith.constant 0 : i32
      %dma_wait3A_1100 = arith.constant 0 : i32
      %dma_wait3A_1101 = tpu.memref_slice %arg5[%dma_wait3A_1095, %dma_wait3A_1099, %dma_wait3A_1100] : memref<12500x8x32xf32, #tpu.memory_space<hbm>> -> memref<1x8x32xf32, #tpu.memory_space<hbm>>
      %dma_wait3A_1102 = tpu.memref_squeeze %dma_wait3A_1101 : memref<1x8x32xf32, #tpu.memory_space<hbm>> -> memref<8x32xf32, #tpu.memory_space<hbm>>
      %dma_wait3A_1103 = arith.constant 48 : i32
      %dma_wait3A_1104 = arith.constant 0 : i32
      %dma_wait3A_1105 = tpu.memref_slice %arg12[%dma_wait3A_1103, %dma_wait3A_1104] : memref<128x32xf32, #tpu.memory_space<vmem>> -> memref<8x32xf32, #tpu.memory_space<vmem>>
      %dma_wait3A_1106 = arith.constant 0 : i32
      %dma_wait3A_1107 = arith.constant 0 : i32
      %dma_wait3A_1108 = tpu.memref_slice %arg5[%dma_wait3A_1095, %dma_wait3A_1106, %dma_wait3A_1107] : memref<12500x8x32xf32, #tpu.memory_space<hbm>> -> memref<1x8x32xf32, #tpu.memory_space<hbm>>
      %dma_wait3A_1109 = tpu.memref_squeeze %dma_wait3A_1108 : memref<1x8x32xf32, #tpu.memory_space<hbm>> -> memref<8x32xf32, #tpu.memory_space<hbm>>
      tpu.wait_dma2 semaphore(%arg18 : memref<!tpu.dma_semaphore, #tpu.memory_space<semaphore_mem>>) src(%dma_wait3A_1109 : memref<8x32xf32, #tpu.memory_space<hbm>>) dst(%dma_wait3A_1105 : memref<8x32xf32, #tpu.memory_space<vmem>>)
      %dma_wait3A_1110 = arith.constant 0 : i32
      %dma_wait3A_1111 = arith.constant 56 : i32
      %dma_wait3A_1112 = arith.constant 0 : i32
      %dma_wait3A_1113 = tpu.memref_slice %arg12[%dma_wait3A_1111, %dma_wait3A_1112] : memref<128x32xf32, #tpu.memory_space<vmem>> -> memref<8x32xf32, #tpu.memory_space<vmem>>
      %dma_wait3A_1114 = arith.constant 0 : i32
      %dma_wait3A_1115 = arith.constant 0 : i32
      %dma_wait3A_1116 = tpu.memref_slice %arg5[%dma_wait3A_1110, %dma_wait3A_1114, %dma_wait3A_1115] : memref<12500x8x32xf32, #tpu.memory_space<hbm>> -> memref<1x8x32xf32, #tpu.memory_space<hbm>>
      %dma_wait3A_1117 = tpu.memref_squeeze %dma_wait3A_1116 : memref<1x8x32xf32, #tpu.memory_space<hbm>> -> memref<8x32xf32, #tpu.memory_space<hbm>>
      %dma_wait3A_1118 = arith.constant 56 : i32
      %dma_wait3A_1119 = arith.constant 0 : i32
      %dma_wait3A_1120 = tpu.memref_slice %arg12[%dma_wait3A_1118, %dma_wait3A_1119] : memref<128x32xf32, #tpu.memory_space<vmem>> -> memref<8x32xf32, #tpu.memory_space<vmem>>
      %dma_wait3A_1121 = arith.constant 0 : i32
      %dma_wait3A_1122 = arith.constant 0 : i32
      %dma_wait3A_1123 = tpu.memref_slice %arg5[%dma_wait3A_1110, %dma_wait3A_1121, %dma_wait3A_1122] : memref<12500x8x32xf32, #tpu.memory_space<hbm>> -> memref<1x8x32xf32, #tpu.memory_space<hbm>>
      %dma_wait3A_1124 = tpu.memref_squeeze %dma_wait3A_1123 : memref<1x8x32xf32, #tpu.memory_space<hbm>> -> memref<8x32xf32, #tpu.memory_space<hbm>>
      tpu.wait_dma2 semaphore(%arg18 : memref<!tpu.dma_semaphore, #tpu.memory_space<semaphore_mem>>) src(%dma_wait3A_1124 : memref<8x32xf32, #tpu.memory_space<hbm>>) dst(%dma_wait3A_1120 : memref<8x32xf32, #tpu.memory_space<vmem>>)
      %dma_wait3A_1125 = arith.constant 0 : i32
      %dma_wait3A_1126 = arith.constant 64 : i32
      %dma_wait3A_1127 = arith.constant 0 : i32
      %dma_wait3A_1128 = tpu.memref_slice %arg12[%dma_wait3A_1126, %dma_wait3A_1127] : memref<128x32xf32, #tpu.memory_space<vmem>> -> memref<8x32xf32, #tpu.memory_space<vmem>>
      %dma_wait3A_1129 = arith.constant 0 : i32
      %dma_wait3A_1130 = arith.constant 0 : i32
      %dma_wait3A_1131 = tpu.memref_slice %arg5[%dma_wait3A_1125, %dma_wait3A_1129, %dma_wait3A_1130] : memref<12500x8x32xf32, #tpu.memory_space<hbm>> -> memref<1x8x32xf32, #tpu.memory_space<hbm>>
      %dma_wait3A_1132 = tpu.memref_squeeze %dma_wait3A_1131 : memref<1x8x32xf32, #tpu.memory_space<hbm>> -> memref<8x32xf32, #tpu.memory_space<hbm>>
      %dma_wait3A_1133 = arith.constant 64 : i32
      %dma_wait3A_1134 = arith.constant 0 : i32
      %dma_wait3A_1135 = tpu.memref_slice %arg12[%dma_wait3A_1133, %dma_wait3A_1134] : memref<128x32xf32, #tpu.memory_space<vmem>> -> memref<8x32xf32, #tpu.memory_space<vmem>>
      %dma_wait3A_1136 = arith.constant 0 : i32
      %dma_wait3A_1137 = arith.constant 0 : i32
      %dma_wait3A_1138 = tpu.memref_slice %arg5[%dma_wait3A_1125, %dma_wait3A_1136, %dma_wait3A_1137] : memref<12500x8x32xf32, #tpu.memory_space<hbm>> -> memref<1x8x32xf32, #tpu.memory_space<hbm>>
      %dma_wait3A_1139 = tpu.memref_squeeze %dma_wait3A_1138 : memref<1x8x32xf32, #tpu.memory_space<hbm>> -> memref<8x32xf32, #tpu.memory_space<hbm>>
      tpu.wait_dma2 semaphore(%arg18 : memref<!tpu.dma_semaphore, #tpu.memory_space<semaphore_mem>>) src(%dma_wait3A_1139 : memref<8x32xf32, #tpu.memory_space<hbm>>) dst(%dma_wait3A_1135 : memref<8x32xf32, #tpu.memory_space<vmem>>)
      %dma_wait3A_1140 = arith.constant 0 : i32
      %dma_wait3A_1141 = arith.constant 72 : i32
      %dma_wait3A_1142 = arith.constant 0 : i32
      %dma_wait3A_1143 = tpu.memref_slice %arg12[%dma_wait3A_1141, %dma_wait3A_1142] : memref<128x32xf32, #tpu.memory_space<vmem>> -> memref<8x32xf32, #tpu.memory_space<vmem>>
      %dma_wait3A_1144 = arith.constant 0 : i32
      %dma_wait3A_1145 = arith.constant 0 : i32
      %dma_wait3A_1146 = tpu.memref_slice %arg5[%dma_wait3A_1140, %dma_wait3A_1144, %dma_wait3A_1145] : memref<12500x8x32xf32, #tpu.memory_space<hbm>> -> memref<1x8x32xf32, #tpu.memory_space<hbm>>
      %dma_wait3A_1147 = tpu.memref_squeeze %dma_wait3A_1146 : memref<1x8x32xf32, #tpu.memory_space<hbm>> -> memref<8x32xf32, #tpu.memory_space<hbm>>
      %dma_wait3A_1148 = arith.constant 72 : i32
      %dma_wait3A_1149 = arith.constant 0 : i32
      %dma_wait3A_1150 = tpu.memref_slice %arg12[%dma_wait3A_1148, %dma_wait3A_1149] : memref<128x32xf32, #tpu.memory_space<vmem>> -> memref<8x32xf32, #tpu.memory_space<vmem>>
      %dma_wait3A_1151 = arith.constant 0 : i32
      %dma_wait3A_1152 = arith.constant 0 : i32
      %dma_wait3A_1153 = tpu.memref_slice %arg5[%dma_wait3A_1140, %dma_wait3A_1151, %dma_wait3A_1152] : memref<12500x8x32xf32, #tpu.memory_space<hbm>> -> memref<1x8x32xf32, #tpu.memory_space<hbm>>
      %dma_wait3A_1154 = tpu.memref_squeeze %dma_wait3A_1153 : memref<1x8x32xf32, #tpu.memory_space<hbm>> -> memref<8x32xf32, #tpu.memory_space<hbm>>
      tpu.wait_dma2 semaphore(%arg18 : memref<!tpu.dma_semaphore, #tpu.memory_space<semaphore_mem>>) src(%dma_wait3A_1154 : memref<8x32xf32, #tpu.memory_space<hbm>>) dst(%dma_wait3A_1150 : memref<8x32xf32, #tpu.memory_space<vmem>>)
      %dma_wait3A_1155 = arith.constant 0 : i32
      %dma_wait3A_1156 = arith.constant 80 : i32
      %dma_wait3A_1157 = arith.constant 0 : i32
      %dma_wait3A_1158 = tpu.memref_slice %arg12[%dma_wait3A_1156, %dma_wait3A_1157] : memref<128x32xf32, #tpu.memory_space<vmem>> -> memref<8x32xf32, #tpu.memory_space<vmem>>
      %dma_wait3A_1159 = arith.constant 0 : i32
      %dma_wait3A_1160 = arith.constant 0 : i32
      %dma_wait3A_1161 = tpu.memref_slice %arg5[%dma_wait3A_1155, %dma_wait3A_1159, %dma_wait3A_1160] : memref<12500x8x32xf32, #tpu.memory_space<hbm>> -> memref<1x8x32xf32, #tpu.memory_space<hbm>>
      %dma_wait3A_1162 = tpu.memref_squeeze %dma_wait3A_1161 : memref<1x8x32xf32, #tpu.memory_space<hbm>> -> memref<8x32xf32, #tpu.memory_space<hbm>>
      %dma_wait3A_1163 = arith.constant 80 : i32
      %dma_wait3A_1164 = arith.constant 0 : i32
      %dma_wait3A_1165 = tpu.memref_slice %arg12[%dma_wait3A_1163, %dma_wait3A_1164] : memref<128x32xf32, #tpu.memory_space<vmem>> -> memref<8x32xf32, #tpu.memory_space<vmem>>
      %dma_wait3A_1166 = arith.constant 0 : i32
      %dma_wait3A_1167 = arith.constant 0 : i32
      %dma_wait3A_1168 = tpu.memref_slice %arg5[%dma_wait3A_1155, %dma_wait3A_1166, %dma_wait3A_1167] : memref<12500x8x32xf32, #tpu.memory_space<hbm>> -> memref<1x8x32xf32, #tpu.memory_space<hbm>>
      %dma_wait3A_1169 = tpu.memref_squeeze %dma_wait3A_1168 : memref<1x8x32xf32, #tpu.memory_space<hbm>> -> memref<8x32xf32, #tpu.memory_space<hbm>>
      tpu.wait_dma2 semaphore(%arg18 : memref<!tpu.dma_semaphore, #tpu.memory_space<semaphore_mem>>) src(%dma_wait3A_1169 : memref<8x32xf32, #tpu.memory_space<hbm>>) dst(%dma_wait3A_1165 : memref<8x32xf32, #tpu.memory_space<vmem>>)
      %dma_wait3A_1170 = arith.constant 0 : i32
      %dma_wait3A_1171 = arith.constant 88 : i32
      %dma_wait3A_1172 = arith.constant 0 : i32
      %dma_wait3A_1173 = tpu.memref_slice %arg12[%dma_wait3A_1171, %dma_wait3A_1172] : memref<128x32xf32, #tpu.memory_space<vmem>> -> memref<8x32xf32, #tpu.memory_space<vmem>>
      %dma_wait3A_1174 = arith.constant 0 : i32
      %dma_wait3A_1175 = arith.constant 0 : i32
      %dma_wait3A_1176 = tpu.memref_slice %arg5[%dma_wait3A_1170, %dma_wait3A_1174, %dma_wait3A_1175] : memref<12500x8x32xf32, #tpu.memory_space<hbm>> -> memref<1x8x32xf32, #tpu.memory_space<hbm>>
      %dma_wait3A_1177 = tpu.memref_squeeze %dma_wait3A_1176 : memref<1x8x32xf32, #tpu.memory_space<hbm>> -> memref<8x32xf32, #tpu.memory_space<hbm>>
      %dma_wait3A_1178 = arith.constant 88 : i32
      %dma_wait3A_1179 = arith.constant 0 : i32
      %dma_wait3A_1180 = tpu.memref_slice %arg12[%dma_wait3A_1178, %dma_wait3A_1179] : memref<128x32xf32, #tpu.memory_space<vmem>> -> memref<8x32xf32, #tpu.memory_space<vmem>>
      %dma_wait3A_1181 = arith.constant 0 : i32
      %dma_wait3A_1182 = arith.constant 0 : i32
      %dma_wait3A_1183 = tpu.memref_slice %arg5[%dma_wait3A_1170, %dma_wait3A_1181, %dma_wait3A_1182] : memref<12500x8x32xf32, #tpu.memory_space<hbm>> -> memref<1x8x32xf32, #tpu.memory_space<hbm>>
      %dma_wait3A_1184 = tpu.memref_squeeze %dma_wait3A_1183 : memref<1x8x32xf32, #tpu.memory_space<hbm>> -> memref<8x32xf32, #tpu.memory_space<hbm>>
      tpu.wait_dma2 semaphore(%arg18 : memref<!tpu.dma_semaphore, #tpu.memory_space<semaphore_mem>>) src(%dma_wait3A_1184 : memref<8x32xf32, #tpu.memory_space<hbm>>) dst(%dma_wait3A_1180 : memref<8x32xf32, #tpu.memory_space<vmem>>)
      %dma_wait3A_1185 = arith.constant 0 : i32
      %dma_wait3A_1186 = arith.constant 96 : i32
      %dma_wait3A_1187 = arith.constant 0 : i32
      %dma_wait3A_1188 = tpu.memref_slice %arg12[%dma_wait3A_1186, %dma_wait3A_1187] : memref<128x32xf32, #tpu.memory_space<vmem>> -> memref<8x32xf32, #tpu.memory_space<vmem>>
      %dma_wait3A_1189 = arith.constant 0 : i32
      %dma_wait3A_1190 = arith.constant 0 : i32
      %dma_wait3A_1191 = tpu.memref_slice %arg5[%dma_wait3A_1185, %dma_wait3A_1189, %dma_wait3A_1190] : memref<12500x8x32xf32, #tpu.memory_space<hbm>> -> memref<1x8x32xf32, #tpu.memory_space<hbm>>
      %dma_wait3A_1192 = tpu.memref_squeeze %dma_wait3A_1191 : memref<1x8x32xf32, #tpu.memory_space<hbm>> -> memref<8x32xf32, #tpu.memory_space<hbm>>
      %dma_wait3A_1193 = arith.constant 96 : i32
      %dma_wait3A_1194 = arith.constant 0 : i32
      %dma_wait3A_1195 = tpu.memref_slice %arg12[%dma_wait3A_1193, %dma_wait3A_1194] : memref<128x32xf32, #tpu.memory_space<vmem>> -> memref<8x32xf32, #tpu.memory_space<vmem>>
      %dma_wait3A_1196 = arith.constant 0 : i32
      %dma_wait3A_1197 = arith.constant 0 : i32
      %dma_wait3A_1198 = tpu.memref_slice %arg5[%dma_wait3A_1185, %dma_wait3A_1196, %dma_wait3A_1197] : memref<12500x8x32xf32, #tpu.memory_space<hbm>> -> memref<1x8x32xf32, #tpu.memory_space<hbm>>
      %dma_wait3A_1199 = tpu.memref_squeeze %dma_wait3A_1198 : memref<1x8x32xf32, #tpu.memory_space<hbm>> -> memref<8x32xf32, #tpu.memory_space<hbm>>
      tpu.wait_dma2 semaphore(%arg18 : memref<!tpu.dma_semaphore, #tpu.memory_space<semaphore_mem>>) src(%dma_wait3A_1199 : memref<8x32xf32, #tpu.memory_space<hbm>>) dst(%dma_wait3A_1195 : memref<8x32xf32, #tpu.memory_space<vmem>>)
      %dma_wait3A_1200 = arith.constant 0 : i32
      %dma_wait3A_1201 = arith.constant 104 : i32
      %dma_wait3A_1202 = arith.constant 0 : i32
      %dma_wait3A_1203 = tpu.memref_slice %arg12[%dma_wait3A_1201, %dma_wait3A_1202] : memref<128x32xf32, #tpu.memory_space<vmem>> -> memref<8x32xf32, #tpu.memory_space<vmem>>
      %dma_wait3A_1204 = arith.constant 0 : i32
      %dma_wait3A_1205 = arith.constant 0 : i32
      %dma_wait3A_1206 = tpu.memref_slice %arg5[%dma_wait3A_1200, %dma_wait3A_1204, %dma_wait3A_1205] : memref<12500x8x32xf32, #tpu.memory_space<hbm>> -> memref<1x8x32xf32, #tpu.memory_space<hbm>>
      %dma_wait3A_1207 = tpu.memref_squeeze %dma_wait3A_1206 : memref<1x8x32xf32, #tpu.memory_space<hbm>> -> memref<8x32xf32, #tpu.memory_space<hbm>>
      %dma_wait3A_1208 = arith.constant 104 : i32
      %dma_wait3A_1209 = arith.constant 0 : i32
      %dma_wait3A_1210 = tpu.memref_slice %arg12[%dma_wait3A_1208, %dma_wait3A_1209] : memref<128x32xf32, #tpu.memory_space<vmem>> -> memref<8x32xf32, #tpu.memory_space<vmem>>
      %dma_wait3A_1211 = arith.constant 0 : i32
      %dma_wait3A_1212 = arith.constant 0 : i32
      %dma_wait3A_1213 = tpu.memref_slice %arg5[%dma_wait3A_1200, %dma_wait3A_1211, %dma_wait3A_1212] : memref<12500x8x32xf32, #tpu.memory_space<hbm>> -> memref<1x8x32xf32, #tpu.memory_space<hbm>>
      %dma_wait3A_1214 = tpu.memref_squeeze %dma_wait3A_1213 : memref<1x8x32xf32, #tpu.memory_space<hbm>> -> memref<8x32xf32, #tpu.memory_space<hbm>>
      tpu.wait_dma2 semaphore(%arg18 : memref<!tpu.dma_semaphore, #tpu.memory_space<semaphore_mem>>) src(%dma_wait3A_1214 : memref<8x32xf32, #tpu.memory_space<hbm>>) dst(%dma_wait3A_1210 : memref<8x32xf32, #tpu.memory_space<vmem>>)
      %dma_wait3A_1215 = arith.constant 0 : i32
      %dma_wait3A_1216 = arith.constant 112 : i32
      %dma_wait3A_1217 = arith.constant 0 : i32
      %dma_wait3A_1218 = tpu.memref_slice %arg12[%dma_wait3A_1216, %dma_wait3A_1217] : memref<128x32xf32, #tpu.memory_space<vmem>> -> memref<8x32xf32, #tpu.memory_space<vmem>>
      %dma_wait3A_1219 = arith.constant 0 : i32
      %dma_wait3A_1220 = arith.constant 0 : i32
      %dma_wait3A_1221 = tpu.memref_slice %arg5[%dma_wait3A_1215, %dma_wait3A_1219, %dma_wait3A_1220] : memref<12500x8x32xf32, #tpu.memory_space<hbm>> -> memref<1x8x32xf32, #tpu.memory_space<hbm>>
      %dma_wait3A_1222 = tpu.memref_squeeze %dma_wait3A_1221 : memref<1x8x32xf32, #tpu.memory_space<hbm>> -> memref<8x32xf32, #tpu.memory_space<hbm>>
      %dma_wait3A_1223 = arith.constant 112 : i32
      %dma_wait3A_1224 = arith.constant 0 : i32
      %dma_wait3A_1225 = tpu.memref_slice %arg12[%dma_wait3A_1223, %dma_wait3A_1224] : memref<128x32xf32, #tpu.memory_space<vmem>> -> memref<8x32xf32, #tpu.memory_space<vmem>>
      %dma_wait3A_1226 = arith.constant 0 : i32
      %dma_wait3A_1227 = arith.constant 0 : i32
      %dma_wait3A_1228 = tpu.memref_slice %arg5[%dma_wait3A_1215, %dma_wait3A_1226, %dma_wait3A_1227] : memref<12500x8x32xf32, #tpu.memory_space<hbm>> -> memref<1x8x32xf32, #tpu.memory_space<hbm>>
      %dma_wait3A_1229 = tpu.memref_squeeze %dma_wait3A_1228 : memref<1x8x32xf32, #tpu.memory_space<hbm>> -> memref<8x32xf32, #tpu.memory_space<hbm>>
      tpu.wait_dma2 semaphore(%arg18 : memref<!tpu.dma_semaphore, #tpu.memory_space<semaphore_mem>>) src(%dma_wait3A_1229 : memref<8x32xf32, #tpu.memory_space<hbm>>) dst(%dma_wait3A_1225 : memref<8x32xf32, #tpu.memory_space<vmem>>)
      %dma_wait3A_1230 = arith.constant 0 : i32
      %dma_wait3A_1231 = arith.constant 120 : i32
      %dma_wait3A_1232 = arith.constant 0 : i32
      %dma_wait3A_1233 = tpu.memref_slice %arg12[%dma_wait3A_1231, %dma_wait3A_1232] : memref<128x32xf32, #tpu.memory_space<vmem>> -> memref<8x32xf32, #tpu.memory_space<vmem>>
      %dma_wait3A_1234 = arith.constant 0 : i32
      %dma_wait3A_1235 = arith.constant 0 : i32
      %dma_wait3A_1236 = tpu.memref_slice %arg5[%dma_wait3A_1230, %dma_wait3A_1234, %dma_wait3A_1235] : memref<12500x8x32xf32, #tpu.memory_space<hbm>> -> memref<1x8x32xf32, #tpu.memory_space<hbm>>
      %dma_wait3A_1237 = tpu.memref_squeeze %dma_wait3A_1236 : memref<1x8x32xf32, #tpu.memory_space<hbm>> -> memref<8x32xf32, #tpu.memory_space<hbm>>
      %dma_wait3A_1238 = arith.constant 120 : i32
      %dma_wait3A_1239 = arith.constant 0 : i32
      %dma_wait3A_1240 = tpu.memref_slice %arg12[%dma_wait3A_1238, %dma_wait3A_1239] : memref<128x32xf32, #tpu.memory_space<vmem>> -> memref<8x32xf32, #tpu.memory_space<vmem>>
      %dma_wait3A_1241 = arith.constant 0 : i32
      %dma_wait3A_1242 = arith.constant 0 : i32
      %dma_wait3A_1243 = tpu.memref_slice %arg5[%dma_wait3A_1230, %dma_wait3A_1241, %dma_wait3A_1242] : memref<12500x8x32xf32, #tpu.memory_space<hbm>> -> memref<1x8x32xf32, #tpu.memory_space<hbm>>
      %dma_wait3A_1244 = tpu.memref_squeeze %dma_wait3A_1243 : memref<1x8x32xf32, #tpu.memory_space<hbm>> -> memref<8x32xf32, #tpu.memory_space<hbm>>
      tpu.wait_dma2 semaphore(%arg18 : memref<!tpu.dma_semaphore, #tpu.memory_space<semaphore_mem>>) src(%dma_wait3A_1244 : memref<8x32xf32, #tpu.memory_space<hbm>>) dst(%dma_wait3A_1240 : memref<8x32xf32, #tpu.memory_space<vmem>>)
      %mul3A_1245 = arith.constant 16 : i32
      %mul3A_1246 = arith.muli %add3A_546, %mul3A_1245 : i32
      %get3A_1247 = arith.index_cast %mul3A_1246 : i32 to index
      %get3A_1248 = tpu.vector_load %arg9[%get3A_1247] {strides = array<i32>} : memref<512xi32, #tpu.memory_space<vmem>>, vector<16xi32>,
      %mul3A_1249 = arith.constant 16 : i32
      %mul3A_1250 = arith.muli %add3A_546, %mul3A_1249 : i32
      %add3A_1251 = vector.broadcast %mul3A_1250 : i32 to vector<16xi32>
      %add3A_1252 = arith.addi %add3A_1251, %iota3A_1004 : vector<16xi32>
      %and3A_1253 = arith.constant 7 : i32
      %and3A_1254 = vector.broadcast %and3A_1253 : i32 to vector<16xi32>
      %and3A_1255 = arith.andi %get3A_1248, %and3A_1254 : vector<16xi32>
      %mul3A_1256 = arith.constant 8 : i32
      %mul3A_1257 = vector.broadcast %mul3A_1256 : i32 to vector<16xi32>
      %mul3A_1258 = arith.muli %iota3A_1004, %mul3A_1257 : vector<16xi32>
      %add3A_1259 = arith.addi %mul3A_1258, %and3A_1255 : vector<16xi32>
      %shift_right_logical3A_1260 = arith.constant 2 : i32
      %shift_right_logical3A_1261 = vector.broadcast %shift_right_logical3A_1260 : i32 to vector<16xi32>
      %shift_right_logical3A_1262 = arith.shrui %add3A_1252, %shift_right_logical3A_1261 : vector<16xi32>
      %and3A_1263 = arith.constant 3 : i32
      %and3A_1264 = vector.broadcast %and3A_1263 : i32 to vector<16xi32>
      %and3A_1265 = arith.andi %add3A_1252, %and3A_1264 : vector<16xi32>
      %mul3A_1266 = arith.constant 32 : i32
      %mul3A_1267 = vector.broadcast %mul3A_1266 : i32 to vector<16xi32>
      %mul3A_1268 = arith.muli %and3A_1265, %mul3A_1267 : vector<16xi32>
      %broadcast_in_dim3A_1269 = arith.constant 0 : i32
      %broadcast_in_dim3A_1270 = vector.broadcast %broadcast_in_dim3A_1269 : i32 to vector<16xi32>
      %gather3A_1271 = tpu.vector_load_idx %arg12[%add3A_1259, %broadcast_in_dim3A_1270] : memref<128x32xf32, #tpu.memory_space<vmem>>[vector<16xi32>, vector<16xi32>], vector<16xf32>,
      %add3A_1272 = arith.constant 0 : i32
      %add3A_1273 = vector.broadcast %add3A_1272 : i32 to vector<16xi32>
      %add3A_1274 = arith.addi %mul3A_1268, %add3A_1273 : vector<16xi32>
      tpu.vector_store_idx %arg15[%shift_right_logical3A_1262, %add3A_1274], %gather3A_1271 : memref<128x128xf32, #tpu.memory_space<vmem>>[vector<16xi32>, vector<16xi32>], vector<16xf32>,
      %broadcast_in_dim3A_1275 = arith.constant 1 : i32
      %broadcast_in_dim3A_1276 = vector.broadcast %broadcast_in_dim3A_1275 : i32 to vector<16xi32>
      %gather3A_1277 = tpu.vector_load_idx %arg12[%add3A_1259, %broadcast_in_dim3A_1276] : memref<128x32xf32, #tpu.memory_space<vmem>>[vector<16xi32>, vector<16xi32>], vector<16xf32>,
      %add3A_1278 = arith.constant 1 : i32
      %add3A_1279 = vector.broadcast %add3A_1278 : i32 to vector<16xi32>
      %add3A_1280 = arith.addi %mul3A_1268, %add3A_1279 : vector<16xi32>
      tpu.vector_store_idx %arg15[%shift_right_logical3A_1262, %add3A_1280], %gather3A_1277 : memref<128x128xf32, #tpu.memory_space<vmem>>[vector<16xi32>, vector<16xi32>], vector<16xf32>,
      %broadcast_in_dim3A_1281 = arith.constant 2 : i32
      %broadcast_in_dim3A_1282 = vector.broadcast %broadcast_in_dim3A_1281 : i32 to vector<16xi32>
      %gather3A_1283 = tpu.vector_load_idx %arg12[%add3A_1259, %broadcast_in_dim3A_1282] : memref<128x32xf32, #tpu.memory_space<vmem>>[vector<16xi32>, vector<16xi32>], vector<16xf32>,
      %add3A_1284 = arith.constant 2 : i32
      %add3A_1285 = vector.broadcast %add3A_1284 : i32 to vector<16xi32>
      %add3A_1286 = arith.addi %mul3A_1268, %add3A_1285 : vector<16xi32>
      tpu.vector_store_idx %arg15[%shift_right_logical3A_1262, %add3A_1286], %gather3A_1283 : memref<128x128xf32, #tpu.memory_space<vmem>>[vector<16xi32>, vector<16xi32>], vector<16xf32>,
      %broadcast_in_dim3A_1287 = arith.constant 3 : i32
      %broadcast_in_dim3A_1288 = vector.broadcast %broadcast_in_dim3A_1287 : i32 to vector<16xi32>
      %gather3A_1289 = tpu.vector_load_idx %arg12[%add3A_1259, %broadcast_in_dim3A_1288] : memref<128x32xf32, #tpu.memory_space<vmem>>[vector<16xi32>, vector<16xi32>], vector<16xf32>,
      %add3A_1290 = arith.constant 3 : i32
      %add3A_1291 = vector.broadcast %add3A_1290 : i32 to vector<16xi32>
      %add3A_1292 = arith.addi %mul3A_1268, %add3A_1291 : vector<16xi32>
      tpu.vector_store_idx %arg15[%shift_right_logical3A_1262, %add3A_1292], %gather3A_1289 : memref<128x128xf32, #tpu.memory_space<vmem>>[vector<16xi32>, vector<16xi32>], vector<16xf32>,
      %broadcast_in_dim3A_1293 = arith.constant 4 : i32
      %broadcast_in_dim3A_1294 = vector.broadcast %broadcast_in_dim3A_1293 : i32 to vector<16xi32>
      %gather3A_1295 = tpu.vector_load_idx %arg12[%add3A_1259, %broadcast_in_dim3A_1294] : memref<128x32xf32, #tpu.memory_space<vmem>>[vector<16xi32>, vector<16xi32>], vector<16xf32>,
      %add3A_1296 = arith.constant 4 : i32
      %add3A_1297 = vector.broadcast %add3A_1296 : i32 to vector<16xi32>
      %add3A_1298 = arith.addi %mul3A_1268, %add3A_1297 : vector<16xi32>
      tpu.vector_store_idx %arg15[%shift_right_logical3A_1262, %add3A_1298], %gather3A_1295 : memref<128x128xf32, #tpu.memory_space<vmem>>[vector<16xi32>, vector<16xi32>], vector<16xf32>,
      %broadcast_in_dim3A_1299 = arith.constant 5 : i32
      %broadcast_in_dim3A_1300 = vector.broadcast %broadcast_in_dim3A_1299 : i32 to vector<16xi32>
      %gather3A_1301 = tpu.vector_load_idx %arg12[%add3A_1259, %broadcast_in_dim3A_1300] : memref<128x32xf32, #tpu.memory_space<vmem>>[vector<16xi32>, vector<16xi32>], vector<16xf32>,
      %add3A_1302 = arith.constant 5 : i32
      %add3A_1303 = vector.broadcast %add3A_1302 : i32 to vector<16xi32>
      %add3A_1304 = arith.addi %mul3A_1268, %add3A_1303 : vector<16xi32>
      tpu.vector_store_idx %arg15[%shift_right_logical3A_1262, %add3A_1304], %gather3A_1301 : memref<128x128xf32, #tpu.memory_space<vmem>>[vector<16xi32>, vector<16xi32>], vector<16xf32>,
      %broadcast_in_dim3A_1305 = arith.constant 6 : i32
      %broadcast_in_dim3A_1306 = vector.broadcast %broadcast_in_dim3A_1305 : i32 to vector<16xi32>
      %gather3A_1307 = tpu.vector_load_idx %arg12[%add3A_1259, %broadcast_in_dim3A_1306] : memref<128x32xf32, #tpu.memory_space<vmem>>[vector<16xi32>, vector<16xi32>], vector<16xf32>,
      %add3A_1308 = arith.constant 6 : i32
      %add3A_1309 = vector.broadcast %add3A_1308 : i32 to vector<16xi32>
      %add3A_1310 = arith.addi %mul3A_1268, %add3A_1309 : vector<16xi32>
      tpu.vector_store_idx %arg15[%shift_right_logical3A_1262, %add3A_1310], %gather3A_1307 : memref<128x128xf32, #tpu.memory_space<vmem>>[vector<16xi32>, vector<16xi32>], vector<16xf32>,
      %broadcast_in_dim3A_1311 = arith.constant 7 : i32
      %broadcast_in_dim3A_1312 = vector.broadcast %broadcast_in_dim3A_1311 : i32 to vector<16xi32>
      %gather3A_1313 = tpu.vector_load_idx %arg12[%add3A_1259, %broadcast_in_dim3A_1312] : memref<128x32xf32, #tpu.memory_space<vmem>>[vector<16xi32>, vector<16xi32>], vector<16xf32>,
      %add3A_1314 = arith.constant 7 : i32
      %add3A_1315 = vector.broadcast %add3A_1314 : i32 to vector<16xi32>
      %add3A_1316 = arith.addi %mul3A_1268, %add3A_1315 : vector<16xi32>
      tpu.vector_store_idx %arg15[%shift_right_logical3A_1262, %add3A_1316], %gather3A_1313 : memref<128x128xf32, #tpu.memory_space<vmem>>[vector<16xi32>, vector<16xi32>], vector<16xf32>,
      %broadcast_in_dim3A_1317 = arith.constant 8 : i32
      %broadcast_in_dim3A_1318 = vector.broadcast %broadcast_in_dim3A_1317 : i32 to vector<16xi32>
      %gather3A_1319 = tpu.vector_load_idx %arg12[%add3A_1259, %broadcast_in_dim3A_1318] : memref<128x32xf32, #tpu.memory_space<vmem>>[vector<16xi32>, vector<16xi32>], vector<16xf32>,
      %add3A_1320 = arith.constant 8 : i32
      %add3A_1321 = vector.broadcast %add3A_1320 : i32 to vector<16xi32>
      %add3A_1322 = arith.addi %mul3A_1268, %add3A_1321 : vector<16xi32>
      tpu.vector_store_idx %arg15[%shift_right_logical3A_1262, %add3A_1322], %gather3A_1319 : memref<128x128xf32, #tpu.memory_space<vmem>>[vector<16xi32>, vector<16xi32>], vector<16xf32>,
      %broadcast_in_dim3A_1323 = arith.constant 9 : i32
      %broadcast_in_dim3A_1324 = vector.broadcast %broadcast_in_dim3A_1323 : i32 to vector<16xi32>
      %gather3A_1325 = tpu.vector_load_idx %arg12[%add3A_1259, %broadcast_in_dim3A_1324] : memref<128x32xf32, #tpu.memory_space<vmem>>[vector<16xi32>, vector<16xi32>], vector<16xf32>,
      %add3A_1326 = arith.constant 9 : i32
      %add3A_1327 = vector.broadcast %add3A_1326 : i32 to vector<16xi32>
      %add3A_1328 = arith.addi %mul3A_1268, %add3A_1327 : vector<16xi32>
      tpu.vector_store_idx %arg15[%shift_right_logical3A_1262, %add3A_1328], %gather3A_1325 : memref<128x128xf32, #tpu.memory_space<vmem>>[vector<16xi32>, vector<16xi32>], vector<16xf32>,
      %broadcast_in_dim3A_1329 = arith.constant 10 : i32
      %broadcast_in_dim3A_1330 = vector.broadcast %broadcast_in_dim3A_1329 : i32 to vector<16xi32>
      %gather3A_1331 = tpu.vector_load_idx %arg12[%add3A_1259, %broadcast_in_dim3A_1330] : memref<128x32xf32, #tpu.memory_space<vmem>>[vector<16xi32>, vector<16xi32>], vector<16xf32>,
      %add3A_1332 = arith.constant 10 : i32
      %add3A_1333 = vector.broadcast %add3A_1332 : i32 to vector<16xi32>
      %add3A_1334 = arith.addi %mul3A_1268, %add3A_1333 : vector<16xi32>
      tpu.vector_store_idx %arg15[%shift_right_logical3A_1262, %add3A_1334], %gather3A_1331 : memref<128x128xf32, #tpu.memory_space<vmem>>[vector<16xi32>, vector<16xi32>], vector<16xf32>,
      %broadcast_in_dim3A_1335 = arith.constant 11 : i32
      %broadcast_in_dim3A_1336 = vector.broadcast %broadcast_in_dim3A_1335 : i32 to vector<16xi32>
      %gather3A_1337 = tpu.vector_load_idx %arg12[%add3A_1259, %broadcast_in_dim3A_1336] : memref<128x32xf32, #tpu.memory_space<vmem>>[vector<16xi32>, vector<16xi32>], vector<16xf32>,
      %add3A_1338 = arith.constant 11 : i32
      %add3A_1339 = vector.broadcast %add3A_1338 : i32 to vector<16xi32>
      %add3A_1340 = arith.addi %mul3A_1268, %add3A_1339 : vector<16xi32>
      tpu.vector_store_idx %arg15[%shift_right_logical3A_1262, %add3A_1340], %gather3A_1337 : memref<128x128xf32, #tpu.memory_space<vmem>>[vector<16xi32>, vector<16xi32>], vector<16xf32>,
      %broadcast_in_dim3A_1341 = arith.constant 12 : i32
      %broadcast_in_dim3A_1342 = vector.broadcast %broadcast_in_dim3A_1341 : i32 to vector<16xi32>
      %gather3A_1343 = tpu.vector_load_idx %arg12[%add3A_1259, %broadcast_in_dim3A_1342] : memref<128x32xf32, #tpu.memory_space<vmem>>[vector<16xi32>, vector<16xi32>], vector<16xf32>,
      %add3A_1344 = arith.constant 12 : i32
      %add3A_1345 = vector.broadcast %add3A_1344 : i32 to vector<16xi32>
      %add3A_1346 = arith.addi %mul3A_1268, %add3A_1345 : vector<16xi32>
      tpu.vector_store_idx %arg15[%shift_right_logical3A_1262, %add3A_1346], %gather3A_1343 : memref<128x128xf32, #tpu.memory_space<vmem>>[vector<16xi32>, vector<16xi32>], vector<16xf32>,
      %broadcast_in_dim3A_1347 = arith.constant 13 : i32
      %broadcast_in_dim3A_1348 = vector.broadcast %broadcast_in_dim3A_1347 : i32 to vector<16xi32>
      %gather3A_1349 = tpu.vector_load_idx %arg12[%add3A_1259, %broadcast_in_dim3A_1348] : memref<128x32xf32, #tpu.memory_space<vmem>>[vector<16xi32>, vector<16xi32>], vector<16xf32>,
      %add3A_1350 = arith.constant 13 : i32
      %add3A_1351 = vector.broadcast %add3A_1350 : i32 to vector<16xi32>
      %add3A_1352 = arith.addi %mul3A_1268, %add3A_1351 : vector<16xi32>
      tpu.vector_store_idx %arg15[%shift_right_logical3A_1262, %add3A_1352], %gather3A_1349 : memref<128x128xf32, #tpu.memory_space<vmem>>[vector<16xi32>, vector<16xi32>], vector<16xf32>,
      %broadcast_in_dim3A_1353 = arith.constant 14 : i32
      %broadcast_in_dim3A_1354 = vector.broadcast %broadcast_in_dim3A_1353 : i32 to vector<16xi32>
      %gather3A_1355 = tpu.vector_load_idx %arg12[%add3A_1259, %broadcast_in_dim3A_1354] : memref<128x32xf32, #tpu.memory_space<vmem>>[vector<16xi32>, vector<16xi32>], vector<16xf32>,
      %add3A_1356 = arith.constant 14 : i32
      %add3A_1357 = vector.broadcast %add3A_1356 : i32 to vector<16xi32>
      %add3A_1358 = arith.addi %mul3A_1268, %add3A_1357 : vector<16xi32>
      tpu.vector_store_idx %arg15[%shift_right_logical3A_1262, %add3A_1358], %gather3A_1355 : memref<128x128xf32, #tpu.memory_space<vmem>>[vector<16xi32>, vector<16xi32>], vector<16xf32>,
      %broadcast_in_dim3A_1359 = arith.constant 15 : i32
      %broadcast_in_dim3A_1360 = vector.broadcast %broadcast_in_dim3A_1359 : i32 to vector<16xi32>
      %gather3A_1361 = tpu.vector_load_idx %arg12[%add3A_1259, %broadcast_in_dim3A_1360] : memref<128x32xf32, #tpu.memory_space<vmem>>[vector<16xi32>, vector<16xi32>], vector<16xf32>,
      %add3A_1362 = arith.constant 15 : i32
      %add3A_1363 = vector.broadcast %add3A_1362 : i32 to vector<16xi32>
      %add3A_1364 = arith.addi %mul3A_1268, %add3A_1363 : vector<16xi32>
      tpu.vector_store_idx %arg15[%shift_right_logical3A_1262, %add3A_1364], %gather3A_1361 : memref<128x128xf32, #tpu.memory_space<vmem>>[vector<16xi32>, vector<16xi32>], vector<16xf32>,
      %broadcast_in_dim3A_1365 = arith.constant 16 : i32
      %broadcast_in_dim3A_1366 = vector.broadcast %broadcast_in_dim3A_1365 : i32 to vector<16xi32>
      %gather3A_1367 = tpu.vector_load_idx %arg12[%add3A_1259, %broadcast_in_dim3A_1366] : memref<128x32xf32, #tpu.memory_space<vmem>>[vector<16xi32>, vector<16xi32>], vector<16xf32>,
      %add3A_1368 = arith.constant 16 : i32
      %add3A_1369 = vector.broadcast %add3A_1368 : i32 to vector<16xi32>
      %add3A_1370 = arith.addi %mul3A_1268, %add3A_1369 : vector<16xi32>
      tpu.vector_store_idx %arg15[%shift_right_logical3A_1262, %add3A_1370], %gather3A_1367 : memref<128x128xf32, #tpu.memory_space<vmem>>[vector<16xi32>, vector<16xi32>], vector<16xf32>,
      %broadcast_in_dim3A_1371 = arith.constant 17 : i32
      %broadcast_in_dim3A_1372 = vector.broadcast %broadcast_in_dim3A_1371 : i32 to vector<16xi32>
      %gather3A_1373 = tpu.vector_load_idx %arg12[%add3A_1259, %broadcast_in_dim3A_1372] : memref<128x32xf32, #tpu.memory_space<vmem>>[vector<16xi32>, vector<16xi32>], vector<16xf32>,
      %add3A_1374 = arith.constant 17 : i32
      %add3A_1375 = vector.broadcast %add3A_1374 : i32 to vector<16xi32>
      %add3A_1376 = arith.addi %mul3A_1268, %add3A_1375 : vector<16xi32>
      tpu.vector_store_idx %arg15[%shift_right_logical3A_1262, %add3A_1376], %gather3A_1373 : memref<128x128xf32, #tpu.memory_space<vmem>>[vector<16xi32>, vector<16xi32>], vector<16xf32>,
      %broadcast_in_dim3A_1377 = arith.constant 18 : i32
      %broadcast_in_dim3A_1378 = vector.broadcast %broadcast_in_dim3A_1377 : i32 to vector<16xi32>
      %gather3A_1379 = tpu.vector_load_idx %arg12[%add3A_1259, %broadcast_in_dim3A_1378] : memref<128x32xf32, #tpu.memory_space<vmem>>[vector<16xi32>, vector<16xi32>], vector<16xf32>,
      %add3A_1380 = arith.constant 18 : i32
      %add3A_1381 = vector.broadcast %add3A_1380 : i32 to vector<16xi32>
      %add3A_1382 = arith.addi %mul3A_1268, %add3A_1381 : vector<16xi32>
      tpu.vector_store_idx %arg15[%shift_right_logical3A_1262, %add3A_1382], %gather3A_1379 : memref<128x128xf32, #tpu.memory_space<vmem>>[vector<16xi32>, vector<16xi32>], vector<16xf32>,
      %broadcast_in_dim3A_1383 = arith.constant 19 : i32
      %broadcast_in_dim3A_1384 = vector.broadcast %broadcast_in_dim3A_1383 : i32 to vector<16xi32>
      %gather3A_1385 = tpu.vector_load_idx %arg12[%add3A_1259, %broadcast_in_dim3A_1384] : memref<128x32xf32, #tpu.memory_space<vmem>>[vector<16xi32>, vector<16xi32>], vector<16xf32>,
      %add3A_1386 = arith.constant 19 : i32
      %add3A_1387 = vector.broadcast %add3A_1386 : i32 to vector<16xi32>
      %add3A_1388 = arith.addi %mul3A_1268, %add3A_1387 : vector<16xi32>
      tpu.vector_store_idx %arg15[%shift_right_logical3A_1262, %add3A_1388], %gather3A_1385 : memref<128x128xf32, #tpu.memory_space<vmem>>[vector<16xi32>, vector<16xi32>], vector<16xf32>,
      %broadcast_in_dim3A_1389 = arith.constant 20 : i32
      %broadcast_in_dim3A_1390 = vector.broadcast %broadcast_in_dim3A_1389 : i32 to vector<16xi32>
      %gather3A_1391 = tpu.vector_load_idx %arg12[%add3A_1259, %broadcast_in_dim3A_1390] : memref<128x32xf32, #tpu.memory_space<vmem>>[vector<16xi32>, vector<16xi32>], vector<16xf32>,
      %add3A_1392 = arith.constant 20 : i32
      %add3A_1393 = vector.broadcast %add3A_1392 : i32 to vector<16xi32>
      %add3A_1394 = arith.addi %mul3A_1268, %add3A_1393 : vector<16xi32>
      tpu.vector_store_idx %arg15[%shift_right_logical3A_1262, %add3A_1394], %gather3A_1391 : memref<128x128xf32, #tpu.memory_space<vmem>>[vector<16xi32>, vector<16xi32>], vector<16xf32>,
      %broadcast_in_dim3A_1395 = arith.constant 21 : i32
      %broadcast_in_dim3A_1396 = vector.broadcast %broadcast_in_dim3A_1395 : i32 to vector<16xi32>
      %gather3A_1397 = tpu.vector_load_idx %arg12[%add3A_1259, %broadcast_in_dim3A_1396] : memref<128x32xf32, #tpu.memory_space<vmem>>[vector<16xi32>, vector<16xi32>], vector<16xf32>,
      %add3A_1398 = arith.constant 21 : i32
      %add3A_1399 = vector.broadcast %add3A_1398 : i32 to vector<16xi32>
      %add3A_1400 = arith.addi %mul3A_1268, %add3A_1399 : vector<16xi32>
      tpu.vector_store_idx %arg15[%shift_right_logical3A_1262, %add3A_1400], %gather3A_1397 : memref<128x128xf32, #tpu.memory_space<vmem>>[vector<16xi32>, vector<16xi32>], vector<16xf32>,
      %broadcast_in_dim3A_1401 = arith.constant 22 : i32
      %broadcast_in_dim3A_1402 = vector.broadcast %broadcast_in_dim3A_1401 : i32 to vector<16xi32>
      %gather3A_1403 = tpu.vector_load_idx %arg12[%add3A_1259, %broadcast_in_dim3A_1402] : memref<128x32xf32, #tpu.memory_space<vmem>>[vector<16xi32>, vector<16xi32>], vector<16xf32>,
      %add3A_1404 = arith.constant 22 : i32
      %add3A_1405 = vector.broadcast %add3A_1404 : i32 to vector<16xi32>
      %add3A_1406 = arith.addi %mul3A_1268, %add3A_1405 : vector<16xi32>
      tpu.vector_store_idx %arg15[%shift_right_logical3A_1262, %add3A_1406], %gather3A_1403 : memref<128x128xf32, #tpu.memory_space<vmem>>[vector<16xi32>, vector<16xi32>], vector<16xf32>,
      %broadcast_in_dim3A_1407 = arith.constant 23 : i32
      %broadcast_in_dim3A_1408 = vector.broadcast %broadcast_in_dim3A_1407 : i32 to vector<16xi32>
      %gather3A_1409 = tpu.vector_load_idx %arg12[%add3A_1259, %broadcast_in_dim3A_1408] : memref<128x32xf32, #tpu.memory_space<vmem>>[vector<16xi32>, vector<16xi32>], vector<16xf32>,
      %add3A_1410 = arith.constant 23 : i32
      %add3A_1411 = vector.broadcast %add3A_1410 : i32 to vector<16xi32>
      %add3A_1412 = arith.addi %mul3A_1268, %add3A_1411 : vector<16xi32>
      tpu.vector_store_idx %arg15[%shift_right_logical3A_1262, %add3A_1412], %gather3A_1409 : memref<128x128xf32, #tpu.memory_space<vmem>>[vector<16xi32>, vector<16xi32>], vector<16xf32>,
      %broadcast_in_dim3A_1413 = arith.constant 24 : i32
      %broadcast_in_dim3A_1414 = vector.broadcast %broadcast_in_dim3A_1413 : i32 to vector<16xi32>
      %gather3A_1415 = tpu.vector_load_idx %arg12[%add3A_1259, %broadcast_in_dim3A_1414] : memref<128x32xf32, #tpu.memory_space<vmem>>[vector<16xi32>, vector<16xi32>], vector<16xf32>,
      %add3A_1416 = arith.constant 24 : i32
      %add3A_1417 = vector.broadcast %add3A_1416 : i32 to vector<16xi32>
      %add3A_1418 = arith.addi %mul3A_1268, %add3A_1417 : vector<16xi32>
      tpu.vector_store_idx %arg15[%shift_right_logical3A_1262, %add3A_1418], %gather3A_1415 : memref<128x128xf32, #tpu.memory_space<vmem>>[vector<16xi32>, vector<16xi32>], vector<16xf32>,
      %broadcast_in_dim3A_1419 = arith.constant 25 : i32
      %broadcast_in_dim3A_1420 = vector.broadcast %broadcast_in_dim3A_1419 : i32 to vector<16xi32>
      %gather3A_1421 = tpu.vector_load_idx %arg12[%add3A_1259, %broadcast_in_dim3A_1420] : memref<128x32xf32, #tpu.memory_space<vmem>>[vector<16xi32>, vector<16xi32>], vector<16xf32>,
      %add3A_1422 = arith.constant 25 : i32
      %add3A_1423 = vector.broadcast %add3A_1422 : i32 to vector<16xi32>
      %add3A_1424 = arith.addi %mul3A_1268, %add3A_1423 : vector<16xi32>
      tpu.vector_store_idx %arg15[%shift_right_logical3A_1262, %add3A_1424], %gather3A_1421 : memref<128x128xf32, #tpu.memory_space<vmem>>[vector<16xi32>, vector<16xi32>], vector<16xf32>,
      %broadcast_in_dim3A_1425 = arith.constant 26 : i32
      %broadcast_in_dim3A_1426 = vector.broadcast %broadcast_in_dim3A_1425 : i32 to vector<16xi32>
      %gather3A_1427 = tpu.vector_load_idx %arg12[%add3A_1259, %broadcast_in_dim3A_1426] : memref<128x32xf32, #tpu.memory_space<vmem>>[vector<16xi32>, vector<16xi32>], vector<16xf32>,
      %add3A_1428 = arith.constant 26 : i32
      %add3A_1429 = vector.broadcast %add3A_1428 : i32 to vector<16xi32>
      %add3A_1430 = arith.addi %mul3A_1268, %add3A_1429 : vector<16xi32>
      tpu.vector_store_idx %arg15[%shift_right_logical3A_1262, %add3A_1430], %gather3A_1427 : memref<128x128xf32, #tpu.memory_space<vmem>>[vector<16xi32>, vector<16xi32>], vector<16xf32>,
      %broadcast_in_dim3A_1431 = arith.constant 27 : i32
      %broadcast_in_dim3A_1432 = vector.broadcast %broadcast_in_dim3A_1431 : i32 to vector<16xi32>
      %gather3A_1433 = tpu.vector_load_idx %arg12[%add3A_1259, %broadcast_in_dim3A_1432] : memref<128x32xf32, #tpu.memory_space<vmem>>[vector<16xi32>, vector<16xi32>], vector<16xf32>,
      %add3A_1434 = arith.constant 27 : i32
      %add3A_1435 = vector.broadcast %add3A_1434 : i32 to vector<16xi32>
      %add3A_1436 = arith.addi %mul3A_1268, %add3A_1435 : vector<16xi32>
      tpu.vector_store_idx %arg15[%shift_right_logical3A_1262, %add3A_1436], %gather3A_1433 : memref<128x128xf32, #tpu.memory_space<vmem>>[vector<16xi32>, vector<16xi32>], vector<16xf32>,
      %broadcast_in_dim3A_1437 = arith.constant 28 : i32
      %broadcast_in_dim3A_1438 = vector.broadcast %broadcast_in_dim3A_1437 : i32 to vector<16xi32>
      %gather3A_1439 = tpu.vector_load_idx %arg12[%add3A_1259, %broadcast_in_dim3A_1438] : memref<128x32xf32, #tpu.memory_space<vmem>>[vector<16xi32>, vector<16xi32>], vector<16xf32>,
      %add3A_1440 = arith.constant 28 : i32
      %add3A_1441 = vector.broadcast %add3A_1440 : i32 to vector<16xi32>
      %add3A_1442 = arith.addi %mul3A_1268, %add3A_1441 : vector<16xi32>
      tpu.vector_store_idx %arg15[%shift_right_logical3A_1262, %add3A_1442], %gather3A_1439 : memref<128x128xf32, #tpu.memory_space<vmem>>[vector<16xi32>, vector<16xi32>], vector<16xf32>,
      %broadcast_in_dim3A_1443 = arith.constant 29 : i32
      %broadcast_in_dim3A_1444 = vector.broadcast %broadcast_in_dim3A_1443 : i32 to vector<16xi32>
      %gather3A_1445 = tpu.vector_load_idx %arg12[%add3A_1259, %broadcast_in_dim3A_1444] : memref<128x32xf32, #tpu.memory_space<vmem>>[vector<16xi32>, vector<16xi32>], vector<16xf32>,
      %add3A_1446 = arith.constant 29 : i32
      %add3A_1447 = vector.broadcast %add3A_1446 : i32 to vector<16xi32>
      %add3A_1448 = arith.addi %mul3A_1268, %add3A_1447 : vector<16xi32>
      tpu.vector_store_idx %arg15[%shift_right_logical3A_1262, %add3A_1448], %gather3A_1445 : memref<128x128xf32, #tpu.memory_space<vmem>>[vector<16xi32>, vector<16xi32>], vector<16xf32>,
      %broadcast_in_dim3A_1449 = arith.constant 30 : i32
      %broadcast_in_dim3A_1450 = vector.broadcast %broadcast_in_dim3A_1449 : i32 to vector<16xi32>
      %gather3A_1451 = tpu.vector_load_idx %arg12[%add3A_1259, %broadcast_in_dim3A_1450] : memref<128x32xf32, #tpu.memory_space<vmem>>[vector<16xi32>, vector<16xi32>], vector<16xf32>,
      %add3A_1452 = arith.constant 30 : i32
      %add3A_1453 = vector.broadcast %add3A_1452 : i32 to vector<16xi32>
      %add3A_1454 = arith.addi %mul3A_1268, %add3A_1453 : vector<16xi32>
      tpu.vector_store_idx %arg15[%shift_right_logical3A_1262, %add3A_1454], %gather3A_1451 : memref<128x128xf32, #tpu.memory_space<vmem>>[vector<16xi32>, vector<16xi32>], vector<16xf32>,
      %broadcast_in_dim3A_1455 = arith.constant 31 : i32
      %broadcast_in_dim3A_1456 = vector.broadcast %broadcast_in_dim3A_1455 : i32 to vector<16xi32>
      %gather3A_1457 = tpu.vector_load_idx %arg12[%add3A_1259, %broadcast_in_dim3A_1456] : memref<128x32xf32, #tpu.memory_space<vmem>>[vector<16xi32>, vector<16xi32>], vector<16xf32>,
      %add3A_1458 = arith.constant 31 : i32
      %add3A_1459 = vector.broadcast %add3A_1458 : i32 to vector<16xi32>
      %add3A_1460 = arith.addi %mul3A_1268, %add3A_1459 : vector<16xi32>
      tpu.vector_store_idx %arg15[%shift_right_logical3A_1262, %add3A_1460], %gather3A_1457 : memref<128x128xf32, #tpu.memory_space<vmem>>[vector<16xi32>, vector<16xi32>], vector<16xf32>,
      %mul3A_1461 = arith.constant 2 : i32
      %mul3A_1462 = arith.muli %scan3A_542, %mul3A_1461 : i32
      %add3A_1463 = arith.constant 1 : i32
      %add3A_1464 = arith.addi %mul3A_1462, %add3A_1463 : i32
      %add3A_1465 = arith.constant 1 : i32
      %add3A_1466 = arith.addi %add3A_1464, %add3A_1465 : i32
      %lt3A_1467 = arith.constant 32 : i32
      %lt3A_1468 = arith.cmpi slt, %add3A_1466, %lt3A_1467 : i32
      %convert_element_type3A_1469 = arith.extui %lt3A_1468 : i1 to i32
      %cond3A_1470 = arith.constant 0 : i32
      %cond3A_1471 = arith.cmpi ne, %convert_element_type3A_1469, %cond3A_1470 : i32
      scf.if %cond3A_1471 {
        %mul3A_2386 = arith.constant 16 : i32
        %mul3A_2387 = arith.muli %add3A_1466, %mul3A_2386 : i32
        %get3A_2388 = arith.index_cast %mul3A_2387 : i32 to index
        %get3A_2389 = tpu.vector_load %arg8[%get3A_2388] {strides = array<i32>} : memref<512xi32, #tpu.memory_space<vmem>>, vector<16xi32>,
        %shift_right_logical3A_2390 = arith.constant 3 : i32
        %shift_right_logical3A_2391 = vector.broadcast %shift_right_logical3A_2390 : i32 to vector<16xi32>
        %shift_right_logical3A_2392 = arith.shrui %get3A_2389, %shift_right_logical3A_2391 : vector<16xi32>
        %slice3A_2393 = vector.extract_strided_slice %shift_right_logical3A_2392 {offsets = [0], sizes = [1], strides = [1]} : vector<16xi32> to vector<1xi32>
        %squeeze3A_2394 = vector.extract %slice3A_2393[0] : i32 from vector<1xi32>
        %dma_start3A_2395 = arith.constant 0 : i32
        %dma_start3A_2396 = arith.constant 0 : i32
        %dma_start3A_2397 = tpu.memref_slice %arg10[%dma_start3A_2395, %dma_start3A_2396] : memref<128x32xf32, #tpu.memory_space<vmem>> -> memref<8x32xf32, #tpu.memory_space<vmem>>
        %dma_start3A_2398 = arith.constant 0 : i32
        %dma_start3A_2399 = arith.constant 0 : i32
        %dma_start3A_2400 = tpu.memref_slice %arg4[%squeeze3A_2394, %dma_start3A_2398, %dma_start3A_2399] : memref<125000x8x32xf32, #tpu.memory_space<hbm>> -> memref<1x8x32xf32, #tpu.memory_space<hbm>>
        %dma_start3A_2401 = tpu.memref_squeeze %dma_start3A_2400 : memref<1x8x32xf32, #tpu.memory_space<hbm>> -> memref<8x32xf32, #tpu.memory_space<hbm>>
        %dma_start3A_2402 = arith.constant 0 : i32
        %dma_start3A_2403 = arith.constant 0 : i32
        %dma_start3A_2404 = tpu.memref_slice %arg10[%dma_start3A_2402, %dma_start3A_2403] : memref<128x32xf32, #tpu.memory_space<vmem>> -> memref<8x32xf32, #tpu.memory_space<vmem>>
        %dma_start3A_2405 = arith.constant 0 : i32
        %dma_start3A_2406 = arith.constant 0 : i32
        %dma_start3A_2407 = tpu.memref_slice %arg4[%squeeze3A_2394, %dma_start3A_2405, %dma_start3A_2406] : memref<125000x8x32xf32, #tpu.memory_space<hbm>> -> memref<1x8x32xf32, #tpu.memory_space<hbm>>
        %dma_start3A_2408 = tpu.memref_squeeze %dma_start3A_2407 : memref<1x8x32xf32, #tpu.memory_space<hbm>> -> memref<8x32xf32, #tpu.memory_space<hbm>>
        tpu.enqueue_dma source(%dma_start3A_2408 : memref<8x32xf32, #tpu.memory_space<hbm>>) target(%dma_start3A_2404 : memref<8x32xf32, #tpu.memory_space<vmem>>) target_semaphore(%arg16 : memref<!tpu.dma_semaphore, #tpu.memory_space<semaphore_mem>>)
        %slice3A_2409 = vector.extract_strided_slice %shift_right_logical3A_2392 {offsets = [1], sizes = [1], strides = [1]} : vector<16xi32> to vector<1xi32>
        %squeeze3A_2410 = vector.extract %slice3A_2409[0] : i32 from vector<1xi32>
        %dma_start3A_2411 = arith.constant 8 : i32
        %dma_start3A_2412 = arith.constant 0 : i32
        %dma_start3A_2413 = tpu.memref_slice %arg10[%dma_start3A_2411, %dma_start3A_2412] : memref<128x32xf32, #tpu.memory_space<vmem>> -> memref<8x32xf32, #tpu.memory_space<vmem>>
        %dma_start3A_2414 = arith.constant 0 : i32
        %dma_start3A_2415 = arith.constant 0 : i32
        %dma_start3A_2416 = tpu.memref_slice %arg4[%squeeze3A_2410, %dma_start3A_2414, %dma_start3A_2415] : memref<125000x8x32xf32, #tpu.memory_space<hbm>> -> memref<1x8x32xf32, #tpu.memory_space<hbm>>
        %dma_start3A_2417 = tpu.memref_squeeze %dma_start3A_2416 : memref<1x8x32xf32, #tpu.memory_space<hbm>> -> memref<8x32xf32, #tpu.memory_space<hbm>>
        %dma_start3A_2418 = arith.constant 8 : i32
        %dma_start3A_2419 = arith.constant 0 : i32
        %dma_start3A_2420 = tpu.memref_slice %arg10[%dma_start3A_2418, %dma_start3A_2419] : memref<128x32xf32, #tpu.memory_space<vmem>> -> memref<8x32xf32, #tpu.memory_space<vmem>>
        %dma_start3A_2421 = arith.constant 0 : i32
        %dma_start3A_2422 = arith.constant 0 : i32
        %dma_start3A_2423 = tpu.memref_slice %arg4[%squeeze3A_2410, %dma_start3A_2421, %dma_start3A_2422] : memref<125000x8x32xf32, #tpu.memory_space<hbm>> -> memref<1x8x32xf32, #tpu.memory_space<hbm>>
        %dma_start3A_2424 = tpu.memref_squeeze %dma_start3A_2423 : memref<1x8x32xf32, #tpu.memory_space<hbm>> -> memref<8x32xf32, #tpu.memory_space<hbm>>
        tpu.enqueue_dma source(%dma_start3A_2424 : memref<8x32xf32, #tpu.memory_space<hbm>>) target(%dma_start3A_2420 : memref<8x32xf32, #tpu.memory_space<vmem>>) target_semaphore(%arg16 : memref<!tpu.dma_semaphore, #tpu.memory_space<semaphore_mem>>)
        %slice3A_2425 = vector.extract_strided_slice %shift_right_logical3A_2392 {offsets = [2], sizes = [1], strides = [1]} : vector<16xi32> to vector<1xi32>
        %squeeze3A_2426 = vector.extract %slice3A_2425[0] : i32 from vector<1xi32>
        %dma_start3A_2427 = arith.constant 16 : i32
        %dma_start3A_2428 = arith.constant 0 : i32
        %dma_start3A_2429 = tpu.memref_slice %arg10[%dma_start3A_2427, %dma_start3A_2428] : memref<128x32xf32, #tpu.memory_space<vmem>> -> memref<8x32xf32, #tpu.memory_space<vmem>>
        %dma_start3A_2430 = arith.constant 0 : i32
        %dma_start3A_2431 = arith.constant 0 : i32
        %dma_start3A_2432 = tpu.memref_slice %arg4[%squeeze3A_2426, %dma_start3A_2430, %dma_start3A_2431] : memref<125000x8x32xf32, #tpu.memory_space<hbm>> -> memref<1x8x32xf32, #tpu.memory_space<hbm>>
        %dma_start3A_2433 = tpu.memref_squeeze %dma_start3A_2432 : memref<1x8x32xf32, #tpu.memory_space<hbm>> -> memref<8x32xf32, #tpu.memory_space<hbm>>
        %dma_start3A_2434 = arith.constant 16 : i32
        %dma_start3A_2435 = arith.constant 0 : i32
        %dma_start3A_2436 = tpu.memref_slice %arg10[%dma_start3A_2434, %dma_start3A_2435] : memref<128x32xf32, #tpu.memory_space<vmem>> -> memref<8x32xf32, #tpu.memory_space<vmem>>
        %dma_start3A_2437 = arith.constant 0 : i32
        %dma_start3A_2438 = arith.constant 0 : i32
        %dma_start3A_2439 = tpu.memref_slice %arg4[%squeeze3A_2426, %dma_start3A_2437, %dma_start3A_2438] : memref<125000x8x32xf32, #tpu.memory_space<hbm>> -> memref<1x8x32xf32, #tpu.memory_space<hbm>>
        %dma_start3A_2440 = tpu.memref_squeeze %dma_start3A_2439 : memref<1x8x32xf32, #tpu.memory_space<hbm>> -> memref<8x32xf32, #tpu.memory_space<hbm>>
        tpu.enqueue_dma source(%dma_start3A_2440 : memref<8x32xf32, #tpu.memory_space<hbm>>) target(%dma_start3A_2436 : memref<8x32xf32, #tpu.memory_space<vmem>>) target_semaphore(%arg16 : memref<!tpu.dma_semaphore, #tpu.memory_space<semaphore_mem>>)
        %slice3A_2441 = vector.extract_strided_slice %shift_right_logical3A_2392 {offsets = [3], sizes = [1], strides = [1]} : vector<16xi32> to vector<1xi32>
        %squeeze3A_2442 = vector.extract %slice3A_2441[0] : i32 from vector<1xi32>
        %dma_start3A_2443 = arith.constant 24 : i32
        %dma_start3A_2444 = arith.constant 0 : i32
        %dma_start3A_2445 = tpu.memref_slice %arg10[%dma_start3A_2443, %dma_start3A_2444] : memref<128x32xf32, #tpu.memory_space<vmem>> -> memref<8x32xf32, #tpu.memory_space<vmem>>
        %dma_start3A_2446 = arith.constant 0 : i32
        %dma_start3A_2447 = arith.constant 0 : i32
        %dma_start3A_2448 = tpu.memref_slice %arg4[%squeeze3A_2442, %dma_start3A_2446, %dma_start3A_2447] : memref<125000x8x32xf32, #tpu.memory_space<hbm>> -> memref<1x8x32xf32, #tpu.memory_space<hbm>>
        %dma_start3A_2449 = tpu.memref_squeeze %dma_start3A_2448 : memref<1x8x32xf32, #tpu.memory_space<hbm>> -> memref<8x32xf32, #tpu.memory_space<hbm>>
        %dma_start3A_2450 = arith.constant 24 : i32
        %dma_start3A_2451 = arith.constant 0 : i32
        %dma_start3A_2452 = tpu.memref_slice %arg10[%dma_start3A_2450, %dma_start3A_2451] : memref<128x32xf32, #tpu.memory_space<vmem>> -> memref<8x32xf32, #tpu.memory_space<vmem>>
        %dma_start3A_2453 = arith.constant 0 : i32
        %dma_start3A_2454 = arith.constant 0 : i32
        %dma_start3A_2455 = tpu.memref_slice %arg4[%squeeze3A_2442, %dma_start3A_2453, %dma_start3A_2454] : memref<125000x8x32xf32, #tpu.memory_space<hbm>> -> memref<1x8x32xf32, #tpu.memory_space<hbm>>
        %dma_start3A_2456 = tpu.memref_squeeze %dma_start3A_2455 : memref<1x8x32xf32, #tpu.memory_space<hbm>> -> memref<8x32xf32, #tpu.memory_space<hbm>>
        tpu.enqueue_dma source(%dma_start3A_2456 : memref<8x32xf32, #tpu.memory_space<hbm>>) target(%dma_start3A_2452 : memref<8x32xf32, #tpu.memory_space<vmem>>) target_semaphore(%arg16 : memref<!tpu.dma_semaphore, #tpu.memory_space<semaphore_mem>>)
        %slice3A_2457 = vector.extract_strided_slice %shift_right_logical3A_2392 {offsets = [4], sizes = [1], strides = [1]} : vector<16xi32> to vector<1xi32>
        %squeeze3A_2458 = vector.extract %slice3A_2457[0] : i32 from vector<1xi32>
        %dma_start3A_2459 = arith.constant 32 : i32
        %dma_start3A_2460 = arith.constant 0 : i32
        %dma_start3A_2461 = tpu.memref_slice %arg10[%dma_start3A_2459, %dma_start3A_2460] : memref<128x32xf32, #tpu.memory_space<vmem>> -> memref<8x32xf32, #tpu.memory_space<vmem>>
        %dma_start3A_2462 = arith.constant 0 : i32
        %dma_start3A_2463 = arith.constant 0 : i32
        %dma_start3A_2464 = tpu.memref_slice %arg4[%squeeze3A_2458, %dma_start3A_2462, %dma_start3A_2463] : memref<125000x8x32xf32, #tpu.memory_space<hbm>> -> memref<1x8x32xf32, #tpu.memory_space<hbm>>
        %dma_start3A_2465 = tpu.memref_squeeze %dma_start3A_2464 : memref<1x8x32xf32, #tpu.memory_space<hbm>> -> memref<8x32xf32, #tpu.memory_space<hbm>>
        %dma_start3A_2466 = arith.constant 32 : i32
        %dma_start3A_2467 = arith.constant 0 : i32
        %dma_start3A_2468 = tpu.memref_slice %arg10[%dma_start3A_2466, %dma_start3A_2467] : memref<128x32xf32, #tpu.memory_space<vmem>> -> memref<8x32xf32, #tpu.memory_space<vmem>>
        %dma_start3A_2469 = arith.constant 0 : i32
        %dma_start3A_2470 = arith.constant 0 : i32
        %dma_start3A_2471 = tpu.memref_slice %arg4[%squeeze3A_2458, %dma_start3A_2469, %dma_start3A_2470] : memref<125000x8x32xf32, #tpu.memory_space<hbm>> -> memref<1x8x32xf32, #tpu.memory_space<hbm>>
        %dma_start3A_2472 = tpu.memref_squeeze %dma_start3A_2471 : memref<1x8x32xf32, #tpu.memory_space<hbm>> -> memref<8x32xf32, #tpu.memory_space<hbm>>
        tpu.enqueue_dma source(%dma_start3A_2472 : memref<8x32xf32, #tpu.memory_space<hbm>>) target(%dma_start3A_2468 : memref<8x32xf32, #tpu.memory_space<vmem>>) target_semaphore(%arg16 : memref<!tpu.dma_semaphore, #tpu.memory_space<semaphore_mem>>)
        %slice3A_2473 = vector.extract_strided_slice %shift_right_logical3A_2392 {offsets = [5], sizes = [1], strides = [1]} : vector<16xi32> to vector<1xi32>
        %squeeze3A_2474 = vector.extract %slice3A_2473[0] : i32 from vector<1xi32>
        %dma_start3A_2475 = arith.constant 40 : i32
        %dma_start3A_2476 = arith.constant 0 : i32
        %dma_start3A_2477 = tpu.memref_slice %arg10[%dma_start3A_2475, %dma_start3A_2476] : memref<128x32xf32, #tpu.memory_space<vmem>> -> memref<8x32xf32, #tpu.memory_space<vmem>>
        %dma_start3A_2478 = arith.constant 0 : i32
        %dma_start3A_2479 = arith.constant 0 : i32
        %dma_start3A_2480 = tpu.memref_slice %arg4[%squeeze3A_2474, %dma_start3A_2478, %dma_start3A_2479] : memref<125000x8x32xf32, #tpu.memory_space<hbm>> -> memref<1x8x32xf32, #tpu.memory_space<hbm>>
        %dma_start3A_2481 = tpu.memref_squeeze %dma_start3A_2480 : memref<1x8x32xf32, #tpu.memory_space<hbm>> -> memref<8x32xf32, #tpu.memory_space<hbm>>
        %dma_start3A_2482 = arith.constant 40 : i32
        %dma_start3A_2483 = arith.constant 0 : i32
        %dma_start3A_2484 = tpu.memref_slice %arg10[%dma_start3A_2482, %dma_start3A_2483] : memref<128x32xf32, #tpu.memory_space<vmem>> -> memref<8x32xf32, #tpu.memory_space<vmem>>
        %dma_start3A_2485 = arith.constant 0 : i32
        %dma_start3A_2486 = arith.constant 0 : i32
        %dma_start3A_2487 = tpu.memref_slice %arg4[%squeeze3A_2474, %dma_start3A_2485, %dma_start3A_2486] : memref<125000x8x32xf32, #tpu.memory_space<hbm>> -> memref<1x8x32xf32, #tpu.memory_space<hbm>>
        %dma_start3A_2488 = tpu.memref_squeeze %dma_start3A_2487 : memref<1x8x32xf32, #tpu.memory_space<hbm>> -> memref<8x32xf32, #tpu.memory_space<hbm>>
        tpu.enqueue_dma source(%dma_start3A_2488 : memref<8x32xf32, #tpu.memory_space<hbm>>) target(%dma_start3A_2484 : memref<8x32xf32, #tpu.memory_space<vmem>>) target_semaphore(%arg16 : memref<!tpu.dma_semaphore, #tpu.memory_space<semaphore_mem>>)
        %slice3A_2489 = vector.extract_strided_slice %shift_right_logical3A_2392 {offsets = [6], sizes = [1], strides = [1]} : vector<16xi32> to vector<1xi32>
        %squeeze3A_2490 = vector.extract %slice3A_2489[0] : i32 from vector<1xi32>
        %dma_start3A_2491 = arith.constant 48 : i32
        %dma_start3A_2492 = arith.constant 0 : i32
        %dma_start3A_2493 = tpu.memref_slice %arg10[%dma_start3A_2491, %dma_start3A_2492] : memref<128x32xf32, #tpu.memory_space<vmem>> -> memref<8x32xf32, #tpu.memory_space<vmem>>
        %dma_start3A_2494 = arith.constant 0 : i32
        %dma_start3A_2495 = arith.constant 0 : i32
        %dma_start3A_2496 = tpu.memref_slice %arg4[%squeeze3A_2490, %dma_start3A_2494, %dma_start3A_2495] : memref<125000x8x32xf32, #tpu.memory_space<hbm>> -> memref<1x8x32xf32, #tpu.memory_space<hbm>>
        %dma_start3A_2497 = tpu.memref_squeeze %dma_start3A_2496 : memref<1x8x32xf32, #tpu.memory_space<hbm>> -> memref<8x32xf32, #tpu.memory_space<hbm>>
        %dma_start3A_2498 = arith.constant 48 : i32
        %dma_start3A_2499 = arith.constant 0 : i32
        %dma_start3A_2500 = tpu.memref_slice %arg10[%dma_start3A_2498, %dma_start3A_2499] : memref<128x32xf32, #tpu.memory_space<vmem>> -> memref<8x32xf32, #tpu.memory_space<vmem>>
        %dma_start3A_2501 = arith.constant 0 : i32
        %dma_start3A_2502 = arith.constant 0 : i32
        %dma_start3A_2503 = tpu.memref_slice %arg4[%squeeze3A_2490, %dma_start3A_2501, %dma_start3A_2502] : memref<125000x8x32xf32, #tpu.memory_space<hbm>> -> memref<1x8x32xf32, #tpu.memory_space<hbm>>
        %dma_start3A_2504 = tpu.memref_squeeze %dma_start3A_2503 : memref<1x8x32xf32, #tpu.memory_space<hbm>> -> memref<8x32xf32, #tpu.memory_space<hbm>>
        tpu.enqueue_dma source(%dma_start3A_2504 : memref<8x32xf32, #tpu.memory_space<hbm>>) target(%dma_start3A_2500 : memref<8x32xf32, #tpu.memory_space<vmem>>) target_semaphore(%arg16 : memref<!tpu.dma_semaphore, #tpu.memory_space<semaphore_mem>>)
        %slice3A_2505 = vector.extract_strided_slice %shift_right_logical3A_2392 {offsets = [7], sizes = [1], strides = [1]} : vector<16xi32> to vector<1xi32>
        %squeeze3A_2506 = vector.extract %slice3A_2505[0] : i32 from vector<1xi32>
        %dma_start3A_2507 = arith.constant 56 : i32
        %dma_start3A_2508 = arith.constant 0 : i32
        %dma_start3A_2509 = tpu.memref_slice %arg10[%dma_start3A_2507, %dma_start3A_2508] : memref<128x32xf32, #tpu.memory_space<vmem>> -> memref<8x32xf32, #tpu.memory_space<vmem>>
        %dma_start3A_2510 = arith.constant 0 : i32
        %dma_start3A_2511 = arith.constant 0 : i32
        %dma_start3A_2512 = tpu.memref_slice %arg4[%squeeze3A_2506, %dma_start3A_2510, %dma_start3A_2511] : memref<125000x8x32xf32, #tpu.memory_space<hbm>> -> memref<1x8x32xf32, #tpu.memory_space<hbm>>
        %dma_start3A_2513 = tpu.memref_squeeze %dma_start3A_2512 : memref<1x8x32xf32, #tpu.memory_space<hbm>> -> memref<8x32xf32, #tpu.memory_space<hbm>>
        %dma_start3A_2514 = arith.constant 56 : i32
        %dma_start3A_2515 = arith.constant 0 : i32
        %dma_start3A_2516 = tpu.memref_slice %arg10[%dma_start3A_2514, %dma_start3A_2515] : memref<128x32xf32, #tpu.memory_space<vmem>> -> memref<8x32xf32, #tpu.memory_space<vmem>>
        %dma_start3A_2517 = arith.constant 0 : i32
        %dma_start3A_2518 = arith.constant 0 : i32
        %dma_start3A_2519 = tpu.memref_slice %arg4[%squeeze3A_2506, %dma_start3A_2517, %dma_start3A_2518] : memref<125000x8x32xf32, #tpu.memory_space<hbm>> -> memref<1x8x32xf32, #tpu.memory_space<hbm>>
        %dma_start3A_2520 = tpu.memref_squeeze %dma_start3A_2519 : memref<1x8x32xf32, #tpu.memory_space<hbm>> -> memref<8x32xf32, #tpu.memory_space<hbm>>
        tpu.enqueue_dma source(%dma_start3A_2520 : memref<8x32xf32, #tpu.memory_space<hbm>>) target(%dma_start3A_2516 : memref<8x32xf32, #tpu.memory_space<vmem>>) target_semaphore(%arg16 : memref<!tpu.dma_semaphore, #tpu.memory_space<semaphore_mem>>)
        %slice3A_2521 = vector.extract_strided_slice %shift_right_logical3A_2392 {offsets = [8], sizes = [1], strides = [1]} : vector<16xi32> to vector<1xi32>
        %squeeze3A_2522 = vector.extract %slice3A_2521[0] : i32 from vector<1xi32>
        %dma_start3A_2523 = arith.constant 64 : i32
        %dma_start3A_2524 = arith.constant 0 : i32
        %dma_start3A_2525 = tpu.memref_slice %arg10[%dma_start3A_2523, %dma_start3A_2524] : memref<128x32xf32, #tpu.memory_space<vmem>> -> memref<8x32xf32, #tpu.memory_space<vmem>>
        %dma_start3A_2526 = arith.constant 0 : i32
        %dma_start3A_2527 = arith.constant 0 : i32
        %dma_start3A_2528 = tpu.memref_slice %arg4[%squeeze3A_2522, %dma_start3A_2526, %dma_start3A_2527] : memref<125000x8x32xf32, #tpu.memory_space<hbm>> -> memref<1x8x32xf32, #tpu.memory_space<hbm>>
        %dma_start3A_2529 = tpu.memref_squeeze %dma_start3A_2528 : memref<1x8x32xf32, #tpu.memory_space<hbm>> -> memref<8x32xf32, #tpu.memory_space<hbm>>
        %dma_start3A_2530 = arith.constant 64 : i32
        %dma_start3A_2531 = arith.constant 0 : i32
        %dma_start3A_2532 = tpu.memref_slice %arg10[%dma_start3A_2530, %dma_start3A_2531] : memref<128x32xf32, #tpu.memory_space<vmem>> -> memref<8x32xf32, #tpu.memory_space<vmem>>
        %dma_start3A_2533 = arith.constant 0 : i32
        %dma_start3A_2534 = arith.constant 0 : i32
        %dma_start3A_2535 = tpu.memref_slice %arg4[%squeeze3A_2522, %dma_start3A_2533, %dma_start3A_2534] : memref<125000x8x32xf32, #tpu.memory_space<hbm>> -> memref<1x8x32xf32, #tpu.memory_space<hbm>>
        %dma_start3A_2536 = tpu.memref_squeeze %dma_start3A_2535 : memref<1x8x32xf32, #tpu.memory_space<hbm>> -> memref<8x32xf32, #tpu.memory_space<hbm>>
        tpu.enqueue_dma source(%dma_start3A_2536 : memref<8x32xf32, #tpu.memory_space<hbm>>) target(%dma_start3A_2532 : memref<8x32xf32, #tpu.memory_space<vmem>>) target_semaphore(%arg16 : memref<!tpu.dma_semaphore, #tpu.memory_space<semaphore_mem>>)
        %slice3A_2537 = vector.extract_strided_slice %shift_right_logical3A_2392 {offsets = [9], sizes = [1], strides = [1]} : vector<16xi32> to vector<1xi32>
        %squeeze3A_2538 = vector.extract %slice3A_2537[0] : i32 from vector<1xi32>
        %dma_start3A_2539 = arith.constant 72 : i32
        %dma_start3A_2540 = arith.constant 0 : i32
        %dma_start3A_2541 = tpu.memref_slice %arg10[%dma_start3A_2539, %dma_start3A_2540] : memref<128x32xf32, #tpu.memory_space<vmem>> -> memref<8x32xf32, #tpu.memory_space<vmem>>
        %dma_start3A_2542 = arith.constant 0 : i32
        %dma_start3A_2543 = arith.constant 0 : i32
        %dma_start3A_2544 = tpu.memref_slice %arg4[%squeeze3A_2538, %dma_start3A_2542, %dma_start3A_2543] : memref<125000x8x32xf32, #tpu.memory_space<hbm>> -> memref<1x8x32xf32, #tpu.memory_space<hbm>>
        %dma_start3A_2545 = tpu.memref_squeeze %dma_start3A_2544 : memref<1x8x32xf32, #tpu.memory_space<hbm>> -> memref<8x32xf32, #tpu.memory_space<hbm>>
        %dma_start3A_2546 = arith.constant 72 : i32
        %dma_start3A_2547 = arith.constant 0 : i32
        %dma_start3A_2548 = tpu.memref_slice %arg10[%dma_start3A_2546, %dma_start3A_2547] : memref<128x32xf32, #tpu.memory_space<vmem>> -> memref<8x32xf32, #tpu.memory_space<vmem>>
        %dma_start3A_2549 = arith.constant 0 : i32
        %dma_start3A_2550 = arith.constant 0 : i32
        %dma_start3A_2551 = tpu.memref_slice %arg4[%squeeze3A_2538, %dma_start3A_2549, %dma_start3A_2550] : memref<125000x8x32xf32, #tpu.memory_space<hbm>> -> memref<1x8x32xf32, #tpu.memory_space<hbm>>
        %dma_start3A_2552 = tpu.memref_squeeze %dma_start3A_2551 : memref<1x8x32xf32, #tpu.memory_space<hbm>> -> memref<8x32xf32, #tpu.memory_space<hbm>>
        tpu.enqueue_dma source(%dma_start3A_2552 : memref<8x32xf32, #tpu.memory_space<hbm>>) target(%dma_start3A_2548 : memref<8x32xf32, #tpu.memory_space<vmem>>) target_semaphore(%arg16 : memref<!tpu.dma_semaphore, #tpu.memory_space<semaphore_mem>>)
        %slice3A_2553 = vector.extract_strided_slice %shift_right_logical3A_2392 {offsets = [10], sizes = [1], strides = [1]} : vector<16xi32> to vector<1xi32>
        %squeeze3A_2554 = vector.extract %slice3A_2553[0] : i32 from vector<1xi32>
        %dma_start3A_2555 = arith.constant 80 : i32
        %dma_start3A_2556 = arith.constant 0 : i32
        %dma_start3A_2557 = tpu.memref_slice %arg10[%dma_start3A_2555, %dma_start3A_2556] : memref<128x32xf32, #tpu.memory_space<vmem>> -> memref<8x32xf32, #tpu.memory_space<vmem>>
        %dma_start3A_2558 = arith.constant 0 : i32
        %dma_start3A_2559 = arith.constant 0 : i32
        %dma_start3A_2560 = tpu.memref_slice %arg4[%squeeze3A_2554, %dma_start3A_2558, %dma_start3A_2559] : memref<125000x8x32xf32, #tpu.memory_space<hbm>> -> memref<1x8x32xf32, #tpu.memory_space<hbm>>
        %dma_start3A_2561 = tpu.memref_squeeze %dma_start3A_2560 : memref<1x8x32xf32, #tpu.memory_space<hbm>> -> memref<8x32xf32, #tpu.memory_space<hbm>>
        %dma_start3A_2562 = arith.constant 80 : i32
        %dma_start3A_2563 = arith.constant 0 : i32
        %dma_start3A_2564 = tpu.memref_slice %arg10[%dma_start3A_2562, %dma_start3A_2563] : memref<128x32xf32, #tpu.memory_space<vmem>> -> memref<8x32xf32, #tpu.memory_space<vmem>>
        %dma_start3A_2565 = arith.constant 0 : i32
        %dma_start3A_2566 = arith.constant 0 : i32
        %dma_start3A_2567 = tpu.memref_slice %arg4[%squeeze3A_2554, %dma_start3A_2565, %dma_start3A_2566] : memref<125000x8x32xf32, #tpu.memory_space<hbm>> -> memref<1x8x32xf32, #tpu.memory_space<hbm>>
        %dma_start3A_2568 = tpu.memref_squeeze %dma_start3A_2567 : memref<1x8x32xf32, #tpu.memory_space<hbm>> -> memref<8x32xf32, #tpu.memory_space<hbm>>
        tpu.enqueue_dma source(%dma_start3A_2568 : memref<8x32xf32, #tpu.memory_space<hbm>>) target(%dma_start3A_2564 : memref<8x32xf32, #tpu.memory_space<vmem>>) target_semaphore(%arg16 : memref<!tpu.dma_semaphore, #tpu.memory_space<semaphore_mem>>)
        %slice3A_2569 = vector.extract_strided_slice %shift_right_logical3A_2392 {offsets = [11], sizes = [1], strides = [1]} : vector<16xi32> to vector<1xi32>
        %squeeze3A_2570 = vector.extract %slice3A_2569[0] : i32 from vector<1xi32>
        %dma_start3A_2571 = arith.constant 88 : i32
        %dma_start3A_2572 = arith.constant 0 : i32
        %dma_start3A_2573 = tpu.memref_slice %arg10[%dma_start3A_2571, %dma_start3A_2572] : memref<128x32xf32, #tpu.memory_space<vmem>> -> memref<8x32xf32, #tpu.memory_space<vmem>>
        %dma_start3A_2574 = arith.constant 0 : i32
        %dma_start3A_2575 = arith.constant 0 : i32
        %dma_start3A_2576 = tpu.memref_slice %arg4[%squeeze3A_2570, %dma_start3A_2574, %dma_start3A_2575] : memref<125000x8x32xf32, #tpu.memory_space<hbm>> -> memref<1x8x32xf32, #tpu.memory_space<hbm>>
        %dma_start3A_2577 = tpu.memref_squeeze %dma_start3A_2576 : memref<1x8x32xf32, #tpu.memory_space<hbm>> -> memref<8x32xf32, #tpu.memory_space<hbm>>
        %dma_start3A_2578 = arith.constant 88 : i32
        %dma_start3A_2579 = arith.constant 0 : i32
        %dma_start3A_2580 = tpu.memref_slice %arg10[%dma_start3A_2578, %dma_start3A_2579] : memref<128x32xf32, #tpu.memory_space<vmem>> -> memref<8x32xf32, #tpu.memory_space<vmem>>
        %dma_start3A_2581 = arith.constant 0 : i32
        %dma_start3A_2582 = arith.constant 0 : i32
        %dma_start3A_2583 = tpu.memref_slice %arg4[%squeeze3A_2570, %dma_start3A_2581, %dma_start3A_2582] : memref<125000x8x32xf32, #tpu.memory_space<hbm>> -> memref<1x8x32xf32, #tpu.memory_space<hbm>>
        %dma_start3A_2584 = tpu.memref_squeeze %dma_start3A_2583 : memref<1x8x32xf32, #tpu.memory_space<hbm>> -> memref<8x32xf32, #tpu.memory_space<hbm>>
        tpu.enqueue_dma source(%dma_start3A_2584 : memref<8x32xf32, #tpu.memory_space<hbm>>) target(%dma_start3A_2580 : memref<8x32xf32, #tpu.memory_space<vmem>>) target_semaphore(%arg16 : memref<!tpu.dma_semaphore, #tpu.memory_space<semaphore_mem>>)
        %slice3A_2585 = vector.extract_strided_slice %shift_right_logical3A_2392 {offsets = [12], sizes = [1], strides = [1]} : vector<16xi32> to vector<1xi32>
        %squeeze3A_2586 = vector.extract %slice3A_2585[0] : i32 from vector<1xi32>
        %dma_start3A_2587 = arith.constant 96 : i32
        %dma_start3A_2588 = arith.constant 0 : i32
        %dma_start3A_2589 = tpu.memref_slice %arg10[%dma_start3A_2587, %dma_start3A_2588] : memref<128x32xf32, #tpu.memory_space<vmem>> -> memref<8x32xf32, #tpu.memory_space<vmem>>
        %dma_start3A_2590 = arith.constant 0 : i32
        %dma_start3A_2591 = arith.constant 0 : i32
        %dma_start3A_2592 = tpu.memref_slice %arg4[%squeeze3A_2586, %dma_start3A_2590, %dma_start3A_2591] : memref<125000x8x32xf32, #tpu.memory_space<hbm>> -> memref<1x8x32xf32, #tpu.memory_space<hbm>>
        %dma_start3A_2593 = tpu.memref_squeeze %dma_start3A_2592 : memref<1x8x32xf32, #tpu.memory_space<hbm>> -> memref<8x32xf32, #tpu.memory_space<hbm>>
        %dma_start3A_2594 = arith.constant 96 : i32
        %dma_start3A_2595 = arith.constant 0 : i32
        %dma_start3A_2596 = tpu.memref_slice %arg10[%dma_start3A_2594, %dma_start3A_2595] : memref<128x32xf32, #tpu.memory_space<vmem>> -> memref<8x32xf32, #tpu.memory_space<vmem>>
        %dma_start3A_2597 = arith.constant 0 : i32
        %dma_start3A_2598 = arith.constant 0 : i32
        %dma_start3A_2599 = tpu.memref_slice %arg4[%squeeze3A_2586, %dma_start3A_2597, %dma_start3A_2598] : memref<125000x8x32xf32, #tpu.memory_space<hbm>> -> memref<1x8x32xf32, #tpu.memory_space<hbm>>
        %dma_start3A_2600 = tpu.memref_squeeze %dma_start3A_2599 : memref<1x8x32xf32, #tpu.memory_space<hbm>> -> memref<8x32xf32, #tpu.memory_space<hbm>>
        tpu.enqueue_dma source(%dma_start3A_2600 : memref<8x32xf32, #tpu.memory_space<hbm>>) target(%dma_start3A_2596 : memref<8x32xf32, #tpu.memory_space<vmem>>) target_semaphore(%arg16 : memref<!tpu.dma_semaphore, #tpu.memory_space<semaphore_mem>>)
        %slice3A_2601 = vector.extract_strided_slice %shift_right_logical3A_2392 {offsets = [13], sizes = [1], strides = [1]} : vector<16xi32> to vector<1xi32>
        %squeeze3A_2602 = vector.extract %slice3A_2601[0] : i32 from vector<1xi32>
        %dma_start3A_2603 = arith.constant 104 : i32
        %dma_start3A_2604 = arith.constant 0 : i32
        %dma_start3A_2605 = tpu.memref_slice %arg10[%dma_start3A_2603, %dma_start3A_2604] : memref<128x32xf32, #tpu.memory_space<vmem>> -> memref<8x32xf32, #tpu.memory_space<vmem>>
        %dma_start3A_2606 = arith.constant 0 : i32
        %dma_start3A_2607 = arith.constant 0 : i32
        %dma_start3A_2608 = tpu.memref_slice %arg4[%squeeze3A_2602, %dma_start3A_2606, %dma_start3A_2607] : memref<125000x8x32xf32, #tpu.memory_space<hbm>> -> memref<1x8x32xf32, #tpu.memory_space<hbm>>
        %dma_start3A_2609 = tpu.memref_squeeze %dma_start3A_2608 : memref<1x8x32xf32, #tpu.memory_space<hbm>> -> memref<8x32xf32, #tpu.memory_space<hbm>>
        %dma_start3A_2610 = arith.constant 104 : i32
        %dma_start3A_2611 = arith.constant 0 : i32
        %dma_start3A_2612 = tpu.memref_slice %arg10[%dma_start3A_2610, %dma_start3A_2611] : memref<128x32xf32, #tpu.memory_space<vmem>> -> memref<8x32xf32, #tpu.memory_space<vmem>>
        %dma_start3A_2613 = arith.constant 0 : i32
        %dma_start3A_2614 = arith.constant 0 : i32
        %dma_start3A_2615 = tpu.memref_slice %arg4[%squeeze3A_2602, %dma_start3A_2613, %dma_start3A_2614] : memref<125000x8x32xf32, #tpu.memory_space<hbm>> -> memref<1x8x32xf32, #tpu.memory_space<hbm>>
        %dma_start3A_2616 = tpu.memref_squeeze %dma_start3A_2615 : memref<1x8x32xf32, #tpu.memory_space<hbm>> -> memref<8x32xf32, #tpu.memory_space<hbm>>
        tpu.enqueue_dma source(%dma_start3A_2616 : memref<8x32xf32, #tpu.memory_space<hbm>>) target(%dma_start3A_2612 : memref<8x32xf32, #tpu.memory_space<vmem>>) target_semaphore(%arg16 : memref<!tpu.dma_semaphore, #tpu.memory_space<semaphore_mem>>)
        %slice3A_2617 = vector.extract_strided_slice %shift_right_logical3A_2392 {offsets = [14], sizes = [1], strides = [1]} : vector<16xi32> to vector<1xi32>
        %squeeze3A_2618 = vector.extract %slice3A_2617[0] : i32 from vector<1xi32>
        %dma_start3A_2619 = arith.constant 112 : i32
        %dma_start3A_2620 = arith.constant 0 : i32
        %dma_start3A_2621 = tpu.memref_slice %arg10[%dma_start3A_2619, %dma_start3A_2620] : memref<128x32xf32, #tpu.memory_space<vmem>> -> memref<8x32xf32, #tpu.memory_space<vmem>>
        %dma_start3A_2622 = arith.constant 0 : i32
        %dma_start3A_2623 = arith.constant 0 : i32
        %dma_start3A_2624 = tpu.memref_slice %arg4[%squeeze3A_2618, %dma_start3A_2622, %dma_start3A_2623] : memref<125000x8x32xf32, #tpu.memory_space<hbm>> -> memref<1x8x32xf32, #tpu.memory_space<hbm>>
        %dma_start3A_2625 = tpu.memref_squeeze %dma_start3A_2624 : memref<1x8x32xf32, #tpu.memory_space<hbm>> -> memref<8x32xf32, #tpu.memory_space<hbm>>
        %dma_start3A_2626 = arith.constant 112 : i32
        %dma_start3A_2627 = arith.constant 0 : i32
        %dma_start3A_2628 = tpu.memref_slice %arg10[%dma_start3A_2626, %dma_start3A_2627] : memref<128x32xf32, #tpu.memory_space<vmem>> -> memref<8x32xf32, #tpu.memory_space<vmem>>
        %dma_start3A_2629 = arith.constant 0 : i32
        %dma_start3A_2630 = arith.constant 0 : i32
        %dma_start3A_2631 = tpu.memref_slice %arg4[%squeeze3A_2618, %dma_start3A_2629, %dma_start3A_2630] : memref<125000x8x32xf32, #tpu.memory_space<hbm>> -> memref<1x8x32xf32, #tpu.memory_space<hbm>>
        %dma_start3A_2632 = tpu.memref_squeeze %dma_start3A_2631 : memref<1x8x32xf32, #tpu.memory_space<hbm>> -> memref<8x32xf32, #tpu.memory_space<hbm>>
        tpu.enqueue_dma source(%dma_start3A_2632 : memref<8x32xf32, #tpu.memory_space<hbm>>) target(%dma_start3A_2628 : memref<8x32xf32, #tpu.memory_space<vmem>>) target_semaphore(%arg16 : memref<!tpu.dma_semaphore, #tpu.memory_space<semaphore_mem>>)
        %slice3A_2633 = vector.extract_strided_slice %shift_right_logical3A_2392 {offsets = [15], sizes = [1], strides = [1]} : vector<16xi32> to vector<1xi32>
        %squeeze3A_2634 = vector.extract %slice3A_2633[0] : i32 from vector<1xi32>
        %dma_start3A_2635 = arith.constant 120 : i32
        %dma_start3A_2636 = arith.constant 0 : i32
        %dma_start3A_2637 = tpu.memref_slice %arg10[%dma_start3A_2635, %dma_start3A_2636] : memref<128x32xf32, #tpu.memory_space<vmem>> -> memref<8x32xf32, #tpu.memory_space<vmem>>
        %dma_start3A_2638 = arith.constant 0 : i32
        %dma_start3A_2639 = arith.constant 0 : i32
        %dma_start3A_2640 = tpu.memref_slice %arg4[%squeeze3A_2634, %dma_start3A_2638, %dma_start3A_2639] : memref<125000x8x32xf32, #tpu.memory_space<hbm>> -> memref<1x8x32xf32, #tpu.memory_space<hbm>>
        %dma_start3A_2641 = tpu.memref_squeeze %dma_start3A_2640 : memref<1x8x32xf32, #tpu.memory_space<hbm>> -> memref<8x32xf32, #tpu.memory_space<hbm>>
        %dma_start3A_2642 = arith.constant 120 : i32
        %dma_start3A_2643 = arith.constant 0 : i32
        %dma_start3A_2644 = tpu.memref_slice %arg10[%dma_start3A_2642, %dma_start3A_2643] : memref<128x32xf32, #tpu.memory_space<vmem>> -> memref<8x32xf32, #tpu.memory_space<vmem>>
        %dma_start3A_2645 = arith.constant 0 : i32
        %dma_start3A_2646 = arith.constant 0 : i32
        %dma_start3A_2647 = tpu.memref_slice %arg4[%squeeze3A_2634, %dma_start3A_2645, %dma_start3A_2646] : memref<125000x8x32xf32, #tpu.memory_space<hbm>> -> memref<1x8x32xf32, #tpu.memory_space<hbm>>
        %dma_start3A_2648 = tpu.memref_squeeze %dma_start3A_2647 : memref<1x8x32xf32, #tpu.memory_space<hbm>> -> memref<8x32xf32, #tpu.memory_space<hbm>>
        tpu.enqueue_dma source(%dma_start3A_2648 : memref<8x32xf32, #tpu.memory_space<hbm>>) target(%dma_start3A_2644 : memref<8x32xf32, #tpu.memory_space<vmem>>) target_semaphore(%arg16 : memref<!tpu.dma_semaphore, #tpu.memory_space<semaphore_mem>>)
        %mul3A_2649 = arith.constant 16 : i32
        %mul3A_2650 = arith.muli %add3A_1466, %mul3A_2649 : i32
        %get3A_2651 = arith.index_cast %mul3A_2650 : i32 to index
        %get3A_2652 = tpu.vector_load %arg9[%get3A_2651] {strides = array<i32>} : memref<512xi32, #tpu.memory_space<vmem>>, vector<16xi32>,
        %shift_right_logical3A_2653 = arith.constant 3 : i32
        %shift_right_logical3A_2654 = vector.broadcast %shift_right_logical3A_2653 : i32 to vector<16xi32>
        %shift_right_logical3A_2655 = arith.shrui %get3A_2652, %shift_right_logical3A_2654 : vector<16xi32>
        %slice3A_2656 = vector.extract_strided_slice %shift_right_logical3A_2655 {offsets = [0], sizes = [1], strides = [1]} : vector<16xi32> to vector<1xi32>
        %squeeze3A_2657 = vector.extract %slice3A_2656[0] : i32 from vector<1xi32>
        %dma_start3A_2658 = arith.constant 0 : i32
        %dma_start3A_2659 = arith.constant 0 : i32
        %dma_start3A_2660 = tpu.memref_slice %arg12[%dma_start3A_2658, %dma_start3A_2659] : memref<128x32xf32, #tpu.memory_space<vmem>> -> memref<8x32xf32, #tpu.memory_space<vmem>>
        %dma_start3A_2661 = arith.constant 0 : i32
        %dma_start3A_2662 = arith.constant 0 : i32
        %dma_start3A_2663 = tpu.memref_slice %arg5[%squeeze3A_2657, %dma_start3A_2661, %dma_start3A_2662] : memref<12500x8x32xf32, #tpu.memory_space<hbm>> -> memref<1x8x32xf32, #tpu.memory_space<hbm>>
        %dma_start3A_2664 = tpu.memref_squeeze %dma_start3A_2663 : memref<1x8x32xf32, #tpu.memory_space<hbm>> -> memref<8x32xf32, #tpu.memory_space<hbm>>
        %dma_start3A_2665 = arith.constant 0 : i32
        %dma_start3A_2666 = arith.constant 0 : i32
        %dma_start3A_2667 = tpu.memref_slice %arg12[%dma_start3A_2665, %dma_start3A_2666] : memref<128x32xf32, #tpu.memory_space<vmem>> -> memref<8x32xf32, #tpu.memory_space<vmem>>
        %dma_start3A_2668 = arith.constant 0 : i32
        %dma_start3A_2669 = arith.constant 0 : i32
        %dma_start3A_2670 = tpu.memref_slice %arg5[%squeeze3A_2657, %dma_start3A_2668, %dma_start3A_2669] : memref<12500x8x32xf32, #tpu.memory_space<hbm>> -> memref<1x8x32xf32, #tpu.memory_space<hbm>>
        %dma_start3A_2671 = tpu.memref_squeeze %dma_start3A_2670 : memref<1x8x32xf32, #tpu.memory_space<hbm>> -> memref<8x32xf32, #tpu.memory_space<hbm>>
        tpu.enqueue_dma source(%dma_start3A_2671 : memref<8x32xf32, #tpu.memory_space<hbm>>) target(%dma_start3A_2667 : memref<8x32xf32, #tpu.memory_space<vmem>>) target_semaphore(%arg18 : memref<!tpu.dma_semaphore, #tpu.memory_space<semaphore_mem>>)
        %slice3A_2672 = vector.extract_strided_slice %shift_right_logical3A_2655 {offsets = [1], sizes = [1], strides = [1]} : vector<16xi32> to vector<1xi32>
        %squeeze3A_2673 = vector.extract %slice3A_2672[0] : i32 from vector<1xi32>
        %dma_start3A_2674 = arith.constant 8 : i32
        %dma_start3A_2675 = arith.constant 0 : i32
        %dma_start3A_2676 = tpu.memref_slice %arg12[%dma_start3A_2674, %dma_start3A_2675] : memref<128x32xf32, #tpu.memory_space<vmem>> -> memref<8x32xf32, #tpu.memory_space<vmem>>
        %dma_start3A_2677 = arith.constant 0 : i32
        %dma_start3A_2678 = arith.constant 0 : i32
        %dma_start3A_2679 = tpu.memref_slice %arg5[%squeeze3A_2673, %dma_start3A_2677, %dma_start3A_2678] : memref<12500x8x32xf32, #tpu.memory_space<hbm>> -> memref<1x8x32xf32, #tpu.memory_space<hbm>>
        %dma_start3A_2680 = tpu.memref_squeeze %dma_start3A_2679 : memref<1x8x32xf32, #tpu.memory_space<hbm>> -> memref<8x32xf32, #tpu.memory_space<hbm>>
        %dma_start3A_2681 = arith.constant 8 : i32
        %dma_start3A_2682 = arith.constant 0 : i32
        %dma_start3A_2683 = tpu.memref_slice %arg12[%dma_start3A_2681, %dma_start3A_2682] : memref<128x32xf32, #tpu.memory_space<vmem>> -> memref<8x32xf32, #tpu.memory_space<vmem>>
        %dma_start3A_2684 = arith.constant 0 : i32
        %dma_start3A_2685 = arith.constant 0 : i32
        %dma_start3A_2686 = tpu.memref_slice %arg5[%squeeze3A_2673, %dma_start3A_2684, %dma_start3A_2685] : memref<12500x8x32xf32, #tpu.memory_space<hbm>> -> memref<1x8x32xf32, #tpu.memory_space<hbm>>
        %dma_start3A_2687 = tpu.memref_squeeze %dma_start3A_2686 : memref<1x8x32xf32, #tpu.memory_space<hbm>> -> memref<8x32xf32, #tpu.memory_space<hbm>>
        tpu.enqueue_dma source(%dma_start3A_2687 : memref<8x32xf32, #tpu.memory_space<hbm>>) target(%dma_start3A_2683 : memref<8x32xf32, #tpu.memory_space<vmem>>) target_semaphore(%arg18 : memref<!tpu.dma_semaphore, #tpu.memory_space<semaphore_mem>>)
        %slice3A_2688 = vector.extract_strided_slice %shift_right_logical3A_2655 {offsets = [2], sizes = [1], strides = [1]} : vector<16xi32> to vector<1xi32>
        %squeeze3A_2689 = vector.extract %slice3A_2688[0] : i32 from vector<1xi32>
        %dma_start3A_2690 = arith.constant 16 : i32
        %dma_start3A_2691 = arith.constant 0 : i32
        %dma_start3A_2692 = tpu.memref_slice %arg12[%dma_start3A_2690, %dma_start3A_2691] : memref<128x32xf32, #tpu.memory_space<vmem>> -> memref<8x32xf32, #tpu.memory_space<vmem>>
        %dma_start3A_2693 = arith.constant 0 : i32
        %dma_start3A_2694 = arith.constant 0 : i32
        %dma_start3A_2695 = tpu.memref_slice %arg5[%squeeze3A_2689, %dma_start3A_2693, %dma_start3A_2694] : memref<12500x8x32xf32, #tpu.memory_space<hbm>> -> memref<1x8x32xf32, #tpu.memory_space<hbm>>
        %dma_start3A_2696 = tpu.memref_squeeze %dma_start3A_2695 : memref<1x8x32xf32, #tpu.memory_space<hbm>> -> memref<8x32xf32, #tpu.memory_space<hbm>>
        %dma_start3A_2697 = arith.constant 16 : i32
        %dma_start3A_2698 = arith.constant 0 : i32
        %dma_start3A_2699 = tpu.memref_slice %arg12[%dma_start3A_2697, %dma_start3A_2698] : memref<128x32xf32, #tpu.memory_space<vmem>> -> memref<8x32xf32, #tpu.memory_space<vmem>>
        %dma_start3A_2700 = arith.constant 0 : i32
        %dma_start3A_2701 = arith.constant 0 : i32
        %dma_start3A_2702 = tpu.memref_slice %arg5[%squeeze3A_2689, %dma_start3A_2700, %dma_start3A_2701] : memref<12500x8x32xf32, #tpu.memory_space<hbm>> -> memref<1x8x32xf32, #tpu.memory_space<hbm>>
        %dma_start3A_2703 = tpu.memref_squeeze %dma_start3A_2702 : memref<1x8x32xf32, #tpu.memory_space<hbm>> -> memref<8x32xf32, #tpu.memory_space<hbm>>
        tpu.enqueue_dma source(%dma_start3A_2703 : memref<8x32xf32, #tpu.memory_space<hbm>>) target(%dma_start3A_2699 : memref<8x32xf32, #tpu.memory_space<vmem>>) target_semaphore(%arg18 : memref<!tpu.dma_semaphore, #tpu.memory_space<semaphore_mem>>)
        %slice3A_2704 = vector.extract_strided_slice %shift_right_logical3A_2655 {offsets = [3], sizes = [1], strides = [1]} : vector<16xi32> to vector<1xi32>
        %squeeze3A_2705 = vector.extract %slice3A_2704[0] : i32 from vector<1xi32>
        %dma_start3A_2706 = arith.constant 24 : i32
        %dma_start3A_2707 = arith.constant 0 : i32
        %dma_start3A_2708 = tpu.memref_slice %arg12[%dma_start3A_2706, %dma_start3A_2707] : memref<128x32xf32, #tpu.memory_space<vmem>> -> memref<8x32xf32, #tpu.memory_space<vmem>>
        %dma_start3A_2709 = arith.constant 0 : i32
        %dma_start3A_2710 = arith.constant 0 : i32
        %dma_start3A_2711 = tpu.memref_slice %arg5[%squeeze3A_2705, %dma_start3A_2709, %dma_start3A_2710] : memref<12500x8x32xf32, #tpu.memory_space<hbm>> -> memref<1x8x32xf32, #tpu.memory_space<hbm>>
        %dma_start3A_2712 = tpu.memref_squeeze %dma_start3A_2711 : memref<1x8x32xf32, #tpu.memory_space<hbm>> -> memref<8x32xf32, #tpu.memory_space<hbm>>
        %dma_start3A_2713 = arith.constant 24 : i32
        %dma_start3A_2714 = arith.constant 0 : i32
        %dma_start3A_2715 = tpu.memref_slice %arg12[%dma_start3A_2713, %dma_start3A_2714] : memref<128x32xf32, #tpu.memory_space<vmem>> -> memref<8x32xf32, #tpu.memory_space<vmem>>
        %dma_start3A_2716 = arith.constant 0 : i32
        %dma_start3A_2717 = arith.constant 0 : i32
        %dma_start3A_2718 = tpu.memref_slice %arg5[%squeeze3A_2705, %dma_start3A_2716, %dma_start3A_2717] : memref<12500x8x32xf32, #tpu.memory_space<hbm>> -> memref<1x8x32xf32, #tpu.memory_space<hbm>>
        %dma_start3A_2719 = tpu.memref_squeeze %dma_start3A_2718 : memref<1x8x32xf32, #tpu.memory_space<hbm>> -> memref<8x32xf32, #tpu.memory_space<hbm>>
        tpu.enqueue_dma source(%dma_start3A_2719 : memref<8x32xf32, #tpu.memory_space<hbm>>) target(%dma_start3A_2715 : memref<8x32xf32, #tpu.memory_space<vmem>>) target_semaphore(%arg18 : memref<!tpu.dma_semaphore, #tpu.memory_space<semaphore_mem>>)
        %slice3A_2720 = vector.extract_strided_slice %shift_right_logical3A_2655 {offsets = [4], sizes = [1], strides = [1]} : vector<16xi32> to vector<1xi32>
        %squeeze3A_2721 = vector.extract %slice3A_2720[0] : i32 from vector<1xi32>
        %dma_start3A_2722 = arith.constant 32 : i32
        %dma_start3A_2723 = arith.constant 0 : i32
        %dma_start3A_2724 = tpu.memref_slice %arg12[%dma_start3A_2722, %dma_start3A_2723] : memref<128x32xf32, #tpu.memory_space<vmem>> -> memref<8x32xf32, #tpu.memory_space<vmem>>
        %dma_start3A_2725 = arith.constant 0 : i32
        %dma_start3A_2726 = arith.constant 0 : i32
        %dma_start3A_2727 = tpu.memref_slice %arg5[%squeeze3A_2721, %dma_start3A_2725, %dma_start3A_2726] : memref<12500x8x32xf32, #tpu.memory_space<hbm>> -> memref<1x8x32xf32, #tpu.memory_space<hbm>>
        %dma_start3A_2728 = tpu.memref_squeeze %dma_start3A_2727 : memref<1x8x32xf32, #tpu.memory_space<hbm>> -> memref<8x32xf32, #tpu.memory_space<hbm>>
        %dma_start3A_2729 = arith.constant 32 : i32
        %dma_start3A_2730 = arith.constant 0 : i32
        %dma_start3A_2731 = tpu.memref_slice %arg12[%dma_start3A_2729, %dma_start3A_2730] : memref<128x32xf32, #tpu.memory_space<vmem>> -> memref<8x32xf32, #tpu.memory_space<vmem>>
        %dma_start3A_2732 = arith.constant 0 : i32
        %dma_start3A_2733 = arith.constant 0 : i32
        %dma_start3A_2734 = tpu.memref_slice %arg5[%squeeze3A_2721, %dma_start3A_2732, %dma_start3A_2733] : memref<12500x8x32xf32, #tpu.memory_space<hbm>> -> memref<1x8x32xf32, #tpu.memory_space<hbm>>
        %dma_start3A_2735 = tpu.memref_squeeze %dma_start3A_2734 : memref<1x8x32xf32, #tpu.memory_space<hbm>> -> memref<8x32xf32, #tpu.memory_space<hbm>>
        tpu.enqueue_dma source(%dma_start3A_2735 : memref<8x32xf32, #tpu.memory_space<hbm>>) target(%dma_start3A_2731 : memref<8x32xf32, #tpu.memory_space<vmem>>) target_semaphore(%arg18 : memref<!tpu.dma_semaphore, #tpu.memory_space<semaphore_mem>>)
        %slice3A_2736 = vector.extract_strided_slice %shift_right_logical3A_2655 {offsets = [5], sizes = [1], strides = [1]} : vector<16xi32> to vector<1xi32>
        %squeeze3A_2737 = vector.extract %slice3A_2736[0] : i32 from vector<1xi32>
        %dma_start3A_2738 = arith.constant 40 : i32
        %dma_start3A_2739 = arith.constant 0 : i32
        %dma_start3A_2740 = tpu.memref_slice %arg12[%dma_start3A_2738, %dma_start3A_2739] : memref<128x32xf32, #tpu.memory_space<vmem>> -> memref<8x32xf32, #tpu.memory_space<vmem>>
        %dma_start3A_2741 = arith.constant 0 : i32
        %dma_start3A_2742 = arith.constant 0 : i32
        %dma_start3A_2743 = tpu.memref_slice %arg5[%squeeze3A_2737, %dma_start3A_2741, %dma_start3A_2742] : memref<12500x8x32xf32, #tpu.memory_space<hbm>> -> memref<1x8x32xf32, #tpu.memory_space<hbm>>
        %dma_start3A_2744 = tpu.memref_squeeze %dma_start3A_2743 : memref<1x8x32xf32, #tpu.memory_space<hbm>> -> memref<8x32xf32, #tpu.memory_space<hbm>>
        %dma_start3A_2745 = arith.constant 40 : i32
        %dma_start3A_2746 = arith.constant 0 : i32
        %dma_start3A_2747 = tpu.memref_slice %arg12[%dma_start3A_2745, %dma_start3A_2746] : memref<128x32xf32, #tpu.memory_space<vmem>> -> memref<8x32xf32, #tpu.memory_space<vmem>>
        %dma_start3A_2748 = arith.constant 0 : i32
        %dma_start3A_2749 = arith.constant 0 : i32
        %dma_start3A_2750 = tpu.memref_slice %arg5[%squeeze3A_2737, %dma_start3A_2748, %dma_start3A_2749] : memref<12500x8x32xf32, #tpu.memory_space<hbm>> -> memref<1x8x32xf32, #tpu.memory_space<hbm>>
        %dma_start3A_2751 = tpu.memref_squeeze %dma_start3A_2750 : memref<1x8x32xf32, #tpu.memory_space<hbm>> -> memref<8x32xf32, #tpu.memory_space<hbm>>
        tpu.enqueue_dma source(%dma_start3A_2751 : memref<8x32xf32, #tpu.memory_space<hbm>>) target(%dma_start3A_2747 : memref<8x32xf32, #tpu.memory_space<vmem>>) target_semaphore(%arg18 : memref<!tpu.dma_semaphore, #tpu.memory_space<semaphore_mem>>)
        %slice3A_2752 = vector.extract_strided_slice %shift_right_logical3A_2655 {offsets = [6], sizes = [1], strides = [1]} : vector<16xi32> to vector<1xi32>
        %squeeze3A_2753 = vector.extract %slice3A_2752[0] : i32 from vector<1xi32>
        %dma_start3A_2754 = arith.constant 48 : i32
        %dma_start3A_2755 = arith.constant 0 : i32
        %dma_start3A_2756 = tpu.memref_slice %arg12[%dma_start3A_2754, %dma_start3A_2755] : memref<128x32xf32, #tpu.memory_space<vmem>> -> memref<8x32xf32, #tpu.memory_space<vmem>>
        %dma_start3A_2757 = arith.constant 0 : i32
        %dma_start3A_2758 = arith.constant 0 : i32
        %dma_start3A_2759 = tpu.memref_slice %arg5[%squeeze3A_2753, %dma_start3A_2757, %dma_start3A_2758] : memref<12500x8x32xf32, #tpu.memory_space<hbm>> -> memref<1x8x32xf32, #tpu.memory_space<hbm>>
        %dma_start3A_2760 = tpu.memref_squeeze %dma_start3A_2759 : memref<1x8x32xf32, #tpu.memory_space<hbm>> -> memref<8x32xf32, #tpu.memory_space<hbm>>
        %dma_start3A_2761 = arith.constant 48 : i32
        %dma_start3A_2762 = arith.constant 0 : i32
        %dma_start3A_2763 = tpu.memref_slice %arg12[%dma_start3A_2761, %dma_start3A_2762] : memref<128x32xf32, #tpu.memory_space<vmem>> -> memref<8x32xf32, #tpu.memory_space<vmem>>
        %dma_start3A_2764 = arith.constant 0 : i32
        %dma_start3A_2765 = arith.constant 0 : i32
        %dma_start3A_2766 = tpu.memref_slice %arg5[%squeeze3A_2753, %dma_start3A_2764, %dma_start3A_2765] : memref<12500x8x32xf32, #tpu.memory_space<hbm>> -> memref<1x8x32xf32, #tpu.memory_space<hbm>>
        %dma_start3A_2767 = tpu.memref_squeeze %dma_start3A_2766 : memref<1x8x32xf32, #tpu.memory_space<hbm>> -> memref<8x32xf32, #tpu.memory_space<hbm>>
        tpu.enqueue_dma source(%dma_start3A_2767 : memref<8x32xf32, #tpu.memory_space<hbm>>) target(%dma_start3A_2763 : memref<8x32xf32, #tpu.memory_space<vmem>>) target_semaphore(%arg18 : memref<!tpu.dma_semaphore, #tpu.memory_space<semaphore_mem>>)
        %slice3A_2768 = vector.extract_strided_slice %shift_right_logical3A_2655 {offsets = [7], sizes = [1], strides = [1]} : vector<16xi32> to vector<1xi32>
        %squeeze3A_2769 = vector.extract %slice3A_2768[0] : i32 from vector<1xi32>
        %dma_start3A_2770 = arith.constant 56 : i32
        %dma_start3A_2771 = arith.constant 0 : i32
        %dma_start3A_2772 = tpu.memref_slice %arg12[%dma_start3A_2770, %dma_start3A_2771] : memref<128x32xf32, #tpu.memory_space<vmem>> -> memref<8x32xf32, #tpu.memory_space<vmem>>
        %dma_start3A_2773 = arith.constant 0 : i32
        %dma_start3A_2774 = arith.constant 0 : i32
        %dma_start3A_2775 = tpu.memref_slice %arg5[%squeeze3A_2769, %dma_start3A_2773, %dma_start3A_2774] : memref<12500x8x32xf32, #tpu.memory_space<hbm>> -> memref<1x8x32xf32, #tpu.memory_space<hbm>>
        %dma_start3A_2776 = tpu.memref_squeeze %dma_start3A_2775 : memref<1x8x32xf32, #tpu.memory_space<hbm>> -> memref<8x32xf32, #tpu.memory_space<hbm>>
        %dma_start3A_2777 = arith.constant 56 : i32
        %dma_start3A_2778 = arith.constant 0 : i32
        %dma_start3A_2779 = tpu.memref_slice %arg12[%dma_start3A_2777, %dma_start3A_2778] : memref<128x32xf32, #tpu.memory_space<vmem>> -> memref<8x32xf32, #tpu.memory_space<vmem>>
        %dma_start3A_2780 = arith.constant 0 : i32
        %dma_start3A_2781 = arith.constant 0 : i32
        %dma_start3A_2782 = tpu.memref_slice %arg5[%squeeze3A_2769, %dma_start3A_2780, %dma_start3A_2781] : memref<12500x8x32xf32, #tpu.memory_space<hbm>> -> memref<1x8x32xf32, #tpu.memory_space<hbm>>
        %dma_start3A_2783 = tpu.memref_squeeze %dma_start3A_2782 : memref<1x8x32xf32, #tpu.memory_space<hbm>> -> memref<8x32xf32, #tpu.memory_space<hbm>>
        tpu.enqueue_dma source(%dma_start3A_2783 : memref<8x32xf32, #tpu.memory_space<hbm>>) target(%dma_start3A_2779 : memref<8x32xf32, #tpu.memory_space<vmem>>) target_semaphore(%arg18 : memref<!tpu.dma_semaphore, #tpu.memory_space<semaphore_mem>>)
        %slice3A_2784 = vector.extract_strided_slice %shift_right_logical3A_2655 {offsets = [8], sizes = [1], strides = [1]} : vector<16xi32> to vector<1xi32>
        %squeeze3A_2785 = vector.extract %slice3A_2784[0] : i32 from vector<1xi32>
        %dma_start3A_2786 = arith.constant 64 : i32
        %dma_start3A_2787 = arith.constant 0 : i32
        %dma_start3A_2788 = tpu.memref_slice %arg12[%dma_start3A_2786, %dma_start3A_2787] : memref<128x32xf32, #tpu.memory_space<vmem>> -> memref<8x32xf32, #tpu.memory_space<vmem>>
        %dma_start3A_2789 = arith.constant 0 : i32
        %dma_start3A_2790 = arith.constant 0 : i32
        %dma_start3A_2791 = tpu.memref_slice %arg5[%squeeze3A_2785, %dma_start3A_2789, %dma_start3A_2790] : memref<12500x8x32xf32, #tpu.memory_space<hbm>> -> memref<1x8x32xf32, #tpu.memory_space<hbm>>
        %dma_start3A_2792 = tpu.memref_squeeze %dma_start3A_2791 : memref<1x8x32xf32, #tpu.memory_space<hbm>> -> memref<8x32xf32, #tpu.memory_space<hbm>>
        %dma_start3A_2793 = arith.constant 64 : i32
        %dma_start3A_2794 = arith.constant 0 : i32
        %dma_start3A_2795 = tpu.memref_slice %arg12[%dma_start3A_2793, %dma_start3A_2794] : memref<128x32xf32, #tpu.memory_space<vmem>> -> memref<8x32xf32, #tpu.memory_space<vmem>>
        %dma_start3A_2796 = arith.constant 0 : i32
        %dma_start3A_2797 = arith.constant 0 : i32
        %dma_start3A_2798 = tpu.memref_slice %arg5[%squeeze3A_2785, %dma_start3A_2796, %dma_start3A_2797] : memref<12500x8x32xf32, #tpu.memory_space<hbm>> -> memref<1x8x32xf32, #tpu.memory_space<hbm>>
        %dma_start3A_2799 = tpu.memref_squeeze %dma_start3A_2798 : memref<1x8x32xf32, #tpu.memory_space<hbm>> -> memref<8x32xf32, #tpu.memory_space<hbm>>
        tpu.enqueue_dma source(%dma_start3A_2799 : memref<8x32xf32, #tpu.memory_space<hbm>>) target(%dma_start3A_2795 : memref<8x32xf32, #tpu.memory_space<vmem>>) target_semaphore(%arg18 : memref<!tpu.dma_semaphore, #tpu.memory_space<semaphore_mem>>)
        %slice3A_2800 = vector.extract_strided_slice %shift_right_logical3A_2655 {offsets = [9], sizes = [1], strides = [1]} : vector<16xi32> to vector<1xi32>
        %squeeze3A_2801 = vector.extract %slice3A_2800[0] : i32 from vector<1xi32>
        %dma_start3A_2802 = arith.constant 72 : i32
        %dma_start3A_2803 = arith.constant 0 : i32
        %dma_start3A_2804 = tpu.memref_slice %arg12[%dma_start3A_2802, %dma_start3A_2803] : memref<128x32xf32, #tpu.memory_space<vmem>> -> memref<8x32xf32, #tpu.memory_space<vmem>>
        %dma_start3A_2805 = arith.constant 0 : i32
        %dma_start3A_2806 = arith.constant 0 : i32
        %dma_start3A_2807 = tpu.memref_slice %arg5[%squeeze3A_2801, %dma_start3A_2805, %dma_start3A_2806] : memref<12500x8x32xf32, #tpu.memory_space<hbm>> -> memref<1x8x32xf32, #tpu.memory_space<hbm>>
        %dma_start3A_2808 = tpu.memref_squeeze %dma_start3A_2807 : memref<1x8x32xf32, #tpu.memory_space<hbm>> -> memref<8x32xf32, #tpu.memory_space<hbm>>
        %dma_start3A_2809 = arith.constant 72 : i32
        %dma_start3A_2810 = arith.constant 0 : i32
        %dma_start3A_2811 = tpu.memref_slice %arg12[%dma_start3A_2809, %dma_start3A_2810] : memref<128x32xf32, #tpu.memory_space<vmem>> -> memref<8x32xf32, #tpu.memory_space<vmem>>
        %dma_start3A_2812 = arith.constant 0 : i32
        %dma_start3A_2813 = arith.constant 0 : i32
        %dma_start3A_2814 = tpu.memref_slice %arg5[%squeeze3A_2801, %dma_start3A_2812, %dma_start3A_2813] : memref<12500x8x32xf32, #tpu.memory_space<hbm>> -> memref<1x8x32xf32, #tpu.memory_space<hbm>>
        %dma_start3A_2815 = tpu.memref_squeeze %dma_start3A_2814 : memref<1x8x32xf32, #tpu.memory_space<hbm>> -> memref<8x32xf32, #tpu.memory_space<hbm>>
        tpu.enqueue_dma source(%dma_start3A_2815 : memref<8x32xf32, #tpu.memory_space<hbm>>) target(%dma_start3A_2811 : memref<8x32xf32, #tpu.memory_space<vmem>>) target_semaphore(%arg18 : memref<!tpu.dma_semaphore, #tpu.memory_space<semaphore_mem>>)
        %slice3A_2816 = vector.extract_strided_slice %shift_right_logical3A_2655 {offsets = [10], sizes = [1], strides = [1]} : vector<16xi32> to vector<1xi32>
        %squeeze3A_2817 = vector.extract %slice3A_2816[0] : i32 from vector<1xi32>
        %dma_start3A_2818 = arith.constant 80 : i32
        %dma_start3A_2819 = arith.constant 0 : i32
        %dma_start3A_2820 = tpu.memref_slice %arg12[%dma_start3A_2818, %dma_start3A_2819] : memref<128x32xf32, #tpu.memory_space<vmem>> -> memref<8x32xf32, #tpu.memory_space<vmem>>
        %dma_start3A_2821 = arith.constant 0 : i32
        %dma_start3A_2822 = arith.constant 0 : i32
        %dma_start3A_2823 = tpu.memref_slice %arg5[%squeeze3A_2817, %dma_start3A_2821, %dma_start3A_2822] : memref<12500x8x32xf32, #tpu.memory_space<hbm>> -> memref<1x8x32xf32, #tpu.memory_space<hbm>>
        %dma_start3A_2824 = tpu.memref_squeeze %dma_start3A_2823 : memref<1x8x32xf32, #tpu.memory_space<hbm>> -> memref<8x32xf32, #tpu.memory_space<hbm>>
        %dma_start3A_2825 = arith.constant 80 : i32
        %dma_start3A_2826 = arith.constant 0 : i32
        %dma_start3A_2827 = tpu.memref_slice %arg12[%dma_start3A_2825, %dma_start3A_2826] : memref<128x32xf32, #tpu.memory_space<vmem>> -> memref<8x32xf32, #tpu.memory_space<vmem>>
        %dma_start3A_2828 = arith.constant 0 : i32
        %dma_start3A_2829 = arith.constant 0 : i32
        %dma_start3A_2830 = tpu.memref_slice %arg5[%squeeze3A_2817, %dma_start3A_2828, %dma_start3A_2829] : memref<12500x8x32xf32, #tpu.memory_space<hbm>> -> memref<1x8x32xf32, #tpu.memory_space<hbm>>
        %dma_start3A_2831 = tpu.memref_squeeze %dma_start3A_2830 : memref<1x8x32xf32, #tpu.memory_space<hbm>> -> memref<8x32xf32, #tpu.memory_space<hbm>>
        tpu.enqueue_dma source(%dma_start3A_2831 : memref<8x32xf32, #tpu.memory_space<hbm>>) target(%dma_start3A_2827 : memref<8x32xf32, #tpu.memory_space<vmem>>) target_semaphore(%arg18 : memref<!tpu.dma_semaphore, #tpu.memory_space<semaphore_mem>>)
        %slice3A_2832 = vector.extract_strided_slice %shift_right_logical3A_2655 {offsets = [11], sizes = [1], strides = [1]} : vector<16xi32> to vector<1xi32>
        %squeeze3A_2833 = vector.extract %slice3A_2832[0] : i32 from vector<1xi32>
        %dma_start3A_2834 = arith.constant 88 : i32
        %dma_start3A_2835 = arith.constant 0 : i32
        %dma_start3A_2836 = tpu.memref_slice %arg12[%dma_start3A_2834, %dma_start3A_2835] : memref<128x32xf32, #tpu.memory_space<vmem>> -> memref<8x32xf32, #tpu.memory_space<vmem>>
        %dma_start3A_2837 = arith.constant 0 : i32
        %dma_start3A_2838 = arith.constant 0 : i32
        %dma_start3A_2839 = tpu.memref_slice %arg5[%squeeze3A_2833, %dma_start3A_2837, %dma_start3A_2838] : memref<12500x8x32xf32, #tpu.memory_space<hbm>> -> memref<1x8x32xf32, #tpu.memory_space<hbm>>
        %dma_start3A_2840 = tpu.memref_squeeze %dma_start3A_2839 : memref<1x8x32xf32, #tpu.memory_space<hbm>> -> memref<8x32xf32, #tpu.memory_space<hbm>>
        %dma_start3A_2841 = arith.constant 88 : i32
        %dma_start3A_2842 = arith.constant 0 : i32
        %dma_start3A_2843 = tpu.memref_slice %arg12[%dma_start3A_2841, %dma_start3A_2842] : memref<128x32xf32, #tpu.memory_space<vmem>> -> memref<8x32xf32, #tpu.memory_space<vmem>>
        %dma_start3A_2844 = arith.constant 0 : i32
        %dma_start3A_2845 = arith.constant 0 : i32
        %dma_start3A_2846 = tpu.memref_slice %arg5[%squeeze3A_2833, %dma_start3A_2844, %dma_start3A_2845] : memref<12500x8x32xf32, #tpu.memory_space<hbm>> -> memref<1x8x32xf32, #tpu.memory_space<hbm>>
        %dma_start3A_2847 = tpu.memref_squeeze %dma_start3A_2846 : memref<1x8x32xf32, #tpu.memory_space<hbm>> -> memref<8x32xf32, #tpu.memory_space<hbm>>
        tpu.enqueue_dma source(%dma_start3A_2847 : memref<8x32xf32, #tpu.memory_space<hbm>>) target(%dma_start3A_2843 : memref<8x32xf32, #tpu.memory_space<vmem>>) target_semaphore(%arg18 : memref<!tpu.dma_semaphore, #tpu.memory_space<semaphore_mem>>)
        %slice3A_2848 = vector.extract_strided_slice %shift_right_logical3A_2655 {offsets = [12], sizes = [1], strides = [1]} : vector<16xi32> to vector<1xi32>
        %squeeze3A_2849 = vector.extract %slice3A_2848[0] : i32 from vector<1xi32>
        %dma_start3A_2850 = arith.constant 96 : i32
        %dma_start3A_2851 = arith.constant 0 : i32
        %dma_start3A_2852 = tpu.memref_slice %arg12[%dma_start3A_2850, %dma_start3A_2851] : memref<128x32xf32, #tpu.memory_space<vmem>> -> memref<8x32xf32, #tpu.memory_space<vmem>>
        %dma_start3A_2853 = arith.constant 0 : i32
        %dma_start3A_2854 = arith.constant 0 : i32
        %dma_start3A_2855 = tpu.memref_slice %arg5[%squeeze3A_2849, %dma_start3A_2853, %dma_start3A_2854] : memref<12500x8x32xf32, #tpu.memory_space<hbm>> -> memref<1x8x32xf32, #tpu.memory_space<hbm>>
        %dma_start3A_2856 = tpu.memref_squeeze %dma_start3A_2855 : memref<1x8x32xf32, #tpu.memory_space<hbm>> -> memref<8x32xf32, #tpu.memory_space<hbm>>
        %dma_start3A_2857 = arith.constant 96 : i32
        %dma_start3A_2858 = arith.constant 0 : i32
        %dma_start3A_2859 = tpu.memref_slice %arg12[%dma_start3A_2857, %dma_start3A_2858] : memref<128x32xf32, #tpu.memory_space<vmem>> -> memref<8x32xf32, #tpu.memory_space<vmem>>
        %dma_start3A_2860 = arith.constant 0 : i32
        %dma_start3A_2861 = arith.constant 0 : i32
        %dma_start3A_2862 = tpu.memref_slice %arg5[%squeeze3A_2849, %dma_start3A_2860, %dma_start3A_2861] : memref<12500x8x32xf32, #tpu.memory_space<hbm>> -> memref<1x8x32xf32, #tpu.memory_space<hbm>>
        %dma_start3A_2863 = tpu.memref_squeeze %dma_start3A_2862 : memref<1x8x32xf32, #tpu.memory_space<hbm>> -> memref<8x32xf32, #tpu.memory_space<hbm>>
        tpu.enqueue_dma source(%dma_start3A_2863 : memref<8x32xf32, #tpu.memory_space<hbm>>) target(%dma_start3A_2859 : memref<8x32xf32, #tpu.memory_space<vmem>>) target_semaphore(%arg18 : memref<!tpu.dma_semaphore, #tpu.memory_space<semaphore_mem>>)
        %slice3A_2864 = vector.extract_strided_slice %shift_right_logical3A_2655 {offsets = [13], sizes = [1], strides = [1]} : vector<16xi32> to vector<1xi32>
        %squeeze3A_2865 = vector.extract %slice3A_2864[0] : i32 from vector<1xi32>
        %dma_start3A_2866 = arith.constant 104 : i32
        %dma_start3A_2867 = arith.constant 0 : i32
        %dma_start3A_2868 = tpu.memref_slice %arg12[%dma_start3A_2866, %dma_start3A_2867] : memref<128x32xf32, #tpu.memory_space<vmem>> -> memref<8x32xf32, #tpu.memory_space<vmem>>
        %dma_start3A_2869 = arith.constant 0 : i32
        %dma_start3A_2870 = arith.constant 0 : i32
        %dma_start3A_2871 = tpu.memref_slice %arg5[%squeeze3A_2865, %dma_start3A_2869, %dma_start3A_2870] : memref<12500x8x32xf32, #tpu.memory_space<hbm>> -> memref<1x8x32xf32, #tpu.memory_space<hbm>>
        %dma_start3A_2872 = tpu.memref_squeeze %dma_start3A_2871 : memref<1x8x32xf32, #tpu.memory_space<hbm>> -> memref<8x32xf32, #tpu.memory_space<hbm>>
        %dma_start3A_2873 = arith.constant 104 : i32
        %dma_start3A_2874 = arith.constant 0 : i32
        %dma_start3A_2875 = tpu.memref_slice %arg12[%dma_start3A_2873, %dma_start3A_2874] : memref<128x32xf32, #tpu.memory_space<vmem>> -> memref<8x32xf32, #tpu.memory_space<vmem>>
        %dma_start3A_2876 = arith.constant 0 : i32
        %dma_start3A_2877 = arith.constant 0 : i32
        %dma_start3A_2878 = tpu.memref_slice %arg5[%squeeze3A_2865, %dma_start3A_2876, %dma_start3A_2877] : memref<12500x8x32xf32, #tpu.memory_space<hbm>> -> memref<1x8x32xf32, #tpu.memory_space<hbm>>
        %dma_start3A_2879 = tpu.memref_squeeze %dma_start3A_2878 : memref<1x8x32xf32, #tpu.memory_space<hbm>> -> memref<8x32xf32, #tpu.memory_space<hbm>>
        tpu.enqueue_dma source(%dma_start3A_2879 : memref<8x32xf32, #tpu.memory_space<hbm>>) target(%dma_start3A_2875 : memref<8x32xf32, #tpu.memory_space<vmem>>) target_semaphore(%arg18 : memref<!tpu.dma_semaphore, #tpu.memory_space<semaphore_mem>>)
        %slice3A_2880 = vector.extract_strided_slice %shift_right_logical3A_2655 {offsets = [14], sizes = [1], strides = [1]} : vector<16xi32> to vector<1xi32>
        %squeeze3A_2881 = vector.extract %slice3A_2880[0] : i32 from vector<1xi32>
        %dma_start3A_2882 = arith.constant 112 : i32
        %dma_start3A_2883 = arith.constant 0 : i32
        %dma_start3A_2884 = tpu.memref_slice %arg12[%dma_start3A_2882, %dma_start3A_2883] : memref<128x32xf32, #tpu.memory_space<vmem>> -> memref<8x32xf32, #tpu.memory_space<vmem>>
        %dma_start3A_2885 = arith.constant 0 : i32
        %dma_start3A_2886 = arith.constant 0 : i32
        %dma_start3A_2887 = tpu.memref_slice %arg5[%squeeze3A_2881, %dma_start3A_2885, %dma_start3A_2886] : memref<12500x8x32xf32, #tpu.memory_space<hbm>> -> memref<1x8x32xf32, #tpu.memory_space<hbm>>
        %dma_start3A_2888 = tpu.memref_squeeze %dma_start3A_2887 : memref<1x8x32xf32, #tpu.memory_space<hbm>> -> memref<8x32xf32, #tpu.memory_space<hbm>>
        %dma_start3A_2889 = arith.constant 112 : i32
        %dma_start3A_2890 = arith.constant 0 : i32
        %dma_start3A_2891 = tpu.memref_slice %arg12[%dma_start3A_2889, %dma_start3A_2890] : memref<128x32xf32, #tpu.memory_space<vmem>> -> memref<8x32xf32, #tpu.memory_space<vmem>>
        %dma_start3A_2892 = arith.constant 0 : i32
        %dma_start3A_2893 = arith.constant 0 : i32
        %dma_start3A_2894 = tpu.memref_slice %arg5[%squeeze3A_2881, %dma_start3A_2892, %dma_start3A_2893] : memref<12500x8x32xf32, #tpu.memory_space<hbm>> -> memref<1x8x32xf32, #tpu.memory_space<hbm>>
        %dma_start3A_2895 = tpu.memref_squeeze %dma_start3A_2894 : memref<1x8x32xf32, #tpu.memory_space<hbm>> -> memref<8x32xf32, #tpu.memory_space<hbm>>
        tpu.enqueue_dma source(%dma_start3A_2895 : memref<8x32xf32, #tpu.memory_space<hbm>>) target(%dma_start3A_2891 : memref<8x32xf32, #tpu.memory_space<vmem>>) target_semaphore(%arg18 : memref<!tpu.dma_semaphore, #tpu.memory_space<semaphore_mem>>)
        %slice3A_2896 = vector.extract_strided_slice %shift_right_logical3A_2655 {offsets = [15], sizes = [1], strides = [1]} : vector<16xi32> to vector<1xi32>
        %squeeze3A_2897 = vector.extract %slice3A_2896[0] : i32 from vector<1xi32>
        %dma_start3A_2898 = arith.constant 120 : i32
        %dma_start3A_2899 = arith.constant 0 : i32
        %dma_start3A_2900 = tpu.memref_slice %arg12[%dma_start3A_2898, %dma_start3A_2899] : memref<128x32xf32, #tpu.memory_space<vmem>> -> memref<8x32xf32, #tpu.memory_space<vmem>>
        %dma_start3A_2901 = arith.constant 0 : i32
        %dma_start3A_2902 = arith.constant 0 : i32
        %dma_start3A_2903 = tpu.memref_slice %arg5[%squeeze3A_2897, %dma_start3A_2901, %dma_start3A_2902] : memref<12500x8x32xf32, #tpu.memory_space<hbm>> -> memref<1x8x32xf32, #tpu.memory_space<hbm>>
        %dma_start3A_2904 = tpu.memref_squeeze %dma_start3A_2903 : memref<1x8x32xf32, #tpu.memory_space<hbm>> -> memref<8x32xf32, #tpu.memory_space<hbm>>
        %dma_start3A_2905 = arith.constant 120 : i32
        %dma_start3A_2906 = arith.constant 0 : i32
        %dma_start3A_2907 = tpu.memref_slice %arg12[%dma_start3A_2905, %dma_start3A_2906] : memref<128x32xf32, #tpu.memory_space<vmem>> -> memref<8x32xf32, #tpu.memory_space<vmem>>
        %dma_start3A_2908 = arith.constant 0 : i32
        %dma_start3A_2909 = arith.constant 0 : i32
        %dma_start3A_2910 = tpu.memref_slice %arg5[%squeeze3A_2897, %dma_start3A_2908, %dma_start3A_2909] : memref<12500x8x32xf32, #tpu.memory_space<hbm>> -> memref<1x8x32xf32, #tpu.memory_space<hbm>>
        %dma_start3A_2911 = tpu.memref_squeeze %dma_start3A_2910 : memref<1x8x32xf32, #tpu.memory_space<hbm>> -> memref<8x32xf32, #tpu.memory_space<hbm>>
        tpu.enqueue_dma source(%dma_start3A_2911 : memref<8x32xf32, #tpu.memory_space<hbm>>) target(%dma_start3A_2907 : memref<8x32xf32, #tpu.memory_space<vmem>>) target_semaphore(%arg18 : memref<!tpu.dma_semaphore, #tpu.memory_space<semaphore_mem>>)
      } else {
      }
      %iota3A_1472 = tpu.iota {dimensions = array<i32: 0>} : vector<16xi32>
      %dma_wait3A_1473 = arith.constant 0 : i32
      %dma_wait3A_1474 = arith.constant 0 : i32
      %dma_wait3A_1475 = arith.constant 0 : i32
      %dma_wait3A_1476 = tpu.memref_slice %arg11[%dma_wait3A_1474, %dma_wait3A_1475] : memref<128x32xf32, #tpu.memory_space<vmem>> -> memref<8x32xf32, #tpu.memory_space<vmem>>
      %dma_wait3A_1477 = arith.constant 0 : i32
      %dma_wait3A_1478 = arith.constant 0 : i32
      %dma_wait3A_1479 = tpu.memref_slice %arg4[%dma_wait3A_1473, %dma_wait3A_1477, %dma_wait3A_1478] : memref<125000x8x32xf32, #tpu.memory_space<hbm>> -> memref<1x8x32xf32, #tpu.memory_space<hbm>>
      %dma_wait3A_1480 = tpu.memref_squeeze %dma_wait3A_1479 : memref<1x8x32xf32, #tpu.memory_space<hbm>> -> memref<8x32xf32, #tpu.memory_space<hbm>>
      %dma_wait3A_1481 = arith.constant 0 : i32
      %dma_wait3A_1482 = arith.constant 0 : i32
      %dma_wait3A_1483 = tpu.memref_slice %arg11[%dma_wait3A_1481, %dma_wait3A_1482] : memref<128x32xf32, #tpu.memory_space<vmem>> -> memref<8x32xf32, #tpu.memory_space<vmem>>
      %dma_wait3A_1484 = arith.constant 0 : i32
      %dma_wait3A_1485 = arith.constant 0 : i32
      %dma_wait3A_1486 = tpu.memref_slice %arg4[%dma_wait3A_1473, %dma_wait3A_1484, %dma_wait3A_1485] : memref<125000x8x32xf32, #tpu.memory_space<hbm>> -> memref<1x8x32xf32, #tpu.memory_space<hbm>>
      %dma_wait3A_1487 = tpu.memref_squeeze %dma_wait3A_1486 : memref<1x8x32xf32, #tpu.memory_space<hbm>> -> memref<8x32xf32, #tpu.memory_space<hbm>>
      tpu.wait_dma2 semaphore(%arg17 : memref<!tpu.dma_semaphore, #tpu.memory_space<semaphore_mem>>) src(%dma_wait3A_1487 : memref<8x32xf32, #tpu.memory_space<hbm>>) dst(%dma_wait3A_1483 : memref<8x32xf32, #tpu.memory_space<vmem>>)
      %dma_wait3A_1488 = arith.constant 0 : i32
      %dma_wait3A_1489 = arith.constant 8 : i32
      %dma_wait3A_1490 = arith.constant 0 : i32
      %dma_wait3A_1491 = tpu.memref_slice %arg11[%dma_wait3A_1489, %dma_wait3A_1490] : memref<128x32xf32, #tpu.memory_space<vmem>> -> memref<8x32xf32, #tpu.memory_space<vmem>>
      %dma_wait3A_1492 = arith.constant 0 : i32
      %dma_wait3A_1493 = arith.constant 0 : i32
      %dma_wait3A_1494 = tpu.memref_slice %arg4[%dma_wait3A_1488, %dma_wait3A_1492, %dma_wait3A_1493] : memref<125000x8x32xf32, #tpu.memory_space<hbm>> -> memref<1x8x32xf32, #tpu.memory_space<hbm>>
      %dma_wait3A_1495 = tpu.memref_squeeze %dma_wait3A_1494 : memref<1x8x32xf32, #tpu.memory_space<hbm>> -> memref<8x32xf32, #tpu.memory_space<hbm>>
      %dma_wait3A_1496 = arith.constant 8 : i32
      %dma_wait3A_1497 = arith.constant 0 : i32
      %dma_wait3A_1498 = tpu.memref_slice %arg11[%dma_wait3A_1496, %dma_wait3A_1497] : memref<128x32xf32, #tpu.memory_space<vmem>> -> memref<8x32xf32, #tpu.memory_space<vmem>>
      %dma_wait3A_1499 = arith.constant 0 : i32
      %dma_wait3A_1500 = arith.constant 0 : i32
      %dma_wait3A_1501 = tpu.memref_slice %arg4[%dma_wait3A_1488, %dma_wait3A_1499, %dma_wait3A_1500] : memref<125000x8x32xf32, #tpu.memory_space<hbm>> -> memref<1x8x32xf32, #tpu.memory_space<hbm>>
      %dma_wait3A_1502 = tpu.memref_squeeze %dma_wait3A_1501 : memref<1x8x32xf32, #tpu.memory_space<hbm>> -> memref<8x32xf32, #tpu.memory_space<hbm>>
      tpu.wait_dma2 semaphore(%arg17 : memref<!tpu.dma_semaphore, #tpu.memory_space<semaphore_mem>>) src(%dma_wait3A_1502 : memref<8x32xf32, #tpu.memory_space<hbm>>) dst(%dma_wait3A_1498 : memref<8x32xf32, #tpu.memory_space<vmem>>)
      %dma_wait3A_1503 = arith.constant 0 : i32
      %dma_wait3A_1504 = arith.constant 16 : i32
      %dma_wait3A_1505 = arith.constant 0 : i32
      %dma_wait3A_1506 = tpu.memref_slice %arg11[%dma_wait3A_1504, %dma_wait3A_1505] : memref<128x32xf32, #tpu.memory_space<vmem>> -> memref<8x32xf32, #tpu.memory_space<vmem>>
      %dma_wait3A_1507 = arith.constant 0 : i32
      %dma_wait3A_1508 = arith.constant 0 : i32
      %dma_wait3A_1509 = tpu.memref_slice %arg4[%dma_wait3A_1503, %dma_wait3A_1507, %dma_wait3A_1508] : memref<125000x8x32xf32, #tpu.memory_space<hbm>> -> memref<1x8x32xf32, #tpu.memory_space<hbm>>
      %dma_wait3A_1510 = tpu.memref_squeeze %dma_wait3A_1509 : memref<1x8x32xf32, #tpu.memory_space<hbm>> -> memref<8x32xf32, #tpu.memory_space<hbm>>
      %dma_wait3A_1511 = arith.constant 16 : i32
      %dma_wait3A_1512 = arith.constant 0 : i32
      %dma_wait3A_1513 = tpu.memref_slice %arg11[%dma_wait3A_1511, %dma_wait3A_1512] : memref<128x32xf32, #tpu.memory_space<vmem>> -> memref<8x32xf32, #tpu.memory_space<vmem>>
      %dma_wait3A_1514 = arith.constant 0 : i32
      %dma_wait3A_1515 = arith.constant 0 : i32
      %dma_wait3A_1516 = tpu.memref_slice %arg4[%dma_wait3A_1503, %dma_wait3A_1514, %dma_wait3A_1515] : memref<125000x8x32xf32, #tpu.memory_space<hbm>> -> memref<1x8x32xf32, #tpu.memory_space<hbm>>
      %dma_wait3A_1517 = tpu.memref_squeeze %dma_wait3A_1516 : memref<1x8x32xf32, #tpu.memory_space<hbm>> -> memref<8x32xf32, #tpu.memory_space<hbm>>
      tpu.wait_dma2 semaphore(%arg17 : memref<!tpu.dma_semaphore, #tpu.memory_space<semaphore_mem>>) src(%dma_wait3A_1517 : memref<8x32xf32, #tpu.memory_space<hbm>>) dst(%dma_wait3A_1513 : memref<8x32xf32, #tpu.memory_space<vmem>>)
      %dma_wait3A_1518 = arith.constant 0 : i32
      %dma_wait3A_1519 = arith.constant 24 : i32
      %dma_wait3A_1520 = arith.constant 0 : i32
      %dma_wait3A_1521 = tpu.memref_slice %arg11[%dma_wait3A_1519, %dma_wait3A_1520] : memref<128x32xf32, #tpu.memory_space<vmem>> -> memref<8x32xf32, #tpu.memory_space<vmem>>
      %dma_wait3A_1522 = arith.constant 0 : i32
      %dma_wait3A_1523 = arith.constant 0 : i32
      %dma_wait3A_1524 = tpu.memref_slice %arg4[%dma_wait3A_1518, %dma_wait3A_1522, %dma_wait3A_1523] : memref<125000x8x32xf32, #tpu.memory_space<hbm>> -> memref<1x8x32xf32, #tpu.memory_space<hbm>>
      %dma_wait3A_1525 = tpu.memref_squeeze %dma_wait3A_1524 : memref<1x8x32xf32, #tpu.memory_space<hbm>> -> memref<8x32xf32, #tpu.memory_space<hbm>>
      %dma_wait3A_1526 = arith.constant 24 : i32
      %dma_wait3A_1527 = arith.constant 0 : i32
      %dma_wait3A_1528 = tpu.memref_slice %arg11[%dma_wait3A_1526, %dma_wait3A_1527] : memref<128x32xf32, #tpu.memory_space<vmem>> -> memref<8x32xf32, #tpu.memory_space<vmem>>
      %dma_wait3A_1529 = arith.constant 0 : i32
      %dma_wait3A_1530 = arith.constant 0 : i32
      %dma_wait3A_1531 = tpu.memref_slice %arg4[%dma_wait3A_1518, %dma_wait3A_1529, %dma_wait3A_1530] : memref<125000x8x32xf32, #tpu.memory_space<hbm>> -> memref<1x8x32xf32, #tpu.memory_space<hbm>>
      %dma_wait3A_1532 = tpu.memref_squeeze %dma_wait3A_1531 : memref<1x8x32xf32, #tpu.memory_space<hbm>> -> memref<8x32xf32, #tpu.memory_space<hbm>>
      tpu.wait_dma2 semaphore(%arg17 : memref<!tpu.dma_semaphore, #tpu.memory_space<semaphore_mem>>) src(%dma_wait3A_1532 : memref<8x32xf32, #tpu.memory_space<hbm>>) dst(%dma_wait3A_1528 : memref<8x32xf32, #tpu.memory_space<vmem>>)
      %dma_wait3A_1533 = arith.constant 0 : i32
      %dma_wait3A_1534 = arith.constant 32 : i32
      %dma_wait3A_1535 = arith.constant 0 : i32
      %dma_wait3A_1536 = tpu.memref_slice %arg11[%dma_wait3A_1534, %dma_wait3A_1535] : memref<128x32xf32, #tpu.memory_space<vmem>> -> memref<8x32xf32, #tpu.memory_space<vmem>>
      %dma_wait3A_1537 = arith.constant 0 : i32
      %dma_wait3A_1538 = arith.constant 0 : i32
      %dma_wait3A_1539 = tpu.memref_slice %arg4[%dma_wait3A_1533, %dma_wait3A_1537, %dma_wait3A_1538] : memref<125000x8x32xf32, #tpu.memory_space<hbm>> -> memref<1x8x32xf32, #tpu.memory_space<hbm>>
      %dma_wait3A_1540 = tpu.memref_squeeze %dma_wait3A_1539 : memref<1x8x32xf32, #tpu.memory_space<hbm>> -> memref<8x32xf32, #tpu.memory_space<hbm>>
      %dma_wait3A_1541 = arith.constant 32 : i32
      %dma_wait3A_1542 = arith.constant 0 : i32
      %dma_wait3A_1543 = tpu.memref_slice %arg11[%dma_wait3A_1541, %dma_wait3A_1542] : memref<128x32xf32, #tpu.memory_space<vmem>> -> memref<8x32xf32, #tpu.memory_space<vmem>>
      %dma_wait3A_1544 = arith.constant 0 : i32
      %dma_wait3A_1545 = arith.constant 0 : i32
      %dma_wait3A_1546 = tpu.memref_slice %arg4[%dma_wait3A_1533, %dma_wait3A_1544, %dma_wait3A_1545] : memref<125000x8x32xf32, #tpu.memory_space<hbm>> -> memref<1x8x32xf32, #tpu.memory_space<hbm>>
      %dma_wait3A_1547 = tpu.memref_squeeze %dma_wait3A_1546 : memref<1x8x32xf32, #tpu.memory_space<hbm>> -> memref<8x32xf32, #tpu.memory_space<hbm>>
      tpu.wait_dma2 semaphore(%arg17 : memref<!tpu.dma_semaphore, #tpu.memory_space<semaphore_mem>>) src(%dma_wait3A_1547 : memref<8x32xf32, #tpu.memory_space<hbm>>) dst(%dma_wait3A_1543 : memref<8x32xf32, #tpu.memory_space<vmem>>)
      %dma_wait3A_1548 = arith.constant 0 : i32
      %dma_wait3A_1549 = arith.constant 40 : i32
      %dma_wait3A_1550 = arith.constant 0 : i32
      %dma_wait3A_1551 = tpu.memref_slice %arg11[%dma_wait3A_1549, %dma_wait3A_1550] : memref<128x32xf32, #tpu.memory_space<vmem>> -> memref<8x32xf32, #tpu.memory_space<vmem>>
      %dma_wait3A_1552 = arith.constant 0 : i32
      %dma_wait3A_1553 = arith.constant 0 : i32
      %dma_wait3A_1554 = tpu.memref_slice %arg4[%dma_wait3A_1548, %dma_wait3A_1552, %dma_wait3A_1553] : memref<125000x8x32xf32, #tpu.memory_space<hbm>> -> memref<1x8x32xf32, #tpu.memory_space<hbm>>
      %dma_wait3A_1555 = tpu.memref_squeeze %dma_wait3A_1554 : memref<1x8x32xf32, #tpu.memory_space<hbm>> -> memref<8x32xf32, #tpu.memory_space<hbm>>
      %dma_wait3A_1556 = arith.constant 40 : i32
      %dma_wait3A_1557 = arith.constant 0 : i32
      %dma_wait3A_1558 = tpu.memref_slice %arg11[%dma_wait3A_1556, %dma_wait3A_1557] : memref<128x32xf32, #tpu.memory_space<vmem>> -> memref<8x32xf32, #tpu.memory_space<vmem>>
      %dma_wait3A_1559 = arith.constant 0 : i32
      %dma_wait3A_1560 = arith.constant 0 : i32
      %dma_wait3A_1561 = tpu.memref_slice %arg4[%dma_wait3A_1548, %dma_wait3A_1559, %dma_wait3A_1560] : memref<125000x8x32xf32, #tpu.memory_space<hbm>> -> memref<1x8x32xf32, #tpu.memory_space<hbm>>
      %dma_wait3A_1562 = tpu.memref_squeeze %dma_wait3A_1561 : memref<1x8x32xf32, #tpu.memory_space<hbm>> -> memref<8x32xf32, #tpu.memory_space<hbm>>
      tpu.wait_dma2 semaphore(%arg17 : memref<!tpu.dma_semaphore, #tpu.memory_space<semaphore_mem>>) src(%dma_wait3A_1562 : memref<8x32xf32, #tpu.memory_space<hbm>>) dst(%dma_wait3A_1558 : memref<8x32xf32, #tpu.memory_space<vmem>>)
      %dma_wait3A_1563 = arith.constant 0 : i32
      %dma_wait3A_1564 = arith.constant 48 : i32
      %dma_wait3A_1565 = arith.constant 0 : i32
      %dma_wait3A_1566 = tpu.memref_slice %arg11[%dma_wait3A_1564, %dma_wait3A_1565] : memref<128x32xf32, #tpu.memory_space<vmem>> -> memref<8x32xf32, #tpu.memory_space<vmem>>
      %dma_wait3A_1567 = arith.constant 0 : i32
      %dma_wait3A_1568 = arith.constant 0 : i32
      %dma_wait3A_1569 = tpu.memref_slice %arg4[%dma_wait3A_1563, %dma_wait3A_1567, %dma_wait3A_1568] : memref<125000x8x32xf32, #tpu.memory_space<hbm>> -> memref<1x8x32xf32, #tpu.memory_space<hbm>>
      %dma_wait3A_1570 = tpu.memref_squeeze %dma_wait3A_1569 : memref<1x8x32xf32, #tpu.memory_space<hbm>> -> memref<8x32xf32, #tpu.memory_space<hbm>>
      %dma_wait3A_1571 = arith.constant 48 : i32
      %dma_wait3A_1572 = arith.constant 0 : i32
      %dma_wait3A_1573 = tpu.memref_slice %arg11[%dma_wait3A_1571, %dma_wait3A_1572] : memref<128x32xf32, #tpu.memory_space<vmem>> -> memref<8x32xf32, #tpu.memory_space<vmem>>
      %dma_wait3A_1574 = arith.constant 0 : i32
      %dma_wait3A_1575 = arith.constant 0 : i32
      %dma_wait3A_1576 = tpu.memref_slice %arg4[%dma_wait3A_1563, %dma_wait3A_1574, %dma_wait3A_1575] : memref<125000x8x32xf32, #tpu.memory_space<hbm>> -> memref<1x8x32xf32, #tpu.memory_space<hbm>>
      %dma_wait3A_1577 = tpu.memref_squeeze %dma_wait3A_1576 : memref<1x8x32xf32, #tpu.memory_space<hbm>> -> memref<8x32xf32, #tpu.memory_space<hbm>>
      tpu.wait_dma2 semaphore(%arg17 : memref<!tpu.dma_semaphore, #tpu.memory_space<semaphore_mem>>) src(%dma_wait3A_1577 : memref<8x32xf32, #tpu.memory_space<hbm>>) dst(%dma_wait3A_1573 : memref<8x32xf32, #tpu.memory_space<vmem>>)
      %dma_wait3A_1578 = arith.constant 0 : i32
      %dma_wait3A_1579 = arith.constant 56 : i32
      %dma_wait3A_1580 = arith.constant 0 : i32
      %dma_wait3A_1581 = tpu.memref_slice %arg11[%dma_wait3A_1579, %dma_wait3A_1580] : memref<128x32xf32, #tpu.memory_space<vmem>> -> memref<8x32xf32, #tpu.memory_space<vmem>>
      %dma_wait3A_1582 = arith.constant 0 : i32
      %dma_wait3A_1583 = arith.constant 0 : i32
      %dma_wait3A_1584 = tpu.memref_slice %arg4[%dma_wait3A_1578, %dma_wait3A_1582, %dma_wait3A_1583] : memref<125000x8x32xf32, #tpu.memory_space<hbm>> -> memref<1x8x32xf32, #tpu.memory_space<hbm>>
      %dma_wait3A_1585 = tpu.memref_squeeze %dma_wait3A_1584 : memref<1x8x32xf32, #tpu.memory_space<hbm>> -> memref<8x32xf32, #tpu.memory_space<hbm>>
      %dma_wait3A_1586 = arith.constant 56 : i32
      %dma_wait3A_1587 = arith.constant 0 : i32
      %dma_wait3A_1588 = tpu.memref_slice %arg11[%dma_wait3A_1586, %dma_wait3A_1587] : memref<128x32xf32, #tpu.memory_space<vmem>> -> memref<8x32xf32, #tpu.memory_space<vmem>>
      %dma_wait3A_1589 = arith.constant 0 : i32
      %dma_wait3A_1590 = arith.constant 0 : i32
      %dma_wait3A_1591 = tpu.memref_slice %arg4[%dma_wait3A_1578, %dma_wait3A_1589, %dma_wait3A_1590] : memref<125000x8x32xf32, #tpu.memory_space<hbm>> -> memref<1x8x32xf32, #tpu.memory_space<hbm>>
      %dma_wait3A_1592 = tpu.memref_squeeze %dma_wait3A_1591 : memref<1x8x32xf32, #tpu.memory_space<hbm>> -> memref<8x32xf32, #tpu.memory_space<hbm>>
      tpu.wait_dma2 semaphore(%arg17 : memref<!tpu.dma_semaphore, #tpu.memory_space<semaphore_mem>>) src(%dma_wait3A_1592 : memref<8x32xf32, #tpu.memory_space<hbm>>) dst(%dma_wait3A_1588 : memref<8x32xf32, #tpu.memory_space<vmem>>)
      %dma_wait3A_1593 = arith.constant 0 : i32
      %dma_wait3A_1594 = arith.constant 64 : i32
      %dma_wait3A_1595 = arith.constant 0 : i32
      %dma_wait3A_1596 = tpu.memref_slice %arg11[%dma_wait3A_1594, %dma_wait3A_1595] : memref<128x32xf32, #tpu.memory_space<vmem>> -> memref<8x32xf32, #tpu.memory_space<vmem>>
      %dma_wait3A_1597 = arith.constant 0 : i32
      %dma_wait3A_1598 = arith.constant 0 : i32
      %dma_wait3A_1599 = tpu.memref_slice %arg4[%dma_wait3A_1593, %dma_wait3A_1597, %dma_wait3A_1598] : memref<125000x8x32xf32, #tpu.memory_space<hbm>> -> memref<1x8x32xf32, #tpu.memory_space<hbm>>
      %dma_wait3A_1600 = tpu.memref_squeeze %dma_wait3A_1599 : memref<1x8x32xf32, #tpu.memory_space<hbm>> -> memref<8x32xf32, #tpu.memory_space<hbm>>
      %dma_wait3A_1601 = arith.constant 64 : i32
      %dma_wait3A_1602 = arith.constant 0 : i32
      %dma_wait3A_1603 = tpu.memref_slice %arg11[%dma_wait3A_1601, %dma_wait3A_1602] : memref<128x32xf32, #tpu.memory_space<vmem>> -> memref<8x32xf32, #tpu.memory_space<vmem>>
      %dma_wait3A_1604 = arith.constant 0 : i32
      %dma_wait3A_1605 = arith.constant 0 : i32
      %dma_wait3A_1606 = tpu.memref_slice %arg4[%dma_wait3A_1593, %dma_wait3A_1604, %dma_wait3A_1605] : memref<125000x8x32xf32, #tpu.memory_space<hbm>> -> memref<1x8x32xf32, #tpu.memory_space<hbm>>
      %dma_wait3A_1607 = tpu.memref_squeeze %dma_wait3A_1606 : memref<1x8x32xf32, #tpu.memory_space<hbm>> -> memref<8x32xf32, #tpu.memory_space<hbm>>
      tpu.wait_dma2 semaphore(%arg17 : memref<!tpu.dma_semaphore, #tpu.memory_space<semaphore_mem>>) src(%dma_wait3A_1607 : memref<8x32xf32, #tpu.memory_space<hbm>>) dst(%dma_wait3A_1603 : memref<8x32xf32, #tpu.memory_space<vmem>>)
      %dma_wait3A_1608 = arith.constant 0 : i32
      %dma_wait3A_1609 = arith.constant 72 : i32
      %dma_wait3A_1610 = arith.constant 0 : i32
      %dma_wait3A_1611 = tpu.memref_slice %arg11[%dma_wait3A_1609, %dma_wait3A_1610] : memref<128x32xf32, #tpu.memory_space<vmem>> -> memref<8x32xf32, #tpu.memory_space<vmem>>
      %dma_wait3A_1612 = arith.constant 0 : i32
      %dma_wait3A_1613 = arith.constant 0 : i32
      %dma_wait3A_1614 = tpu.memref_slice %arg4[%dma_wait3A_1608, %dma_wait3A_1612, %dma_wait3A_1613] : memref<125000x8x32xf32, #tpu.memory_space<hbm>> -> memref<1x8x32xf32, #tpu.memory_space<hbm>>
      %dma_wait3A_1615 = tpu.memref_squeeze %dma_wait3A_1614 : memref<1x8x32xf32, #tpu.memory_space<hbm>> -> memref<8x32xf32, #tpu.memory_space<hbm>>
      %dma_wait3A_1616 = arith.constant 72 : i32
      %dma_wait3A_1617 = arith.constant 0 : i32
      %dma_wait3A_1618 = tpu.memref_slice %arg11[%dma_wait3A_1616, %dma_wait3A_1617] : memref<128x32xf32, #tpu.memory_space<vmem>> -> memref<8x32xf32, #tpu.memory_space<vmem>>
      %dma_wait3A_1619 = arith.constant 0 : i32
      %dma_wait3A_1620 = arith.constant 0 : i32
      %dma_wait3A_1621 = tpu.memref_slice %arg4[%dma_wait3A_1608, %dma_wait3A_1619, %dma_wait3A_1620] : memref<125000x8x32xf32, #tpu.memory_space<hbm>> -> memref<1x8x32xf32, #tpu.memory_space<hbm>>
      %dma_wait3A_1622 = tpu.memref_squeeze %dma_wait3A_1621 : memref<1x8x32xf32, #tpu.memory_space<hbm>> -> memref<8x32xf32, #tpu.memory_space<hbm>>
      tpu.wait_dma2 semaphore(%arg17 : memref<!tpu.dma_semaphore, #tpu.memory_space<semaphore_mem>>) src(%dma_wait3A_1622 : memref<8x32xf32, #tpu.memory_space<hbm>>) dst(%dma_wait3A_1618 : memref<8x32xf32, #tpu.memory_space<vmem>>)
      %dma_wait3A_1623 = arith.constant 0 : i32
      %dma_wait3A_1624 = arith.constant 80 : i32
      %dma_wait3A_1625 = arith.constant 0 : i32
      %dma_wait3A_1626 = tpu.memref_slice %arg11[%dma_wait3A_1624, %dma_wait3A_1625] : memref<128x32xf32, #tpu.memory_space<vmem>> -> memref<8x32xf32, #tpu.memory_space<vmem>>
      %dma_wait3A_1627 = arith.constant 0 : i32
      %dma_wait3A_1628 = arith.constant 0 : i32
      %dma_wait3A_1629 = tpu.memref_slice %arg4[%dma_wait3A_1623, %dma_wait3A_1627, %dma_wait3A_1628] : memref<125000x8x32xf32, #tpu.memory_space<hbm>> -> memref<1x8x32xf32, #tpu.memory_space<hbm>>
      %dma_wait3A_1630 = tpu.memref_squeeze %dma_wait3A_1629 : memref<1x8x32xf32, #tpu.memory_space<hbm>> -> memref<8x32xf32, #tpu.memory_space<hbm>>
      %dma_wait3A_1631 = arith.constant 80 : i32
      %dma_wait3A_1632 = arith.constant 0 : i32
      %dma_wait3A_1633 = tpu.memref_slice %arg11[%dma_wait3A_1631, %dma_wait3A_1632] : memref<128x32xf32, #tpu.memory_space<vmem>> -> memref<8x32xf32, #tpu.memory_space<vmem>>
      %dma_wait3A_1634 = arith.constant 0 : i32
      %dma_wait3A_1635 = arith.constant 0 : i32
      %dma_wait3A_1636 = tpu.memref_slice %arg4[%dma_wait3A_1623, %dma_wait3A_1634, %dma_wait3A_1635] : memref<125000x8x32xf32, #tpu.memory_space<hbm>> -> memref<1x8x32xf32, #tpu.memory_space<hbm>>
      %dma_wait3A_1637 = tpu.memref_squeeze %dma_wait3A_1636 : memref<1x8x32xf32, #tpu.memory_space<hbm>> -> memref<8x32xf32, #tpu.memory_space<hbm>>
      tpu.wait_dma2 semaphore(%arg17 : memref<!tpu.dma_semaphore, #tpu.memory_space<semaphore_mem>>) src(%dma_wait3A_1637 : memref<8x32xf32, #tpu.memory_space<hbm>>) dst(%dma_wait3A_1633 : memref<8x32xf32, #tpu.memory_space<vmem>>)
      %dma_wait3A_1638 = arith.constant 0 : i32
      %dma_wait3A_1639 = arith.constant 88 : i32
      %dma_wait3A_1640 = arith.constant 0 : i32
      %dma_wait3A_1641 = tpu.memref_slice %arg11[%dma_wait3A_1639, %dma_wait3A_1640] : memref<128x32xf32, #tpu.memory_space<vmem>> -> memref<8x32xf32, #tpu.memory_space<vmem>>
      %dma_wait3A_1642 = arith.constant 0 : i32
      %dma_wait3A_1643 = arith.constant 0 : i32
      %dma_wait3A_1644 = tpu.memref_slice %arg4[%dma_wait3A_1638, %dma_wait3A_1642, %dma_wait3A_1643] : memref<125000x8x32xf32, #tpu.memory_space<hbm>> -> memref<1x8x32xf32, #tpu.memory_space<hbm>>
      %dma_wait3A_1645 = tpu.memref_squeeze %dma_wait3A_1644 : memref<1x8x32xf32, #tpu.memory_space<hbm>> -> memref<8x32xf32, #tpu.memory_space<hbm>>
      %dma_wait3A_1646 = arith.constant 88 : i32
      %dma_wait3A_1647 = arith.constant 0 : i32
      %dma_wait3A_1648 = tpu.memref_slice %arg11[%dma_wait3A_1646, %dma_wait3A_1647] : memref<128x32xf32, #tpu.memory_space<vmem>> -> memref<8x32xf32, #tpu.memory_space<vmem>>
      %dma_wait3A_1649 = arith.constant 0 : i32
      %dma_wait3A_1650 = arith.constant 0 : i32
      %dma_wait3A_1651 = tpu.memref_slice %arg4[%dma_wait3A_1638, %dma_wait3A_1649, %dma_wait3A_1650] : memref<125000x8x32xf32, #tpu.memory_space<hbm>> -> memref<1x8x32xf32, #tpu.memory_space<hbm>>
      %dma_wait3A_1652 = tpu.memref_squeeze %dma_wait3A_1651 : memref<1x8x32xf32, #tpu.memory_space<hbm>> -> memref<8x32xf32, #tpu.memory_space<hbm>>
      tpu.wait_dma2 semaphore(%arg17 : memref<!tpu.dma_semaphore, #tpu.memory_space<semaphore_mem>>) src(%dma_wait3A_1652 : memref<8x32xf32, #tpu.memory_space<hbm>>) dst(%dma_wait3A_1648 : memref<8x32xf32, #tpu.memory_space<vmem>>)
      %dma_wait3A_1653 = arith.constant 0 : i32
      %dma_wait3A_1654 = arith.constant 96 : i32
      %dma_wait3A_1655 = arith.constant 0 : i32
      %dma_wait3A_1656 = tpu.memref_slice %arg11[%dma_wait3A_1654, %dma_wait3A_1655] : memref<128x32xf32, #tpu.memory_space<vmem>> -> memref<8x32xf32, #tpu.memory_space<vmem>>
      %dma_wait3A_1657 = arith.constant 0 : i32
      %dma_wait3A_1658 = arith.constant 0 : i32
      %dma_wait3A_1659 = tpu.memref_slice %arg4[%dma_wait3A_1653, %dma_wait3A_1657, %dma_wait3A_1658] : memref<125000x8x32xf32, #tpu.memory_space<hbm>> -> memref<1x8x32xf32, #tpu.memory_space<hbm>>
      %dma_wait3A_1660 = tpu.memref_squeeze %dma_wait3A_1659 : memref<1x8x32xf32, #tpu.memory_space<hbm>> -> memref<8x32xf32, #tpu.memory_space<hbm>>
      %dma_wait3A_1661 = arith.constant 96 : i32
      %dma_wait3A_1662 = arith.constant 0 : i32
      %dma_wait3A_1663 = tpu.memref_slice %arg11[%dma_wait3A_1661, %dma_wait3A_1662] : memref<128x32xf32, #tpu.memory_space<vmem>> -> memref<8x32xf32, #tpu.memory_space<vmem>>
      %dma_wait3A_1664 = arith.constant 0 : i32
      %dma_wait3A_1665 = arith.constant 0 : i32
      %dma_wait3A_1666 = tpu.memref_slice %arg4[%dma_wait3A_1653, %dma_wait3A_1664, %dma_wait3A_1665] : memref<125000x8x32xf32, #tpu.memory_space<hbm>> -> memref<1x8x32xf32, #tpu.memory_space<hbm>>
      %dma_wait3A_1667 = tpu.memref_squeeze %dma_wait3A_1666 : memref<1x8x32xf32, #tpu.memory_space<hbm>> -> memref<8x32xf32, #tpu.memory_space<hbm>>
      tpu.wait_dma2 semaphore(%arg17 : memref<!tpu.dma_semaphore, #tpu.memory_space<semaphore_mem>>) src(%dma_wait3A_1667 : memref<8x32xf32, #tpu.memory_space<hbm>>) dst(%dma_wait3A_1663 : memref<8x32xf32, #tpu.memory_space<vmem>>)
      %dma_wait3A_1668 = arith.constant 0 : i32
      %dma_wait3A_1669 = arith.constant 104 : i32
      %dma_wait3A_1670 = arith.constant 0 : i32
      %dma_wait3A_1671 = tpu.memref_slice %arg11[%dma_wait3A_1669, %dma_wait3A_1670] : memref<128x32xf32, #tpu.memory_space<vmem>> -> memref<8x32xf32, #tpu.memory_space<vmem>>
      %dma_wait3A_1672 = arith.constant 0 : i32
      %dma_wait3A_1673 = arith.constant 0 : i32
      %dma_wait3A_1674 = tpu.memref_slice %arg4[%dma_wait3A_1668, %dma_wait3A_1672, %dma_wait3A_1673] : memref<125000x8x32xf32, #tpu.memory_space<hbm>> -> memref<1x8x32xf32, #tpu.memory_space<hbm>>
      %dma_wait3A_1675 = tpu.memref_squeeze %dma_wait3A_1674 : memref<1x8x32xf32, #tpu.memory_space<hbm>> -> memref<8x32xf32, #tpu.memory_space<hbm>>
      %dma_wait3A_1676 = arith.constant 104 : i32
      %dma_wait3A_1677 = arith.constant 0 : i32
      %dma_wait3A_1678 = tpu.memref_slice %arg11[%dma_wait3A_1676, %dma_wait3A_1677] : memref<128x32xf32, #tpu.memory_space<vmem>> -> memref<8x32xf32, #tpu.memory_space<vmem>>
      %dma_wait3A_1679 = arith.constant 0 : i32
      %dma_wait3A_1680 = arith.constant 0 : i32
      %dma_wait3A_1681 = tpu.memref_slice %arg4[%dma_wait3A_1668, %dma_wait3A_1679, %dma_wait3A_1680] : memref<125000x8x32xf32, #tpu.memory_space<hbm>> -> memref<1x8x32xf32, #tpu.memory_space<hbm>>
      %dma_wait3A_1682 = tpu.memref_squeeze %dma_wait3A_1681 : memref<1x8x32xf32, #tpu.memory_space<hbm>> -> memref<8x32xf32, #tpu.memory_space<hbm>>
      tpu.wait_dma2 semaphore(%arg17 : memref<!tpu.dma_semaphore, #tpu.memory_space<semaphore_mem>>) src(%dma_wait3A_1682 : memref<8x32xf32, #tpu.memory_space<hbm>>) dst(%dma_wait3A_1678 : memref<8x32xf32, #tpu.memory_space<vmem>>)
      %dma_wait3A_1683 = arith.constant 0 : i32
      %dma_wait3A_1684 = arith.constant 112 : i32
      %dma_wait3A_1685 = arith.constant 0 : i32
      %dma_wait3A_1686 = tpu.memref_slice %arg11[%dma_wait3A_1684, %dma_wait3A_1685] : memref<128x32xf32, #tpu.memory_space<vmem>> -> memref<8x32xf32, #tpu.memory_space<vmem>>
      %dma_wait3A_1687 = arith.constant 0 : i32
      %dma_wait3A_1688 = arith.constant 0 : i32
      %dma_wait3A_1689 = tpu.memref_slice %arg4[%dma_wait3A_1683, %dma_wait3A_1687, %dma_wait3A_1688] : memref<125000x8x32xf32, #tpu.memory_space<hbm>> -> memref<1x8x32xf32, #tpu.memory_space<hbm>>
      %dma_wait3A_1690 = tpu.memref_squeeze %dma_wait3A_1689 : memref<1x8x32xf32, #tpu.memory_space<hbm>> -> memref<8x32xf32, #tpu.memory_space<hbm>>
      %dma_wait3A_1691 = arith.constant 112 : i32
      %dma_wait3A_1692 = arith.constant 0 : i32
      %dma_wait3A_1693 = tpu.memref_slice %arg11[%dma_wait3A_1691, %dma_wait3A_1692] : memref<128x32xf32, #tpu.memory_space<vmem>> -> memref<8x32xf32, #tpu.memory_space<vmem>>
      %dma_wait3A_1694 = arith.constant 0 : i32
      %dma_wait3A_1695 = arith.constant 0 : i32
      %dma_wait3A_1696 = tpu.memref_slice %arg4[%dma_wait3A_1683, %dma_wait3A_1694, %dma_wait3A_1695] : memref<125000x8x32xf32, #tpu.memory_space<hbm>> -> memref<1x8x32xf32, #tpu.memory_space<hbm>>
      %dma_wait3A_1697 = tpu.memref_squeeze %dma_wait3A_1696 : memref<1x8x32xf32, #tpu.memory_space<hbm>> -> memref<8x32xf32, #tpu.memory_space<hbm>>
      tpu.wait_dma2 semaphore(%arg17 : memref<!tpu.dma_semaphore, #tpu.memory_space<semaphore_mem>>) src(%dma_wait3A_1697 : memref<8x32xf32, #tpu.memory_space<hbm>>) dst(%dma_wait3A_1693 : memref<8x32xf32, #tpu.memory_space<vmem>>)
      %dma_wait3A_1698 = arith.constant 0 : i32
      %dma_wait3A_1699 = arith.constant 120 : i32
      %dma_wait3A_1700 = arith.constant 0 : i32
      %dma_wait3A_1701 = tpu.memref_slice %arg11[%dma_wait3A_1699, %dma_wait3A_1700] : memref<128x32xf32, #tpu.memory_space<vmem>> -> memref<8x32xf32, #tpu.memory_space<vmem>>
      %dma_wait3A_1702 = arith.constant 0 : i32
      %dma_wait3A_1703 = arith.constant 0 : i32
      %dma_wait3A_1704 = tpu.memref_slice %arg4[%dma_wait3A_1698, %dma_wait3A_1702, %dma_wait3A_1703] : memref<125000x8x32xf32, #tpu.memory_space<hbm>> -> memref<1x8x32xf32, #tpu.memory_space<hbm>>
      %dma_wait3A_1705 = tpu.memref_squeeze %dma_wait3A_1704 : memref<1x8x32xf32, #tpu.memory_space<hbm>> -> memref<8x32xf32, #tpu.memory_space<hbm>>
      %dma_wait3A_1706 = arith.constant 120 : i32
      %dma_wait3A_1707 = arith.constant 0 : i32
      %dma_wait3A_1708 = tpu.memref_slice %arg11[%dma_wait3A_1706, %dma_wait3A_1707] : memref<128x32xf32, #tpu.memory_space<vmem>> -> memref<8x32xf32, #tpu.memory_space<vmem>>
      %dma_wait3A_1709 = arith.constant 0 : i32
      %dma_wait3A_1710 = arith.constant 0 : i32
      %dma_wait3A_1711 = tpu.memref_slice %arg4[%dma_wait3A_1698, %dma_wait3A_1709, %dma_wait3A_1710] : memref<125000x8x32xf32, #tpu.memory_space<hbm>> -> memref<1x8x32xf32, #tpu.memory_space<hbm>>
      %dma_wait3A_1712 = tpu.memref_squeeze %dma_wait3A_1711 : memref<1x8x32xf32, #tpu.memory_space<hbm>> -> memref<8x32xf32, #tpu.memory_space<hbm>>
      tpu.wait_dma2 semaphore(%arg17 : memref<!tpu.dma_semaphore, #tpu.memory_space<semaphore_mem>>) src(%dma_wait3A_1712 : memref<8x32xf32, #tpu.memory_space<hbm>>) dst(%dma_wait3A_1708 : memref<8x32xf32, #tpu.memory_space<vmem>>)
      %mul3A_1713 = arith.constant 16 : i32
      %mul3A_1714 = arith.muli %add3A_1464, %mul3A_1713 : i32
      %get3A_1715 = arith.index_cast %mul3A_1714 : i32 to index
      %get3A_1716 = tpu.vector_load %arg8[%get3A_1715] {strides = array<i32>} : memref<512xi32, #tpu.memory_space<vmem>>, vector<16xi32>,
      %mul3A_1717 = arith.constant 16 : i32
      %mul3A_1718 = arith.muli %add3A_1464, %mul3A_1717 : i32
      %add3A_1719 = vector.broadcast %mul3A_1718 : i32 to vector<16xi32>
      %add3A_1720 = arith.addi %add3A_1719, %iota3A_1472 : vector<16xi32>
      %and3A_1721 = arith.constant 7 : i32
      %and3A_1722 = vector.broadcast %and3A_1721 : i32 to vector<16xi32>
      %and3A_1723 = arith.andi %get3A_1716, %and3A_1722 : vector<16xi32>
      %mul3A_1724 = arith.constant 8 : i32
      %mul3A_1725 = vector.broadcast %mul3A_1724 : i32 to vector<16xi32>
      %mul3A_1726 = arith.muli %iota3A_1472, %mul3A_1725 : vector<16xi32>
      %add3A_1727 = arith.addi %mul3A_1726, %and3A_1723 : vector<16xi32>
      %shift_right_logical3A_1728 = arith.constant 2 : i32
      %shift_right_logical3A_1729 = vector.broadcast %shift_right_logical3A_1728 : i32 to vector<16xi32>
      %shift_right_logical3A_1730 = arith.shrui %add3A_1720, %shift_right_logical3A_1729 : vector<16xi32>
      %and3A_1731 = arith.constant 3 : i32
      %and3A_1732 = vector.broadcast %and3A_1731 : i32 to vector<16xi32>
      %and3A_1733 = arith.andi %add3A_1720, %and3A_1732 : vector<16xi32>
      %mul3A_1734 = arith.constant 32 : i32
      %mul3A_1735 = vector.broadcast %mul3A_1734 : i32 to vector<16xi32>
      %mul3A_1736 = arith.muli %and3A_1733, %mul3A_1735 : vector<16xi32>
      %broadcast_in_dim3A_1737 = arith.constant 0 : i32
      %broadcast_in_dim3A_1738 = vector.broadcast %broadcast_in_dim3A_1737 : i32 to vector<16xi32>
      %gather3A_1739 = tpu.vector_load_idx %arg11[%add3A_1727, %broadcast_in_dim3A_1738] : memref<128x32xf32, #tpu.memory_space<vmem>>[vector<16xi32>, vector<16xi32>], vector<16xf32>,
      %add3A_1740 = arith.constant 0 : i32
      %add3A_1741 = vector.broadcast %add3A_1740 : i32 to vector<16xi32>
      %add3A_1742 = arith.addi %mul3A_1736, %add3A_1741 : vector<16xi32>
      tpu.vector_store_idx %arg14[%shift_right_logical3A_1730, %add3A_1742], %gather3A_1739 : memref<128x128xf32, #tpu.memory_space<vmem>>[vector<16xi32>, vector<16xi32>], vector<16xf32>,
      %broadcast_in_dim3A_1743 = arith.constant 1 : i32
      %broadcast_in_dim3A_1744 = vector.broadcast %broadcast_in_dim3A_1743 : i32 to vector<16xi32>
      %gather3A_1745 = tpu.vector_load_idx %arg11[%add3A_1727, %broadcast_in_dim3A_1744] : memref<128x32xf32, #tpu.memory_space<vmem>>[vector<16xi32>, vector<16xi32>], vector<16xf32>,
      %add3A_1746 = arith.constant 1 : i32
      %add3A_1747 = vector.broadcast %add3A_1746 : i32 to vector<16xi32>
      %add3A_1748 = arith.addi %mul3A_1736, %add3A_1747 : vector<16xi32>
      tpu.vector_store_idx %arg14[%shift_right_logical3A_1730, %add3A_1748], %gather3A_1745 : memref<128x128xf32, #tpu.memory_space<vmem>>[vector<16xi32>, vector<16xi32>], vector<16xf32>,
      %broadcast_in_dim3A_1749 = arith.constant 2 : i32
      %broadcast_in_dim3A_1750 = vector.broadcast %broadcast_in_dim3A_1749 : i32 to vector<16xi32>
      %gather3A_1751 = tpu.vector_load_idx %arg11[%add3A_1727, %broadcast_in_dim3A_1750] : memref<128x32xf32, #tpu.memory_space<vmem>>[vector<16xi32>, vector<16xi32>], vector<16xf32>,
      %add3A_1752 = arith.constant 2 : i32
      %add3A_1753 = vector.broadcast %add3A_1752 : i32 to vector<16xi32>
      %add3A_1754 = arith.addi %mul3A_1736, %add3A_1753 : vector<16xi32>
      tpu.vector_store_idx %arg14[%shift_right_logical3A_1730, %add3A_1754], %gather3A_1751 : memref<128x128xf32, #tpu.memory_space<vmem>>[vector<16xi32>, vector<16xi32>], vector<16xf32>,
      %broadcast_in_dim3A_1755 = arith.constant 3 : i32
      %broadcast_in_dim3A_1756 = vector.broadcast %broadcast_in_dim3A_1755 : i32 to vector<16xi32>
      %gather3A_1757 = tpu.vector_load_idx %arg11[%add3A_1727, %broadcast_in_dim3A_1756] : memref<128x32xf32, #tpu.memory_space<vmem>>[vector<16xi32>, vector<16xi32>], vector<16xf32>,
      %add3A_1758 = arith.constant 3 : i32
      %add3A_1759 = vector.broadcast %add3A_1758 : i32 to vector<16xi32>
      %add3A_1760 = arith.addi %mul3A_1736, %add3A_1759 : vector<16xi32>
      tpu.vector_store_idx %arg14[%shift_right_logical3A_1730, %add3A_1760], %gather3A_1757 : memref<128x128xf32, #tpu.memory_space<vmem>>[vector<16xi32>, vector<16xi32>], vector<16xf32>,
      %broadcast_in_dim3A_1761 = arith.constant 4 : i32
      %broadcast_in_dim3A_1762 = vector.broadcast %broadcast_in_dim3A_1761 : i32 to vector<16xi32>
      %gather3A_1763 = tpu.vector_load_idx %arg11[%add3A_1727, %broadcast_in_dim3A_1762] : memref<128x32xf32, #tpu.memory_space<vmem>>[vector<16xi32>, vector<16xi32>], vector<16xf32>,
      %add3A_1764 = arith.constant 4 : i32
      %add3A_1765 = vector.broadcast %add3A_1764 : i32 to vector<16xi32>
      %add3A_1766 = arith.addi %mul3A_1736, %add3A_1765 : vector<16xi32>
      tpu.vector_store_idx %arg14[%shift_right_logical3A_1730, %add3A_1766], %gather3A_1763 : memref<128x128xf32, #tpu.memory_space<vmem>>[vector<16xi32>, vector<16xi32>], vector<16xf32>,
      %broadcast_in_dim3A_1767 = arith.constant 5 : i32
      %broadcast_in_dim3A_1768 = vector.broadcast %broadcast_in_dim3A_1767 : i32 to vector<16xi32>
      %gather3A_1769 = tpu.vector_load_idx %arg11[%add3A_1727, %broadcast_in_dim3A_1768] : memref<128x32xf32, #tpu.memory_space<vmem>>[vector<16xi32>, vector<16xi32>], vector<16xf32>,
      %add3A_1770 = arith.constant 5 : i32
      %add3A_1771 = vector.broadcast %add3A_1770 : i32 to vector<16xi32>
      %add3A_1772 = arith.addi %mul3A_1736, %add3A_1771 : vector<16xi32>
      tpu.vector_store_idx %arg14[%shift_right_logical3A_1730, %add3A_1772], %gather3A_1769 : memref<128x128xf32, #tpu.memory_space<vmem>>[vector<16xi32>, vector<16xi32>], vector<16xf32>,
      %broadcast_in_dim3A_1773 = arith.constant 6 : i32
      %broadcast_in_dim3A_1774 = vector.broadcast %broadcast_in_dim3A_1773 : i32 to vector<16xi32>
      %gather3A_1775 = tpu.vector_load_idx %arg11[%add3A_1727, %broadcast_in_dim3A_1774] : memref<128x32xf32, #tpu.memory_space<vmem>>[vector<16xi32>, vector<16xi32>], vector<16xf32>,
      %add3A_1776 = arith.constant 6 : i32
      %add3A_1777 = vector.broadcast %add3A_1776 : i32 to vector<16xi32>
      %add3A_1778 = arith.addi %mul3A_1736, %add3A_1777 : vector<16xi32>
      tpu.vector_store_idx %arg14[%shift_right_logical3A_1730, %add3A_1778], %gather3A_1775 : memref<128x128xf32, #tpu.memory_space<vmem>>[vector<16xi32>, vector<16xi32>], vector<16xf32>,
      %broadcast_in_dim3A_1779 = arith.constant 7 : i32
      %broadcast_in_dim3A_1780 = vector.broadcast %broadcast_in_dim3A_1779 : i32 to vector<16xi32>
      %gather3A_1781 = tpu.vector_load_idx %arg11[%add3A_1727, %broadcast_in_dim3A_1780] : memref<128x32xf32, #tpu.memory_space<vmem>>[vector<16xi32>, vector<16xi32>], vector<16xf32>,
      %add3A_1782 = arith.constant 7 : i32
      %add3A_1783 = vector.broadcast %add3A_1782 : i32 to vector<16xi32>
      %add3A_1784 = arith.addi %mul3A_1736, %add3A_1783 : vector<16xi32>
      tpu.vector_store_idx %arg14[%shift_right_logical3A_1730, %add3A_1784], %gather3A_1781 : memref<128x128xf32, #tpu.memory_space<vmem>>[vector<16xi32>, vector<16xi32>], vector<16xf32>,
      %broadcast_in_dim3A_1785 = arith.constant 8 : i32
      %broadcast_in_dim3A_1786 = vector.broadcast %broadcast_in_dim3A_1785 : i32 to vector<16xi32>
      %gather3A_1787 = tpu.vector_load_idx %arg11[%add3A_1727, %broadcast_in_dim3A_1786] : memref<128x32xf32, #tpu.memory_space<vmem>>[vector<16xi32>, vector<16xi32>], vector<16xf32>,
      %add3A_1788 = arith.constant 8 : i32
      %add3A_1789 = vector.broadcast %add3A_1788 : i32 to vector<16xi32>
      %add3A_1790 = arith.addi %mul3A_1736, %add3A_1789 : vector<16xi32>
      tpu.vector_store_idx %arg14[%shift_right_logical3A_1730, %add3A_1790], %gather3A_1787 : memref<128x128xf32, #tpu.memory_space<vmem>>[vector<16xi32>, vector<16xi32>], vector<16xf32>,
      %broadcast_in_dim3A_1791 = arith.constant 9 : i32
      %broadcast_in_dim3A_1792 = vector.broadcast %broadcast_in_dim3A_1791 : i32 to vector<16xi32>
      %gather3A_1793 = tpu.vector_load_idx %arg11[%add3A_1727, %broadcast_in_dim3A_1792] : memref<128x32xf32, #tpu.memory_space<vmem>>[vector<16xi32>, vector<16xi32>], vector<16xf32>,
      %add3A_1794 = arith.constant 9 : i32
      %add3A_1795 = vector.broadcast %add3A_1794 : i32 to vector<16xi32>
      %add3A_1796 = arith.addi %mul3A_1736, %add3A_1795 : vector<16xi32>
      tpu.vector_store_idx %arg14[%shift_right_logical3A_1730, %add3A_1796], %gather3A_1793 : memref<128x128xf32, #tpu.memory_space<vmem>>[vector<16xi32>, vector<16xi32>], vector<16xf32>,
      %broadcast_in_dim3A_1797 = arith.constant 10 : i32
      %broadcast_in_dim3A_1798 = vector.broadcast %broadcast_in_dim3A_1797 : i32 to vector<16xi32>
      %gather3A_1799 = tpu.vector_load_idx %arg11[%add3A_1727, %broadcast_in_dim3A_1798] : memref<128x32xf32, #tpu.memory_space<vmem>>[vector<16xi32>, vector<16xi32>], vector<16xf32>,
      %add3A_1800 = arith.constant 10 : i32
      %add3A_1801 = vector.broadcast %add3A_1800 : i32 to vector<16xi32>
      %add3A_1802 = arith.addi %mul3A_1736, %add3A_1801 : vector<16xi32>
      tpu.vector_store_idx %arg14[%shift_right_logical3A_1730, %add3A_1802], %gather3A_1799 : memref<128x128xf32, #tpu.memory_space<vmem>>[vector<16xi32>, vector<16xi32>], vector<16xf32>,
      %broadcast_in_dim3A_1803 = arith.constant 11 : i32
      %broadcast_in_dim3A_1804 = vector.broadcast %broadcast_in_dim3A_1803 : i32 to vector<16xi32>
      %gather3A_1805 = tpu.vector_load_idx %arg11[%add3A_1727, %broadcast_in_dim3A_1804] : memref<128x32xf32, #tpu.memory_space<vmem>>[vector<16xi32>, vector<16xi32>], vector<16xf32>,
      %add3A_1806 = arith.constant 11 : i32
      %add3A_1807 = vector.broadcast %add3A_1806 : i32 to vector<16xi32>
      %add3A_1808 = arith.addi %mul3A_1736, %add3A_1807 : vector<16xi32>
      tpu.vector_store_idx %arg14[%shift_right_logical3A_1730, %add3A_1808], %gather3A_1805 : memref<128x128xf32, #tpu.memory_space<vmem>>[vector<16xi32>, vector<16xi32>], vector<16xf32>,
      %broadcast_in_dim3A_1809 = arith.constant 12 : i32
      %broadcast_in_dim3A_1810 = vector.broadcast %broadcast_in_dim3A_1809 : i32 to vector<16xi32>
      %gather3A_1811 = tpu.vector_load_idx %arg11[%add3A_1727, %broadcast_in_dim3A_1810] : memref<128x32xf32, #tpu.memory_space<vmem>>[vector<16xi32>, vector<16xi32>], vector<16xf32>,
      %add3A_1812 = arith.constant 12 : i32
      %add3A_1813 = vector.broadcast %add3A_1812 : i32 to vector<16xi32>
      %add3A_1814 = arith.addi %mul3A_1736, %add3A_1813 : vector<16xi32>
      tpu.vector_store_idx %arg14[%shift_right_logical3A_1730, %add3A_1814], %gather3A_1811 : memref<128x128xf32, #tpu.memory_space<vmem>>[vector<16xi32>, vector<16xi32>], vector<16xf32>,
      %broadcast_in_dim3A_1815 = arith.constant 13 : i32
      %broadcast_in_dim3A_1816 = vector.broadcast %broadcast_in_dim3A_1815 : i32 to vector<16xi32>
      %gather3A_1817 = tpu.vector_load_idx %arg11[%add3A_1727, %broadcast_in_dim3A_1816] : memref<128x32xf32, #tpu.memory_space<vmem>>[vector<16xi32>, vector<16xi32>], vector<16xf32>,
      %add3A_1818 = arith.constant 13 : i32
      %add3A_1819 = vector.broadcast %add3A_1818 : i32 to vector<16xi32>
      %add3A_1820 = arith.addi %mul3A_1736, %add3A_1819 : vector<16xi32>
      tpu.vector_store_idx %arg14[%shift_right_logical3A_1730, %add3A_1820], %gather3A_1817 : memref<128x128xf32, #tpu.memory_space<vmem>>[vector<16xi32>, vector<16xi32>], vector<16xf32>,
      %broadcast_in_dim3A_1821 = arith.constant 14 : i32
      %broadcast_in_dim3A_1822 = vector.broadcast %broadcast_in_dim3A_1821 : i32 to vector<16xi32>
      %gather3A_1823 = tpu.vector_load_idx %arg11[%add3A_1727, %broadcast_in_dim3A_1822] : memref<128x32xf32, #tpu.memory_space<vmem>>[vector<16xi32>, vector<16xi32>], vector<16xf32>,
      %add3A_1824 = arith.constant 14 : i32
      %add3A_1825 = vector.broadcast %add3A_1824 : i32 to vector<16xi32>
      %add3A_1826 = arith.addi %mul3A_1736, %add3A_1825 : vector<16xi32>
      tpu.vector_store_idx %arg14[%shift_right_logical3A_1730, %add3A_1826], %gather3A_1823 : memref<128x128xf32, #tpu.memory_space<vmem>>[vector<16xi32>, vector<16xi32>], vector<16xf32>,
      %broadcast_in_dim3A_1827 = arith.constant 15 : i32
      %broadcast_in_dim3A_1828 = vector.broadcast %broadcast_in_dim3A_1827 : i32 to vector<16xi32>
      %gather3A_1829 = tpu.vector_load_idx %arg11[%add3A_1727, %broadcast_in_dim3A_1828] : memref<128x32xf32, #tpu.memory_space<vmem>>[vector<16xi32>, vector<16xi32>], vector<16xf32>,
      %add3A_1830 = arith.constant 15 : i32
      %add3A_1831 = vector.broadcast %add3A_1830 : i32 to vector<16xi32>
      %add3A_1832 = arith.addi %mul3A_1736, %add3A_1831 : vector<16xi32>
      tpu.vector_store_idx %arg14[%shift_right_logical3A_1730, %add3A_1832], %gather3A_1829 : memref<128x128xf32, #tpu.memory_space<vmem>>[vector<16xi32>, vector<16xi32>], vector<16xf32>,
      %broadcast_in_dim3A_1833 = arith.constant 16 : i32
      %broadcast_in_dim3A_1834 = vector.broadcast %broadcast_in_dim3A_1833 : i32 to vector<16xi32>
      %gather3A_1835 = tpu.vector_load_idx %arg11[%add3A_1727, %broadcast_in_dim3A_1834] : memref<128x32xf32, #tpu.memory_space<vmem>>[vector<16xi32>, vector<16xi32>], vector<16xf32>,
      %add3A_1836 = arith.constant 16 : i32
      %add3A_1837 = vector.broadcast %add3A_1836 : i32 to vector<16xi32>
      %add3A_1838 = arith.addi %mul3A_1736, %add3A_1837 : vector<16xi32>
      tpu.vector_store_idx %arg14[%shift_right_logical3A_1730, %add3A_1838], %gather3A_1835 : memref<128x128xf32, #tpu.memory_space<vmem>>[vector<16xi32>, vector<16xi32>], vector<16xf32>,
      %broadcast_in_dim3A_1839 = arith.constant 17 : i32
      %broadcast_in_dim3A_1840 = vector.broadcast %broadcast_in_dim3A_1839 : i32 to vector<16xi32>
      %gather3A_1841 = tpu.vector_load_idx %arg11[%add3A_1727, %broadcast_in_dim3A_1840] : memref<128x32xf32, #tpu.memory_space<vmem>>[vector<16xi32>, vector<16xi32>], vector<16xf32>,
      %add3A_1842 = arith.constant 17 : i32
      %add3A_1843 = vector.broadcast %add3A_1842 : i32 to vector<16xi32>
      %add3A_1844 = arith.addi %mul3A_1736, %add3A_1843 : vector<16xi32>
      tpu.vector_store_idx %arg14[%shift_right_logical3A_1730, %add3A_1844], %gather3A_1841 : memref<128x128xf32, #tpu.memory_space<vmem>>[vector<16xi32>, vector<16xi32>], vector<16xf32>,
      %broadcast_in_dim3A_1845 = arith.constant 18 : i32
      %broadcast_in_dim3A_1846 = vector.broadcast %broadcast_in_dim3A_1845 : i32 to vector<16xi32>
      %gather3A_1847 = tpu.vector_load_idx %arg11[%add3A_1727, %broadcast_in_dim3A_1846] : memref<128x32xf32, #tpu.memory_space<vmem>>[vector<16xi32>, vector<16xi32>], vector<16xf32>,
      %add3A_1848 = arith.constant 18 : i32
      %add3A_1849 = vector.broadcast %add3A_1848 : i32 to vector<16xi32>
      %add3A_1850 = arith.addi %mul3A_1736, %add3A_1849 : vector<16xi32>
      tpu.vector_store_idx %arg14[%shift_right_logical3A_1730, %add3A_1850], %gather3A_1847 : memref<128x128xf32, #tpu.memory_space<vmem>>[vector<16xi32>, vector<16xi32>], vector<16xf32>,
      %broadcast_in_dim3A_1851 = arith.constant 19 : i32
      %broadcast_in_dim3A_1852 = vector.broadcast %broadcast_in_dim3A_1851 : i32 to vector<16xi32>
      %gather3A_1853 = tpu.vector_load_idx %arg11[%add3A_1727, %broadcast_in_dim3A_1852] : memref<128x32xf32, #tpu.memory_space<vmem>>[vector<16xi32>, vector<16xi32>], vector<16xf32>,
      %add3A_1854 = arith.constant 19 : i32
      %add3A_1855 = vector.broadcast %add3A_1854 : i32 to vector<16xi32>
      %add3A_1856 = arith.addi %mul3A_1736, %add3A_1855 : vector<16xi32>
      tpu.vector_store_idx %arg14[%shift_right_logical3A_1730, %add3A_1856], %gather3A_1853 : memref<128x128xf32, #tpu.memory_space<vmem>>[vector<16xi32>, vector<16xi32>], vector<16xf32>,
      %broadcast_in_dim3A_1857 = arith.constant 20 : i32
      %broadcast_in_dim3A_1858 = vector.broadcast %broadcast_in_dim3A_1857 : i32 to vector<16xi32>
      %gather3A_1859 = tpu.vector_load_idx %arg11[%add3A_1727, %broadcast_in_dim3A_1858] : memref<128x32xf32, #tpu.memory_space<vmem>>[vector<16xi32>, vector<16xi32>], vector<16xf32>,
      %add3A_1860 = arith.constant 20 : i32
      %add3A_1861 = vector.broadcast %add3A_1860 : i32 to vector<16xi32>
      %add3A_1862 = arith.addi %mul3A_1736, %add3A_1861 : vector<16xi32>
      tpu.vector_store_idx %arg14[%shift_right_logical3A_1730, %add3A_1862], %gather3A_1859 : memref<128x128xf32, #tpu.memory_space<vmem>>[vector<16xi32>, vector<16xi32>], vector<16xf32>,
      %broadcast_in_dim3A_1863 = arith.constant 21 : i32
      %broadcast_in_dim3A_1864 = vector.broadcast %broadcast_in_dim3A_1863 : i32 to vector<16xi32>
      %gather3A_1865 = tpu.vector_load_idx %arg11[%add3A_1727, %broadcast_in_dim3A_1864] : memref<128x32xf32, #tpu.memory_space<vmem>>[vector<16xi32>, vector<16xi32>], vector<16xf32>,
      %add3A_1866 = arith.constant 21 : i32
      %add3A_1867 = vector.broadcast %add3A_1866 : i32 to vector<16xi32>
      %add3A_1868 = arith.addi %mul3A_1736, %add3A_1867 : vector<16xi32>
      tpu.vector_store_idx %arg14[%shift_right_logical3A_1730, %add3A_1868], %gather3A_1865 : memref<128x128xf32, #tpu.memory_space<vmem>>[vector<16xi32>, vector<16xi32>], vector<16xf32>,
      %broadcast_in_dim3A_1869 = arith.constant 22 : i32
      %broadcast_in_dim3A_1870 = vector.broadcast %broadcast_in_dim3A_1869 : i32 to vector<16xi32>
      %gather3A_1871 = tpu.vector_load_idx %arg11[%add3A_1727, %broadcast_in_dim3A_1870] : memref<128x32xf32, #tpu.memory_space<vmem>>[vector<16xi32>, vector<16xi32>], vector<16xf32>,
      %add3A_1872 = arith.constant 22 : i32
      %add3A_1873 = vector.broadcast %add3A_1872 : i32 to vector<16xi32>
      %add3A_1874 = arith.addi %mul3A_1736, %add3A_1873 : vector<16xi32>
      tpu.vector_store_idx %arg14[%shift_right_logical3A_1730, %add3A_1874], %gather3A_1871 : memref<128x128xf32, #tpu.memory_space<vmem>>[vector<16xi32>, vector<16xi32>], vector<16xf32>,
      %broadcast_in_dim3A_1875 = arith.constant 23 : i32
      %broadcast_in_dim3A_1876 = vector.broadcast %broadcast_in_dim3A_1875 : i32 to vector<16xi32>
      %gather3A_1877 = tpu.vector_load_idx %arg11[%add3A_1727, %broadcast_in_dim3A_1876] : memref<128x32xf32, #tpu.memory_space<vmem>>[vector<16xi32>, vector<16xi32>], vector<16xf32>,
      %add3A_1878 = arith.constant 23 : i32
      %add3A_1879 = vector.broadcast %add3A_1878 : i32 to vector<16xi32>
      %add3A_1880 = arith.addi %mul3A_1736, %add3A_1879 : vector<16xi32>
      tpu.vector_store_idx %arg14[%shift_right_logical3A_1730, %add3A_1880], %gather3A_1877 : memref<128x128xf32, #tpu.memory_space<vmem>>[vector<16xi32>, vector<16xi32>], vector<16xf32>,
      %broadcast_in_dim3A_1881 = arith.constant 24 : i32
      %broadcast_in_dim3A_1882 = vector.broadcast %broadcast_in_dim3A_1881 : i32 to vector<16xi32>
      %gather3A_1883 = tpu.vector_load_idx %arg11[%add3A_1727, %broadcast_in_dim3A_1882] : memref<128x32xf32, #tpu.memory_space<vmem>>[vector<16xi32>, vector<16xi32>], vector<16xf32>,
      %add3A_1884 = arith.constant 24 : i32
      %add3A_1885 = vector.broadcast %add3A_1884 : i32 to vector<16xi32>
      %add3A_1886 = arith.addi %mul3A_1736, %add3A_1885 : vector<16xi32>
      tpu.vector_store_idx %arg14[%shift_right_logical3A_1730, %add3A_1886], %gather3A_1883 : memref<128x128xf32, #tpu.memory_space<vmem>>[vector<16xi32>, vector<16xi32>], vector<16xf32>,
      %broadcast_in_dim3A_1887 = arith.constant 25 : i32
      %broadcast_in_dim3A_1888 = vector.broadcast %broadcast_in_dim3A_1887 : i32 to vector<16xi32>
      %gather3A_1889 = tpu.vector_load_idx %arg11[%add3A_1727, %broadcast_in_dim3A_1888] : memref<128x32xf32, #tpu.memory_space<vmem>>[vector<16xi32>, vector<16xi32>], vector<16xf32>,
      %add3A_1890 = arith.constant 25 : i32
      %add3A_1891 = vector.broadcast %add3A_1890 : i32 to vector<16xi32>
      %add3A_1892 = arith.addi %mul3A_1736, %add3A_1891 : vector<16xi32>
      tpu.vector_store_idx %arg14[%shift_right_logical3A_1730, %add3A_1892], %gather3A_1889 : memref<128x128xf32, #tpu.memory_space<vmem>>[vector<16xi32>, vector<16xi32>], vector<16xf32>,
      %broadcast_in_dim3A_1893 = arith.constant 26 : i32
      %broadcast_in_dim3A_1894 = vector.broadcast %broadcast_in_dim3A_1893 : i32 to vector<16xi32>
      %gather3A_1895 = tpu.vector_load_idx %arg11[%add3A_1727, %broadcast_in_dim3A_1894] : memref<128x32xf32, #tpu.memory_space<vmem>>[vector<16xi32>, vector<16xi32>], vector<16xf32>,
      %add3A_1896 = arith.constant 26 : i32
      %add3A_1897 = vector.broadcast %add3A_1896 : i32 to vector<16xi32>
      %add3A_1898 = arith.addi %mul3A_1736, %add3A_1897 : vector<16xi32>
      tpu.vector_store_idx %arg14[%shift_right_logical3A_1730, %add3A_1898], %gather3A_1895 : memref<128x128xf32, #tpu.memory_space<vmem>>[vector<16xi32>, vector<16xi32>], vector<16xf32>,
      %broadcast_in_dim3A_1899 = arith.constant 27 : i32
      %broadcast_in_dim3A_1900 = vector.broadcast %broadcast_in_dim3A_1899 : i32 to vector<16xi32>
      %gather3A_1901 = tpu.vector_load_idx %arg11[%add3A_1727, %broadcast_in_dim3A_1900] : memref<128x32xf32, #tpu.memory_space<vmem>>[vector<16xi32>, vector<16xi32>], vector<16xf32>,
      %add3A_1902 = arith.constant 27 : i32
      %add3A_1903 = vector.broadcast %add3A_1902 : i32 to vector<16xi32>
      %add3A_1904 = arith.addi %mul3A_1736, %add3A_1903 : vector<16xi32>
      tpu.vector_store_idx %arg14[%shift_right_logical3A_1730, %add3A_1904], %gather3A_1901 : memref<128x128xf32, #tpu.memory_space<vmem>>[vector<16xi32>, vector<16xi32>], vector<16xf32>,
      %broadcast_in_dim3A_1905 = arith.constant 28 : i32
      %broadcast_in_dim3A_1906 = vector.broadcast %broadcast_in_dim3A_1905 : i32 to vector<16xi32>
      %gather3A_1907 = tpu.vector_load_idx %arg11[%add3A_1727, %broadcast_in_dim3A_1906] : memref<128x32xf32, #tpu.memory_space<vmem>>[vector<16xi32>, vector<16xi32>], vector<16xf32>,
      %add3A_1908 = arith.constant 28 : i32
      %add3A_1909 = vector.broadcast %add3A_1908 : i32 to vector<16xi32>
      %add3A_1910 = arith.addi %mul3A_1736, %add3A_1909 : vector<16xi32>
      tpu.vector_store_idx %arg14[%shift_right_logical3A_1730, %add3A_1910], %gather3A_1907 : memref<128x128xf32, #tpu.memory_space<vmem>>[vector<16xi32>, vector<16xi32>], vector<16xf32>,
      %broadcast_in_dim3A_1911 = arith.constant 29 : i32
      %broadcast_in_dim3A_1912 = vector.broadcast %broadcast_in_dim3A_1911 : i32 to vector<16xi32>
      %gather3A_1913 = tpu.vector_load_idx %arg11[%add3A_1727, %broadcast_in_dim3A_1912] : memref<128x32xf32, #tpu.memory_space<vmem>>[vector<16xi32>, vector<16xi32>], vector<16xf32>,
      %add3A_1914 = arith.constant 29 : i32
      %add3A_1915 = vector.broadcast %add3A_1914 : i32 to vector<16xi32>
      %add3A_1916 = arith.addi %mul3A_1736, %add3A_1915 : vector<16xi32>
      tpu.vector_store_idx %arg14[%shift_right_logical3A_1730, %add3A_1916], %gather3A_1913 : memref<128x128xf32, #tpu.memory_space<vmem>>[vector<16xi32>, vector<16xi32>], vector<16xf32>,
      %broadcast_in_dim3A_1917 = arith.constant 30 : i32
      %broadcast_in_dim3A_1918 = vector.broadcast %broadcast_in_dim3A_1917 : i32 to vector<16xi32>
      %gather3A_1919 = tpu.vector_load_idx %arg11[%add3A_1727, %broadcast_in_dim3A_1918] : memref<128x32xf32, #tpu.memory_space<vmem>>[vector<16xi32>, vector<16xi32>], vector<16xf32>,
      %add3A_1920 = arith.constant 30 : i32
      %add3A_1921 = vector.broadcast %add3A_1920 : i32 to vector<16xi32>
      %add3A_1922 = arith.addi %mul3A_1736, %add3A_1921 : vector<16xi32>
      tpu.vector_store_idx %arg14[%shift_right_logical3A_1730, %add3A_1922], %gather3A_1919 : memref<128x128xf32, #tpu.memory_space<vmem>>[vector<16xi32>, vector<16xi32>], vector<16xf32>,
      %broadcast_in_dim3A_1923 = arith.constant 31 : i32
      %broadcast_in_dim3A_1924 = vector.broadcast %broadcast_in_dim3A_1923 : i32 to vector<16xi32>
      %gather3A_1925 = tpu.vector_load_idx %arg11[%add3A_1727, %broadcast_in_dim3A_1924] : memref<128x32xf32, #tpu.memory_space<vmem>>[vector<16xi32>, vector<16xi32>], vector<16xf32>,
      %add3A_1926 = arith.constant 31 : i32
      %add3A_1927 = vector.broadcast %add3A_1926 : i32 to vector<16xi32>
      %add3A_1928 = arith.addi %mul3A_1736, %add3A_1927 : vector<16xi32>
      tpu.vector_store_idx %arg14[%shift_right_logical3A_1730, %add3A_1928], %gather3A_1925 : memref<128x128xf32, #tpu.memory_space<vmem>>[vector<16xi32>, vector<16xi32>], vector<16xf32>,
      %iota3A_1929 = tpu.iota {dimensions = array<i32: 0>} : vector<16xi32>
      %dma_wait3A_1930 = arith.constant 0 : i32
      %dma_wait3A_1931 = arith.constant 0 : i32
      %dma_wait3A_1932 = arith.constant 0 : i32
      %dma_wait3A_1933 = tpu.memref_slice %arg13[%dma_wait3A_1931, %dma_wait3A_1932] : memref<128x32xf32, #tpu.memory_space<vmem>> -> memref<8x32xf32, #tpu.memory_space<vmem>>
      %dma_wait3A_1934 = arith.constant 0 : i32
      %dma_wait3A_1935 = arith.constant 0 : i32
      %dma_wait3A_1936 = tpu.memref_slice %arg5[%dma_wait3A_1930, %dma_wait3A_1934, %dma_wait3A_1935] : memref<12500x8x32xf32, #tpu.memory_space<hbm>> -> memref<1x8x32xf32, #tpu.memory_space<hbm>>
      %dma_wait3A_1937 = tpu.memref_squeeze %dma_wait3A_1936 : memref<1x8x32xf32, #tpu.memory_space<hbm>> -> memref<8x32xf32, #tpu.memory_space<hbm>>
      %dma_wait3A_1938 = arith.constant 0 : i32
      %dma_wait3A_1939 = arith.constant 0 : i32
      %dma_wait3A_1940 = tpu.memref_slice %arg13[%dma_wait3A_1938, %dma_wait3A_1939] : memref<128x32xf32, #tpu.memory_space<vmem>> -> memref<8x32xf32, #tpu.memory_space<vmem>>
      %dma_wait3A_1941 = arith.constant 0 : i32
      %dma_wait3A_1942 = arith.constant 0 : i32
      %dma_wait3A_1943 = tpu.memref_slice %arg5[%dma_wait3A_1930, %dma_wait3A_1941, %dma_wait3A_1942] : memref<12500x8x32xf32, #tpu.memory_space<hbm>> -> memref<1x8x32xf32, #tpu.memory_space<hbm>>
      %dma_wait3A_1944 = tpu.memref_squeeze %dma_wait3A_1943 : memref<1x8x32xf32, #tpu.memory_space<hbm>> -> memref<8x32xf32, #tpu.memory_space<hbm>>
      tpu.wait_dma2 semaphore(%arg19 : memref<!tpu.dma_semaphore, #tpu.memory_space<semaphore_mem>>) src(%dma_wait3A_1944 : memref<8x32xf32, #tpu.memory_space<hbm>>) dst(%dma_wait3A_1940 : memref<8x32xf32, #tpu.memory_space<vmem>>)
      %dma_wait3A_1945 = arith.constant 0 : i32
      %dma_wait3A_1946 = arith.constant 8 : i32
      %dma_wait3A_1947 = arith.constant 0 : i32
      %dma_wait3A_1948 = tpu.memref_slice %arg13[%dma_wait3A_1946, %dma_wait3A_1947] : memref<128x32xf32, #tpu.memory_space<vmem>> -> memref<8x32xf32, #tpu.memory_space<vmem>>
      %dma_wait3A_1949 = arith.constant 0 : i32
      %dma_wait3A_1950 = arith.constant 0 : i32
      %dma_wait3A_1951 = tpu.memref_slice %arg5[%dma_wait3A_1945, %dma_wait3A_1949, %dma_wait3A_1950] : memref<12500x8x32xf32, #tpu.memory_space<hbm>> -> memref<1x8x32xf32, #tpu.memory_space<hbm>>
      %dma_wait3A_1952 = tpu.memref_squeeze %dma_wait3A_1951 : memref<1x8x32xf32, #tpu.memory_space<hbm>> -> memref<8x32xf32, #tpu.memory_space<hbm>>
      %dma_wait3A_1953 = arith.constant 8 : i32
      %dma_wait3A_1954 = arith.constant 0 : i32
      %dma_wait3A_1955 = tpu.memref_slice %arg13[%dma_wait3A_1953, %dma_wait3A_1954] : memref<128x32xf32, #tpu.memory_space<vmem>> -> memref<8x32xf32, #tpu.memory_space<vmem>>
      %dma_wait3A_1956 = arith.constant 0 : i32
      %dma_wait3A_1957 = arith.constant 0 : i32
      %dma_wait3A_1958 = tpu.memref_slice %arg5[%dma_wait3A_1945, %dma_wait3A_1956, %dma_wait3A_1957] : memref<12500x8x32xf32, #tpu.memory_space<hbm>> -> memref<1x8x32xf32, #tpu.memory_space<hbm>>
      %dma_wait3A_1959 = tpu.memref_squeeze %dma_wait3A_1958 : memref<1x8x32xf32, #tpu.memory_space<hbm>> -> memref<8x32xf32, #tpu.memory_space<hbm>>
      tpu.wait_dma2 semaphore(%arg19 : memref<!tpu.dma_semaphore, #tpu.memory_space<semaphore_mem>>) src(%dma_wait3A_1959 : memref<8x32xf32, #tpu.memory_space<hbm>>) dst(%dma_wait3A_1955 : memref<8x32xf32, #tpu.memory_space<vmem>>)
      %dma_wait3A_1960 = arith.constant 0 : i32
      %dma_wait3A_1961 = arith.constant 16 : i32
      %dma_wait3A_1962 = arith.constant 0 : i32
      %dma_wait3A_1963 = tpu.memref_slice %arg13[%dma_wait3A_1961, %dma_wait3A_1962] : memref<128x32xf32, #tpu.memory_space<vmem>> -> memref<8x32xf32, #tpu.memory_space<vmem>>
      %dma_wait3A_1964 = arith.constant 0 : i32
      %dma_wait3A_1965 = arith.constant 0 : i32
      %dma_wait3A_1966 = tpu.memref_slice %arg5[%dma_wait3A_1960, %dma_wait3A_1964, %dma_wait3A_1965] : memref<12500x8x32xf32, #tpu.memory_space<hbm>> -> memref<1x8x32xf32, #tpu.memory_space<hbm>>
      %dma_wait3A_1967 = tpu.memref_squeeze %dma_wait3A_1966 : memref<1x8x32xf32, #tpu.memory_space<hbm>> -> memref<8x32xf32, #tpu.memory_space<hbm>>
      %dma_wait3A_1968 = arith.constant 16 : i32
      %dma_wait3A_1969 = arith.constant 0 : i32
      %dma_wait3A_1970 = tpu.memref_slice %arg13[%dma_wait3A_1968, %dma_wait3A_1969] : memref<128x32xf32, #tpu.memory_space<vmem>> -> memref<8x32xf32, #tpu.memory_space<vmem>>
      %dma_wait3A_1971 = arith.constant 0 : i32
      %dma_wait3A_1972 = arith.constant 0 : i32
      %dma_wait3A_1973 = tpu.memref_slice %arg5[%dma_wait3A_1960, %dma_wait3A_1971, %dma_wait3A_1972] : memref<12500x8x32xf32, #tpu.memory_space<hbm>> -> memref<1x8x32xf32, #tpu.memory_space<hbm>>
      %dma_wait3A_1974 = tpu.memref_squeeze %dma_wait3A_1973 : memref<1x8x32xf32, #tpu.memory_space<hbm>> -> memref<8x32xf32, #tpu.memory_space<hbm>>
      tpu.wait_dma2 semaphore(%arg19 : memref<!tpu.dma_semaphore, #tpu.memory_space<semaphore_mem>>) src(%dma_wait3A_1974 : memref<8x32xf32, #tpu.memory_space<hbm>>) dst(%dma_wait3A_1970 : memref<8x32xf32, #tpu.memory_space<vmem>>)
      %dma_wait3A_1975 = arith.constant 0 : i32
      %dma_wait3A_1976 = arith.constant 24 : i32
      %dma_wait3A_1977 = arith.constant 0 : i32
      %dma_wait3A_1978 = tpu.memref_slice %arg13[%dma_wait3A_1976, %dma_wait3A_1977] : memref<128x32xf32, #tpu.memory_space<vmem>> -> memref<8x32xf32, #tpu.memory_space<vmem>>
      %dma_wait3A_1979 = arith.constant 0 : i32
      %dma_wait3A_1980 = arith.constant 0 : i32
      %dma_wait3A_1981 = tpu.memref_slice %arg5[%dma_wait3A_1975, %dma_wait3A_1979, %dma_wait3A_1980] : memref<12500x8x32xf32, #tpu.memory_space<hbm>> -> memref<1x8x32xf32, #tpu.memory_space<hbm>>
      %dma_wait3A_1982 = tpu.memref_squeeze %dma_wait3A_1981 : memref<1x8x32xf32, #tpu.memory_space<hbm>> -> memref<8x32xf32, #tpu.memory_space<hbm>>
      %dma_wait3A_1983 = arith.constant 24 : i32
      %dma_wait3A_1984 = arith.constant 0 : i32
      %dma_wait3A_1985 = tpu.memref_slice %arg13[%dma_wait3A_1983, %dma_wait3A_1984] : memref<128x32xf32, #tpu.memory_space<vmem>> -> memref<8x32xf32, #tpu.memory_space<vmem>>
      %dma_wait3A_1986 = arith.constant 0 : i32
      %dma_wait3A_1987 = arith.constant 0 : i32
      %dma_wait3A_1988 = tpu.memref_slice %arg5[%dma_wait3A_1975, %dma_wait3A_1986, %dma_wait3A_1987] : memref<12500x8x32xf32, #tpu.memory_space<hbm>> -> memref<1x8x32xf32, #tpu.memory_space<hbm>>
      %dma_wait3A_1989 = tpu.memref_squeeze %dma_wait3A_1988 : memref<1x8x32xf32, #tpu.memory_space<hbm>> -> memref<8x32xf32, #tpu.memory_space<hbm>>
      tpu.wait_dma2 semaphore(%arg19 : memref<!tpu.dma_semaphore, #tpu.memory_space<semaphore_mem>>) src(%dma_wait3A_1989 : memref<8x32xf32, #tpu.memory_space<hbm>>) dst(%dma_wait3A_1985 : memref<8x32xf32, #tpu.memory_space<vmem>>)
      %dma_wait3A_1990 = arith.constant 0 : i32
      %dma_wait3A_1991 = arith.constant 32 : i32
      %dma_wait3A_1992 = arith.constant 0 : i32
      %dma_wait3A_1993 = tpu.memref_slice %arg13[%dma_wait3A_1991, %dma_wait3A_1992] : memref<128x32xf32, #tpu.memory_space<vmem>> -> memref<8x32xf32, #tpu.memory_space<vmem>>
      %dma_wait3A_1994 = arith.constant 0 : i32
      %dma_wait3A_1995 = arith.constant 0 : i32
      %dma_wait3A_1996 = tpu.memref_slice %arg5[%dma_wait3A_1990, %dma_wait3A_1994, %dma_wait3A_1995] : memref<12500x8x32xf32, #tpu.memory_space<hbm>> -> memref<1x8x32xf32, #tpu.memory_space<hbm>>
      %dma_wait3A_1997 = tpu.memref_squeeze %dma_wait3A_1996 : memref<1x8x32xf32, #tpu.memory_space<hbm>> -> memref<8x32xf32, #tpu.memory_space<hbm>>
      %dma_wait3A_1998 = arith.constant 32 : i32
      %dma_wait3A_1999 = arith.constant 0 : i32
      %dma_wait3A_2000 = tpu.memref_slice %arg13[%dma_wait3A_1998, %dma_wait3A_1999] : memref<128x32xf32, #tpu.memory_space<vmem>> -> memref<8x32xf32, #tpu.memory_space<vmem>>
      %dma_wait3A_2001 = arith.constant 0 : i32
      %dma_wait3A_2002 = arith.constant 0 : i32
      %dma_wait3A_2003 = tpu.memref_slice %arg5[%dma_wait3A_1990, %dma_wait3A_2001, %dma_wait3A_2002] : memref<12500x8x32xf32, #tpu.memory_space<hbm>> -> memref<1x8x32xf32, #tpu.memory_space<hbm>>
      %dma_wait3A_2004 = tpu.memref_squeeze %dma_wait3A_2003 : memref<1x8x32xf32, #tpu.memory_space<hbm>> -> memref<8x32xf32, #tpu.memory_space<hbm>>
      tpu.wait_dma2 semaphore(%arg19 : memref<!tpu.dma_semaphore, #tpu.memory_space<semaphore_mem>>) src(%dma_wait3A_2004 : memref<8x32xf32, #tpu.memory_space<hbm>>) dst(%dma_wait3A_2000 : memref<8x32xf32, #tpu.memory_space<vmem>>)
      %dma_wait3A_2005 = arith.constant 0 : i32
      %dma_wait3A_2006 = arith.constant 40 : i32
      %dma_wait3A_2007 = arith.constant 0 : i32
      %dma_wait3A_2008 = tpu.memref_slice %arg13[%dma_wait3A_2006, %dma_wait3A_2007] : memref<128x32xf32, #tpu.memory_space<vmem>> -> memref<8x32xf32, #tpu.memory_space<vmem>>
      %dma_wait3A_2009 = arith.constant 0 : i32
      %dma_wait3A_2010 = arith.constant 0 : i32
      %dma_wait3A_2011 = tpu.memref_slice %arg5[%dma_wait3A_2005, %dma_wait3A_2009, %dma_wait3A_2010] : memref<12500x8x32xf32, #tpu.memory_space<hbm>> -> memref<1x8x32xf32, #tpu.memory_space<hbm>>
      %dma_wait3A_2012 = tpu.memref_squeeze %dma_wait3A_2011 : memref<1x8x32xf32, #tpu.memory_space<hbm>> -> memref<8x32xf32, #tpu.memory_space<hbm>>
      %dma_wait3A_2013 = arith.constant 40 : i32
      %dma_wait3A_2014 = arith.constant 0 : i32
      %dma_wait3A_2015 = tpu.memref_slice %arg13[%dma_wait3A_2013, %dma_wait3A_2014] : memref<128x32xf32, #tpu.memory_space<vmem>> -> memref<8x32xf32, #tpu.memory_space<vmem>>
      %dma_wait3A_2016 = arith.constant 0 : i32
      %dma_wait3A_2017 = arith.constant 0 : i32
      %dma_wait3A_2018 = tpu.memref_slice %arg5[%dma_wait3A_2005, %dma_wait3A_2016, %dma_wait3A_2017] : memref<12500x8x32xf32, #tpu.memory_space<hbm>> -> memref<1x8x32xf32, #tpu.memory_space<hbm>>
      %dma_wait3A_2019 = tpu.memref_squeeze %dma_wait3A_2018 : memref<1x8x32xf32, #tpu.memory_space<hbm>> -> memref<8x32xf32, #tpu.memory_space<hbm>>
      tpu.wait_dma2 semaphore(%arg19 : memref<!tpu.dma_semaphore, #tpu.memory_space<semaphore_mem>>) src(%dma_wait3A_2019 : memref<8x32xf32, #tpu.memory_space<hbm>>) dst(%dma_wait3A_2015 : memref<8x32xf32, #tpu.memory_space<vmem>>)
      %dma_wait3A_2020 = arith.constant 0 : i32
      %dma_wait3A_2021 = arith.constant 48 : i32
      %dma_wait3A_2022 = arith.constant 0 : i32
      %dma_wait3A_2023 = tpu.memref_slice %arg13[%dma_wait3A_2021, %dma_wait3A_2022] : memref<128x32xf32, #tpu.memory_space<vmem>> -> memref<8x32xf32, #tpu.memory_space<vmem>>
      %dma_wait3A_2024 = arith.constant 0 : i32
      %dma_wait3A_2025 = arith.constant 0 : i32
      %dma_wait3A_2026 = tpu.memref_slice %arg5[%dma_wait3A_2020, %dma_wait3A_2024, %dma_wait3A_2025] : memref<12500x8x32xf32, #tpu.memory_space<hbm>> -> memref<1x8x32xf32, #tpu.memory_space<hbm>>
      %dma_wait3A_2027 = tpu.memref_squeeze %dma_wait3A_2026 : memref<1x8x32xf32, #tpu.memory_space<hbm>> -> memref<8x32xf32, #tpu.memory_space<hbm>>
      %dma_wait3A_2028 = arith.constant 48 : i32
      %dma_wait3A_2029 = arith.constant 0 : i32
      %dma_wait3A_2030 = tpu.memref_slice %arg13[%dma_wait3A_2028, %dma_wait3A_2029] : memref<128x32xf32, #tpu.memory_space<vmem>> -> memref<8x32xf32, #tpu.memory_space<vmem>>
      %dma_wait3A_2031 = arith.constant 0 : i32
      %dma_wait3A_2032 = arith.constant 0 : i32
      %dma_wait3A_2033 = tpu.memref_slice %arg5[%dma_wait3A_2020, %dma_wait3A_2031, %dma_wait3A_2032] : memref<12500x8x32xf32, #tpu.memory_space<hbm>> -> memref<1x8x32xf32, #tpu.memory_space<hbm>>
      %dma_wait3A_2034 = tpu.memref_squeeze %dma_wait3A_2033 : memref<1x8x32xf32, #tpu.memory_space<hbm>> -> memref<8x32xf32, #tpu.memory_space<hbm>>
      tpu.wait_dma2 semaphore(%arg19 : memref<!tpu.dma_semaphore, #tpu.memory_space<semaphore_mem>>) src(%dma_wait3A_2034 : memref<8x32xf32, #tpu.memory_space<hbm>>) dst(%dma_wait3A_2030 : memref<8x32xf32, #tpu.memory_space<vmem>>)
      %dma_wait3A_2035 = arith.constant 0 : i32
      %dma_wait3A_2036 = arith.constant 56 : i32
      %dma_wait3A_2037 = arith.constant 0 : i32
      %dma_wait3A_2038 = tpu.memref_slice %arg13[%dma_wait3A_2036, %dma_wait3A_2037] : memref<128x32xf32, #tpu.memory_space<vmem>> -> memref<8x32xf32, #tpu.memory_space<vmem>>
      %dma_wait3A_2039 = arith.constant 0 : i32
      %dma_wait3A_2040 = arith.constant 0 : i32
      %dma_wait3A_2041 = tpu.memref_slice %arg5[%dma_wait3A_2035, %dma_wait3A_2039, %dma_wait3A_2040] : memref<12500x8x32xf32, #tpu.memory_space<hbm>> -> memref<1x8x32xf32, #tpu.memory_space<hbm>>
      %dma_wait3A_2042 = tpu.memref_squeeze %dma_wait3A_2041 : memref<1x8x32xf32, #tpu.memory_space<hbm>> -> memref<8x32xf32, #tpu.memory_space<hbm>>
      %dma_wait3A_2043 = arith.constant 56 : i32
      %dma_wait3A_2044 = arith.constant 0 : i32
      %dma_wait3A_2045 = tpu.memref_slice %arg13[%dma_wait3A_2043, %dma_wait3A_2044] : memref<128x32xf32, #tpu.memory_space<vmem>> -> memref<8x32xf32, #tpu.memory_space<vmem>>
      %dma_wait3A_2046 = arith.constant 0 : i32
      %dma_wait3A_2047 = arith.constant 0 : i32
      %dma_wait3A_2048 = tpu.memref_slice %arg5[%dma_wait3A_2035, %dma_wait3A_2046, %dma_wait3A_2047] : memref<12500x8x32xf32, #tpu.memory_space<hbm>> -> memref<1x8x32xf32, #tpu.memory_space<hbm>>
      %dma_wait3A_2049 = tpu.memref_squeeze %dma_wait3A_2048 : memref<1x8x32xf32, #tpu.memory_space<hbm>> -> memref<8x32xf32, #tpu.memory_space<hbm>>
      tpu.wait_dma2 semaphore(%arg19 : memref<!tpu.dma_semaphore, #tpu.memory_space<semaphore_mem>>) src(%dma_wait3A_2049 : memref<8x32xf32, #tpu.memory_space<hbm>>) dst(%dma_wait3A_2045 : memref<8x32xf32, #tpu.memory_space<vmem>>)
      %dma_wait3A_2050 = arith.constant 0 : i32
      %dma_wait3A_2051 = arith.constant 64 : i32
      %dma_wait3A_2052 = arith.constant 0 : i32
      %dma_wait3A_2053 = tpu.memref_slice %arg13[%dma_wait3A_2051, %dma_wait3A_2052] : memref<128x32xf32, #tpu.memory_space<vmem>> -> memref<8x32xf32, #tpu.memory_space<vmem>>
      %dma_wait3A_2054 = arith.constant 0 : i32
      %dma_wait3A_2055 = arith.constant 0 : i32
      %dma_wait3A_2056 = tpu.memref_slice %arg5[%dma_wait3A_2050, %dma_wait3A_2054, %dma_wait3A_2055] : memref<12500x8x32xf32, #tpu.memory_space<hbm>> -> memref<1x8x32xf32, #tpu.memory_space<hbm>>
      %dma_wait3A_2057 = tpu.memref_squeeze %dma_wait3A_2056 : memref<1x8x32xf32, #tpu.memory_space<hbm>> -> memref<8x32xf32, #tpu.memory_space<hbm>>
      %dma_wait3A_2058 = arith.constant 64 : i32
      %dma_wait3A_2059 = arith.constant 0 : i32
      %dma_wait3A_2060 = tpu.memref_slice %arg13[%dma_wait3A_2058, %dma_wait3A_2059] : memref<128x32xf32, #tpu.memory_space<vmem>> -> memref<8x32xf32, #tpu.memory_space<vmem>>
      %dma_wait3A_2061 = arith.constant 0 : i32
      %dma_wait3A_2062 = arith.constant 0 : i32
      %dma_wait3A_2063 = tpu.memref_slice %arg5[%dma_wait3A_2050, %dma_wait3A_2061, %dma_wait3A_2062] : memref<12500x8x32xf32, #tpu.memory_space<hbm>> -> memref<1x8x32xf32, #tpu.memory_space<hbm>>
      %dma_wait3A_2064 = tpu.memref_squeeze %dma_wait3A_2063 : memref<1x8x32xf32, #tpu.memory_space<hbm>> -> memref<8x32xf32, #tpu.memory_space<hbm>>
      tpu.wait_dma2 semaphore(%arg19 : memref<!tpu.dma_semaphore, #tpu.memory_space<semaphore_mem>>) src(%dma_wait3A_2064 : memref<8x32xf32, #tpu.memory_space<hbm>>) dst(%dma_wait3A_2060 : memref<8x32xf32, #tpu.memory_space<vmem>>)
      %dma_wait3A_2065 = arith.constant 0 : i32
      %dma_wait3A_2066 = arith.constant 72 : i32
      %dma_wait3A_2067 = arith.constant 0 : i32
      %dma_wait3A_2068 = tpu.memref_slice %arg13[%dma_wait3A_2066, %dma_wait3A_2067] : memref<128x32xf32, #tpu.memory_space<vmem>> -> memref<8x32xf32, #tpu.memory_space<vmem>>
      %dma_wait3A_2069 = arith.constant 0 : i32
      %dma_wait3A_2070 = arith.constant 0 : i32
      %dma_wait3A_2071 = tpu.memref_slice %arg5[%dma_wait3A_2065, %dma_wait3A_2069, %dma_wait3A_2070] : memref<12500x8x32xf32, #tpu.memory_space<hbm>> -> memref<1x8x32xf32, #tpu.memory_space<hbm>>
      %dma_wait3A_2072 = tpu.memref_squeeze %dma_wait3A_2071 : memref<1x8x32xf32, #tpu.memory_space<hbm>> -> memref<8x32xf32, #tpu.memory_space<hbm>>
      %dma_wait3A_2073 = arith.constant 72 : i32
      %dma_wait3A_2074 = arith.constant 0 : i32
      %dma_wait3A_2075 = tpu.memref_slice %arg13[%dma_wait3A_2073, %dma_wait3A_2074] : memref<128x32xf32, #tpu.memory_space<vmem>> -> memref<8x32xf32, #tpu.memory_space<vmem>>
      %dma_wait3A_2076 = arith.constant 0 : i32
      %dma_wait3A_2077 = arith.constant 0 : i32
      %dma_wait3A_2078 = tpu.memref_slice %arg5[%dma_wait3A_2065, %dma_wait3A_2076, %dma_wait3A_2077] : memref<12500x8x32xf32, #tpu.memory_space<hbm>> -> memref<1x8x32xf32, #tpu.memory_space<hbm>>
      %dma_wait3A_2079 = tpu.memref_squeeze %dma_wait3A_2078 : memref<1x8x32xf32, #tpu.memory_space<hbm>> -> memref<8x32xf32, #tpu.memory_space<hbm>>
      tpu.wait_dma2 semaphore(%arg19 : memref<!tpu.dma_semaphore, #tpu.memory_space<semaphore_mem>>) src(%dma_wait3A_2079 : memref<8x32xf32, #tpu.memory_space<hbm>>) dst(%dma_wait3A_2075 : memref<8x32xf32, #tpu.memory_space<vmem>>)
      %dma_wait3A_2080 = arith.constant 0 : i32
      %dma_wait3A_2081 = arith.constant 80 : i32
      %dma_wait3A_2082 = arith.constant 0 : i32
      %dma_wait3A_2083 = tpu.memref_slice %arg13[%dma_wait3A_2081, %dma_wait3A_2082] : memref<128x32xf32, #tpu.memory_space<vmem>> -> memref<8x32xf32, #tpu.memory_space<vmem>>
      %dma_wait3A_2084 = arith.constant 0 : i32
      %dma_wait3A_2085 = arith.constant 0 : i32
      %dma_wait3A_2086 = tpu.memref_slice %arg5[%dma_wait3A_2080, %dma_wait3A_2084, %dma_wait3A_2085] : memref<12500x8x32xf32, #tpu.memory_space<hbm>> -> memref<1x8x32xf32, #tpu.memory_space<hbm>>
      %dma_wait3A_2087 = tpu.memref_squeeze %dma_wait3A_2086 : memref<1x8x32xf32, #tpu.memory_space<hbm>> -> memref<8x32xf32, #tpu.memory_space<hbm>>
      %dma_wait3A_2088 = arith.constant 80 : i32
      %dma_wait3A_2089 = arith.constant 0 : i32
      %dma_wait3A_2090 = tpu.memref_slice %arg13[%dma_wait3A_2088, %dma_wait3A_2089] : memref<128x32xf32, #tpu.memory_space<vmem>> -> memref<8x32xf32, #tpu.memory_space<vmem>>
      %dma_wait3A_2091 = arith.constant 0 : i32
      %dma_wait3A_2092 = arith.constant 0 : i32
      %dma_wait3A_2093 = tpu.memref_slice %arg5[%dma_wait3A_2080, %dma_wait3A_2091, %dma_wait3A_2092] : memref<12500x8x32xf32, #tpu.memory_space<hbm>> -> memref<1x8x32xf32, #tpu.memory_space<hbm>>
      %dma_wait3A_2094 = tpu.memref_squeeze %dma_wait3A_2093 : memref<1x8x32xf32, #tpu.memory_space<hbm>> -> memref<8x32xf32, #tpu.memory_space<hbm>>
      tpu.wait_dma2 semaphore(%arg19 : memref<!tpu.dma_semaphore, #tpu.memory_space<semaphore_mem>>) src(%dma_wait3A_2094 : memref<8x32xf32, #tpu.memory_space<hbm>>) dst(%dma_wait3A_2090 : memref<8x32xf32, #tpu.memory_space<vmem>>)
      %dma_wait3A_2095 = arith.constant 0 : i32
      %dma_wait3A_2096 = arith.constant 88 : i32
      %dma_wait3A_2097 = arith.constant 0 : i32
      %dma_wait3A_2098 = tpu.memref_slice %arg13[%dma_wait3A_2096, %dma_wait3A_2097] : memref<128x32xf32, #tpu.memory_space<vmem>> -> memref<8x32xf32, #tpu.memory_space<vmem>>
      %dma_wait3A_2099 = arith.constant 0 : i32
      %dma_wait3A_2100 = arith.constant 0 : i32
      %dma_wait3A_2101 = tpu.memref_slice %arg5[%dma_wait3A_2095, %dma_wait3A_2099, %dma_wait3A_2100] : memref<12500x8x32xf32, #tpu.memory_space<hbm>> -> memref<1x8x32xf32, #tpu.memory_space<hbm>>
      %dma_wait3A_2102 = tpu.memref_squeeze %dma_wait3A_2101 : memref<1x8x32xf32, #tpu.memory_space<hbm>> -> memref<8x32xf32, #tpu.memory_space<hbm>>
      %dma_wait3A_2103 = arith.constant 88 : i32
      %dma_wait3A_2104 = arith.constant 0 : i32
      %dma_wait3A_2105 = tpu.memref_slice %arg13[%dma_wait3A_2103, %dma_wait3A_2104] : memref<128x32xf32, #tpu.memory_space<vmem>> -> memref<8x32xf32, #tpu.memory_space<vmem>>
      %dma_wait3A_2106 = arith.constant 0 : i32
      %dma_wait3A_2107 = arith.constant 0 : i32
      %dma_wait3A_2108 = tpu.memref_slice %arg5[%dma_wait3A_2095, %dma_wait3A_2106, %dma_wait3A_2107] : memref<12500x8x32xf32, #tpu.memory_space<hbm>> -> memref<1x8x32xf32, #tpu.memory_space<hbm>>
      %dma_wait3A_2109 = tpu.memref_squeeze %dma_wait3A_2108 : memref<1x8x32xf32, #tpu.memory_space<hbm>> -> memref<8x32xf32, #tpu.memory_space<hbm>>
      tpu.wait_dma2 semaphore(%arg19 : memref<!tpu.dma_semaphore, #tpu.memory_space<semaphore_mem>>) src(%dma_wait3A_2109 : memref<8x32xf32, #tpu.memory_space<hbm>>) dst(%dma_wait3A_2105 : memref<8x32xf32, #tpu.memory_space<vmem>>)
      %dma_wait3A_2110 = arith.constant 0 : i32
      %dma_wait3A_2111 = arith.constant 96 : i32
      %dma_wait3A_2112 = arith.constant 0 : i32
      %dma_wait3A_2113 = tpu.memref_slice %arg13[%dma_wait3A_2111, %dma_wait3A_2112] : memref<128x32xf32, #tpu.memory_space<vmem>> -> memref<8x32xf32, #tpu.memory_space<vmem>>
      %dma_wait3A_2114 = arith.constant 0 : i32
      %dma_wait3A_2115 = arith.constant 0 : i32
      %dma_wait3A_2116 = tpu.memref_slice %arg5[%dma_wait3A_2110, %dma_wait3A_2114, %dma_wait3A_2115] : memref<12500x8x32xf32, #tpu.memory_space<hbm>> -> memref<1x8x32xf32, #tpu.memory_space<hbm>>
      %dma_wait3A_2117 = tpu.memref_squeeze %dma_wait3A_2116 : memref<1x8x32xf32, #tpu.memory_space<hbm>> -> memref<8x32xf32, #tpu.memory_space<hbm>>
      %dma_wait3A_2118 = arith.constant 96 : i32
      %dma_wait3A_2119 = arith.constant 0 : i32
      %dma_wait3A_2120 = tpu.memref_slice %arg13[%dma_wait3A_2118, %dma_wait3A_2119] : memref<128x32xf32, #tpu.memory_space<vmem>> -> memref<8x32xf32, #tpu.memory_space<vmem>>
      %dma_wait3A_2121 = arith.constant 0 : i32
      %dma_wait3A_2122 = arith.constant 0 : i32
      %dma_wait3A_2123 = tpu.memref_slice %arg5[%dma_wait3A_2110, %dma_wait3A_2121, %dma_wait3A_2122] : memref<12500x8x32xf32, #tpu.memory_space<hbm>> -> memref<1x8x32xf32, #tpu.memory_space<hbm>>
      %dma_wait3A_2124 = tpu.memref_squeeze %dma_wait3A_2123 : memref<1x8x32xf32, #tpu.memory_space<hbm>> -> memref<8x32xf32, #tpu.memory_space<hbm>>
      tpu.wait_dma2 semaphore(%arg19 : memref<!tpu.dma_semaphore, #tpu.memory_space<semaphore_mem>>) src(%dma_wait3A_2124 : memref<8x32xf32, #tpu.memory_space<hbm>>) dst(%dma_wait3A_2120 : memref<8x32xf32, #tpu.memory_space<vmem>>)
      %dma_wait3A_2125 = arith.constant 0 : i32
      %dma_wait3A_2126 = arith.constant 104 : i32
      %dma_wait3A_2127 = arith.constant 0 : i32
      %dma_wait3A_2128 = tpu.memref_slice %arg13[%dma_wait3A_2126, %dma_wait3A_2127] : memref<128x32xf32, #tpu.memory_space<vmem>> -> memref<8x32xf32, #tpu.memory_space<vmem>>
      %dma_wait3A_2129 = arith.constant 0 : i32
      %dma_wait3A_2130 = arith.constant 0 : i32
      %dma_wait3A_2131 = tpu.memref_slice %arg5[%dma_wait3A_2125, %dma_wait3A_2129, %dma_wait3A_2130] : memref<12500x8x32xf32, #tpu.memory_space<hbm>> -> memref<1x8x32xf32, #tpu.memory_space<hbm>>
      %dma_wait3A_2132 = tpu.memref_squeeze %dma_wait3A_2131 : memref<1x8x32xf32, #tpu.memory_space<hbm>> -> memref<8x32xf32, #tpu.memory_space<hbm>>
      %dma_wait3A_2133 = arith.constant 104 : i32
      %dma_wait3A_2134 = arith.constant 0 : i32
      %dma_wait3A_2135 = tpu.memref_slice %arg13[%dma_wait3A_2133, %dma_wait3A_2134] : memref<128x32xf32, #tpu.memory_space<vmem>> -> memref<8x32xf32, #tpu.memory_space<vmem>>
      %dma_wait3A_2136 = arith.constant 0 : i32
      %dma_wait3A_2137 = arith.constant 0 : i32
      %dma_wait3A_2138 = tpu.memref_slice %arg5[%dma_wait3A_2125, %dma_wait3A_2136, %dma_wait3A_2137] : memref<12500x8x32xf32, #tpu.memory_space<hbm>> -> memref<1x8x32xf32, #tpu.memory_space<hbm>>
      %dma_wait3A_2139 = tpu.memref_squeeze %dma_wait3A_2138 : memref<1x8x32xf32, #tpu.memory_space<hbm>> -> memref<8x32xf32, #tpu.memory_space<hbm>>
      tpu.wait_dma2 semaphore(%arg19 : memref<!tpu.dma_semaphore, #tpu.memory_space<semaphore_mem>>) src(%dma_wait3A_2139 : memref<8x32xf32, #tpu.memory_space<hbm>>) dst(%dma_wait3A_2135 : memref<8x32xf32, #tpu.memory_space<vmem>>)
      %dma_wait3A_2140 = arith.constant 0 : i32
      %dma_wait3A_2141 = arith.constant 112 : i32
      %dma_wait3A_2142 = arith.constant 0 : i32
      %dma_wait3A_2143 = tpu.memref_slice %arg13[%dma_wait3A_2141, %dma_wait3A_2142] : memref<128x32xf32, #tpu.memory_space<vmem>> -> memref<8x32xf32, #tpu.memory_space<vmem>>
      %dma_wait3A_2144 = arith.constant 0 : i32
      %dma_wait3A_2145 = arith.constant 0 : i32
      %dma_wait3A_2146 = tpu.memref_slice %arg5[%dma_wait3A_2140, %dma_wait3A_2144, %dma_wait3A_2145] : memref<12500x8x32xf32, #tpu.memory_space<hbm>> -> memref<1x8x32xf32, #tpu.memory_space<hbm>>
      %dma_wait3A_2147 = tpu.memref_squeeze %dma_wait3A_2146 : memref<1x8x32xf32, #tpu.memory_space<hbm>> -> memref<8x32xf32, #tpu.memory_space<hbm>>
      %dma_wait3A_2148 = arith.constant 112 : i32
      %dma_wait3A_2149 = arith.constant 0 : i32
      %dma_wait3A_2150 = tpu.memref_slice %arg13[%dma_wait3A_2148, %dma_wait3A_2149] : memref<128x32xf32, #tpu.memory_space<vmem>> -> memref<8x32xf32, #tpu.memory_space<vmem>>
      %dma_wait3A_2151 = arith.constant 0 : i32
      %dma_wait3A_2152 = arith.constant 0 : i32
      %dma_wait3A_2153 = tpu.memref_slice %arg5[%dma_wait3A_2140, %dma_wait3A_2151, %dma_wait3A_2152] : memref<12500x8x32xf32, #tpu.memory_space<hbm>> -> memref<1x8x32xf32, #tpu.memory_space<hbm>>
      %dma_wait3A_2154 = tpu.memref_squeeze %dma_wait3A_2153 : memref<1x8x32xf32, #tpu.memory_space<hbm>> -> memref<8x32xf32, #tpu.memory_space<hbm>>
      tpu.wait_dma2 semaphore(%arg19 : memref<!tpu.dma_semaphore, #tpu.memory_space<semaphore_mem>>) src(%dma_wait3A_2154 : memref<8x32xf32, #tpu.memory_space<hbm>>) dst(%dma_wait3A_2150 : memref<8x32xf32, #tpu.memory_space<vmem>>)
      %dma_wait3A_2155 = arith.constant 0 : i32
      %dma_wait3A_2156 = arith.constant 120 : i32
      %dma_wait3A_2157 = arith.constant 0 : i32
      %dma_wait3A_2158 = tpu.memref_slice %arg13[%dma_wait3A_2156, %dma_wait3A_2157] : memref<128x32xf32, #tpu.memory_space<vmem>> -> memref<8x32xf32, #tpu.memory_space<vmem>>
      %dma_wait3A_2159 = arith.constant 0 : i32
      %dma_wait3A_2160 = arith.constant 0 : i32
      %dma_wait3A_2161 = tpu.memref_slice %arg5[%dma_wait3A_2155, %dma_wait3A_2159, %dma_wait3A_2160] : memref<12500x8x32xf32, #tpu.memory_space<hbm>> -> memref<1x8x32xf32, #tpu.memory_space<hbm>>
      %dma_wait3A_2162 = tpu.memref_squeeze %dma_wait3A_2161 : memref<1x8x32xf32, #tpu.memory_space<hbm>> -> memref<8x32xf32, #tpu.memory_space<hbm>>
      %dma_wait3A_2163 = arith.constant 120 : i32
      %dma_wait3A_2164 = arith.constant 0 : i32
      %dma_wait3A_2165 = tpu.memref_slice %arg13[%dma_wait3A_2163, %dma_wait3A_2164] : memref<128x32xf32, #tpu.memory_space<vmem>> -> memref<8x32xf32, #tpu.memory_space<vmem>>
      %dma_wait3A_2166 = arith.constant 0 : i32
      %dma_wait3A_2167 = arith.constant 0 : i32
      %dma_wait3A_2168 = tpu.memref_slice %arg5[%dma_wait3A_2155, %dma_wait3A_2166, %dma_wait3A_2167] : memref<12500x8x32xf32, #tpu.memory_space<hbm>> -> memref<1x8x32xf32, #tpu.memory_space<hbm>>
      %dma_wait3A_2169 = tpu.memref_squeeze %dma_wait3A_2168 : memref<1x8x32xf32, #tpu.memory_space<hbm>> -> memref<8x32xf32, #tpu.memory_space<hbm>>
      tpu.wait_dma2 semaphore(%arg19 : memref<!tpu.dma_semaphore, #tpu.memory_space<semaphore_mem>>) src(%dma_wait3A_2169 : memref<8x32xf32, #tpu.memory_space<hbm>>) dst(%dma_wait3A_2165 : memref<8x32xf32, #tpu.memory_space<vmem>>)
      %mul3A_2170 = arith.constant 16 : i32
      %mul3A_2171 = arith.muli %add3A_1464, %mul3A_2170 : i32
      %get3A_2172 = arith.index_cast %mul3A_2171 : i32 to index
      %get3A_2173 = tpu.vector_load %arg9[%get3A_2172] {strides = array<i32>} : memref<512xi32, #tpu.memory_space<vmem>>, vector<16xi32>,
      %mul3A_2174 = arith.constant 16 : i32
      %mul3A_2175 = arith.muli %add3A_1464, %mul3A_2174 : i32
      %add3A_2176 = vector.broadcast %mul3A_2175 : i32 to vector<16xi32>
      %add3A_2177 = arith.addi %add3A_2176, %iota3A_1929 : vector<16xi32>
      %and3A_2178 = arith.constant 7 : i32
      %and3A_2179 = vector.broadcast %and3A_2178 : i32 to vector<16xi32>
      %and3A_2180 = arith.andi %get3A_2173, %and3A_2179 : vector<16xi32>
      %mul3A_2181 = arith.constant 8 : i32
      %mul3A_2182 = vector.broadcast %mul3A_2181 : i32 to vector<16xi32>
      %mul3A_2183 = arith.muli %iota3A_1929, %mul3A_2182 : vector<16xi32>
      %add3A_2184 = arith.addi %mul3A_2183, %and3A_2180 : vector<16xi32>
      %shift_right_logical3A_2185 = arith.constant 2 : i32
      %shift_right_logical3A_2186 = vector.broadcast %shift_right_logical3A_2185 : i32 to vector<16xi32>
      %shift_right_logical3A_2187 = arith.shrui %add3A_2177, %shift_right_logical3A_2186 : vector<16xi32>
      %and3A_2188 = arith.constant 3 : i32
      %and3A_2189 = vector.broadcast %and3A_2188 : i32 to vector<16xi32>
      %and3A_2190 = arith.andi %add3A_2177, %and3A_2189 : vector<16xi32>
      %mul3A_2191 = arith.constant 32 : i32
      %mul3A_2192 = vector.broadcast %mul3A_2191 : i32 to vector<16xi32>
      %mul3A_2193 = arith.muli %and3A_2190, %mul3A_2192 : vector<16xi32>
      %broadcast_in_dim3A_2194 = arith.constant 0 : i32
      %broadcast_in_dim3A_2195 = vector.broadcast %broadcast_in_dim3A_2194 : i32 to vector<16xi32>
      %gather3A_2196 = tpu.vector_load_idx %arg13[%add3A_2184, %broadcast_in_dim3A_2195] : memref<128x32xf32, #tpu.memory_space<vmem>>[vector<16xi32>, vector<16xi32>], vector<16xf32>,
      %add3A_2197 = arith.constant 0 : i32
      %add3A_2198 = vector.broadcast %add3A_2197 : i32 to vector<16xi32>
      %add3A_2199 = arith.addi %mul3A_2193, %add3A_2198 : vector<16xi32>
      tpu.vector_store_idx %arg15[%shift_right_logical3A_2187, %add3A_2199], %gather3A_2196 : memref<128x128xf32, #tpu.memory_space<vmem>>[vector<16xi32>, vector<16xi32>], vector<16xf32>,
      %broadcast_in_dim3A_2200 = arith.constant 1 : i32
      %broadcast_in_dim3A_2201 = vector.broadcast %broadcast_in_dim3A_2200 : i32 to vector<16xi32>
      %gather3A_2202 = tpu.vector_load_idx %arg13[%add3A_2184, %broadcast_in_dim3A_2201] : memref<128x32xf32, #tpu.memory_space<vmem>>[vector<16xi32>, vector<16xi32>], vector<16xf32>,
      %add3A_2203 = arith.constant 1 : i32
      %add3A_2204 = vector.broadcast %add3A_2203 : i32 to vector<16xi32>
      %add3A_2205 = arith.addi %mul3A_2193, %add3A_2204 : vector<16xi32>
      tpu.vector_store_idx %arg15[%shift_right_logical3A_2187, %add3A_2205], %gather3A_2202 : memref<128x128xf32, #tpu.memory_space<vmem>>[vector<16xi32>, vector<16xi32>], vector<16xf32>,
      %broadcast_in_dim3A_2206 = arith.constant 2 : i32
      %broadcast_in_dim3A_2207 = vector.broadcast %broadcast_in_dim3A_2206 : i32 to vector<16xi32>
      %gather3A_2208 = tpu.vector_load_idx %arg13[%add3A_2184, %broadcast_in_dim3A_2207] : memref<128x32xf32, #tpu.memory_space<vmem>>[vector<16xi32>, vector<16xi32>], vector<16xf32>,
      %add3A_2209 = arith.constant 2 : i32
      %add3A_2210 = vector.broadcast %add3A_2209 : i32 to vector<16xi32>
      %add3A_2211 = arith.addi %mul3A_2193, %add3A_2210 : vector<16xi32>
      tpu.vector_store_idx %arg15[%shift_right_logical3A_2187, %add3A_2211], %gather3A_2208 : memref<128x128xf32, #tpu.memory_space<vmem>>[vector<16xi32>, vector<16xi32>], vector<16xf32>,
      %broadcast_in_dim3A_2212 = arith.constant 3 : i32
      %broadcast_in_dim3A_2213 = vector.broadcast %broadcast_in_dim3A_2212 : i32 to vector<16xi32>
      %gather3A_2214 = tpu.vector_load_idx %arg13[%add3A_2184, %broadcast_in_dim3A_2213] : memref<128x32xf32, #tpu.memory_space<vmem>>[vector<16xi32>, vector<16xi32>], vector<16xf32>,
      %add3A_2215 = arith.constant 3 : i32
      %add3A_2216 = vector.broadcast %add3A_2215 : i32 to vector<16xi32>
      %add3A_2217 = arith.addi %mul3A_2193, %add3A_2216 : vector<16xi32>
      tpu.vector_store_idx %arg15[%shift_right_logical3A_2187, %add3A_2217], %gather3A_2214 : memref<128x128xf32, #tpu.memory_space<vmem>>[vector<16xi32>, vector<16xi32>], vector<16xf32>,
      %broadcast_in_dim3A_2218 = arith.constant 4 : i32
      %broadcast_in_dim3A_2219 = vector.broadcast %broadcast_in_dim3A_2218 : i32 to vector<16xi32>
      %gather3A_2220 = tpu.vector_load_idx %arg13[%add3A_2184, %broadcast_in_dim3A_2219] : memref<128x32xf32, #tpu.memory_space<vmem>>[vector<16xi32>, vector<16xi32>], vector<16xf32>,
      %add3A_2221 = arith.constant 4 : i32
      %add3A_2222 = vector.broadcast %add3A_2221 : i32 to vector<16xi32>
      %add3A_2223 = arith.addi %mul3A_2193, %add3A_2222 : vector<16xi32>
      tpu.vector_store_idx %arg15[%shift_right_logical3A_2187, %add3A_2223], %gather3A_2220 : memref<128x128xf32, #tpu.memory_space<vmem>>[vector<16xi32>, vector<16xi32>], vector<16xf32>,
      %broadcast_in_dim3A_2224 = arith.constant 5 : i32
      %broadcast_in_dim3A_2225 = vector.broadcast %broadcast_in_dim3A_2224 : i32 to vector<16xi32>
      %gather3A_2226 = tpu.vector_load_idx %arg13[%add3A_2184, %broadcast_in_dim3A_2225] : memref<128x32xf32, #tpu.memory_space<vmem>>[vector<16xi32>, vector<16xi32>], vector<16xf32>,
      %add3A_2227 = arith.constant 5 : i32
      %add3A_2228 = vector.broadcast %add3A_2227 : i32 to vector<16xi32>
      %add3A_2229 = arith.addi %mul3A_2193, %add3A_2228 : vector<16xi32>
      tpu.vector_store_idx %arg15[%shift_right_logical3A_2187, %add3A_2229], %gather3A_2226 : memref<128x128xf32, #tpu.memory_space<vmem>>[vector<16xi32>, vector<16xi32>], vector<16xf32>,
      %broadcast_in_dim3A_2230 = arith.constant 6 : i32
      %broadcast_in_dim3A_2231 = vector.broadcast %broadcast_in_dim3A_2230 : i32 to vector<16xi32>
      %gather3A_2232 = tpu.vector_load_idx %arg13[%add3A_2184, %broadcast_in_dim3A_2231] : memref<128x32xf32, #tpu.memory_space<vmem>>[vector<16xi32>, vector<16xi32>], vector<16xf32>,
      %add3A_2233 = arith.constant 6 : i32
      %add3A_2234 = vector.broadcast %add3A_2233 : i32 to vector<16xi32>
      %add3A_2235 = arith.addi %mul3A_2193, %add3A_2234 : vector<16xi32>
      tpu.vector_store_idx %arg15[%shift_right_logical3A_2187, %add3A_2235], %gather3A_2232 : memref<128x128xf32, #tpu.memory_space<vmem>>[vector<16xi32>, vector<16xi32>], vector<16xf32>,
      %broadcast_in_dim3A_2236 = arith.constant 7 : i32
      %broadcast_in_dim3A_2237 = vector.broadcast %broadcast_in_dim3A_2236 : i32 to vector<16xi32>
      %gather3A_2238 = tpu.vector_load_idx %arg13[%add3A_2184, %broadcast_in_dim3A_2237] : memref<128x32xf32, #tpu.memory_space<vmem>>[vector<16xi32>, vector<16xi32>], vector<16xf32>,
      %add3A_2239 = arith.constant 7 : i32
      %add3A_2240 = vector.broadcast %add3A_2239 : i32 to vector<16xi32>
      %add3A_2241 = arith.addi %mul3A_2193, %add3A_2240 : vector<16xi32>
      tpu.vector_store_idx %arg15[%shift_right_logical3A_2187, %add3A_2241], %gather3A_2238 : memref<128x128xf32, #tpu.memory_space<vmem>>[vector<16xi32>, vector<16xi32>], vector<16xf32>,
      %broadcast_in_dim3A_2242 = arith.constant 8 : i32
      %broadcast_in_dim3A_2243 = vector.broadcast %broadcast_in_dim3A_2242 : i32 to vector<16xi32>
      %gather3A_2244 = tpu.vector_load_idx %arg13[%add3A_2184, %broadcast_in_dim3A_2243] : memref<128x32xf32, #tpu.memory_space<vmem>>[vector<16xi32>, vector<16xi32>], vector<16xf32>,
      %add3A_2245 = arith.constant 8 : i32
      %add3A_2246 = vector.broadcast %add3A_2245 : i32 to vector<16xi32>
      %add3A_2247 = arith.addi %mul3A_2193, %add3A_2246 : vector<16xi32>
      tpu.vector_store_idx %arg15[%shift_right_logical3A_2187, %add3A_2247], %gather3A_2244 : memref<128x128xf32, #tpu.memory_space<vmem>>[vector<16xi32>, vector<16xi32>], vector<16xf32>,
      %broadcast_in_dim3A_2248 = arith.constant 9 : i32
      %broadcast_in_dim3A_2249 = vector.broadcast %broadcast_in_dim3A_2248 : i32 to vector<16xi32>
      %gather3A_2250 = tpu.vector_load_idx %arg13[%add3A_2184, %broadcast_in_dim3A_2249] : memref<128x32xf32, #tpu.memory_space<vmem>>[vector<16xi32>, vector<16xi32>], vector<16xf32>,
      %add3A_2251 = arith.constant 9 : i32
      %add3A_2252 = vector.broadcast %add3A_2251 : i32 to vector<16xi32>
      %add3A_2253 = arith.addi %mul3A_2193, %add3A_2252 : vector<16xi32>
      tpu.vector_store_idx %arg15[%shift_right_logical3A_2187, %add3A_2253], %gather3A_2250 : memref<128x128xf32, #tpu.memory_space<vmem>>[vector<16xi32>, vector<16xi32>], vector<16xf32>,
      %broadcast_in_dim3A_2254 = arith.constant 10 : i32
      %broadcast_in_dim3A_2255 = vector.broadcast %broadcast_in_dim3A_2254 : i32 to vector<16xi32>
      %gather3A_2256 = tpu.vector_load_idx %arg13[%add3A_2184, %broadcast_in_dim3A_2255] : memref<128x32xf32, #tpu.memory_space<vmem>>[vector<16xi32>, vector<16xi32>], vector<16xf32>,
      %add3A_2257 = arith.constant 10 : i32
      %add3A_2258 = vector.broadcast %add3A_2257 : i32 to vector<16xi32>
      %add3A_2259 = arith.addi %mul3A_2193, %add3A_2258 : vector<16xi32>
      tpu.vector_store_idx %arg15[%shift_right_logical3A_2187, %add3A_2259], %gather3A_2256 : memref<128x128xf32, #tpu.memory_space<vmem>>[vector<16xi32>, vector<16xi32>], vector<16xf32>,
      %broadcast_in_dim3A_2260 = arith.constant 11 : i32
      %broadcast_in_dim3A_2261 = vector.broadcast %broadcast_in_dim3A_2260 : i32 to vector<16xi32>
      %gather3A_2262 = tpu.vector_load_idx %arg13[%add3A_2184, %broadcast_in_dim3A_2261] : memref<128x32xf32, #tpu.memory_space<vmem>>[vector<16xi32>, vector<16xi32>], vector<16xf32>,
      %add3A_2263 = arith.constant 11 : i32
      %add3A_2264 = vector.broadcast %add3A_2263 : i32 to vector<16xi32>
      %add3A_2265 = arith.addi %mul3A_2193, %add3A_2264 : vector<16xi32>
      tpu.vector_store_idx %arg15[%shift_right_logical3A_2187, %add3A_2265], %gather3A_2262 : memref<128x128xf32, #tpu.memory_space<vmem>>[vector<16xi32>, vector<16xi32>], vector<16xf32>,
      %broadcast_in_dim3A_2266 = arith.constant 12 : i32
      %broadcast_in_dim3A_2267 = vector.broadcast %broadcast_in_dim3A_2266 : i32 to vector<16xi32>
      %gather3A_2268 = tpu.vector_load_idx %arg13[%add3A_2184, %broadcast_in_dim3A_2267] : memref<128x32xf32, #tpu.memory_space<vmem>>[vector<16xi32>, vector<16xi32>], vector<16xf32>,
      %add3A_2269 = arith.constant 12 : i32
      %add3A_2270 = vector.broadcast %add3A_2269 : i32 to vector<16xi32>
      %add3A_2271 = arith.addi %mul3A_2193, %add3A_2270 : vector<16xi32>
      tpu.vector_store_idx %arg15[%shift_right_logical3A_2187, %add3A_2271], %gather3A_2268 : memref<128x128xf32, #tpu.memory_space<vmem>>[vector<16xi32>, vector<16xi32>], vector<16xf32>,
      %broadcast_in_dim3A_2272 = arith.constant 13 : i32
      %broadcast_in_dim3A_2273 = vector.broadcast %broadcast_in_dim3A_2272 : i32 to vector<16xi32>
      %gather3A_2274 = tpu.vector_load_idx %arg13[%add3A_2184, %broadcast_in_dim3A_2273] : memref<128x32xf32, #tpu.memory_space<vmem>>[vector<16xi32>, vector<16xi32>], vector<16xf32>,
      %add3A_2275 = arith.constant 13 : i32
      %add3A_2276 = vector.broadcast %add3A_2275 : i32 to vector<16xi32>
      %add3A_2277 = arith.addi %mul3A_2193, %add3A_2276 : vector<16xi32>
      tpu.vector_store_idx %arg15[%shift_right_logical3A_2187, %add3A_2277], %gather3A_2274 : memref<128x128xf32, #tpu.memory_space<vmem>>[vector<16xi32>, vector<16xi32>], vector<16xf32>,
      %broadcast_in_dim3A_2278 = arith.constant 14 : i32
      %broadcast_in_dim3A_2279 = vector.broadcast %broadcast_in_dim3A_2278 : i32 to vector<16xi32>
      %gather3A_2280 = tpu.vector_load_idx %arg13[%add3A_2184, %broadcast_in_dim3A_2279] : memref<128x32xf32, #tpu.memory_space<vmem>>[vector<16xi32>, vector<16xi32>], vector<16xf32>,
      %add3A_2281 = arith.constant 14 : i32
      %add3A_2282 = vector.broadcast %add3A_2281 : i32 to vector<16xi32>
      %add3A_2283 = arith.addi %mul3A_2193, %add3A_2282 : vector<16xi32>
      tpu.vector_store_idx %arg15[%shift_right_logical3A_2187, %add3A_2283], %gather3A_2280 : memref<128x128xf32, #tpu.memory_space<vmem>>[vector<16xi32>, vector<16xi32>], vector<16xf32>,
      %broadcast_in_dim3A_2284 = arith.constant 15 : i32
      %broadcast_in_dim3A_2285 = vector.broadcast %broadcast_in_dim3A_2284 : i32 to vector<16xi32>
      %gather3A_2286 = tpu.vector_load_idx %arg13[%add3A_2184, %broadcast_in_dim3A_2285] : memref<128x32xf32, #tpu.memory_space<vmem>>[vector<16xi32>, vector<16xi32>], vector<16xf32>,
      %add3A_2287 = arith.constant 15 : i32
      %add3A_2288 = vector.broadcast %add3A_2287 : i32 to vector<16xi32>
      %add3A_2289 = arith.addi %mul3A_2193, %add3A_2288 : vector<16xi32>
      tpu.vector_store_idx %arg15[%shift_right_logical3A_2187, %add3A_2289], %gather3A_2286 : memref<128x128xf32, #tpu.memory_space<vmem>>[vector<16xi32>, vector<16xi32>], vector<16xf32>,
      %broadcast_in_dim3A_2290 = arith.constant 16 : i32
      %broadcast_in_dim3A_2291 = vector.broadcast %broadcast_in_dim3A_2290 : i32 to vector<16xi32>
      %gather3A_2292 = tpu.vector_load_idx %arg13[%add3A_2184, %broadcast_in_dim3A_2291] : memref<128x32xf32, #tpu.memory_space<vmem>>[vector<16xi32>, vector<16xi32>], vector<16xf32>,
      %add3A_2293 = arith.constant 16 : i32
      %add3A_2294 = vector.broadcast %add3A_2293 : i32 to vector<16xi32>
      %add3A_2295 = arith.addi %mul3A_2193, %add3A_2294 : vector<16xi32>
      tpu.vector_store_idx %arg15[%shift_right_logical3A_2187, %add3A_2295], %gather3A_2292 : memref<128x128xf32, #tpu.memory_space<vmem>>[vector<16xi32>, vector<16xi32>], vector<16xf32>,
      %broadcast_in_dim3A_2296 = arith.constant 17 : i32
      %broadcast_in_dim3A_2297 = vector.broadcast %broadcast_in_dim3A_2296 : i32 to vector<16xi32>
      %gather3A_2298 = tpu.vector_load_idx %arg13[%add3A_2184, %broadcast_in_dim3A_2297] : memref<128x32xf32, #tpu.memory_space<vmem>>[vector<16xi32>, vector<16xi32>], vector<16xf32>,
      %add3A_2299 = arith.constant 17 : i32
      %add3A_2300 = vector.broadcast %add3A_2299 : i32 to vector<16xi32>
      %add3A_2301 = arith.addi %mul3A_2193, %add3A_2300 : vector<16xi32>
      tpu.vector_store_idx %arg15[%shift_right_logical3A_2187, %add3A_2301], %gather3A_2298 : memref<128x128xf32, #tpu.memory_space<vmem>>[vector<16xi32>, vector<16xi32>], vector<16xf32>,
      %broadcast_in_dim3A_2302 = arith.constant 18 : i32
      %broadcast_in_dim3A_2303 = vector.broadcast %broadcast_in_dim3A_2302 : i32 to vector<16xi32>
      %gather3A_2304 = tpu.vector_load_idx %arg13[%add3A_2184, %broadcast_in_dim3A_2303] : memref<128x32xf32, #tpu.memory_space<vmem>>[vector<16xi32>, vector<16xi32>], vector<16xf32>,
      %add3A_2305 = arith.constant 18 : i32
      %add3A_2306 = vector.broadcast %add3A_2305 : i32 to vector<16xi32>
      %add3A_2307 = arith.addi %mul3A_2193, %add3A_2306 : vector<16xi32>
      tpu.vector_store_idx %arg15[%shift_right_logical3A_2187, %add3A_2307], %gather3A_2304 : memref<128x128xf32, #tpu.memory_space<vmem>>[vector<16xi32>, vector<16xi32>], vector<16xf32>,
      %broadcast_in_dim3A_2308 = arith.constant 19 : i32
      %broadcast_in_dim3A_2309 = vector.broadcast %broadcast_in_dim3A_2308 : i32 to vector<16xi32>
      %gather3A_2310 = tpu.vector_load_idx %arg13[%add3A_2184, %broadcast_in_dim3A_2309] : memref<128x32xf32, #tpu.memory_space<vmem>>[vector<16xi32>, vector<16xi32>], vector<16xf32>,
      %add3A_2311 = arith.constant 19 : i32
      %add3A_2312 = vector.broadcast %add3A_2311 : i32 to vector<16xi32>
      %add3A_2313 = arith.addi %mul3A_2193, %add3A_2312 : vector<16xi32>
      tpu.vector_store_idx %arg15[%shift_right_logical3A_2187, %add3A_2313], %gather3A_2310 : memref<128x128xf32, #tpu.memory_space<vmem>>[vector<16xi32>, vector<16xi32>], vector<16xf32>,
      %broadcast_in_dim3A_2314 = arith.constant 20 : i32
      %broadcast_in_dim3A_2315 = vector.broadcast %broadcast_in_dim3A_2314 : i32 to vector<16xi32>
      %gather3A_2316 = tpu.vector_load_idx %arg13[%add3A_2184, %broadcast_in_dim3A_2315] : memref<128x32xf32, #tpu.memory_space<vmem>>[vector<16xi32>, vector<16xi32>], vector<16xf32>,
      %add3A_2317 = arith.constant 20 : i32
      %add3A_2318 = vector.broadcast %add3A_2317 : i32 to vector<16xi32>
      %add3A_2319 = arith.addi %mul3A_2193, %add3A_2318 : vector<16xi32>
      tpu.vector_store_idx %arg15[%shift_right_logical3A_2187, %add3A_2319], %gather3A_2316 : memref<128x128xf32, #tpu.memory_space<vmem>>[vector<16xi32>, vector<16xi32>], vector<16xf32>,
      %broadcast_in_dim3A_2320 = arith.constant 21 : i32
      %broadcast_in_dim3A_2321 = vector.broadcast %broadcast_in_dim3A_2320 : i32 to vector<16xi32>
      %gather3A_2322 = tpu.vector_load_idx %arg13[%add3A_2184, %broadcast_in_dim3A_2321] : memref<128x32xf32, #tpu.memory_space<vmem>>[vector<16xi32>, vector<16xi32>], vector<16xf32>,
      %add3A_2323 = arith.constant 21 : i32
      %add3A_2324 = vector.broadcast %add3A_2323 : i32 to vector<16xi32>
      %add3A_2325 = arith.addi %mul3A_2193, %add3A_2324 : vector<16xi32>
      tpu.vector_store_idx %arg15[%shift_right_logical3A_2187, %add3A_2325], %gather3A_2322 : memref<128x128xf32, #tpu.memory_space<vmem>>[vector<16xi32>, vector<16xi32>], vector<16xf32>,
      %broadcast_in_dim3A_2326 = arith.constant 22 : i32
      %broadcast_in_dim3A_2327 = vector.broadcast %broadcast_in_dim3A_2326 : i32 to vector<16xi32>
      %gather3A_2328 = tpu.vector_load_idx %arg13[%add3A_2184, %broadcast_in_dim3A_2327] : memref<128x32xf32, #tpu.memory_space<vmem>>[vector<16xi32>, vector<16xi32>], vector<16xf32>,
      %add3A_2329 = arith.constant 22 : i32
      %add3A_2330 = vector.broadcast %add3A_2329 : i32 to vector<16xi32>
      %add3A_2331 = arith.addi %mul3A_2193, %add3A_2330 : vector<16xi32>
      tpu.vector_store_idx %arg15[%shift_right_logical3A_2187, %add3A_2331], %gather3A_2328 : memref<128x128xf32, #tpu.memory_space<vmem>>[vector<16xi32>, vector<16xi32>], vector<16xf32>,
      %broadcast_in_dim3A_2332 = arith.constant 23 : i32
      %broadcast_in_dim3A_2333 = vector.broadcast %broadcast_in_dim3A_2332 : i32 to vector<16xi32>
      %gather3A_2334 = tpu.vector_load_idx %arg13[%add3A_2184, %broadcast_in_dim3A_2333] : memref<128x32xf32, #tpu.memory_space<vmem>>[vector<16xi32>, vector<16xi32>], vector<16xf32>,
      %add3A_2335 = arith.constant 23 : i32
      %add3A_2336 = vector.broadcast %add3A_2335 : i32 to vector<16xi32>
      %add3A_2337 = arith.addi %mul3A_2193, %add3A_2336 : vector<16xi32>
      tpu.vector_store_idx %arg15[%shift_right_logical3A_2187, %add3A_2337], %gather3A_2334 : memref<128x128xf32, #tpu.memory_space<vmem>>[vector<16xi32>, vector<16xi32>], vector<16xf32>,
      %broadcast_in_dim3A_2338 = arith.constant 24 : i32
      %broadcast_in_dim3A_2339 = vector.broadcast %broadcast_in_dim3A_2338 : i32 to vector<16xi32>
      %gather3A_2340 = tpu.vector_load_idx %arg13[%add3A_2184, %broadcast_in_dim3A_2339] : memref<128x32xf32, #tpu.memory_space<vmem>>[vector<16xi32>, vector<16xi32>], vector<16xf32>,
      %add3A_2341 = arith.constant 24 : i32
      %add3A_2342 = vector.broadcast %add3A_2341 : i32 to vector<16xi32>
      %add3A_2343 = arith.addi %mul3A_2193, %add3A_2342 : vector<16xi32>
      tpu.vector_store_idx %arg15[%shift_right_logical3A_2187, %add3A_2343], %gather3A_2340 : memref<128x128xf32, #tpu.memory_space<vmem>>[vector<16xi32>, vector<16xi32>], vector<16xf32>,
      %broadcast_in_dim3A_2344 = arith.constant 25 : i32
      %broadcast_in_dim3A_2345 = vector.broadcast %broadcast_in_dim3A_2344 : i32 to vector<16xi32>
      %gather3A_2346 = tpu.vector_load_idx %arg13[%add3A_2184, %broadcast_in_dim3A_2345] : memref<128x32xf32, #tpu.memory_space<vmem>>[vector<16xi32>, vector<16xi32>], vector<16xf32>,
      %add3A_2347 = arith.constant 25 : i32
      %add3A_2348 = vector.broadcast %add3A_2347 : i32 to vector<16xi32>
      %add3A_2349 = arith.addi %mul3A_2193, %add3A_2348 : vector<16xi32>
      tpu.vector_store_idx %arg15[%shift_right_logical3A_2187, %add3A_2349], %gather3A_2346 : memref<128x128xf32, #tpu.memory_space<vmem>>[vector<16xi32>, vector<16xi32>], vector<16xf32>,
      %broadcast_in_dim3A_2350 = arith.constant 26 : i32
      %broadcast_in_dim3A_2351 = vector.broadcast %broadcast_in_dim3A_2350 : i32 to vector<16xi32>
      %gather3A_2352 = tpu.vector_load_idx %arg13[%add3A_2184, %broadcast_in_dim3A_2351] : memref<128x32xf32, #tpu.memory_space<vmem>>[vector<16xi32>, vector<16xi32>], vector<16xf32>,
      %add3A_2353 = arith.constant 26 : i32
      %add3A_2354 = vector.broadcast %add3A_2353 : i32 to vector<16xi32>
      %add3A_2355 = arith.addi %mul3A_2193, %add3A_2354 : vector<16xi32>
      tpu.vector_store_idx %arg15[%shift_right_logical3A_2187, %add3A_2355], %gather3A_2352 : memref<128x128xf32, #tpu.memory_space<vmem>>[vector<16xi32>, vector<16xi32>], vector<16xf32>,
      %broadcast_in_dim3A_2356 = arith.constant 27 : i32
      %broadcast_in_dim3A_2357 = vector.broadcast %broadcast_in_dim3A_2356 : i32 to vector<16xi32>
      %gather3A_2358 = tpu.vector_load_idx %arg13[%add3A_2184, %broadcast_in_dim3A_2357] : memref<128x32xf32, #tpu.memory_space<vmem>>[vector<16xi32>, vector<16xi32>], vector<16xf32>,
      %add3A_2359 = arith.constant 27 : i32
      %add3A_2360 = vector.broadcast %add3A_2359 : i32 to vector<16xi32>
      %add3A_2361 = arith.addi %mul3A_2193, %add3A_2360 : vector<16xi32>
      tpu.vector_store_idx %arg15[%shift_right_logical3A_2187, %add3A_2361], %gather3A_2358 : memref<128x128xf32, #tpu.memory_space<vmem>>[vector<16xi32>, vector<16xi32>], vector<16xf32>,
      %broadcast_in_dim3A_2362 = arith.constant 28 : i32
      %broadcast_in_dim3A_2363 = vector.broadcast %broadcast_in_dim3A_2362 : i32 to vector<16xi32>
      %gather3A_2364 = tpu.vector_load_idx %arg13[%add3A_2184, %broadcast_in_dim3A_2363] : memref<128x32xf32, #tpu.memory_space<vmem>>[vector<16xi32>, vector<16xi32>], vector<16xf32>,
      %add3A_2365 = arith.constant 28 : i32
      %add3A_2366 = vector.broadcast %add3A_2365 : i32 to vector<16xi32>
      %add3A_2367 = arith.addi %mul3A_2193, %add3A_2366 : vector<16xi32>
      tpu.vector_store_idx %arg15[%shift_right_logical3A_2187, %add3A_2367], %gather3A_2364 : memref<128x128xf32, #tpu.memory_space<vmem>>[vector<16xi32>, vector<16xi32>], vector<16xf32>,
      %broadcast_in_dim3A_2368 = arith.constant 29 : i32
      %broadcast_in_dim3A_2369 = vector.broadcast %broadcast_in_dim3A_2368 : i32 to vector<16xi32>
      %gather3A_2370 = tpu.vector_load_idx %arg13[%add3A_2184, %broadcast_in_dim3A_2369] : memref<128x32xf32, #tpu.memory_space<vmem>>[vector<16xi32>, vector<16xi32>], vector<16xf32>,
      %add3A_2371 = arith.constant 29 : i32
      %add3A_2372 = vector.broadcast %add3A_2371 : i32 to vector<16xi32>
      %add3A_2373 = arith.addi %mul3A_2193, %add3A_2372 : vector<16xi32>
      tpu.vector_store_idx %arg15[%shift_right_logical3A_2187, %add3A_2373], %gather3A_2370 : memref<128x128xf32, #tpu.memory_space<vmem>>[vector<16xi32>, vector<16xi32>], vector<16xf32>,
      %broadcast_in_dim3A_2374 = arith.constant 30 : i32
      %broadcast_in_dim3A_2375 = vector.broadcast %broadcast_in_dim3A_2374 : i32 to vector<16xi32>
      %gather3A_2376 = tpu.vector_load_idx %arg13[%add3A_2184, %broadcast_in_dim3A_2375] : memref<128x32xf32, #tpu.memory_space<vmem>>[vector<16xi32>, vector<16xi32>], vector<16xf32>,
      %add3A_2377 = arith.constant 30 : i32
      %add3A_2378 = vector.broadcast %add3A_2377 : i32 to vector<16xi32>
      %add3A_2379 = arith.addi %mul3A_2193, %add3A_2378 : vector<16xi32>
      tpu.vector_store_idx %arg15[%shift_right_logical3A_2187, %add3A_2379], %gather3A_2376 : memref<128x128xf32, #tpu.memory_space<vmem>>[vector<16xi32>, vector<16xi32>], vector<16xf32>,
      %broadcast_in_dim3A_2380 = arith.constant 31 : i32
      %broadcast_in_dim3A_2381 = vector.broadcast %broadcast_in_dim3A_2380 : i32 to vector<16xi32>
      %gather3A_2382 = tpu.vector_load_idx %arg13[%add3A_2184, %broadcast_in_dim3A_2381] : memref<128x32xf32, #tpu.memory_space<vmem>>[vector<16xi32>, vector<16xi32>], vector<16xf32>,
      %add3A_2383 = arith.constant 31 : i32
      %add3A_2384 = vector.broadcast %add3A_2383 : i32 to vector<16xi32>
      %add3A_2385 = arith.addi %mul3A_2193, %add3A_2384 : vector<16xi32>
      tpu.vector_store_idx %arg15[%shift_right_logical3A_2187, %add3A_2385], %gather3A_2382 : memref<128x128xf32, #tpu.memory_space<vmem>>[vector<16xi32>, vector<16xi32>], vector<16xf32>,
    }
    %scan3A_524 = arith.constant 16 : i32
    %jit3A = arith.constant 4 : i32
    %div3A = arith.divsi %multiple_of3A, %jit3A : i32
    %sign3A = arith.constant 0 : i32
    %sign3A_525 = arith.cmpi sgt, %multiple_of3A, %sign3A : i32
    %sign3A_526 = arith.extui %sign3A_525 : i1 to i32
    %sign3A_527 = arith.constant 0 : i32
    %sign3A_528 = arith.cmpi slt, %multiple_of3A, %sign3A_527 : i32
    %sign3A_529 = arith.extui %sign3A_528 : i1 to i32
    %sign3A_530 = arith.subi %sign3A_526, %sign3A_529 : i32
    %sign3A_531 = arith.constant 0 : i32
    %sign3A_532 = arith.cmpi sgt, %jit3A, %sign3A_531 : i32
    %sign3A_533 = arith.extui %sign3A_532 : i1 to i32
    %sign3A_534 = arith.constant 0 : i32
    %sign3A_535 = arith.cmpi slt, %jit3A, %sign3A_534 : i32
    %sign3A_536 = arith.extui %sign3A_535 : i1 to i32
    %sign3A_537 = arith.subi %sign3A_533, %sign3A_536 : i32
    %ne3A = arith.cmpi ne, %sign3A_530, %sign3A_537 : i32
    %rem3A = arith.remsi %multiple_of3A, %jit3A : i32
    %ne3A_538 = arith.constant 0 : i32
    %ne3A_539 = arith.cmpi ne, %rem3A, %ne3A_538 : i32
    %and3A = arith.andi %ne3A, %ne3A_539 : i1
    %sub3A = arith.constant 1 : i32
    %sub3A_540 = arith.subi %div3A, %sub3A : i32
    %select_n3A = arith.select %and3A, %sub3A_540, %div3A : i32
    %multiple_of3A_541 = tpu.assume_multiple %select_n3A, 128 : i32
    "tpu.region"() ({
      %run_scoped3A = tpu.sem_alloc : memref<!tpu.dma_semaphore, #tpu.memory_space<semaphore_mem>>
      %dma_start3A_542 = arith.constant 0 : i32
      %dma_start3A_543 = tpu.memref_slice %arg6[%multiple_of3A_541, %dma_start3A_542] : memref<4096x128xf32, #tpu.memory_space<hbm>> -> memref<128x128xf32, #tpu.memory_space<hbm>>
      %dma_start3A_544 = arith.constant 0 : i32
      %dma_start3A_545 = tpu.memref_slice %arg6[%multiple_of3A_541, %dma_start3A_544] : memref<4096x128xf32, #tpu.memory_space<hbm>> -> memref<128x128xf32, #tpu.memory_space<hbm>>
      tpu.enqueue_dma source(%arg14 : memref<128x128xf32, #tpu.memory_space<vmem>>) target(%dma_start3A_545 : memref<128x128xf32, #tpu.memory_space<hbm>>) target_semaphore(%run_scoped3A : memref<!tpu.dma_semaphore, #tpu.memory_space<semaphore_mem>>)
      %dma_wait3A = arith.constant 0 : i32
      %dma_wait3A_546 = tpu.memref_slice %arg6[%multiple_of3A_541, %dma_wait3A] : memref<4096x128xf32, #tpu.memory_space<hbm>> -> memref<128x128xf32, #tpu.memory_space<hbm>>
      %dma_wait3A_547 = arith.constant 0 : i32
      %dma_wait3A_548 = tpu.memref_slice %arg6[%multiple_of3A_541, %dma_wait3A_547] : memref<4096x128xf32, #tpu.memory_space<hbm>> -> memref<128x128xf32, #tpu.memory_space<hbm>>
      tpu.wait_dma2 semaphore(%run_scoped3A : memref<!tpu.dma_semaphore, #tpu.memory_space<semaphore_mem>>) src(%arg14 : memref<128x128xf32, #tpu.memory_space<vmem>>) dst(%dma_wait3A_548 : memref<128x128xf32, #tpu.memory_space<hbm>>)
      tpu.yield
    }) : () -> ()
    "tpu.region"() ({
      %run_scoped3A = tpu.sem_alloc : memref<!tpu.dma_semaphore, #tpu.memory_space<semaphore_mem>>
      %dma_start3A_542 = arith.constant 0 : i32
      %dma_start3A_543 = tpu.memref_slice %arg7[%multiple_of3A_541, %dma_start3A_542] : memref<4096x128xf32, #tpu.memory_space<hbm>> -> memref<128x128xf32, #tpu.memory_space<hbm>>
      %dma_start3A_544 = arith.constant 0 : i32
      %dma_start3A_545 = tpu.memref_slice %arg7[%multiple_of3A_541, %dma_start3A_544] : memref<4096x128xf32, #tpu.memory_space<hbm>> -> memref<128x128xf32, #tpu.memory_space<hbm>>
      tpu.enqueue_dma source(%arg15 : memref<128x128xf32, #tpu.memory_space<vmem>>) target(%dma_start3A_545 : memref<128x128xf32, #tpu.memory_space<hbm>>) target_semaphore(%run_scoped3A : memref<!tpu.dma_semaphore, #tpu.memory_space<semaphore_mem>>)
      %dma_wait3A = arith.constant 0 : i32
      %dma_wait3A_546 = tpu.memref_slice %arg7[%multiple_of3A_541, %dma_wait3A] : memref<4096x128xf32, #tpu.memory_space<hbm>> -> memref<128x128xf32, #tpu.memory_space<hbm>>
      %dma_wait3A_547 = arith.constant 0 : i32
      %dma_wait3A_548 = tpu.memref_slice %arg7[%multiple_of3A_541, %dma_wait3A_547] : memref<4096x128xf32, #tpu.memory_space<hbm>> -> memref<128x128xf32, #tpu.memory_space<hbm>>
      tpu.wait_dma2 semaphore(%run_scoped3A : memref<!tpu.dma_semaphore, #tpu.memory_space<semaphore_mem>>) src(%arg15 : memref<128x128xf32, #tpu.memory_space<vmem>>) dst(%dma_wait3A_548 : memref<128x128xf32, #tpu.memory_space<hbm>>)
      tpu.yield
    }) : () -> ()
    return
  }
}

module attributes {stable_mosaic.version = 14 : i64} {
  func.func @_mlp_body(%arg0: i32, %arg1: memref<512x128xf32, #tpu.memory_space<vmem>>, %arg2: memref<512x128xf32, #tpu.memory_space<vmem>>, %arg3: memref<64x64xf32, #tpu.memory_space<vmem>>, %arg4: memref<1x64xf32, #tpu.memory_space<vmem>>, %arg5: memref<64x16xf32, #tpu.memory_space<vmem>>, %arg6: memref<1x16xf32, #tpu.memory_space<vmem>>, %arg7: memref<64x8xf32, #tpu.memory_space<vmem>>, %arg8: memref<1x8xf32, #tpu.memory_space<vmem>>, %arg9: memref<512x64xf32, #tpu.memory_space<vmem>>, %arg10: memref<512x32xf32, #tpu.memory_space<vmem>>) attributes {dimension_semantics = [#tpu.dimension_semantics<arbitrary>], iteration_bounds = array<i64: 8>, scalar_prefetch = 0 : i64, scratch_operands = 0 : i64, tpu.core_type = #tpu.core_type<tc>, window_params = [{transform_indices = @transform_0, window_bounds = array<i64: 512, 128>}, {transform_indices = @transform_1, window_bounds = array<i64: 512, 128>}, {pipeline_mode = #tpu.pipeline_mode<synchronous>, transform_indices = @transform_2, window_bounds = array<i64: 64, 64>}, {pipeline_mode = #tpu.pipeline_mode<synchronous>, transform_indices = @transform_3, window_bounds = array<i64: 1, 64>}, {pipeline_mode = #tpu.pipeline_mode<synchronous>, transform_indices = @transform_4, window_bounds = array<i64: 64, 16>}, {pipeline_mode = #tpu.pipeline_mode<synchronous>, transform_indices = @transform_5, window_bounds = array<i64: 1, 16>}, {pipeline_mode = #tpu.pipeline_mode<synchronous>, transform_indices = @transform_6, window_bounds = array<i64: 64, 8>}, {pipeline_mode = #tpu.pipeline_mode<synchronous>, transform_indices = @transform_7, window_bounds = array<i64: 1, 8>}, {transform_indices = @transform_8, window_bounds = array<i64: 512, 64>}, {transform_indices = @transform_9, window_bounds = array<i64: 512, 32>}]} {
    %get3A = arith.constant 0 : index
    %get3A_0 = arith.constant 0 : index
    %get3A_1 = vector.load %arg1[%get3A, %get3A_0] : memref<512x128xf32, #tpu.memory_space<vmem>>, vector<512x128xf32>
    %get3A_2 = arith.constant 0 : index
    %get3A_3 = arith.constant 0 : index
    %get3A_4 = vector.load %arg2[%get3A_2, %get3A_3] : memref<512x128xf32, #tpu.memory_space<vmem>>, vector<512x128xf32>
    %get3A_5 = arith.constant 0 : index
    %get3A_6 = arith.constant 0 : index
    %get3A_7 = vector.load %arg3[%get3A_5, %get3A_6] : memref<64x64xf32, #tpu.memory_space<vmem>>, vector<64x64xf32>
    %slice3A = vector.extract_strided_slice %get3A_7 {offsets = [0, 0], sizes = [32, 64], strides = [1, 1]} : vector<64x64xf32> to vector<32x64xf32>
    %slice3A_8 = vector.extract_strided_slice %get3A_7 {offsets = [32, 0], sizes = [32, 64], strides = [1, 1]} : vector<64x64xf32> to vector<32x64xf32>
    %slice3A_9 = vector.extract_strided_slice %get3A_1 {offsets = [0, 0], sizes = [512, 32], strides = [1, 1]} : vector<512x128xf32> to vector<512x32xf32>
    %slice3A_10 = vector.extract_strided_slice %get3A_4 {offsets = [0, 0], sizes = [512, 32], strides = [1, 1]} : vector<512x128xf32> to vector<512x32xf32>
    %dot_general3A = arith.constant dense<0.000000e+00> : vector<512x64xf32>
    %dot_general3A_11 = tpu.matmul %slice3A_9, %slice3A, %dot_general3A {dimension_numbers = #tpu.dot_dimension_numbers<[1], [0], [0], [1], [0, 0, 1, 1], [], []>, transpose_lhs_hint = false} : vector<512x32xf32>, vector<32x64xf32>, vector<512x64xf32> -> vector<512x64xf32>
    %dot_general3A_12 = arith.constant dense<0.000000e+00> : vector<512x64xf32>
    %dot_general3A_13 = tpu.matmul %slice3A_10, %slice3A_8, %dot_general3A_12 {dimension_numbers = #tpu.dot_dimension_numbers<[1], [0], [0], [1], [0, 0, 1, 1], [], []>, transpose_lhs_hint = false} : vector<512x32xf32>, vector<32x64xf32>, vector<512x64xf32> -> vector<512x64xf32>
    %add3A = arith.addf %dot_general3A_11, %dot_general3A_13 : vector<512x64xf32>
    %get3A_14 = arith.constant 0 : index
    %get3A_15 = arith.constant 0 : index
    %get3A_16 = vector.load %arg4[%get3A_14, %get3A_15] : memref<1x64xf32, #tpu.memory_space<vmem>>, vector<1x64xf32>
    %add3A_17 = vector.broadcast %get3A_16 : vector<1x64xf32> to vector<512x64xf32>
    %add3A_18 = arith.addf %add3A, %add3A_17 : vector<512x64xf32>
    %max3A = arith.constant 0.000000e+00 : f32
    %max3A_19 = vector.broadcast %max3A : f32 to vector<512x64xf32>
    %max3A_20 = arith.maximumf %add3A_18, %max3A_19 : vector<512x64xf32>
    %get3A_21 = arith.constant 0 : index
    %get3A_22 = arith.constant 0 : index
    %get3A_23 = vector.load %arg5[%get3A_21, %get3A_22] : memref<64x16xf32, #tpu.memory_space<vmem>>, vector<64x16xf32>
    %dot_general3A_24 = arith.constant dense<0.000000e+00> : vector<512x16xf32>
    %dot_general3A_25 = tpu.matmul %max3A_20, %get3A_23, %dot_general3A_24 {dimension_numbers = #tpu.dot_dimension_numbers<[1], [0], [0], [1], [0, 0, 1, 1], [], []>, transpose_lhs_hint = false} : vector<512x64xf32>, vector<64x16xf32>, vector<512x16xf32> -> vector<512x16xf32>
    %get3A_26 = arith.constant 0 : index
    %get3A_27 = arith.constant 0 : index
    %get3A_28 = vector.load %arg6[%get3A_26, %get3A_27] : memref<1x16xf32, #tpu.memory_space<vmem>>, vector<1x16xf32>
    %add3A_29 = vector.broadcast %get3A_28 : vector<1x16xf32> to vector<512x16xf32>
    %add3A_30 = arith.addf %dot_general3A_25, %add3A_29 : vector<512x16xf32>
    %swap3A = arith.constant 0 : index
    %swap3A_31 = arith.constant 0 : index
    %swap3A_32 = vector.load %arg9[%swap3A, %swap3A_31] : memref<512x64xf32, #tpu.memory_space<vmem>>, vector<512x16xf32>
    tpu.vector_store %arg9[%swap3A, %swap3A_31], %add3A_30 {strides = array<i32>} : memref<512x64xf32, #tpu.memory_space<vmem>>, vector<512x16xf32>,
    %get3A_33 = arith.constant 0 : index
    %get3A_34 = arith.constant 0 : index
    %get3A_35 = vector.load %arg7[%get3A_33, %get3A_34] : memref<64x8xf32, #tpu.memory_space<vmem>>, vector<64x8xf32>
    %dot_general3A_36 = arith.constant dense<0.000000e+00> : vector<512x8xf32>
    %dot_general3A_37 = tpu.matmul %max3A_20, %get3A_35, %dot_general3A_36 {dimension_numbers = #tpu.dot_dimension_numbers<[1], [0], [0], [1], [0, 0, 1, 1], [], []>, transpose_lhs_hint = false} : vector<512x64xf32>, vector<64x8xf32>, vector<512x8xf32> -> vector<512x8xf32>
    %get3A_38 = arith.constant 0 : index
    %get3A_39 = arith.constant 0 : index
    %get3A_40 = vector.load %arg8[%get3A_38, %get3A_39] : memref<1x8xf32, #tpu.memory_space<vmem>>, vector<1x8xf32>
    %add3A_41 = vector.broadcast %get3A_40 : vector<1x8xf32> to vector<512x8xf32>
    %add3A_42 = arith.addf %dot_general3A_37, %add3A_41 : vector<512x8xf32>
    %swap3A_43 = arith.constant 0 : index
    %swap3A_44 = arith.constant 0 : index
    %swap3A_45 = vector.load %arg10[%swap3A_43, %swap3A_44] : memref<512x32xf32, #tpu.memory_space<vmem>>, vector<512x8xf32>
    tpu.vector_store %arg10[%swap3A_43, %swap3A_44], %add3A_42 {strides = array<i32>} : memref<512x32xf32, #tpu.memory_space<vmem>>, vector<512x8xf32>,
    %slice3A_46 = vector.extract_strided_slice %get3A_1 {offsets = [0, 32], sizes = [512, 32], strides = [1, 1]} : vector<512x128xf32> to vector<512x32xf32>
    %slice3A_47 = vector.extract_strided_slice %get3A_4 {offsets = [0, 32], sizes = [512, 32], strides = [1, 1]} : vector<512x128xf32> to vector<512x32xf32>
    %dot_general3A_48 = arith.constant dense<0.000000e+00> : vector<512x64xf32>
    %dot_general3A_49 = tpu.matmul %slice3A_46, %slice3A, %dot_general3A_48 {dimension_numbers = #tpu.dot_dimension_numbers<[1], [0], [0], [1], [0, 0, 1, 1], [], []>, transpose_lhs_hint = false} : vector<512x32xf32>, vector<32x64xf32>, vector<512x64xf32> -> vector<512x64xf32>
    %dot_general3A_50 = arith.constant dense<0.000000e+00> : vector<512x64xf32>
    %dot_general3A_51 = tpu.matmul %slice3A_47, %slice3A_8, %dot_general3A_50 {dimension_numbers = #tpu.dot_dimension_numbers<[1], [0], [0], [1], [0, 0, 1, 1], [], []>, transpose_lhs_hint = false} : vector<512x32xf32>, vector<32x64xf32>, vector<512x64xf32> -> vector<512x64xf32>
    %add3A_52 = arith.addf %dot_general3A_49, %dot_general3A_51 : vector<512x64xf32>
    %get3A_53 = arith.constant 0 : index
    %get3A_54 = arith.constant 0 : index
    %get3A_55 = vector.load %arg4[%get3A_53, %get3A_54] : memref<1x64xf32, #tpu.memory_space<vmem>>, vector<1x64xf32>
    %add3A_56 = vector.broadcast %get3A_55 : vector<1x64xf32> to vector<512x64xf32>
    %add3A_57 = arith.addf %add3A_52, %add3A_56 : vector<512x64xf32>
    %max3A_58 = arith.constant 0.000000e+00 : f32
    %max3A_59 = vector.broadcast %max3A_58 : f32 to vector<512x64xf32>
    %max3A_60 = arith.maximumf %add3A_57, %max3A_59 : vector<512x64xf32>
    %get3A_61 = arith.constant 0 : index
    %get3A_62 = arith.constant 0 : index
    %get3A_63 = vector.load %arg5[%get3A_61, %get3A_62] : memref<64x16xf32, #tpu.memory_space<vmem>>, vector<64x16xf32>
    %dot_general3A_64 = arith.constant dense<0.000000e+00> : vector<512x16xf32>
    %dot_general3A_65 = tpu.matmul %max3A_60, %get3A_63, %dot_general3A_64 {dimension_numbers = #tpu.dot_dimension_numbers<[1], [0], [0], [1], [0, 0, 1, 1], [], []>, transpose_lhs_hint = false} : vector<512x64xf32>, vector<64x16xf32>, vector<512x16xf32> -> vector<512x16xf32>
    %get3A_66 = arith.constant 0 : index
    %get3A_67 = arith.constant 0 : index
    %get3A_68 = vector.load %arg6[%get3A_66, %get3A_67] : memref<1x16xf32, #tpu.memory_space<vmem>>, vector<1x16xf32>
    %add3A_69 = vector.broadcast %get3A_68 : vector<1x16xf32> to vector<512x16xf32>
    %add3A_70 = arith.addf %dot_general3A_65, %add3A_69 : vector<512x16xf32>
    %swap3A_71 = arith.constant 0 : index
    %swap3A_72 = arith.constant 16 : index
    %swap3A_73 = vector.load %arg9[%swap3A_71, %swap3A_72] : memref<512x64xf32, #tpu.memory_space<vmem>>, vector<512x16xf32>
    tpu.vector_store %arg9[%swap3A_71, %swap3A_72], %add3A_70 {strides = array<i32>} : memref<512x64xf32, #tpu.memory_space<vmem>>, vector<512x16xf32>,
    %get3A_74 = arith.constant 0 : index
    %get3A_75 = arith.constant 0 : index
    %get3A_76 = vector.load %arg7[%get3A_74, %get3A_75] : memref<64x8xf32, #tpu.memory_space<vmem>>, vector<64x8xf32>
    %dot_general3A_77 = arith.constant dense<0.000000e+00> : vector<512x8xf32>
    %dot_general3A_78 = tpu.matmul %max3A_60, %get3A_76, %dot_general3A_77 {dimension_numbers = #tpu.dot_dimension_numbers<[1], [0], [0], [1], [0, 0, 1, 1], [], []>, transpose_lhs_hint = false} : vector<512x64xf32>, vector<64x8xf32>, vector<512x8xf32> -> vector<512x8xf32>
    %get3A_79 = arith.constant 0 : index
    %get3A_80 = arith.constant 0 : index
    %get3A_81 = vector.load %arg8[%get3A_79, %get3A_80] : memref<1x8xf32, #tpu.memory_space<vmem>>, vector<1x8xf32>
    %add3A_82 = vector.broadcast %get3A_81 : vector<1x8xf32> to vector<512x8xf32>
    %add3A_83 = arith.addf %dot_general3A_78, %add3A_82 : vector<512x8xf32>
    %swap3A_84 = arith.constant 0 : index
    %swap3A_85 = arith.constant 8 : index
    %swap3A_86 = vector.load %arg10[%swap3A_84, %swap3A_85] : memref<512x32xf32, #tpu.memory_space<vmem>>, vector<512x8xf32>
    tpu.vector_store %arg10[%swap3A_84, %swap3A_85], %add3A_83 {strides = array<i32>} : memref<512x32xf32, #tpu.memory_space<vmem>>, vector<512x8xf32>,
    %slice3A_87 = vector.extract_strided_slice %get3A_1 {offsets = [0, 64], sizes = [512, 32], strides = [1, 1]} : vector<512x128xf32> to vector<512x32xf32>
    %slice3A_88 = vector.extract_strided_slice %get3A_4 {offsets = [0, 64], sizes = [512, 32], strides = [1, 1]} : vector<512x128xf32> to vector<512x32xf32>
    %dot_general3A_89 = arith.constant dense<0.000000e+00> : vector<512x64xf32>
    %dot_general3A_90 = tpu.matmul %slice3A_87, %slice3A, %dot_general3A_89 {dimension_numbers = #tpu.dot_dimension_numbers<[1], [0], [0], [1], [0, 0, 1, 1], [], []>, transpose_lhs_hint = false} : vector<512x32xf32>, vector<32x64xf32>, vector<512x64xf32> -> vector<512x64xf32>
    %dot_general3A_91 = arith.constant dense<0.000000e+00> : vector<512x64xf32>
    %dot_general3A_92 = tpu.matmul %slice3A_88, %slice3A_8, %dot_general3A_91 {dimension_numbers = #tpu.dot_dimension_numbers<[1], [0], [0], [1], [0, 0, 1, 1], [], []>, transpose_lhs_hint = false} : vector<512x32xf32>, vector<32x64xf32>, vector<512x64xf32> -> vector<512x64xf32>
    %add3A_93 = arith.addf %dot_general3A_90, %dot_general3A_92 : vector<512x64xf32>
    %get3A_94 = arith.constant 0 : index
    %get3A_95 = arith.constant 0 : index
    %get3A_96 = vector.load %arg4[%get3A_94, %get3A_95] : memref<1x64xf32, #tpu.memory_space<vmem>>, vector<1x64xf32>
    %add3A_97 = vector.broadcast %get3A_96 : vector<1x64xf32> to vector<512x64xf32>
    %add3A_98 = arith.addf %add3A_93, %add3A_97 : vector<512x64xf32>
    %max3A_99 = arith.constant 0.000000e+00 : f32
    %max3A_100 = vector.broadcast %max3A_99 : f32 to vector<512x64xf32>
    %max3A_101 = arith.maximumf %add3A_98, %max3A_100 : vector<512x64xf32>
    %get3A_102 = arith.constant 0 : index
    %get3A_103 = arith.constant 0 : index
    %get3A_104 = vector.load %arg5[%get3A_102, %get3A_103] : memref<64x16xf32, #tpu.memory_space<vmem>>, vector<64x16xf32>
    %dot_general3A_105 = arith.constant dense<0.000000e+00> : vector<512x16xf32>
    %dot_general3A_106 = tpu.matmul %max3A_101, %get3A_104, %dot_general3A_105 {dimension_numbers = #tpu.dot_dimension_numbers<[1], [0], [0], [1], [0, 0, 1, 1], [], []>, transpose_lhs_hint = false} : vector<512x64xf32>, vector<64x16xf32>, vector<512x16xf32> -> vector<512x16xf32>
    %get3A_107 = arith.constant 0 : index
    %get3A_108 = arith.constant 0 : index
    %get3A_109 = vector.load %arg6[%get3A_107, %get3A_108] : memref<1x16xf32, #tpu.memory_space<vmem>>, vector<1x16xf32>
    %add3A_110 = vector.broadcast %get3A_109 : vector<1x16xf32> to vector<512x16xf32>
    %add3A_111 = arith.addf %dot_general3A_106, %add3A_110 : vector<512x16xf32>
    %swap3A_112 = arith.constant 0 : index
    %swap3A_113 = arith.constant 32 : index
    %swap3A_114 = vector.load %arg9[%swap3A_112, %swap3A_113] : memref<512x64xf32, #tpu.memory_space<vmem>>, vector<512x16xf32>
    tpu.vector_store %arg9[%swap3A_112, %swap3A_113], %add3A_111 {strides = array<i32>} : memref<512x64xf32, #tpu.memory_space<vmem>>, vector<512x16xf32>,
    %get3A_115 = arith.constant 0 : index
    %get3A_116 = arith.constant 0 : index
    %get3A_117 = vector.load %arg7[%get3A_115, %get3A_116] : memref<64x8xf32, #tpu.memory_space<vmem>>, vector<64x8xf32>
    %dot_general3A_118 = arith.constant dense<0.000000e+00> : vector<512x8xf32>
    %dot_general3A_119 = tpu.matmul %max3A_101, %get3A_117, %dot_general3A_118 {dimension_numbers = #tpu.dot_dimension_numbers<[1], [0], [0], [1], [0, 0, 1, 1], [], []>, transpose_lhs_hint = false} : vector<512x64xf32>, vector<64x8xf32>, vector<512x8xf32> -> vector<512x8xf32>
    %get3A_120 = arith.constant 0 : index
    %get3A_121 = arith.constant 0 : index
    %get3A_122 = vector.load %arg8[%get3A_120, %get3A_121] : memref<1x8xf32, #tpu.memory_space<vmem>>, vector<1x8xf32>
    %add3A_123 = vector.broadcast %get3A_122 : vector<1x8xf32> to vector<512x8xf32>
    %add3A_124 = arith.addf %dot_general3A_119, %add3A_123 : vector<512x8xf32>
    %swap3A_125 = arith.constant 0 : index
    %swap3A_126 = arith.constant 16 : index
    %swap3A_127 = vector.load %arg10[%swap3A_125, %swap3A_126] : memref<512x32xf32, #tpu.memory_space<vmem>>, vector<512x8xf32>
    tpu.vector_store %arg10[%swap3A_125, %swap3A_126], %add3A_124 {strides = array<i32>} : memref<512x32xf32, #tpu.memory_space<vmem>>, vector<512x8xf32>,
    %slice3A_128 = vector.extract_strided_slice %get3A_1 {offsets = [0, 96], sizes = [512, 32], strides = [1, 1]} : vector<512x128xf32> to vector<512x32xf32>
    %slice3A_129 = vector.extract_strided_slice %get3A_4 {offsets = [0, 96], sizes = [512, 32], strides = [1, 1]} : vector<512x128xf32> to vector<512x32xf32>
    %dot_general3A_130 = arith.constant dense<0.000000e+00> : vector<512x64xf32>
    %dot_general3A_131 = tpu.matmul %slice3A_128, %slice3A, %dot_general3A_130 {dimension_numbers = #tpu.dot_dimension_numbers<[1], [0], [0], [1], [0, 0, 1, 1], [], []>, transpose_lhs_hint = false} : vector<512x32xf32>, vector<32x64xf32>, vector<512x64xf32> -> vector<512x64xf32>
    %dot_general3A_132 = arith.constant dense<0.000000e+00> : vector<512x64xf32>
    %dot_general3A_133 = tpu.matmul %slice3A_129, %slice3A_8, %dot_general3A_132 {dimension_numbers = #tpu.dot_dimension_numbers<[1], [0], [0], [1], [0, 0, 1, 1], [], []>, transpose_lhs_hint = false} : vector<512x32xf32>, vector<32x64xf32>, vector<512x64xf32> -> vector<512x64xf32>
    %add3A_134 = arith.addf %dot_general3A_131, %dot_general3A_133 : vector<512x64xf32>
    %get3A_135 = arith.constant 0 : index
    %get3A_136 = arith.constant 0 : index
    %get3A_137 = vector.load %arg4[%get3A_135, %get3A_136] : memref<1x64xf32, #tpu.memory_space<vmem>>, vector<1x64xf32>
    %add3A_138 = vector.broadcast %get3A_137 : vector<1x64xf32> to vector<512x64xf32>
    %add3A_139 = arith.addf %add3A_134, %add3A_138 : vector<512x64xf32>
    %max3A_140 = arith.constant 0.000000e+00 : f32
    %max3A_141 = vector.broadcast %max3A_140 : f32 to vector<512x64xf32>
    %max3A_142 = arith.maximumf %add3A_139, %max3A_141 : vector<512x64xf32>
    %get3A_143 = arith.constant 0 : index
    %get3A_144 = arith.constant 0 : index
    %get3A_145 = vector.load %arg5[%get3A_143, %get3A_144] : memref<64x16xf32, #tpu.memory_space<vmem>>, vector<64x16xf32>
    %dot_general3A_146 = arith.constant dense<0.000000e+00> : vector<512x16xf32>
    %dot_general3A_147 = tpu.matmul %max3A_142, %get3A_145, %dot_general3A_146 {dimension_numbers = #tpu.dot_dimension_numbers<[1], [0], [0], [1], [0, 0, 1, 1], [], []>, transpose_lhs_hint = false} : vector<512x64xf32>, vector<64x16xf32>, vector<512x16xf32> -> vector<512x16xf32>
    %get3A_148 = arith.constant 0 : index
    %get3A_149 = arith.constant 0 : index
    %get3A_150 = vector.load %arg6[%get3A_148, %get3A_149] : memref<1x16xf32, #tpu.memory_space<vmem>>, vector<1x16xf32>
    %add3A_151 = vector.broadcast %get3A_150 : vector<1x16xf32> to vector<512x16xf32>
    %add3A_152 = arith.addf %dot_general3A_147, %add3A_151 : vector<512x16xf32>
    %swap3A_153 = arith.constant 0 : index
    %swap3A_154 = arith.constant 48 : index
    %swap3A_155 = vector.load %arg9[%swap3A_153, %swap3A_154] : memref<512x64xf32, #tpu.memory_space<vmem>>, vector<512x16xf32>
    tpu.vector_store %arg9[%swap3A_153, %swap3A_154], %add3A_152 {strides = array<i32>} : memref<512x64xf32, #tpu.memory_space<vmem>>, vector<512x16xf32>,
    %get3A_156 = arith.constant 0 : index
    %get3A_157 = arith.constant 0 : index
    %get3A_158 = vector.load %arg7[%get3A_156, %get3A_157] : memref<64x8xf32, #tpu.memory_space<vmem>>, vector<64x8xf32>
    %dot_general3A_159 = arith.constant dense<0.000000e+00> : vector<512x8xf32>
    %dot_general3A_160 = tpu.matmul %max3A_142, %get3A_158, %dot_general3A_159 {dimension_numbers = #tpu.dot_dimension_numbers<[1], [0], [0], [1], [0, 0, 1, 1], [], []>, transpose_lhs_hint = false} : vector<512x64xf32>, vector<64x8xf32>, vector<512x8xf32> -> vector<512x8xf32>
    %get3A_161 = arith.constant 0 : index
    %get3A_162 = arith.constant 0 : index
    %get3A_163 = vector.load %arg8[%get3A_161, %get3A_162] : memref<1x8xf32, #tpu.memory_space<vmem>>, vector<1x8xf32>
    %add3A_164 = vector.broadcast %get3A_163 : vector<1x8xf32> to vector<512x8xf32>
    %add3A_165 = arith.addf %dot_general3A_160, %add3A_164 : vector<512x8xf32>
    %swap3A_166 = arith.constant 0 : index
    %swap3A_167 = arith.constant 24 : index
    %swap3A_168 = vector.load %arg10[%swap3A_166, %swap3A_167] : memref<512x32xf32, #tpu.memory_space<vmem>>, vector<512x8xf32>
    tpu.vector_store %arg10[%swap3A_166, %swap3A_167], %add3A_165 {strides = array<i32>} : memref<512x32xf32, #tpu.memory_space<vmem>>, vector<512x8xf32>,
    return
  }
  func.func @transform_0(%arg0: i32) -> (i32, i32) {
    %c0_i32 = arith.constant 0 : i32
    %c0_i32_0 = arith.constant 0 : i32
    return %arg0, %c0_i32 : i32, i32
  }
  func.func @transform_1(%arg0: i32) -> (i32, i32) {
    %c0_i32 = arith.constant 0 : i32
    %c0_i32_0 = arith.constant 0 : i32
    return %arg0, %c0_i32 : i32, i32
  }
  func.func @transform_2(%arg0: i32) -> (i32, i32) {
    %c0_i32 = arith.constant 0 : i32
    %c0_i32_0 = arith.constant 0 : i32
    %c0_i32_1 = arith.constant 0 : i32
    return %c0_i32, %c0_i32_0 : i32, i32
  }
  func.func @transform_3(%arg0: i32) -> (i32, i32) {
    %c0_i32 = arith.constant 0 : i32
    %c0_i32_0 = arith.constant 0 : i32
    %c0_i32_1 = arith.constant 0 : i32
    return %c0_i32, %c0_i32_0 : i32, i32
  }
  func.func @transform_4(%arg0: i32) -> (i32, i32) {
    %c0_i32 = arith.constant 0 : i32
    %c0_i32_0 = arith.constant 0 : i32
    %c0_i32_1 = arith.constant 0 : i32
    return %c0_i32, %c0_i32_0 : i32, i32
  }
  func.func @transform_5(%arg0: i32) -> (i32, i32) {
    %c0_i32 = arith.constant 0 : i32
    %c0_i32_0 = arith.constant 0 : i32
    %c0_i32_1 = arith.constant 0 : i32
    return %c0_i32, %c0_i32_0 : i32, i32
  }
  func.func @transform_6(%arg0: i32) -> (i32, i32) {
    %c0_i32 = arith.constant 0 : i32
    %c0_i32_0 = arith.constant 0 : i32
    %c0_i32_1 = arith.constant 0 : i32
    return %c0_i32, %c0_i32_0 : i32, i32
  }
  func.func @transform_7(%arg0: i32) -> (i32, i32) {
    %c0_i32 = arith.constant 0 : i32
    %c0_i32_0 = arith.constant 0 : i32
    %c0_i32_1 = arith.constant 0 : i32
    return %c0_i32, %c0_i32_0 : i32, i32
  }
  func.func @transform_8(%arg0: i32) -> (i32, i32) {
    %c0_i32 = arith.constant 0 : i32
    %c0_i32_0 = arith.constant 0 : i32
    return %arg0, %c0_i32 : i32, i32
  }
  func.func @transform_9(%arg0: i32) -> (i32, i32) {
    %c0_i32 = arith.constant 0 : i32
    %c0_i32_0 = arith.constant 0 : i32
    return %arg0, %c0_i32 : i32, i32
  }
}

</mosaic_0001>

<sc_bundles>
// kernel: kernel.4.cloned.1.call-start
scs
__scs_entry_jumppad:
0x0: {  	(pc) =	sbr.rel $0x88, $3  }
0x1: {  	(tag) =	ssettag $0x0;
	lr =	simm.s32 $0x1  }
0x2: {  	[smem:$0x3F97] =	sst lr;
	_ =	strace $0xD0000000  }
0x3: {  	_ = 	snop  }
0x4: {  	_ = 	snop  }
0x5: {  	_ = 	snop  }
0x6: {  	_ = 	snop  }
0x7: {  	_ = 	snop  }
__scs_overlays_trampoline_lowered:
0x8: {  	[smem:$0x3FA6] =	sst s0  }
0x9: {  	[smem:$0x3FA7] =	sst s1  }
0xa: {  	[smem:$0x3FA8] =	sst s2  }
0xb: {  	[smem:$0x3FA9] =	sst s3  }
0xc: {  	[smem:$0x3FAA] =	sst s4  }
0xd: {  	[smem:$0x3FAB] =	sst s5  }
0xe: {  	[smem:$0x3FAC] =	sst s6  }
0xf: {  	[smem:$0x3FAD] =	sst s7  }
0x10: {  	[smem:$0x3FAE] =	sst s8  }
0x11: {  	[smem:$0x3FAF] =	sst s9;
	s0 =	simm.s32 @!p0 $0x0  }
0x12: {  	s1 =	sld [smem:$0x3F95];
	s0 =	simm.s32 @p0 $0x1  }
0x13: {  	[smem:$0x3FB0] =	sst s0;
	s0 =	simm.s32 @!p1 $0x0  }
0x14: {  	s2 =	sld [smem:$0x3F94];
	s0 =	simm.s32 @p1 $0x1  }
0x15: {  	[smem:$0x3FB1] =	sst s0;
	s0 =	simm.s32 @!p2 $0x0  }
0x16: {  	s3 =	sld [smem:$0x3FDB];
	s0 =	simm.s32 @p2 $0x1  }
0x17: {  	s4 =	simm.s32 $0x1BF5;
	[smem:$0x3FB3] =	sst s0  }
0x18: {  	s0 =	sld [smem:$0x3F96];
	_ =	swait.ge [sflag:s4], $0x0  }
0x19: {  	s7 =	sld [smem:$0x3F97]  }
0x1a: {  	s8 =	sadd.s32 $0xFFFFE003, lr  }
0x1b: {  	s9 =	sadd.s32 $0xFFFFFEF7, lr;
	s5 =	simm.s32 $0xFFFFFFFF;
	p2 =	slt.u32 s8, $0xFFFFF086  }
0x1c: {  	p1 =	slt.u32 s9, $0xF7A;
	s5 =	simm.s32 @!p2 $0x0  }
0x1d: {  	s5 =	simm.s32 @p1 $0x1;
	p0 =	seq.s32 s7, s2  }
0x1e: {  	s7 =	smul.u32 @!p0 $0xF7A, s2;
	p2 =	seq.s32 @!p0 s5, $0x0  }
0x1f: {  	s9 =	smul.u32 $0xF7A, s1;
	s8 =	simm.s32 @!p0 $0x1BF5;
	p2 =	por !p2, p0  }
0x20: {  	[sflag:s8] =	ssyncset.s32 @!p0 $0xFFFFF086;
	s6 =	sadd.s32 @!p0 s3, s7;
	s7 =	simm.s32 @!p0 $0x108  }
0x21: {  	s3 =	sadd.s32 s3, s9;
	s6 =	sadd.s32 @!p0 $0x88, s6;
	s7 =	simm.s32 @p2 $0x1082  }
0x22: {  	[simem:s7], [sflag:s8] =	dma.local @!p0 [hbm:s6], $0xF7A  }
0x23: {  	s9 =	sor.u32 $0xD0000000, s2;
	s6 =	simm.s32 $0x108;
	_ =	swait.ge @!p0 [sflag:s8], $0x0  }
0x24: {  	s3 =	sadd.s32 $0x88, s3;
	s6 =	simm.s32 @!p1 $0x1082;
	[sflag:s4] =	ssyncset.s32 $0xFFFFF086  }
0x25: {  	[simem:s6], [sflag:s4] =	dma.local [hbm:s3], $0xF7A  }
0x26: {  	[smem:$0x3F97] =	sst s1;
	(tag) =	ssettag s2;
	_ =	strace s9  }
0x27: {  	s1 =	sld [smem:$0x3FA7]  }
0x28: {  	s2 =	sld [smem:$0x3FA8]  }
0x29: {  	s4 =	sld [smem:$0x3FAA]  }
0x2a: {  	p0 =	seq.s32 s5, $0x0;
	s5 =	sld [smem:$0x3FAB]  }
0x2b: {  	s6 =	sld [smem:$0x3FAC]  }
0x2c: {  	s7 =	sld [smem:$0x3FAD]  }
0x2d: {  	s3 =	simm.s32 $0x108;
	s8 =	sld [smem:$0x3FAE]  }
0x2e: {  	s3 =	simm.s32 @!p0 $0x1082;
	s9 =	sld [smem:$0x3FAF]  }
0x2f: {  	lr =	sadd.s32 s0, s3;
	s0 =	sld [smem:$0x3FA6]  }
0x30: {  	s3 =	sld [smem:$0x3FA9]  }
0x31: {  	[smem:$0x3FB2] =	sst s10  }
0x32: {  	s10 =	sld [smem:$0x3FB0];
	_ =	sdelay $0x3  }
0x33: {  	p0 =	seq.s32 s10, $0x1;
	s10 =	sld [smem:$0x3FB2];
	_ =	sdelay $0x3  }
0x34: {  	[smem:$0x3FB2] =	sst s10  }
0x35: {  	s10 =	sld [smem:$0x3FB1];
	_ =	sdelay $0x3  }
0x36: {  	p1 =	seq.s32 s10, $0x1;
	s10 =	sld [smem:$0x3FB2];
	_ =	sdelay $0x3  }
0x37: {  	[smem:$0x3FB2] =	sst s10  }
0x38: {  	s10 =	sld [smem:$0x3FB3]  }
0x39: {  	_ = 	snop;
	(pc) =	sbr.ind lr, $3  }
0x3a: {  	_ = 	snop  }
0x3b: {  	_ = 	snop  }
0x3c: {  	p2 =	seq.s32 s10, $0x1;
	s10 =	sld [smem:$0x3FB2]  }
0x3d: {  	_ =	shalt  }
0x3e: {  	_ =	shalt  }
0x3f: {  	_ =	shalt  }
0x40: {  	_ =	shalt  }
0x41: {  	_ =	shalt  }
0x42: {  	_ =	shalt  }
0x43: {  	_ =	shalt  }
0x44: {  	_ =	shalt  }
0x45: {  	_ =	shalt  }
0x46: {  	_ =	shalt  }
0x47: {  	_ =	shalt  }
0x48: {  	_ =	shalt  }
0x49: {  	_ =	shalt  }
0x4a: {  	_ =	shalt  }
0x4b: {  	_ =	shalt  }
0x4c: {  	_ =	shalt  }
0x4d: {  	_ =	shalt  }
0x4e: {  	_ =	shalt  }
0x4f: {  	_ =	shalt  }
0x50: {  	_ =	shalt  }
0x51: {  	_ =	shalt  }
0x52: {  	_ =	shalt  }
0x53: {  	_ =	shalt  }
0x54: {  	_ =	shalt  }
0x55: {  	_ =	shalt  }
0x56: {  	_ =	shalt  }
0x57: {  	_ =	shalt  }
0x58: {  	_ =	shalt  }
0x59: {  	_ =	shalt  }
0x5a: {  	_ =	shalt  }
0x5b: {  	_ =	shalt  }
0x5c: {  	_ =	shalt  }
0x5d: {  	_ =	shalt  }
0x5e: {  	_ =	shalt  }
0x5f: {  	_ =	shalt  }
0x60: {  	_ =	shalt  }
0x61: {  	_ =	shalt  }
0x62: {  	_ =	shalt  }
0x63: {  	_ =	shalt  }
0x64: {  	_ =	shalt  }
0x65: {  	_ =	shalt  }
0x66: {  	_ =	shalt  }
0x67: {  	_ =	shalt  }
0x68: {  	_ =	shalt  }
0x69: {  	_ =	shalt  }
0x6a: {  	_ =	shalt  }
0x6b: {  	_ =	shalt  }
0x6c: {  	_ =	shalt  }
0x6d: {  	_ =	shalt  }
0x6e: {  	_ =	shalt  }
0x6f: {  	_ =	shalt  }
0x70: {  	_ =	shalt  }
0x71: {  	_ =	shalt  }
0x72: {  	_ =	shalt  }
0x73: {  	_ =	shalt  }
0x74: {  	_ =	shalt  }
0x75: {  	_ =	shalt  }
0x76: {  	_ =	shalt  }
0x77: {  	_ =	shalt  }
0x78: {  	_ =	shalt  }
0x79: {  	_ =	shalt  }
0x7a: {  	_ =	shalt  }
0x7b: {  	_ =	shalt  }
0x7c: {  	_ =	shalt  }
0x7d: {  	_ =	shalt  }
0x7e: {  	_ =	shalt  }
0x7f: {  	_ =	shalt  }
0x80: {  	_ =	shalt  }
0x81: {  	_ =	shalt  }
0x82: {  	_ =	shalt  }
0x83: {  	_ =	shalt  }
0x84: {  	_ =	shalt  }
0x85: {  	_ =	shalt  }
0x86: {  	_ =	shalt  }
0x87: {  	_ =	shalt  }
.Lfunc_end0:
.L_simem_size_0:
called_computation_lowered:
.L_overlay_start_0:
0x88: {  	s2 =	sld [smem:$0x3FD9]  }
0x89: {  	s3 =	sld [smem:$0x3FFE];
	_ =	sdelay $0x1  }
0x8a: {  	s1 =	srdreg.scid  }
0x8b: {  	s0 =	sand.u32 $0x1, s1  }
0x8c: {  	s17 =	sshll.u32 s0, $0xA;
	s2 =	sadd.s32 s3, s2  }
0x8d: {  	s2 =	sadd.s32 s2, s17  }
0x8e: {  	[smem:$0x3FBE] =	sst s2  }
0x8f: {  	_ = 	snop  }
0x90: {  	s2 =	sld [smem:$0x3FC9]  }
0x91: {  	s18 =	sld [smem:$0x3FC8];
	(tm) =	ssettm $0x1  }
0x92: {  	s4 =	sld [smem:$0x3FFB];
	_ =	sdelay $0x3  }
0x93: {  	_ =	strace s4  }
0x94: {  	s4 =	sld [smem:$0x3FFC];
	_ =	sdelay $0x3  }
0x95: {  	_ =	strace s4  }
0x96: {  	s4 =	sld [smem:$0x3FFD];
	_ =	sdelay $0x3  }
0x97: {  	_ =	strace s4  }
0x98: {  	_ =	strace $0x8FFFFFFF  }
0x99: {  	s19 =	sld [smem:$0x3FDB];
	_ =	sdelay $0x1  }
0x9a: {  	s5 =	simm.s32 $_scs_section_size  }
0x9b: {  	s6 =	simm.s32 $_size__tile_overlayer_lowered;
	s7 =	simm.s32 $_tile_overlayer_lowered  }
0x9c: {  	s22 =	simm.s32 $0x1BFF;
	s21 =	sshll.u32 s7, $0x1;
	s4 =	sadd.s32 s5, s19  }
0x9d: {  	s8 =	simm.s32 $0x0;
	s20 =	sshll.u32 s6, $0x1;
	s6 =	sadd.s32 s21, s4  }
0x9e: {  	[timem:s8], [sflag:s22] =	dma.local [hbm:s6], s20  }
0x9f: {  	_ =	swait.ge [sflag:s22], s20  }
0xa0: {  	s5 =	ssub.s32 $0x0, s20;
	[sflag:s22] =	ssyncset.done $0x0  }
0xa1: {  	[sflag:s22] =	ssyncadd.s32 s5;
	_ =	sdelay $0x1  }
0xa2: {  	s23 =	simm.s32 $0x1B8B  }
0xa3: {  	_ =	swait.ge [sflag:s23], $0x1  }
0xa4: {  	[sflag:s23] =	ssyncset.done $0x0  }
0xa5: {  	s25 =	simm.s32 $0x1B8E;
	s24 =	sld [smem:$0x3FFE];
	[sflag:s23] =	ssyncadd.s32 $0xFFFFFFFF  }
0xa6: {  	s26 =	simm.s32 $execute0_lowered;
	[smem:$0x3FD2] =	sst s25  }
0xa7: {  	s6 =	sshll.u32 s26, $0x1;
	_ =	strace $0x80000046;
	[dreg:$0x1] =	wrdreg $0xFFFFFFFF  }
0xa8: {  	s28 =	simm.s32 $_size_execute0_lowered;
	s4 =	sadd.s32 s4, s6;
	[dreg:$0x0] =	wrdreg $0x0  }
0xa9: {  	s6 =	sshll.u32 s28, $0x1;
	[dreg:$0x2] =	wrdreg s4  }
0xaa: {  	[dreg:$0x3] =	wrdreg s6  }
0xab: {  	[dreg:$0x4] =	wrdreg $0xC0  }
0xac: {  	_ =	task [dreg:s8], $0x5FFFF  }
0xad: {  	[dreg:$0x1] =	wrdreg $0xFFFFFFFF  }
0xae: {  	[dreg:$0x0] =	wrdreg $0x60  }
0xaf: {  	[dreg:$0x2] =	wrdreg s2  }
0xb0: {  	[dreg:$0x3] =	wrdreg s18  }
0xb1: {  	[dreg:$0x4] =	wrdreg s24  }
0xb2: {  	[dreg:$0x5] =	wrdreg $0x9  }
0xb3: {  	_ =	task.clear_ibuf [dreg:s8], $0x6FFFF;
	_ =	strace $0x90000046  }
0xb4: {  	s29 =	simm.s32 $0x9;
	_ =	strace $0x80000048  }
0xb5: {  	_ =	swait.ge [sflag:s29], $0x1  }
0xb6: {  	[sflag:s29] =	ssyncadd.s32 $0xFFFFFFFF  }
0xb7: {  	_ =	strace $0x90000048  }
0xb8: {  	_ =	sfence  }
0xb9: {  	s30 =	sld [smem:$0x0];
	_ =	sdelay $0x2  }
0xba: {  	s31 =	sshll.u32 s1, $0xD;
	s1 =	sshrl.u32 s1, $0x2  }
0xbb: {  	s3 =	sand.u32 $0x4000, s31;
	s1 =	sadd.s32 s1, s30  }
0xbc: {  	s0 =	sor.u32 s3, s0;
	s1 =	sshll.u32 s1, $0x11  }
0xbd: {  	s0 =	sor.u32 s1, s0  }
0xbe: {  	s0 =	sadd.s32 $0x8F2B, s0  }
0xbf: {  	[sflag:s0] =	ssyncadd.remote.s32 $0x1  }
0xc0: {  	_ =	sfence.sel $0xFFFF  }
0xc1: {  	[dreg:$0x0] =	wrdreg $0xFFFFFFFF;
	(pc) =	sbr.abs _section_cstart, $3  }
0xc2: {  	[dreg:$0x1] =	wrdreg $0xFFFFFFFF  }
0xc3: {  	_ =	task.clear_ibuf [dreg:s8], $0x2FFFF;
	_ =	strace $0x9FFFFFFF  }
0xc4: {  	(tm) =	ssettm $0x7FFFFFFF  }
0xc5: {  	_ =	shalt  }
tec
execute0_lowered:
.L_overlay_start_1:
0x0: {  	(tag) =	ssettag $0x1  }
0x1: {  	s0 =	rddreg [dreg:$0x0]  }
0x2: {  	s1 =	rddreg [dreg:$0x1]  }
0x3: {  	s5 =	rddreg [dreg:$0x2];
	s2 =	simm.s32 $0x0;
	s3 =	srdreg.scid  }
0x4: {  	s6 =	stileid.u32;
	s12 =	simm.s32 $0x400;
	s29 =	simm.s32 $0x8400  }
0x5: {  	s17 =	simm.s32 $0x4400;
	s10 =	simm.s32 $0xD800;
	s13 =	simm.s32 $0xDC00  }
0x6: {  	v2 =	vlaneseq.u32;
	s14 =	simm.s32 $0xE000;
	s15 =	simm.s32 $0xE400;
	s16 =	simm.s32 $0xE800  }
0x7: {  	s18 =	simm.s32 $0xEC00;
	s19 =	simm.s32 $0xF000;
	s20 =	simm.s32 $0xF400;
	v0 =	vand.u32 $0x3, v2  }
0x8: {  	s21 =	simm.s32 $0xF800;
	s28 =	simm.s32 $0x14400;
	s30 =	simm.s32 $0x2;
	v0 =	vmul.u32 $0x20, v0  }
0x9: {  	s31 =	simm.s32 $0x4;
	[smem:$0x7FF] =	sst s2;
	s4 =	sand.u32 $0x1, s3  }
0xa: {  	s6 =	sshll.u32 s6, $0xA;
	s3 =	sadd.s32 $0x1A00, s5;
	v1 =	vmul.u32 $0x400, v2;
	v4 =	vmul.u32 $0x20, v2;
	s7 =	sshll.u32 s4, $0x9;
	v5 =	vor.u32 $0x1, v0  }
0xb: {  	_ =	strace $0x80000047;
	s22 =	ssub.s32 $0x2, s4;
	s6 =	sor.u32 s7, s6;
	v6 =	vor.u32 $0x2, v0;
	v38 =	vor.u32 $0x3, v0;
	v39 =	vor.u32 $0x4, v0  }
0xc: {  	s4 =	sadd.s32 $0xF43E00, s5;
	s9 =	sshrl.u32 s22, $0x1;
	s8 =	sshll.u32 s6, $0x2;
	v40 =	vor.u32 $0x5, v0;
	v41 =	vor.u32 $0x6, v0;
	v42 =	vor.u32 $0x7, v0  }
0xd: {  	[tilespmem:$0x1FFA0] =	vst v4;
	s7 =	ssub.s32 s22, s9;
	s6 =	sshrl.u32 s6, $0x3;
	v44 =	vor.u32 $0x9, v0;
	v45 =	vor.u32 $0xA, v0;
	v46 =	vor.u32 $0xB, v0;
	s9 =	simm.s32 $0xD400  }
0xe: {  	v47 =	vor.u32 $0xC, v0;
	v48 =	vor.u32 $0xD, v0;
	v49 =	vor.u32 $0xE, v0;
	s22 =	simm.s32 $0xFC00;
	[tilespmem:$0x1FFC0] =	vst v0;
	s5 =	sadd.s32 s8, s5;
	s0 =	sadd.s32 s0, s6  }
0xf: {  	v50 =	vor.u32 $0xF, v0;
	v51 =	vor.u32 $0x10, v0;
	v63 =	vor.u32 $0x1C, v0;
	s23 =	sadd.s32 s1, s6;
	s26 =	smax.u32 s7, $0x1;
	s1 =	simm.s32 $0x5;
	[tilespmem:$0x1FF80] =	vst v5  }
.Ltmp0:
0x10: {  	v52 =	vor.u32 $0x11, v0;
	v53 =	vor.u32 $0x12, v0;
	v7 =	vor.u32 $0x1D, v0;
	s7 =	simm.s32 $0x4800;
	[tilespmem:$0x1FF90] =	vst v63;
	[dreg:$0x4] =	wrdreg s0;
	(pc) =	sbr.rel .LBB2_1-.Ltmp0, $4  }
0x11: {  	v54 =	vor.u32 $0x13, v0;
	v55 =	vor.u32 $0x14, v0;
	v8 =	vor.u32 $0x1E, v0;
	s6 =	simm.s32 $0x0;
	[tilespmem:$0x1FFB0] =	vst v7;
	[dreg:$0x5] =	wrdreg s23;
	s24 =	sadd.s32 $0x10CA800, s5  }
0x12: {  	v43 =	vor.u32 $0x8, v0;
	v56 =	vor.u32 $0x15, v0;
	v57 =	vor.u32 $0x16, v0;
	[tilespmem:$0x1FFD0] =	vst v8;
	s25 =	sadd.s32 $0x10DA800, s5;
	[dreg:$0x8] =	wrdreg s26;
	s5 =	simm.s32 $0xC400  }
0x13: {  	v58 =	vor.u32 $0x17, v0;
	v59 =	vor.u32 $0x18, v0;
	v9 =	vor.u32 $0x1F, v0;
	[tilespmem:$0x1FFE0] =	vst v6;
	s23 =	simm.s32 $0x10000;
	s26 =	simm.s32 $0x3;
	[dreg:$0x6] =	wrdreg s24  }
0x14: {  	v60 =	vor.u32 $0x19, v0;
	v61 =	vor.u32 $0x1A, v0;
	v62 =	vor.u32 $0x1B, v0;
	[tilespmem:$0x1FFF0] =	vst v9;
	[dreg:$0x7] =	wrdreg s25;
	s24 =	simm.s32 $0x1;
	s25 =	simm.s32 $0x10400  }
.LBB2_5:
0x15: {  	s0 =	rddreg [dreg:$0x6];
	s1 =	simm.s32 $0x5  }
0x16: {  	[hbm4b:s0+s2] =	stream.linear.scatter [tilespmem:s25], [sflag:$0x5], $0x4000, $0x38;
	[tilespmem:$0x18400] =	vst v63  }
0x17: {  	_ =	swait.ge [sflag:s1], $0x4000  }
0x18: {  	[sflag:s1] =	ssyncset.done $0x0  }
0x19: {  	s8 =	rddreg [dreg:$0x7];
	[sflag:s1] =	ssyncadd.s32 $0xFFFFC000  }
0x1a: {  	[hbm4b:s8+s2] =	stream.linear.scatter [tilespmem:s28], [sflag:$0x5], $0x4000, $0x38;
	[tilespmem:$0x18400] =	vst v63  }
0x1b: {  	_ =	swait.ge [sflag:s1], $0x4000  }
0x1c: {  	s6 =	rddreg [dreg:$0x9]  }
0x1d: {  	s11 =	rddreg [dreg:$0x8];
	s6 =	sadd.s32 $0x1, s6  }
0x1e: {  	p0 =	sne.s32 s6, s11  }
.Ltmp1:
0x1f: {  	_ = 	snop;
	(pc) =	sbr.rel @!p0 .LBB2_6-.Ltmp1, $3  }
0x20: {  	_ =	sdelay $0x1  }
0x21: {  	[sflag:s1] =	ssyncset.done $0x0  }
0x22: {  	[sflag:s1] =	ssyncadd.s32 $0xFFFFC000  }
.LBB2_1:
0x23: {  	[dreg:$0x9] =	wrdreg s6  }
0x24: {  	s0 =	rddreg [dreg:$0x4]  }
0x25: {  	[tilespmem:s2], [sflag:$0x5] =	stream.linear.gather [hbm4b:s0+s2], $0x200, $0x38;
	[tilespmem:$0x18400] =	vst v63  }
0x26: {  	_ =	swait.ge [sflag:s1], $0x200  }
0x27: {  	[sflag:s1] =	ssyncset.done $0x0  }
0x28: {  	s11 =	simm.s32 $0x200;
	s8 =	rddreg [dreg:$0x5];
	[sflag:s1] =	ssyncadd.s32 $0xFFFFFE00  }
0x29: {  	[tilespmem:s11], [sflag:$0x5] =	stream.linear.gather [hbm4b:s8+s2], $0x200, $0x38;
	[tilespmem:$0x18400] =	vst v63  }
0x2a: {  	_ =	swait.ge [sflag:s1], $0x200  }
0x2b: {  	[sflag:s1] =	ssyncset.done $0x0  }
0x2c: {  	[sflag:s1] =	ssyncadd.s32 $0xFFFFFE00  }
0x2d: {  	v2 =	vld [tilespmem:$0x0];
	_ =	sdelay $0x4  }
0x2e: {  	v2 =	vshrl.u32 v2, $0x3  }
0x2f: {  	v2 =	vshll.u32 v2, $0x7  }
0x30: {  	(v2sf) =	vpush v2, $0x0;
	_ =	sdelay $0x1  }
0x31: {  	(v2sf) =	vpush v2, $0x1;
	_ =	sdelay $0x1  }
0x32: {  	(v2sf) =	vpush v2, $0x2;
	_ =	sdelay $0x8  }
0x33: {  	(v2sf) =	vpush v2, $0x3;
	_ =	sdelay $0x1  }
0x34: {  	s6 =	spop (v2sf);
	(v2sf) =	vpush v2, $0x4;
	_ =	sdelay $0x1  }
0x35: {  	s8 =	spop (v2sf);
	(v2sf) =	vpush v2, $0x5;
	_ =	sdelay $0x1  }
0x36: {  	s1 =	spop (v2sf);
	(v2sf) =	vpush v2, $0x6;
	_ =	sdelay $0x1  }
0x37: {  	s0 =	sand.u32 $0x1FFFFF80, s6  }
0x38: {  	s0 =	sadd.s32 s3, s0;
	(v2sf) =	vpush v2, $0x7  }
0x39: {  	[tilespmem:s12], [sflag:$0x1] =	stream.linear.gather [hbm4b:s0+s2], $0x400, $0x38;
	[tilespmem:$0x18400] =	vst v63  }
0x3a: {  	s0 =	sand.u32 $0x1FFFFF80, s8  }
0x3b: {  	s11 =	simm.s32 $0x800;
	s0 =	sadd.s32 s3, s0  }
0x3c: {  	[tilespmem:s11], [sflag:$0x1] =	stream.linear.gather [hbm4b:s0+s2], $0x400, $0x38;
	[tilespmem:$0x18400] =	vst v63  }
0x3d: {  	s0 =	sand.u32 $0x1FFFFF80, s1  }
0x3e: {  	s6 =	simm.s32 $0xC00;
	s8 =	spop (v2sf);
	s0 =	sadd.s32 s3, s0  }
0x3f: {  	[tilespmem:s6], [sflag:$0x1] =	stream.linear.gather [hbm4b:s0+s2], $0x400, $0x38;
	[tilespmem:$0x18400] =	vst v63  }
0x40: {  	s1 =	spop (v2sf);
	(v2sf) =	vpush v2, $0x8  }
0x41: {  	s0 =	sand.u32 $0x1FFFFF80, s8  }
0x42: {  	s11 =	simm.s32 $0x1000;
	s0 =	sadd.s32 s3, s0;
	s8 =	spop (v2sf);
	(v2sf) =	vpush v2, $0x9  }
0x43: {  	[tilespmem:s11], [sflag:$0x1] =	stream.linear.gather [hbm4b:s0+s2], $0x400, $0x38;
	[tilespmem:$0x18400] =	vst v63  }
0x44: {  	s0 =	sand.u32 $0x1FFFFF80, s1;
	s1 =	spop (v2sf);
	(v2sf) =	vpush v2, $0xA  }
0x45: {  	s6 =	simm.s32 $0x1400;
	s0 =	sadd.s32 s3, s0  }
0x46: {  	[tilespmem:s6], [sflag:$0x1] =	stream.linear.gather [hbm4b:s0+s2], $0x400, $0x38;
	[tilespmem:$0x18400] =	vst v63  }
0x47: {  	s0 =	sand.u32 $0x1FFFFF80, s8;
	s8 =	spop (v2sf);
	(v2sf) =	vpush v2, $0xB;
	_ =	sdelay $0x1  }
0x48: {  	s11 =	simm.s32 $0x1800;
	s0 =	sadd.s32 s3, s0  }
0x49: {  	[tilespmem:s11], [sflag:$0x1] =	stream.linear.gather [hbm4b:s0+s2], $0x400, $0x38;
	[tilespmem:$0x18400] =	vst v63  }
0x4a: {  	s0 =	sand.u32 $0x1FFFFF80, s1  }
0x4b: {  	s6 =	simm.s32 $0x1C00;
	s0 =	sadd.s32 s3, s0  }
0x4c: {  	[tilespmem:s6], [sflag:$0x1] =	stream.linear.gather [hbm4b:s0+s2], $0x400, $0x38;
	[tilespmem:$0x18400] =	vst v63  }
0x4d: {  	s0 =	sand.u32 $0x1FFFFF80, s8  }
0x4e: {  	s11 =	simm.s32 $0x2000;
	s0 =	sadd.s32 s3, s0;
	s1 =	spop (v2sf);
	(v2sf) =	vpush v2, $0xC  }
0x4f: {  	[tilespmem:s11], [sflag:$0x1] =	stream.linear.gather [hbm4b:s0+s2], $0x400, $0x38;
	[tilespmem:$0x18400] =	vst v63  }
0x50: {  	s8 =	spop (v2sf);
	(v2sf) =	vpush v2, $0xD  }
0x51: {  	s0 =	sand.u32 $0x1FFFFF80, s1  }
0x52: {  	s6 =	simm.s32 $0x2400;
	s0 =	sadd.s32 s3, s0;
	s1 =	spop (v2sf)  }
0x53: {  	(v2sf) =	vpush v2, $0xE;
	[tilespmem:s6], [sflag:$0x1] =	stream.linear.gather [hbm4b:s0+s2], $0x400, $0x38;
	[tilespmem:$0x18400] =	vst v63  }
0x54: {  	s0 =	sand.u32 $0x1FFFFF80, s8  }
0x55: {  	s11 =	simm.s32 $0x2800;
	s8 =	spop (v2sf);
	s0 =	sadd.s32 s3, s0  }
0x56: {  	(v2sf) =	vpush v2, $0xF;
	[tilespmem:s11], [sflag:$0x1] =	stream.linear.gather [hbm4b:s0+s2], $0x400, $0x38;
	[tilespmem:$0x18400] =	vst v63  }
0x57: {  	s0 =	sand.u32 $0x1FFFFF80, s1  }
0x58: {  	s6 =	simm.s32 $0x2C00;
	s0 =	sadd.s32 s3, s0  }
0x59: {  	[tilespmem:s6], [sflag:$0x1] =	stream.linear.gather [hbm4b:s0+s2], $0x400, $0x38;
	[tilespmem:$0x18400] =	vst v63  }
0x5a: {  	s0 =	sand.u32 $0x1FFFFF80, s8  }
0x5b: {  	s11 =	simm.s32 $0x3000;
	s0 =	sadd.s32 s3, s0  }
0x5c: {  	[tilespmem:s11], [sflag:$0x1] =	stream.linear.gather [hbm4b:s0+s2], $0x400, $0x38;
	[tilespmem:$0x18400] =	vst v63  }
0x5d: {  	s1 =	spop (v2sf)  }
0x5e: {  	s0 =	sand.u32 $0x1FFFFF80, s1  }
0x5f: {  	s6 =	simm.s32 $0x3400;
	s8 =	spop (v2sf);
	s0 =	sadd.s32 s3, s0  }
0x60: {  	[tilespmem:s6], [sflag:$0x1] =	stream.linear.gather [hbm4b:s0+s2], $0x400, $0x38;
	[tilespmem:$0x18400] =	vst v63  }
0x61: {  	s0 =	sand.u32 $0x1FFFFF80, s8  }
0x62: {  	s11 =	simm.s32 $0x3800;
	s1 =	spop (v2sf);
	s0 =	sadd.s32 s3, s0  }
0x63: {  	[tilespmem:s11], [sflag:$0x1] =	stream.linear.gather [hbm4b:s0+s2], $0x400, $0x38;
	[tilespmem:$0x18400] =	vst v63  }
0x64: {  	s0 =	sand.u32 $0x1FFFFF80, s1  }
0x65: {  	s6 =	simm.s32 $0x3C00;
	s8 =	spop (v2sf);
	s0 =	sadd.s32 s3, s0  }
0x66: {  	[tilespmem:s6], [sflag:$0x1] =	stream.linear.gather [hbm4b:s0+s2], $0x400, $0x38;
	[tilespmem:$0x18400] =	vst v63  }
0x67: {  	s0 =	sand.u32 $0x1FFFFF80, s8  }
0x68: {  	s11 =	simm.s32 $0x4000;
	s0 =	sadd.s32 s3, s0  }
0x69: {  	[tilespmem:s11], [sflag:$0x1] =	stream.linear.gather [hbm4b:s0+s2], $0x400, $0x38;
	[tilespmem:$0x18400] =	vst v63  }
0x6a: {  	v2 =	vld [tilespmem:$0x200];
	_ =	sdelay $0x4  }
0x6b: {  	v2 =	vshrl.u32 v2, $0x3  }
0x6c: {  	v2 =	vshll.u32 v2, $0x7  }
0x6d: {  	(v2sf) =	vpush v2, $0x0;
	_ =	sdelay $0x2  }
0x6e: {  	(v2sf) =	vpush v2, $0x1  }
0x6f: {  	(v2sf) =	vpush v2, $0x2;
	_ =	sdelay $0x2  }
0x70: {  	(v2sf) =	vpush v2, $0x3;
	_ =	sdelay $0x1  }
0x71: {  	(v2sf) =	vpush v2, $0x4;
	_ =	sdelay $0x5  }
0x72: {  	s6 =	spop (v2sf);
	(v2sf) =	vpush v2, $0x5;
	_ =	sdelay $0x2  }
0x73: {  	s0 =	sand.u32 $0x1FFFFF80, s6;
	s8 =	spop (v2sf)  }
0x74: {  	s0 =	sadd.s32 s4, s0;
	s1 =	spop (v2sf)  }
0x75: {  	(v2sf) =	vpush v2, $0x6;
	[tilespmem:s29], [sflag:$0x3] =	stream.linear.gather [hbm4b:s0+s2], $0x400, $0x38;
	[tilespmem:$0x18400] =	vst v63  }
0x76: {  	s0 =	sand.u32 $0x1FFFFF80, s8  }
0x77: {  	s11 =	simm.s32 $0x8800;
	s8 =	spop (v2sf);
	s0 =	sadd.s32 s4, s0  }
0x78: {  	(v2sf) =	vpush v2, $0x7;
	[tilespmem:s11], [sflag:$0x3] =	stream.linear.gather [hbm4b:s0+s2], $0x400, $0x38;
	[tilespmem:$0x18400] =	vst v63  }
0x79: {  	s0 =	sand.u32 $0x1FFFFF80, s1;
	s1 =	spop (v2sf);
	(v2sf) =	vpush v2, $0x8;
	_ =	sdelay $0x2  }
0x7a: {  	s6 =	simm.s32 $0x8C00;
	s0 =	sadd.s32 s4, s0  }
0x7b: {  	[tilespmem:s6], [sflag:$0x3] =	stream.linear.gather [hbm4b:s0+s2], $0x400, $0x38;
	[tilespmem:$0x18400] =	vst v63  }
0x7c: {  	s0 =	sand.u32 $0x1FFFFF80, s8  }
0x7d: {  	s11 =	simm.s32 $0x9000;
	s0 =	sadd.s32 s4, s0;
	s8 =	spop (v2sf);
	(v2sf) =	vpush v2, $0x9  }
0x7e: {  	[tilespmem:s11], [sflag:$0x3] =	stream.linear.gather [hbm4b:s0+s2], $0x400, $0x38;
	[tilespmem:$0x18400] =	vst v63  }
0x7f: {  	s0 =	sand.u32 $0x1FFFFF80, s1  }
0x80: {  	s6 =	simm.s32 $0x9400;
	s0 =	sadd.s32 s4, s0;
	(v2sf) =	vpush v2, $0xA  }
0x81: {  	[tilespmem:s6], [sflag:$0x3] =	stream.linear.gather [hbm4b:s0+s2], $0x400, $0x38;
	[tilespmem:$0x18400] =	vst v63  }
0x82: {  	s0 =	sand.u32 $0x1FFFFF80, s8;
	s1 =	spop (v2sf);
	(v2sf) =	vpush v2, $0xB  }
0x83: {  	s11 =	simm.s32 $0x9800;
	s0 =	sadd.s32 s4, s0  }
0x84: {  	[tilespmem:s11], [sflag:$0x3] =	stream.linear.gather [hbm4b:s0+s2], $0x400, $0x38;
	[tilespmem:$0x18400] =	vst v63  }
0x85: {  	s0 =	sand.u32 $0x1FFFFF80, s1;
	s8 =	spop (v2sf);
	(v2sf) =	vpush v2, $0xC  }
0x86: {  	s6 =	simm.s32 $0x9C00;
	s0 =	sadd.s32 s4, s0;
	s1 =	spop (v2sf);
	(v2sf) =	vpush v2, $0xD  }
0x87: {  	[tilespmem:s6], [sflag:$0x3] =	stream.linear.gather [hbm4b:s0+s2], $0x400, $0x38;
	[tilespmem:$0x18400] =	vst v63  }
0x88: {  	s0 =	sand.u32 $0x1FFFFF80, s8  }
0x89: {  	s11 =	simm.s32 $0xA000;
	s0 =	sadd.s32 s4, s0  }
0x8a: {  	[tilespmem:s11], [sflag:$0x3] =	stream.linear.gather [hbm4b:s0+s2], $0x400, $0x38;
	[tilespmem:$0x18400] =	vst v63  }
0x8b: {  	s0 =	sand.u32 $0x1FFFFF80, s1  }
0x8c: {  	s6 =	simm.s32 $0xA400;
	s0 =	sadd.s32 s4, s0;
	s8 =	spop (v2sf);
	(v2sf) =	vpush v2, $0xE  }
0x8d: {  	[tilespmem:s6], [sflag:$0x3] =	stream.linear.gather [hbm4b:s0+s2], $0x400, $0x38;
	[tilespmem:$0x18400] =	vst v63  }
0x8e: {  	s0 =	sand.u32 $0x1FFFFF80, s8  }
0x8f: {  	s11 =	simm.s32 $0xA800;
	s6 =	spop (v2sf);
	s0 =	sadd.s32 s4, s0  }
0x90: {  	(v2sf) =	vpush v2, $0xF;
	[tilespmem:s11], [sflag:$0x3] =	stream.linear.gather [hbm4b:s0+s2], $0x400, $0x38;
	[tilespmem:$0x18400] =	vst v63  }
0x91: {  	s8 =	spop (v2sf);
	s0 =	sand.u32 $0x1FFFFF80, s6  }
0x92: {  	s11 =	simm.s32 $0xAC00;
	s6 =	sand.u32 $0x1FFFFF80, s8;
	s0 =	sadd.s32 s4, s0  }
0x93: {  	[tilespmem:s11], [sflag:$0x3] =	stream.linear.gather [hbm4b:s0+s2], $0x400, $0x38;
	[tilespmem:$0x18400] =	vst v63  }
0x94: {  	s8 =	spop (v2sf);
	s0 =	sadd.s32 s4, s6  }
0x95: {  	s11 =	simm.s32 $0xB000;
	s6 =	sand.u32 $0x1FFFFF80, s8;
	s8 =	spop (v2sf)  }
0x96: {  	[tilespmem:s11], [sflag:$0x3] =	stream.linear.gather [hbm4b:s0+s2], $0x400, $0x38;
	[tilespmem:$0x18400] =	vst v63  }
0x97: {  	s0 =	sadd.s32 s4, s6;
	s11 =	simm.s32 $0xB400;
	s6 =	sand.u32 $0x1FFFFF80, s8  }
0x98: {  	[tilespmem:s11], [sflag:$0x3] =	stream.linear.gather [hbm4b:s0+s2], $0x400, $0x38;
	[tilespmem:$0x18400] =	vst v63  }
0x99: {  	s0 =	sadd.s32 s4, s6;
	s11 =	simm.s32 $0xB800  }
0x9a: {  	[tilespmem:s11], [sflag:$0x3] =	stream.linear.gather [hbm4b:s0+s2], $0x400, $0x38;
	[tilespmem:$0x18400] =	vst v63  }
0x9b: {  	s8 =	spop (v2sf)  }
0x9c: {  	s1 =	sand.u32 $0x1FFFFF80, s8  }
0x9d: {  	s6 =	simm.s32 $0xBC00;
	s0 =	sadd.s32 s4, s1  }
0x9e: {  	[tilespmem:s6], [sflag:$0x3] =	stream.linear.gather [hbm4b:s0+s2], $0x400, $0x38;
	[tilespmem:$0x18400] =	vst v63  }
.Ltmp2:
0x9f: {  	s8 =	spop (v2sf);
	(pc) =	sbr.rel .LBB2_2-.Ltmp2, $4  }
0xa0: {  	s0 =	sand.u32 $0x1FFFFF80, s8  }
0xa1: {  	s11 =	simm.s32 $0xC000;
	s0 =	sadd.s32 s4, s0  }
0xa2: {  	[tilespmem:s11], [sflag:$0x3] =	stream.linear.gather [hbm4b:s0+s2], $0x400, $0x38;
	[tilespmem:$0x18400] =	vst v63  }
0xa3: {  	s1 =	simm.s32 $0x10;
	s0 =	simm.s32 $0x210;
	s11 =	simm.s32 $0x0  }
.LBB2_4:
0xa4: {  	_ =	swait.ge [sflag:s30], $0x400  }
0xa5: {  	[sflag:s30] =	ssyncset.done $0x0  }
0xa6: {  	[sflag:s30] =	ssyncadd.s32 $0xFFFFFC00  }
0xa7: {  	_ =	swait.ge [sflag:s30], $0x400  }
0xa8: {  	[sflag:s30] =	ssyncset.done $0x0  }
0xa9: {  	[sflag:s30] =	ssyncadd.s32 $0xFFFFFC00  }
0xaa: {  	_ =	swait.ge [sflag:s30], $0x400  }
0xab: {  	[sflag:s30] =	ssyncset.done $0x0  }
0xac: {  	[sflag:s30] =	ssyncadd.s32 $0xFFFFFC00  }
0xad: {  	_ =	swait.ge [sflag:s30], $0x400  }
0xae: {  	[sflag:s30] =	ssyncset.done $0x0  }
0xaf: {  	[sflag:s30] =	ssyncadd.s32 $0xFFFFFC00  }
0xb0: {  	_ =	swait.ge [sflag:s30], $0x400  }
0xb1: {  	[sflag:s30] =	ssyncset.done $0x0  }
0xb2: {  	[sflag:s30] =	ssyncadd.s32 $0xFFFFFC00  }
0xb3: {  	_ =	swait.ge [sflag:s30], $0x400  }
0xb4: {  	[sflag:s30] =	ssyncset.done $0x0  }
0xb5: {  	[sflag:s30] =	ssyncadd.s32 $0xFFFFFC00  }
0xb6: {  	_ =	swait.ge [sflag:s30], $0x400  }
0xb7: {  	[sflag:s30] =	ssyncset.done $0x0  }
0xb8: {  	[sflag:s30] =	ssyncadd.s32 $0xFFFFFC00  }
0xb9: {  	_ =	swait.ge [sflag:s30], $0x400  }
0xba: {  	[sflag:s30] =	ssyncset.done $0x0  }
0xbb: {  	[sflag:s30] =	ssyncadd.s32 $0xFFFFFC00  }
0xbc: {  	_ =	swait.ge [sflag:s30], $0x400  }
0xbd: {  	[sflag:s30] =	ssyncset.done $0x0  }
0xbe: {  	[sflag:s30] =	ssyncadd.s32 $0xFFFFFC00  }
0xbf: {  	_ =	swait.ge [sflag:s30], $0x400  }
0xc0: {  	[sflag:s30] =	ssyncset.done $0x0  }
0xc1: {  	[sflag:s30] =	ssyncadd.s32 $0xFFFFFC00  }
0xc2: {  	_ =	swait.ge [sflag:s30], $0x400  }
0xc3: {  	[sflag:s30] =	ssyncset.done $0x0  }
0xc4: {  	[sflag:s30] =	ssyncadd.s32 $0xFFFFFC00  }
0xc5: {  	_ =	swait.ge [sflag:s30], $0x400  }
0xc6: {  	[sflag:s30] =	ssyncset.done $0x0  }
0xc7: {  	[sflag:s30] =	ssyncadd.s32 $0xFFFFFC00  }
0xc8: {  	_ =	swait.ge [sflag:s30], $0x400  }
0xc9: {  	[sflag:s30] =	ssyncset.done $0x0  }
0xca: {  	[sflag:s30] =	ssyncadd.s32 $0xFFFFFC00  }
0xcb: {  	_ =	swait.ge [sflag:s30], $0x400  }
0xcc: {  	[sflag:s30] =	ssyncset.done $0x0  }
0xcd: {  	[sflag:s30] =	ssyncadd.s32 $0xFFFFFC00  }
0xce: {  	_ =	swait.ge [sflag:s30], $0x400  }
0xcf: {  	[sflag:s30] =	ssyncset.done $0x0  }
0xd0: {  	[sflag:s30] =	ssyncadd.s32 $0xFFFFFC00  }
0xd1: {  	_ =	swait.ge [sflag:s30], $0x400  }
0xd2: {  	[sflag:s30] =	ssyncset.done $0x0  }
0xd3: {  	[sflag:s30] =	ssyncadd.s32 $0xFFFFFC00  }
0xd4: {  	v2 =	vld [tilespmem:s1+$0x0];
	_ =	sdelay $0x4  }
0xd5: {  	v2 =	vand.u32 $0x7, v2  }
0xd6: {  	v2 =	vshll.u32 v2, $0x7  }
0xd7: {  	v6 =	vmov v0;
	v3 =	vor.u32 v0, v2;
	v0 =	vld [tilespmem:$0x1FFA0];
	_ =	sdelay $0x1  }
0xd8: {  	s6 =	sadd.s32 $0x10, s11  }
0xd9: {  	v2 =	vmov s6  }
0xda: {  	v2 =	vshll.u32 v2, $0x5  }
0xdb: {  	v2 =	vor.u32 v0, v2;
	v0 =	vld [tilespmem:$0x1FFC0];
	_ =	sdelay $0x3  }
0xdc: {  	v4 =	vand.u32 $0x7FFFFF80, v2  }
0xdd: {  	v2 =	vld.idx.msk [tilespmem:v3+s17+$0x0], $0xffff;
	v0 =	vor.u32 v0, v4;
	_ =	sdelay $0x3  }
0xde: {  	[tilespmem:$0x1FF60] =	vst v0  }
0xdf: {  	v5 =	vor.u32 $0x1, v3;
	[tilespmem:v0+s25+$0x0] =	vst.idx.msk $0xffff, v2;
	v0 =	vld [tilespmem:$0x1FF80];
	_ =	sdelay $0x4  }
0xe0: {  	v2 =	vld.idx.msk [tilespmem:v5+s17+$0x0], $0xffff;
	v0 =	vor.u32 v0, v4;
	_ =	sdelay $0x3  }
0xe1: {  	[tilespmem:$0x1FF70] =	vst v0  }
0xe2: {  	v5 =	vor.u32 $0x2, v3;
	[tilespmem:v0+s25+$0x0] =	vst.idx.msk $0xffff, v2;
	v0 =	vld [tilespmem:$0x1FFE0];
	_ =	sdelay $0x4  }
0xe3: {  	v2 =	vld.idx.msk [tilespmem:v5+s17+$0x0], $0xffff;
	v36 =	vor.u32 v0, v4  }
0xe4: {  	v5 =	vor.u32 $0x3, v3;
	_ =	sdelay $0x3  }
0xe5: {  	[tilespmem:v36+s25+$0x0] =	vst.idx.msk $0xffff, v2  }
0xe6: {  	v37 =	vor.u32 v10, v4;
	v2 =	vld.idx.msk [tilespmem:v5+s17+$0x0], $0xffff  }
0xe7: {  	v5 =	vor.u32 $0x4, v3;
	_ =	sdelay $0x3  }
0xe8: {  	[tilespmem:v37+s25+$0x0] =	vst.idx.msk $0xffff, v2  }
0xe9: {  	v38 =	vor.u32 v11, v4;
	v2 =	vld.idx.msk [tilespmem:v5+s17+$0x0], $0xffff  }
0xea: {  	v5 =	vor.u32 $0x5, v3;
	_ =	sdelay $0x3  }
0xeb: {  	[tilespmem:v38+s25+$0x0] =	vst.idx.msk $0xffff, v2  }
0xec: {  	v39 =	vor.u32 v12, v4;
	v2 =	vld.idx.msk [tilespmem:v5+s17+$0x0], $0xffff  }
0xed: {  	v5 =	vor.u32 $0x6, v3;
	_ =	sdelay $0x3  }
0xee: {  	[tilespmem:v39+s25+$0x0] =	vst.idx.msk $0xffff, v2  }
0xef: {  	v40 =	vor.u32 v13, v4;
	v2 =	vld.idx.msk [tilespmem:v5+s17+$0x0], $0xffff  }
0xf0: {  	v5 =	vor.u32 $0x7, v3;
	_ =	sdelay $0x3  }
0xf1: {  	[tilespmem:v40+s25+$0x0] =	vst.idx.msk $0xffff, v2  }
0xf2: {  	v41 =	vor.u32 v14, v4;
	v2 =	vld.idx.msk [tilespmem:v5+s17+$0x0], $0xffff  }
0xf3: {  	v5 =	vor.u32 $0x8, v3;
	_ =	sdelay $0x3  }
0xf4: {  	[tilespmem:v41+s25+$0x0] =	vst.idx.msk $0xffff, v2  }
0xf5: {  	v42 =	vor.u32 v15, v4;
	v2 =	vld.idx.msk [tilespmem:v5+s17+$0x0], $0xffff  }
0xf6: {  	v5 =	vor.u32 $0x9, v3;
	_ =	sdelay $0x3  }
0xf7: {  	[tilespmem:v42+s25+$0x0] =	vst.idx.msk $0xffff, v2  }
0xf8: {  	v43 =	vor.u32 v16, v4;
	v2 =	vld.idx.msk [tilespmem:v5+s17+$0x0], $0xffff  }
0xf9: {  	v5 =	vor.u32 $0xA, v3;
	_ =	sdelay $0x3  }
0xfa: {  	[tilespmem:v43+s25+$0x0] =	vst.idx.msk $0xffff, v2  }
0xfb: {  	v44 =	vor.u32 v17, v4;
	v2 =	vld.idx.msk [tilespmem:v5+s17+$0x0], $0xffff  }
0xfc: {  	v5 =	vor.u32 $0xB, v3;
	_ =	sdelay $0x3  }
0xfd: {  	[tilespmem:v44+s25+$0x0] =	vst.idx.msk $0xffff, v2  }
0xfe: {  	v45 =	vor.u32 v18, v4;
	v2 =	vld.idx.msk [tilespmem:v5+s17+$0x0], $0xffff  }
0xff: {  	v5 =	vor.u32 $0xC, v3;
	_ =	sdelay $0x3  }
0x100: {  	[tilespmem:v45+s25+$0x0] =	vst.idx.msk $0xffff, v2  }
0x101: {  	v46 =	vor.u32 v19, v4;
	v2 =	vld.idx.msk [tilespmem:v5+s17+$0x0], $0xffff  }
0x102: {  	v5 =	vor.u32 $0xD, v3;
	_ =	sdelay $0x3  }
0x103: {  	[tilespmem:v46+s25+$0x0] =	vst.idx.msk $0xffff, v2  }
0x104: {  	v47 =	vor.u32 v20, v4;
	v2 =	vld.idx.msk [tilespmem:v5+s17+$0x0], $0xffff  }
0x105: {  	v5 =	vor.u32 $0xE, v3;
	_ =	sdelay $0x3  }
0x106: {  	[tilespmem:v47+s25+$0x0] =	vst.idx.msk $0xffff, v2  }
0x107: {  	v48 =	vor.u32 v21, v4;
	v2 =	vld.idx.msk [tilespmem:v5+s17+$0x0], $0xffff  }
0x108: {  	v5 =	vor.u32 $0xF, v3;
	_ =	sdelay $0x3  }
0x109: {  	[tilespmem:v48+s25+$0x0] =	vst.idx.msk $0xffff, v2  }
0x10a: {  	v49 =	vor.u32 v22, v4;
	v2 =	vld.idx.msk [tilespmem:v5+s17+$0x0], $0xffff  }
0x10b: {  	v5 =	vor.u32 $0x10, v3;
	_ =	sdelay $0x3  }
0x10c: {  	[tilespmem:v49+s25+$0x0] =	vst.idx.msk $0xffff, v2  }
0x10d: {  	v50 =	vor.u32 v23, v4;
	v2 =	vld.idx.msk [tilespmem:v5+s17+$0x0], $0xffff  }
0x10e: {  	v5 =	vor.u32 $0x11, v3;
	_ =	sdelay $0x3  }
0x10f: {  	[tilespmem:v50+s25+$0x0] =	vst.idx.msk $0xffff, v2  }
0x110: {  	v51 =	vor.u32 v24, v4;
	v2 =	vld.idx.msk [tilespmem:v5+s17+$0x0], $0xffff  }
0x111: {  	v5 =	vor.u32 $0x12, v3;
	_ =	sdelay $0x3  }
0x112: {  	[tilespmem:v51+s25+$0x0] =	vst.idx.msk $0xffff, v2  }
0x113: {  	v52 =	vor.u32 v25, v4;
	v2 =	vld.idx.msk [tilespmem:v5+s17+$0x0], $0xffff  }
0x114: {  	v5 =	vor.u32 $0x13, v3;
	_ =	sdelay $0x3  }
0x115: {  	[tilespmem:v52+s25+$0x0] =	vst.idx.msk $0xffff, v2  }
0x116: {  	v53 =	vor.u32 v26, v4;
	v2 =	vld.idx.msk [tilespmem:v5+s17+$0x0], $0xffff  }
0x117: {  	v5 =	vor.u32 $0x14, v3;
	_ =	sdelay $0x3  }
0x118: {  	[tilespmem:v53+s25+$0x0] =	vst.idx.msk $0xffff, v2  }
0x119: {  	v54 =	vor.u32 v27, v4;
	v2 =	vld.idx.msk [tilespmem:v5+s17+$0x0], $0xffff  }
0x11a: {  	v5 =	vor.u32 $0x15, v3;
	_ =	sdelay $0x3  }
0x11b: {  	[tilespmem:v54+s25+$0x0] =	vst.idx.msk $0xffff, v2  }
0x11c: {  	v55 =	vor.u32 v28, v4;
	v2 =	vld.idx.msk [tilespmem:v5+s17+$0x0], $0xffff  }
0x11d: {  	v5 =	vor.u32 $0x16, v3;
	_ =	sdelay $0x3  }
0x11e: {  	[tilespmem:v55+s25+$0x0] =	vst.idx.msk $0xffff, v2  }
0x11f: {  	v56 =	vor.u32 v29, v4;
	v2 =	vld.idx.msk [tilespmem:v5+s17+$0x0], $0xffff  }
0x120: {  	v5 =	vor.u32 $0x17, v3;
	_ =	sdelay $0x3  }
0x121: {  	[tilespmem:v56+s25+$0x0] =	vst.idx.msk $0xffff, v2  }
0x122: {  	v57 =	vor.u32 v30, v4;
	v2 =	vld.idx.msk [tilespmem:v5+s17+$0x0], $0xffff  }
0x123: {  	v5 =	vor.u32 $0x18, v3;
	_ =	sdelay $0x3  }
0x124: {  	[tilespmem:v57+s25+$0x0] =	vst.idx.msk $0xffff, v2  }
0x125: {  	v58 =	vor.u32 v31, v4;
	v2 =	vld.idx.msk [tilespmem:v5+s17+$0x0], $0xffff  }
0x126: {  	v5 =	vor.u32 $0x19, v3;
	_ =	sdelay $0x3  }
0x127: {  	[tilespmem:v58+s25+$0x0] =	vst.idx.msk $0xffff, v2  }
0x128: {  	v59 =	vor.u32 v32, v4;
	v2 =	vld.idx.msk [tilespmem:v5+s17+$0x0], $0xffff  }
0x129: {  	v5 =	vor.u32 $0x1A, v3;
	_ =	sdelay $0x3  }
0x12a: {  	[tilespmem:v59+s25+$0x0] =	vst.idx.msk $0xffff, v2  }
0x12b: {  	v60 =	vor.u32 v33, v4;
	v2 =	vld.idx.msk [tilespmem:v5+s17+$0x0], $0xffff  }
0x12c: {  	v5 =	vor.u32 $0x1B, v3;
	_ =	sdelay $0x3  }
0x12d: {  	[tilespmem:v60+s25+$0x0] =	vst.idx.msk $0xffff, v2  }
0x12e: {  	v61 =	vor.u32 v1, v4;
	v2 =	vld.idx.msk [tilespmem:v5+s17+$0x0], $0xffff  }
0x12f: {  	v0 =	vld [tilespmem:$0x1FF90];
	v5 =	vor.u32 $0x1C, v3;
	_ =	sdelay $0x3  }
0x130: {  	[tilespmem:v61+s25+$0x0] =	vst.idx.msk $0xffff, v2  }
0x131: {  	v62 =	vor.u32 v0, v4;
	v2 =	vld.idx.msk [tilespmem:v5+s17+$0x0], $0xffff  }
0x132: {  	v7 =	vld [tilespmem:$0x1FFB0];
	v5 =	vor.u32 $0x1D, v3;
	_ =	sdelay $0x3  }
0x133: {  	[tilespmem:v62+s25+$0x0] =	vst.idx.msk $0xffff, v2  }
0x134: {  	v63 =	vor.u32 v7, v4;
	v2 =	vld.idx.msk [tilespmem:v5+s17+$0x0], $0xffff  }
0x135: {  	v8 =	vld [tilespmem:$0x1FFD0];
	v5 =	vor.u32 $0x1E, v3;
	_ =	sdelay $0x3  }
0x136: {  	[tilespmem:v63+s25+$0x0] =	vst.idx.msk $0xffff, v2  }
0x137: {  	v2 =	vor.u32 v8, v4;
	v5 =	vld.idx.msk [tilespmem:v5+s17+$0x0], $0xffff  }
0x138: {  	v9 =	vld [tilespmem:$0x1FFF0];
	v3 =	vor.u32 $0x1F, v3;
	_ =	sdelay $0x3  }
0x139: {  	[tilespmem:v2+s25+$0x0] =	vst.idx.msk $0xffff, v5  }
0x13a: {  	v5 =	vld.idx.msk [tilespmem:v3+s17+$0x0], $0xffff;
	v3 =	vor.u32 v9, v4;
	_ =	sdelay $0x4  }
0x13b: {  	[tilespmem:v3+s25+$0x0] =	vst.idx.msk $0xffff, v5  }
0x13c: {  	_ =	swait.ge [sflag:s31], $0x400  }
0x13d: {  	[sflag:s31] =	ssyncset.done $0x0  }
0x13e: {  	[sflag:s31] =	ssyncadd.s32 $0xFFFFFC00  }
0x13f: {  	_ =	swait.ge [sflag:s31], $0x400  }
0x140: {  	[sflag:s31] =	ssyncset.done $0x0  }
0x141: {  	[sflag:s31] =	ssyncadd.s32 $0xFFFFFC00  }
0x142: {  	_ =	swait.ge [sflag:s31], $0x400  }
0x143: {  	[sflag:s31] =	ssyncset.done $0x0  }
0x144: {  	[sflag:s31] =	ssyncadd.s32 $0xFFFFFC00  }
0x145: {  	_ =	swait.ge [sflag:s31], $0x400  }
0x146: {  	[sflag:s31] =	ssyncset.done $0x0  }
0x147: {  	[sflag:s31] =	ssyncadd.s32 $0xFFFFFC00  }
0x148: {  	_ =	swait.ge [sflag:s31], $0x400  }
0x149: {  	[sflag:s31] =	ssyncset.done $0x0  }
0x14a: {  	[sflag:s31] =	ssyncadd.s32 $0xFFFFFC00  }
0x14b: {  	_ =	swait.ge [sflag:s31], $0x400  }
0x14c: {  	[sflag:s31] =	ssyncset.done $0x0  }
0x14d: {  	[sflag:s31] =	ssyncadd.s32 $0xFFFFFC00  }
0x14e: {  	_ =	swait.ge [sflag:s31], $0x400  }
0x14f: {  	[sflag:s31] =	ssyncset.done $0x0  }
0x150: {  	[sflag:s31] =	ssyncadd.s32 $0xFFFFFC00  }
0x151: {  	_ =	swait.ge [sflag:s31], $0x400  }
0x152: {  	[sflag:s31] =	ssyncset.done $0x0  }
0x153: {  	[sflag:s31] =	ssyncadd.s32 $0xFFFFFC00  }
0x154: {  	_ =	swait.ge [sflag:s31], $0x400  }
0x155: {  	[sflag:s31] =	ssyncset.done $0x0  }
0x156: {  	[sflag:s31] =	ssyncadd.s32 $0xFFFFFC00  }
0x157: {  	_ =	swait.ge [sflag:s31], $0x400  }
0x158: {  	[sflag:s31] =	ssyncset.done $0x0  }
0x159: {  	[sflag:s31] =	ssyncadd.s32 $0xFFFFFC00  }
0x15a: {  	_ =	swait.ge [sflag:s31], $0x400  }
0x15b: {  	[sflag:s31] =	ssyncset.done $0x0  }
0x15c: {  	[sflag:s31] =	ssyncadd.s32 $0xFFFFFC00  }
0x15d: {  	_ =	swait.ge [sflag:s31], $0x400  }
0x15e: {  	[sflag:s31] =	ssyncset.done $0x0  }
0x15f: {  	[sflag:s31] =	ssyncadd.s32 $0xFFFFFC00  }
0x160: {  	_ =	swait.ge [sflag:s31], $0x400  }
0x161: {  	[sflag:s31] =	ssyncset.done $0x0  }
0x162: {  	[sflag:s31] =	ssyncadd.s32 $0xFFFFFC00  }
0x163: {  	_ =	swait.ge [sflag:s31], $0x400  }
0x164: {  	[sflag:s31] =	ssyncset.done $0x0  }
0x165: {  	[sflag:s31] =	ssyncadd.s32 $0xFFFFFC00  }
0x166: {  	_ =	swait.ge [sflag:s31], $0x400  }
0x167: {  	[sflag:s31] =	ssyncset.done $0x0  }
0x168: {  	[sflag:s31] =	ssyncadd.s32 $0xFFFFFC00  }
0x169: {  	_ =	swait.ge [sflag:s31], $0x400  }
0x16a: {  	[sflag:s31] =	ssyncset.done $0x0  }
0x16b: {  	[sflag:s31] =	ssyncadd.s32 $0xFFFFFC00  }
0x16c: {  	v4 =	vld [tilespmem:s0+$0x0];
	_ =	sdelay $0x4  }
0x16d: {  	v4 =	vand.u32 $0x7, v4  }
0x16e: {  	v4 =	vshll.u32 v4, $0x7  }
0x16f: {  	v4 =	vor.u32 v6, v4;
	_ =	sdelay $0x1  }
0x170: {  	v35 =	vld [tilespmem:$0x1FF60];
	_ =	sdelay $0x2  }
0x171: {  	v5 =	vld.idx.msk [tilespmem:v4+s5+$0x0], $0xffff;
	_ =	sdelay $0x2  }
0x172: {  	v34 =	vmovc v10;
	v10 =	vmov v1;
	v1 =	vmov v6;
	v6 =	vor.u32 $0x1, v4;
	_ =	sdelay $0x1  }
0x173: {  	[tilespmem:v35+s28+$0x0] =	vst.idx.msk $0xffff, v5;
	v35 =	vld [tilespmem:$0x1FF70];
	_ =	sdelay $0x2  }
0x174: {  	v5 =	vld.idx.msk [tilespmem:v6+s5+$0x0], $0xffff  }
0x175: {  	v6 =	vor.u32 $0x2, v4;
	_ =	sdelay $0x3  }
0x176: {  	[tilespmem:v35+s28+$0x0] =	vst.idx.msk $0xffff, v5  }
0x177: {  	v5 =	vld.idx.msk [tilespmem:v6+s5+$0x0], $0xffff  }
0x178: {  	v6 =	vor.u32 $0x3, v4;
	_ =	sdelay $0x3  }
0x179: {  	[tilespmem:v36+s28+$0x0] =	vst.idx.msk $0xffff, v5  }
0x17a: {  	v5 =	vld.idx.msk [tilespmem:v6+s5+$0x0], $0xffff  }
0x17b: {  	v6 =	vor.u32 $0x4, v4;
	_ =	sdelay $0x3  }
0x17c: {  	[tilespmem:v37+s28+$0x0] =	vst.idx.msk $0xffff, v5  }
0x17d: {  	v5 =	vld.idx.msk [tilespmem:v6+s5+$0x0], $0xffff  }
0x17e: {  	v6 =	vor.u32 $0x5, v4;
	_ =	sdelay $0x3  }
0x17f: {  	[tilespmem:v38+s28+$0x0] =	vst.idx.msk $0xffff, v5  }
0x180: {  	v5 =	vld.idx.msk [tilespmem:v6+s5+$0x0], $0xffff  }
0x181: {  	v6 =	vor.u32 $0x6, v4;
	_ =	sdelay $0x3  }
0x182: {  	[tilespmem:v39+s28+$0x0] =	vst.idx.msk $0xffff, v5  }
0x183: {  	v5 =	vld.idx.msk [tilespmem:v6+s5+$0x0], $0xffff  }
0x184: {  	v6 =	vor.u32 $0x7, v4;
	_ =	sdelay $0x3  }
0x185: {  	[tilespmem:v40+s28+$0x0] =	vst.idx.msk $0xffff, v5  }
0x186: {  	v5 =	vld.idx.msk [tilespmem:v6+s5+$0x0], $0xffff  }
0x187: {  	v6 =	vor.u32 $0x8, v4;
	_ =	sdelay $0x3  }
0x188: {  	[tilespmem:v41+s28+$0x0] =	vst.idx.msk $0xffff, v5  }
0x189: {  	v5 =	vld.idx.msk [tilespmem:v6+s5+$0x0], $0xffff  }
0x18a: {  	v6 =	vor.u32 $0x9, v4;
	_ =	sdelay $0x3  }
0x18b: {  	[tilespmem:v42+s28+$0x0] =	vst.idx.msk $0xffff, v5  }
0x18c: {  	v5 =	vld.idx.msk [tilespmem:v6+s5+$0x0], $0xffff  }
0x18d: {  	v6 =	vor.u32 $0xA, v4;
	_ =	sdelay $0x3  }
0x18e: {  	[tilespmem:v43+s28+$0x0] =	vst.idx.msk $0xffff, v5  }
0x18f: {  	v5 =	vld.idx.msk [tilespmem:v6+s5+$0x0], $0xffff  }
0x190: {  	v6 =	vor.u32 $0xB, v4;
	_ =	sdelay $0x3  }
0x191: {  	[tilespmem:v44+s28+$0x0] =	vst.idx.msk $0xffff, v5  }
0x192: {  	v5 =	vld.idx.msk [tilespmem:v6+s5+$0x0], $0xffff  }
0x193: {  	v6 =	vor.u32 $0xC, v4;
	_ =	sdelay $0x3  }
0x194: {  	[tilespmem:v45+s28+$0x0] =	vst.idx.msk $0xffff, v5  }
0x195: {  	v5 =	vld.idx.msk [tilespmem:v6+s5+$0x0], $0xffff  }
0x196: {  	v6 =	vor.u32 $0xD, v4;
	_ =	sdelay $0x3  }
0x197: {  	[tilespmem:v46+s28+$0x0] =	vst.idx.msk $0xffff, v5  }
0x198: {  	v5 =	vld.idx.msk [tilespmem:v6+s5+$0x0], $0xffff  }
0x199: {  	v6 =	vor.u32 $0xE, v4;
	_ =	sdelay $0x3  }
0x19a: {  	[tilespmem:v47+s28+$0x0] =	vst.idx.msk $0xffff, v5  }
0x19b: {  	v5 =	vld.idx.msk [tilespmem:v6+s5+$0x0], $0xffff  }
0x19c: {  	v6 =	vor.u32 $0xF, v4;
	_ =	sdelay $0x3  }
0x19d: {  	[tilespmem:v48+s28+$0x0] =	vst.idx.msk $0xffff, v5  }
0x19e: {  	v5 =	vld.idx.msk [tilespmem:v6+s5+$0x0], $0xffff  }
0x19f: {  	v6 =	vor.u32 $0x10, v4;
	_ =	sdelay $0x3  }
0x1a0: {  	[tilespmem:v49+s28+$0x0] =	vst.idx.msk $0xffff, v5  }
0x1a1: {  	v5 =	vld.idx.msk [tilespmem:v6+s5+$0x0], $0xffff  }
0x1a2: {  	v6 =	vor.u32 $0x11, v4;
	_ =	sdelay $0x3  }
0x1a3: {  	[tilespmem:v50+s28+$0x0] =	vst.idx.msk $0xffff, v5  }
0x1a4: {  	v5 =	vld.idx.msk [tilespmem:v6+s5+$0x0], $0xffff  }
0x1a5: {  	v6 =	vor.u32 $0x12, v4;
	_ =	sdelay $0x3  }
0x1a6: {  	[tilespmem:v51+s28+$0x0] =	vst.idx.msk $0xffff, v5  }
0x1a7: {  	v5 =	vld.idx.msk [tilespmem:v6+s5+$0x0], $0xffff  }
0x1a8: {  	v6 =	vor.u32 $0x13, v4;
	_ =	sdelay $0x3  }
0x1a9: {  	[tilespmem:v52+s28+$0x0] =	vst.idx.msk $0xffff, v5  }
0x1aa: {  	v5 =	vld.idx.msk [tilespmem:v6+s5+$0x0], $0xffff  }
0x1ab: {  	v6 =	vor.u32 $0x14, v4;
	_ =	sdelay $0x3  }
0x1ac: {  	[tilespmem:v53+s28+$0x0] =	vst.idx.msk $0xffff, v5  }
0x1ad: {  	v5 =	vld.idx.msk [tilespmem:v6+s5+$0x0], $0xffff  }
0x1ae: {  	v6 =	vor.u32 $0x15, v4;
	_ =	sdelay $0x3  }
0x1af: {  	[tilespmem:v54+s28+$0x0] =	vst.idx.msk $0xffff, v5  }
0x1b0: {  	v5 =	vld.idx.msk [tilespmem:v6+s5+$0x0], $0xffff  }
0x1b1: {  	v6 =	vor.u32 $0x16, v4;
	_ =	sdelay $0x3  }
0x1b2: {  	[tilespmem:v55+s28+$0x0] =	vst.idx.msk $0xffff, v5  }
0x1b3: {  	v5 =	vld.idx.msk [tilespmem:v6+s5+$0x0], $0xffff  }
0x1b4: {  	v6 =	vor.u32 $0x17, v4;
	_ =	sdelay $0x3  }
0x1b5: {  	[tilespmem:v56+s28+$0x0] =	vst.idx.msk $0xffff, v5  }
0x1b6: {  	v5 =	vld.idx.msk [tilespmem:v6+s5+$0x0], $0xffff  }
0x1b7: {  	v6 =	vor.u32 $0x18, v4;
	_ =	sdelay $0x3  }
0x1b8: {  	[tilespmem:v57+s28+$0x0] =	vst.idx.msk $0xffff, v5  }
0x1b9: {  	v5 =	vld.idx.msk [tilespmem:v6+s5+$0x0], $0xffff  }
0x1ba: {  	v6 =	vor.u32 $0x19, v4;
	_ =	sdelay $0x3  }
0x1bb: {  	[tilespmem:v58+s28+$0x0] =	vst.idx.msk $0xffff, v5  }
0x1bc: {  	v5 =	vld.idx.msk [tilespmem:v6+s5+$0x0], $0xffff  }
0x1bd: {  	v6 =	vor.u32 $0x1A, v4;
	_ =	sdelay $0x3  }
0x1be: {  	[tilespmem:v59+s28+$0x0] =	vst.idx.msk $0xffff, v5  }
0x1bf: {  	v5 =	vld.idx.msk [tilespmem:v6+s5+$0x0], $0xffff  }
0x1c0: {  	v6 =	vor.u32 $0x1B, v4;
	_ =	sdelay $0x3  }
0x1c1: {  	[tilespmem:v60+s28+$0x0] =	vst.idx.msk $0xffff, v5  }
0x1c2: {  	v5 =	vld.idx.msk [tilespmem:v6+s5+$0x0], $0xffff  }
0x1c3: {  	v6 =	vor.u32 $0x1C, v4;
	_ =	sdelay $0x3  }
0x1c4: {  	[tilespmem:v61+s28+$0x0] =	vst.idx.msk $0xffff, v5  }
0x1c5: {  	v5 =	vld.idx.msk [tilespmem:v6+s5+$0x0], $0xffff  }
0x1c6: {  	v6 =	vor.u32 $0x1D, v4;
	_ =	sdelay $0x3  }
0x1c7: {  	[tilespmem:v62+s28+$0x0] =	vst.idx.msk $0xffff, v5  }
0x1c8: {  	v5 =	vld.idx.msk [tilespmem:v6+s5+$0x0], $0xffff  }
0x1c9: {  	v6 =	vor.u32 $0x1E, v4;
	_ =	sdelay $0x3  }
0x1ca: {  	[tilespmem:v63+s28+$0x0] =	vst.idx.msk $0xffff, v5  }
0x1cb: {  	v5 =	vld.idx.msk [tilespmem:v6+s5+$0x0], $0xffff  }
0x1cc: {  	v4 =	vor.u32 $0x1F, v4;
	_ =	sdelay $0x3  }
0x1cd: {  	s11 =	sadd.s32 $0x20, s11;
	[tilespmem:v2+s28+$0x0] =	vst.idx.msk $0xffff, v5  }
0x1ce: {  	p0 =	sne.s32 s11, $0x200;
	v38 =	vmov v34;
	v2 =	vld.idx.msk [tilespmem:v4+s5+$0x0], $0xffff  }
.Ltmp3:
0x1cf: {  	v39 =	vmovc v11;
	v40 =	vmovc v12;
	v41 =	vmov v13;
	v42 =	vmov v14;
	v43 =	vmov v15;
	(pc) =	sbr.rel @!p0 .LBB2_5-.Ltmp3, $4  }
0x1d0: {  	v44 =	vmovc v16;
	v45 =	vmovc v17;
	v46 =	vmov v18;
	v47 =	vmov v19;
	v63 =	vmov v0;
	v0 =	vld [tilespmem:$0x1FFC0]  }
0x1d1: {  	v48 =	vmovc v20;
	v49 =	vmovc v21;
	v50 =	vmov v22;
	v51 =	vmov v23;
	v52 =	vmov v24;
	v6 =	vld [tilespmem:$0x1FFE0]  }
0x1d2: {  	v53 =	vmovc v25;
	v54 =	vmovc v26;
	v55 =	vmov v27;
	v56 =	vmov v28;
	v57 =	vmov v29;
	v5 =	vld [tilespmem:$0x1FF80]  }
0x1d3: {  	s1 =	sadd.s32 $0x20, s1;
	s0 =	sadd.s32 $0x20, s0;
	v58 =	vmovc v30;
	v59 =	vmovc v31;
	v60 =	vmov v32;
	v61 =	vmov v33;
	v62 =	vmov v10;
	v4 =	vld [tilespmem:$0x1FFA0];
	[tilespmem:v3+s28+$0x0] =	vst.idx.msk $0xffff, v2  }
.LBB2_2:
0x1d4: {  	v2 =	vld [tilespmem:s1+$0x0];
	_ =	sdelay $0x4  }
0x1d5: {  	v2 =	vshrl.u32 v2, $0x3  }
0x1d6: {  	v2 =	vshll.u32 v2, $0x7  }
0x1d7: {  	(v2sf) =	vpush v2, $0x0;
	_ =	sdelay $0x2  }
0x1d8: {  	(v2sf) =	vpush v2, $0x1;
	_ =	sdelay $0x2  }
0x1d9: {  	(v2sf) =	vpush v2, $0x2;
	_ =	sdelay $0x4  }
0x1da: {  	(v2sf) =	vpush v2, $0x3;
	_ =	sdelay $0x3  }
0x1db: {  	s6 =	spop (v2sf);
	(v2sf) =	vpush v2, $0x4;
	_ =	sdelay $0x1  }
0x1dc: {  	s6 =	sand.u32 $0x1FFFFF80, s6  }
0x1dd: {  	s8 =	spop (v2sf);
	s6 =	sadd.s32 s3, s6  }
0x1de: {  	(v2sf) =	vpush v2, $0x5;
	[tilespmem:s17], [sflag:$0x2] =	stream.linear.gather [hbm4b:s6+s2], $0x400, $0x38;
	[tilespmem:$0x18400] =	vst v63  }
0x1df: {  	s6 =	sand.u32 $0x1FFFFF80, s8  }
0x1e0: {  	s8 =	spop (v2sf);
	s6 =	sadd.s32 s3, s6  }
0x1e1: {  	[tilespmem:s7], [sflag:$0x2] =	stream.linear.gather [hbm4b:s6+s2], $0x400, $0x38;
	[tilespmem:$0x18400] =	vst v63  }
0x1e2: {  	(v2sf) =	vpush v2, $0x6;
	s6 =	sand.u32 $0x1FFFFF80, s8  }
0x1e3: {  	s8 =	simm.s32 $0x4C00;
	s6 =	sadd.s32 s3, s6  }
0x1e4: {  	[tilespmem:s8], [sflag:$0x2] =	stream.linear.gather [hbm4b:s6+s2], $0x400, $0x38;
	[tilespmem:$0x18400] =	vst v63  }
0x1e5: {  	s8 =	spop (v2sf)  }
0x1e6: {  	(v2sf) =	vpush v2, $0x7;
	s6 =	sand.u32 $0x1FFFFF80, s8  }
0x1e7: {  	s8 =	simm.s32 $0x5000;
	s6 =	sadd.s32 s3, s6  }
0x1e8: {  	[tilespmem:s8], [sflag:$0x2] =	stream.linear.gather [hbm4b:s6+s2], $0x400, $0x38;
	[tilespmem:$0x18400] =	vst v63  }
0x1e9: {  	s8 =	spop (v2sf)  }
0x1ea: {  	(v2sf) =	vpush v2, $0x8;
	s6 =	sand.u32 $0x1FFFFF80, s8  }
0x1eb: {  	s8 =	simm.s32 $0x5400;
	s6 =	sadd.s32 s3, s6  }
0x1ec: {  	[tilespmem:s8], [sflag:$0x2] =	stream.linear.gather [hbm4b:s6+s2], $0x400, $0x38;
	[tilespmem:$0x18400] =	vst v63  }
0x1ed: {  	s8 =	spop (v2sf)  }
0x1ee: {  	(v2sf) =	vpush v2, $0x9;
	s6 =	sand.u32 $0x1FFFFF80, s8  }
0x1ef: {  	s8 =	simm.s32 $0x5800;
	s6 =	sadd.s32 s3, s6  }
0x1f0: {  	[tilespmem:s8], [sflag:$0x2] =	stream.linear.gather [hbm4b:s6+s2], $0x400, $0x38;
	[tilespmem:$0x18400] =	vst v63  }
0x1f1: {  	s8 =	spop (v2sf)  }
0x1f2: {  	(v2sf) =	vpush v2, $0xA;
	s6 =	sand.u32 $0x1FFFFF80, s8  }
0x1f3: {  	s8 =	simm.s32 $0x5C00;
	s6 =	sadd.s32 s3, s6  }
0x1f4: {  	[tilespmem:s8], [sflag:$0x2] =	stream.linear.gather [hbm4b:s6+s2], $0x400, $0x38;
	[tilespmem:$0x18400] =	vst v63  }
0x1f5: {  	s8 =	spop (v2sf)  }
0x1f6: {  	(v2sf) =	vpush v2, $0xB;
	s6 =	sand.u32 $0x1FFFFF80, s8  }
0x1f7: {  	s8 =	simm.s32 $0x6000;
	s6 =	sadd.s32 s3, s6  }
0x1f8: {  	[tilespmem:s8], [sflag:$0x2] =	stream.linear.gather [hbm4b:s6+s2], $0x400, $0x38;
	[tilespmem:$0x18400] =	vst v63  }
0x1f9: {  	s8 =	spop (v2sf)  }
0x1fa: {  	(v2sf) =	vpush v2, $0xC;
	s6 =	sand.u32 $0x1FFFFF80, s8  }
0x1fb: {  	s8 =	simm.s32 $0x6400;
	s6 =	sadd.s32 s3, s6  }
0x1fc: {  	[tilespmem:s8], [sflag:$0x2] =	stream.linear.gather [hbm4b:s6+s2], $0x400, $0x38;
	[tilespmem:$0x18400] =	vst v63  }
0x1fd: {  	s8 =	spop (v2sf)  }
0x1fe: {  	(v2sf) =	vpush v2, $0xD;
	s6 =	sand.u32 $0x1FFFFF80, s8  }
0x1ff: {  	s8 =	simm.s32 $0x6800;
	s6 =	sadd.s32 s3, s6  }
0x200: {  	[tilespmem:s8], [sflag:$0x2] =	stream.linear.gather [hbm4b:s6+s2], $0x400, $0x38;
	[tilespmem:$0x18400] =	vst v63  }
0x201: {  	s8 =	spop (v2sf)  }
0x202: {  	(v2sf) =	vpush v2, $0xE;
	s6 =	sand.u32 $0x1FFFFF80, s8  }
0x203: {  	s8 =	simm.s32 $0x6C00;
	s6 =	sadd.s32 s3, s6  }
0x204: {  	[tilespmem:s8], [sflag:$0x2] =	stream.linear.gather [hbm4b:s6+s2], $0x400, $0x38;
	[tilespmem:$0x18400] =	vst v63  }
0x205: {  	s8 =	spop (v2sf)  }
0x206: {  	(v2sf) =	vpush v2, $0xF;
	s6 =	sand.u32 $0x1FFFFF80, s8  }
0x207: {  	s8 =	simm.s32 $0x7000;
	s6 =	sadd.s32 s3, s6  }
0x208: {  	[tilespmem:s8], [sflag:$0x2] =	stream.linear.gather [hbm4b:s6+s2], $0x400, $0x38;
	[tilespmem:$0x18400] =	vst v63  }
0x209: {  	s8 =	spop (v2sf)  }
0x20a: {  	s6 =	sand.u32 $0x1FFFFF80, s8  }
0x20b: {  	s8 =	simm.s32 $0x7400;
	s6 =	sadd.s32 s3, s6  }
0x20c: {  	[tilespmem:s8], [sflag:$0x2] =	stream.linear.gather [hbm4b:s6+s2], $0x400, $0x38;
	[tilespmem:$0x18400] =	vst v63  }
0x20d: {  	s8 =	spop (v2sf)  }
0x20e: {  	s6 =	sand.u32 $0x1FFFFF80, s8  }
0x20f: {  	s8 =	simm.s32 $0x7800;
	s6 =	sadd.s32 s3, s6  }
0x210: {  	[tilespmem:s8], [sflag:$0x2] =	stream.linear.gather [hbm4b:s6+s2], $0x400, $0x38;
	[tilespmem:$0x18400] =	vst v63  }
0x211: {  	s8 =	spop (v2sf)  }
0x212: {  	s6 =	sand.u32 $0x1FFFFF80, s8  }
0x213: {  	s8 =	simm.s32 $0x7C00;
	s6 =	sadd.s32 s3, s6  }
0x214: {  	[tilespmem:s8], [sflag:$0x2] =	stream.linear.gather [hbm4b:s6+s2], $0x400, $0x38;
	[tilespmem:$0x18400] =	vst v63  }
0x215: {  	s8 =	spop (v2sf)  }
0x216: {  	s6 =	sand.u32 $0x1FFFFF80, s8  }
0x217: {  	s8 =	simm.s32 $0x8000;
	s6 =	sadd.s32 s3, s6  }
0x218: {  	[tilespmem:s8], [sflag:$0x2] =	stream.linear.gather [hbm4b:s6+s2], $0x400, $0x38;
	[tilespmem:$0x18400] =	vst v63  }
0x219: {  	v2 =	vld [tilespmem:s0+$0x0];
	_ =	sdelay $0x4  }
0x21a: {  	v2 =	vshrl.u32 v2, $0x3  }
0x21b: {  	v2 =	vshll.u32 v2, $0x7  }
0x21c: {  	(v2sf) =	vpush v2, $0x0;
	_ =	sdelay $0x1  }
0x21d: {  	(v2sf) =	vpush v2, $0x1;
	_ =	sdelay $0x4  }
0x21e: {  	(v2sf) =	vpush v2, $0x2;
	_ =	sdelay $0x3  }
0x21f: {  	(v2sf) =	vpush v2, $0x3;
	_ =	sdelay $0x3  }
0x220: {  	s8 =	spop (v2sf);
	(v2sf) =	vpush v2, $0x4  }
0x221: {  	s6 =	sand.u32 $0x1FFFFF80, s8  }
0x222: {  	s8 =	spop (v2sf);
	(v2sf) =	vpush v2, $0x5;
	s6 =	sadd.s32 s4, s6  }
0x223: {  	[tilespmem:s5], [sflag:$0x4] =	stream.linear.gather [hbm4b:s6+s2], $0x400, $0x38;
	[tilespmem:$0x18400] =	vst v63  }
0x224: {  	s6 =	sand.u32 $0x1FFFFF80, s8  }
0x225: {  	s8 =	simm.s32 $0xC800;
	s6 =	sadd.s32 s4, s6  }
0x226: {  	[tilespmem:s8], [sflag:$0x4] =	stream.linear.gather [hbm4b:s6+s2], $0x400, $0x38;
	[tilespmem:$0x18400] =	vst v63  }
0x227: {  	s8 =	spop (v2sf);
	(v2sf) =	vpush v2, $0x6  }
0x228: {  	s6 =	sand.u32 $0x1FFFFF80, s8  }
0x229: {  	s8 =	simm.s32 $0xCC00;
	s6 =	sadd.s32 s4, s6  }
0x22a: {  	[tilespmem:s8], [sflag:$0x4] =	stream.linear.gather [hbm4b:s6+s2], $0x400, $0x38;
	[tilespmem:$0x18400] =	vst v63  }
0x22b: {  	s8 =	spop (v2sf);
	(v2sf) =	vpush v2, $0x7  }
0x22c: {  	s6 =	sand.u32 $0x1FFFFF80, s8  }
0x22d: {  	s8 =	simm.s32 $0xD000;
	s6 =	sadd.s32 s4, s6  }
0x22e: {  	[tilespmem:s8], [sflag:$0x4] =	stream.linear.gather [hbm4b:s6+s2], $0x400, $0x38;
	[tilespmem:$0x18400] =	vst v63  }
0x22f: {  	s8 =	spop (v2sf);
	(v2sf) =	vpush v2, $0x8  }
0x230: {  	s6 =	sand.u32 $0x1FFFFF80, s8  }
0x231: {  	s8 =	spop (v2sf);
	(v2sf) =	vpush v2, $0x9;
	s6 =	sadd.s32 s4, s6  }
0x232: {  	[tilespmem:s9], [sflag:$0x4] =	stream.linear.gather [hbm4b:s6+s2], $0x400, $0x38;
	[tilespmem:$0x18400] =	vst v63  }
0x233: {  	s6 =	sand.u32 $0x1FFFFF80, s8  }
0x234: {  	s6 =	sadd.s32 s4, s6  }
0x235: {  	[tilespmem:s10], [sflag:$0x4] =	stream.linear.gather [hbm4b:s6+s2], $0x400, $0x38;
	[tilespmem:$0x18400] =	vst v63  }
0x236: {  	s8 =	spop (v2sf);
	(v2sf) =	vpush v2, $0xA  }
0x237: {  	s6 =	sand.u32 $0x1FFFFF80, s8  }
0x238: {  	s6 =	sadd.s32 s4, s6  }
0x239: {  	[tilespmem:s13], [sflag:$0x4] =	stream.linear.gather [hbm4b:s6+s2], $0x400, $0x38;
	[tilespmem:$0x18400] =	vst v63  }
0x23a: {  	s8 =	spop (v2sf);
	(v2sf) =	vpush v2, $0xB  }
0x23b: {  	s6 =	sand.u32 $0x1FFFFF80, s8  }
0x23c: {  	s6 =	sadd.s32 s4, s6  }
0x23d: {  	[tilespmem:s14], [sflag:$0x4] =	stream.linear.gather [hbm4b:s6+s2], $0x400, $0x38;
	[tilespmem:$0x18400] =	vst v63  }
0x23e: {  	s8 =	spop (v2sf);
	(v2sf) =	vpush v2, $0xC  }
0x23f: {  	s6 =	sand.u32 $0x1FFFFF80, s8  }
0x240: {  	s8 =	spop (v2sf);
	(v2sf) =	vpush v2, $0xD;
	s6 =	sadd.s32 s4, s6  }
0x241: {  	[tilespmem:s15], [sflag:$0x4] =	stream.linear.gather [hbm4b:s6+s2], $0x400, $0x38;
	[tilespmem:$0x18400] =	vst v63  }
0x242: {  	s6 =	sand.u32 $0x1FFFFF80, s8  }
0x243: {  	s6 =	sadd.s32 s4, s6  }
0x244: {  	[tilespmem:s16], [sflag:$0x4] =	stream.linear.gather [hbm4b:s6+s2], $0x400, $0x38;
	[tilespmem:$0x18400] =	vst v63  }
0x245: {  	s8 =	spop (v2sf);
	(v2sf) =	vpush v2, $0xE  }
0x246: {  	s6 =	sand.u32 $0x1FFFFF80, s8  }
0x247: {  	s6 =	sadd.s32 s4, s6  }
0x248: {  	[tilespmem:s18], [sflag:$0x4] =	stream.linear.gather [hbm4b:s6+s2], $0x400, $0x38;
	[tilespmem:$0x18400] =	vst v63  }
0x249: {  	s8 =	spop (v2sf);
	(v2sf) =	vpush v2, $0xF  }
0x24a: {  	s6 =	sand.u32 $0x1FFFFF80, s8  }
0x24b: {  	s6 =	sadd.s32 s4, s6  }
0x24c: {  	[tilespmem:s19], [sflag:$0x4] =	stream.linear.gather [hbm4b:s6+s2], $0x400, $0x38;
	[tilespmem:$0x18400] =	vst v63  }
0x24d: {  	s8 =	spop (v2sf)  }
0x24e: {  	s6 =	sand.u32 $0x1FFFFF80, s8  }
0x24f: {  	s8 =	spop (v2sf);
	s6 =	sadd.s32 s4, s6  }
0x250: {  	[tilespmem:s20], [sflag:$0x4] =	stream.linear.gather [hbm4b:s6+s2], $0x400, $0x38;
	[tilespmem:$0x18400] =	vst v63  }
0x251: {  	s6 =	sand.u32 $0x1FFFFF80, s8  }
0x252: {  	s6 =	sadd.s32 s4, s6  }
0x253: {  	[tilespmem:s21], [sflag:$0x4] =	stream.linear.gather [hbm4b:s6+s2], $0x400, $0x38;
	[tilespmem:$0x18400] =	vst v63  }
0x254: {  	s8 =	spop (v2sf)  }
0x255: {  	s6 =	sand.u32 $0x1FFFFF80, s8  }
0x256: {  	s6 =	sadd.s32 s4, s6  }
0x257: {  	[tilespmem:s22], [sflag:$0x4] =	stream.linear.gather [hbm4b:s6+s2], $0x400, $0x38;
	[tilespmem:$0x18400] =	vst v63  }
0x258: {  	s8 =	spop (v2sf)  }
0x259: {  	s6 =	sand.u32 $0x1FFFFF80, s8  }
0x25a: {  	s6 =	sadd.s32 s4, s6  }
0x25b: {  	[tilespmem:s23], [sflag:$0x4] =	stream.linear.gather [hbm4b:s6+s2], $0x400, $0x38;
	[tilespmem:$0x18400] =	vst v63  }
0x25c: {  	_ =	swait.ge [sflag:s24], $0x400  }
0x25d: {  	[sflag:s24] =	ssyncset.done $0x0  }
0x25e: {  	[sflag:s24] =	ssyncadd.s32 $0xFFFFFC00  }
0x25f: {  	_ =	swait.ge [sflag:s24], $0x400  }
0x260: {  	[sflag:s24] =	ssyncset.done $0x0  }
0x261: {  	[sflag:s24] =	ssyncadd.s32 $0xFFFFFC00  }
0x262: {  	_ =	swait.ge [sflag:s24], $0x400  }
0x263: {  	[sflag:s24] =	ssyncset.done $0x0  }
0x264: {  	[sflag:s24] =	ssyncadd.s32 $0xFFFFFC00  }
0x265: {  	_ =	swait.ge [sflag:s24], $0x400  }
0x266: {  	[sflag:s24] =	ssyncset.done $0x0  }
0x267: {  	[sflag:s24] =	ssyncadd.s32 $0xFFFFFC00  }
0x268: {  	_ =	swait.ge [sflag:s24], $0x400  }
0x269: {  	[sflag:s24] =	ssyncset.done $0x0  }
0x26a: {  	[sflag:s24] =	ssyncadd.s32 $0xFFFFFC00  }
0x26b: {  	_ =	swait.ge [sflag:s24], $0x400  }
0x26c: {  	[sflag:s24] =	ssyncset.done $0x0  }
0x26d: {  	[sflag:s24] =	ssyncadd.s32 $0xFFFFFC00  }
0x26e: {  	_ =	swait.ge [sflag:s24], $0x400  }
0x26f: {  	[sflag:s24] =	ssyncset.done $0x0  }
0x270: {  	[sflag:s24] =	ssyncadd.s32 $0xFFFFFC00  }
0x271: {  	_ =	swait.ge [sflag:s24], $0x400  }
0x272: {  	[sflag:s24] =	ssyncset.done $0x0  }
0x273: {  	[sflag:s24] =	ssyncadd.s32 $0xFFFFFC00  }
0x274: {  	_ =	swait.ge [sflag:s24], $0x400  }
0x275: {  	[sflag:s24] =	ssyncset.done $0x0  }
0x276: {  	[sflag:s24] =	ssyncadd.s32 $0xFFFFFC00  }
0x277: {  	_ =	swait.ge [sflag:s24], $0x400  }
0x278: {  	[sflag:s24] =	ssyncset.done $0x0  }
0x279: {  	[sflag:s24] =	ssyncadd.s32 $0xFFFFFC00  }
0x27a: {  	_ =	swait.ge [sflag:s24], $0x400  }
0x27b: {  	[sflag:s24] =	ssyncset.done $0x0  }
0x27c: {  	[sflag:s24] =	ssyncadd.s32 $0xFFFFFC00  }
0x27d: {  	_ =	swait.ge [sflag:s24], $0x400  }
0x27e: {  	[sflag:s24] =	ssyncset.done $0x0  }
0x27f: {  	[sflag:s24] =	ssyncadd.s32 $0xFFFFFC00  }
0x280: {  	_ =	swait.ge [sflag:s24], $0x400  }
0x281: {  	[sflag:s24] =	ssyncset.done $0x0  }
0x282: {  	[sflag:s24] =	ssyncadd.s32 $0xFFFFFC00  }
0x283: {  	_ =	swait.ge [sflag:s24], $0x400  }
0x284: {  	[sflag:s24] =	ssyncset.done $0x0  }
0x285: {  	[sflag:s24] =	ssyncadd.s32 $0xFFFFFC00  }
0x286: {  	_ =	swait.ge [sflag:s24], $0x400  }
0x287: {  	[sflag:s24] =	ssyncset.done $0x0  }
0x288: {  	[sflag:s24] =	ssyncadd.s32 $0xFFFFFC00  }
0x289: {  	_ =	swait.ge [sflag:s24], $0x400  }
0x28a: {  	[sflag:s24] =	ssyncset.done $0x0  }
0x28b: {  	[sflag:s24] =	ssyncadd.s32 $0xFFFFFC00  }
0x28c: {  	v2 =	vld [tilespmem:s1+$0xFFFFFFF0];
	_ =	sdelay $0x4  }
0x28d: {  	v2 =	vand.u32 $0x7, v2  }
0x28e: {  	v2 =	vshll.u32 v2, $0x7  }
0x28f: {  	v3 =	vor.u32 v1, v2  }
0x290: {  	v2 =	vmov s11  }
0x291: {  	v2 =	vshll.u32 v2, $0x5  }
0x292: {  	v2 =	vor.u32 v4, v2  }
0x293: {  	v4 =	vand.u32 $0x3D80, v2  }
0x294: {  	v34 =	vor.u32 v0, v4;
	v2 =	vld.idx.msk [tilespmem:v3+s12+$0x0], $0xffff  }
0x295: {  	v35 =	vor.u32 $0x1, v3;
	_ =	sdelay $0x3  }
0x296: {  	[tilespmem:v34+s25+$0x0] =	vst.idx.msk $0xffff, v2  }
0x297: {  	v2 =	vld.idx.msk [tilespmem:v35+s12+$0x0], $0xffff;
	v35 =	vor.u32 v5, v4  }
0x298: {  	v36 =	vor.u32 $0x2, v3;
	_ =	sdelay $0x3  }
0x299: {  	[tilespmem:v35+s25+$0x0] =	vst.idx.msk $0xffff, v2  }
0x29a: {  	v2 =	vld.idx.msk [tilespmem:v36+s12+$0x0], $0xffff;
	v36 =	vor.u32 v6, v4  }
0x29b: {  	v37 =	vor.u32 $0x3, v3;
	_ =	sdelay $0x3  }
0x29c: {  	[tilespmem:v36+s25+$0x0] =	vst.idx.msk $0xffff, v2  }
0x29d: {  	v2 =	vld.idx.msk [tilespmem:v37+s12+$0x0], $0xffff;
	v37 =	vor.u32 v38, v4  }
0x29e: {  	v32 =	vor.u32 $0x4, v3;
	_ =	sdelay $0x3  }
0x29f: {  	[tilespmem:v37+s25+$0x0] =	vst.idx.msk $0xffff, v2  }
0x2a0: {  	v10 =	vmov v38;
	v38 =	vor.u32 v39, v4;
	v2 =	vld.idx.msk [tilespmem:v32+s12+$0x0], $0xffff  }
0x2a1: {  	v33 =	vor.u32 $0x5, v3;
	_ =	sdelay $0x3  }
0x2a2: {  	[tilespmem:v38+s25+$0x0] =	vst.idx.msk $0xffff, v2  }
0x2a3: {  	v11 =	vmov v39;
	v39 =	vor.u32 v40, v4;
	v2 =	vld.idx.msk [tilespmem:v33+s12+$0x0], $0xffff  }
0x2a4: {  	v5 =	vor.u32 $0x6, v3;
	_ =	sdelay $0x3  }
0x2a5: {  	[tilespmem:v39+s25+$0x0] =	vst.idx.msk $0xffff, v2  }
0x2a6: {  	v12 =	vmov v40;
	v40 =	vor.u32 v41, v4;
	v2 =	vld.idx.msk [tilespmem:v5+s12+$0x0], $0xffff  }
0x2a7: {  	v6 =	vor.u32 $0x7, v3;
	_ =	sdelay $0x3  }
0x2a8: {  	[tilespmem:v40+s25+$0x0] =	vst.idx.msk $0xffff, v2  }
0x2a9: {  	v13 =	vmov v41;
	v41 =	vor.u32 v42, v4;
	v2 =	vld.idx.msk [tilespmem:v6+s12+$0x0], $0xffff  }
0x2aa: {  	v32 =	vor.u32 $0x8, v3;
	_ =	sdelay $0x3  }
0x2ab: {  	[tilespmem:v41+s25+$0x0] =	vst.idx.msk $0xffff, v2  }
0x2ac: {  	v14 =	vmov v42;
	v42 =	vor.u32 v43, v4;
	v2 =	vld.idx.msk [tilespmem:v32+s12+$0x0], $0xffff  }
0x2ad: {  	v33 =	vor.u32 $0x9, v3;
	_ =	sdelay $0x3  }
0x2ae: {  	[tilespmem:v42+s25+$0x0] =	vst.idx.msk $0xffff, v2  }
0x2af: {  	v15 =	vmov v43;
	v43 =	vor.u32 v44, v4;
	v2 =	vld.idx.msk [tilespmem:v33+s12+$0x0], $0xffff  }
0x2b0: {  	v5 =	vor.u32 $0xA, v3;
	_ =	sdelay $0x3  }
0x2b1: {  	[tilespmem:v43+s25+$0x0] =	vst.idx.msk $0xffff, v2  }
0x2b2: {  	v16 =	vmov v44;
	v44 =	vor.u32 v45, v4;
	v2 =	vld.idx.msk [tilespmem:v5+s12+$0x0], $0xffff  }
0x2b3: {  	v6 =	vor.u32 $0xB, v3;
	_ =	sdelay $0x3  }
0x2b4: {  	[tilespmem:v44+s25+$0x0] =	vst.idx.msk $0xffff, v2  }
0x2b5: {  	v17 =	vmov v45;
	v45 =	vor.u32 v46, v4;
	v2 =	vld.idx.msk [tilespmem:v6+s12+$0x0], $0xffff  }
0x2b6: {  	v32 =	vor.u32 $0xC, v3;
	_ =	sdelay $0x3  }
0x2b7: {  	[tilespmem:v45+s25+$0x0] =	vst.idx.msk $0xffff, v2  }
0x2b8: {  	v18 =	vmov v46;
	v46 =	vor.u32 v47, v4;
	v2 =	vld.idx.msk [tilespmem:v32+s12+$0x0], $0xffff  }
0x2b9: {  	v33 =	vor.u32 $0xD, v3;
	_ =	sdelay $0x3  }
0x2ba: {  	[tilespmem:v46+s25+$0x0] =	vst.idx.msk $0xffff, v2  }
0x2bb: {  	v19 =	vmov v47;
	v47 =	vor.u32 v48, v4;
	v2 =	vld.idx.msk [tilespmem:v33+s12+$0x0], $0xffff  }
0x2bc: {  	v5 =	vor.u32 $0xE, v3;
	_ =	sdelay $0x3  }
0x2bd: {  	[tilespmem:v47+s25+$0x0] =	vst.idx.msk $0xffff, v2  }
0x2be: {  	v20 =	vmov v48;
	v48 =	vor.u32 v49, v4;
	v2 =	vld.idx.msk [tilespmem:v5+s12+$0x0], $0xffff  }
0x2bf: {  	v6 =	vor.u32 $0xF, v3;
	_ =	sdelay $0x3  }
0x2c0: {  	[tilespmem:v48+s25+$0x0] =	vst.idx.msk $0xffff, v2  }
0x2c1: {  	v21 =	vmov v49;
	v49 =	vor.u32 v50, v4;
	v2 =	vld.idx.msk [tilespmem:v6+s12+$0x0], $0xffff  }
0x2c2: {  	v32 =	vor.u32 $0x10, v3;
	_ =	sdelay $0x3  }
0x2c3: {  	[tilespmem:v49+s25+$0x0] =	vst.idx.msk $0xffff, v2  }
0x2c4: {  	v22 =	vmov v50;
	v50 =	vor.u32 v51, v4;
	v2 =	vld.idx.msk [tilespmem:v32+s12+$0x0], $0xffff  }
0x2c5: {  	v33 =	vor.u32 $0x11, v3;
	_ =	sdelay $0x3  }
0x2c6: {  	[tilespmem:v50+s25+$0x0] =	vst.idx.msk $0xffff, v2  }
0x2c7: {  	v23 =	vmov v51;
	v51 =	vor.u32 v52, v4;
	v2 =	vld.idx.msk [tilespmem:v33+s12+$0x0], $0xffff  }
0x2c8: {  	v5 =	vor.u32 $0x12, v3;
	_ =	sdelay $0x3  }
0x2c9: {  	[tilespmem:v51+s25+$0x0] =	vst.idx.msk $0xffff, v2  }
0x2ca: {  	v24 =	vmov v52;
	v52 =	vor.u32 v53, v4;
	v2 =	vld.idx.msk [tilespmem:v5+s12+$0x0], $0xffff  }
0x2cb: {  	v6 =	vor.u32 $0x13, v3;
	_ =	sdelay $0x3  }
0x2cc: {  	[tilespmem:v52+s25+$0x0] =	vst.idx.msk $0xffff, v2  }
0x2cd: {  	v25 =	vmov v53;
	v53 =	vor.u32 v54, v4;
	v2 =	vld.idx.msk [tilespmem:v6+s12+$0x0], $0xffff  }
0x2ce: {  	v32 =	vor.u32 $0x14, v3;
	_ =	sdelay $0x3  }
0x2cf: {  	[tilespmem:v53+s25+$0x0] =	vst.idx.msk $0xffff, v2  }
0x2d0: {  	v26 =	vmov v54;
	v54 =	vor.u32 v55, v4;
	v2 =	vld.idx.msk [tilespmem:v32+s12+$0x0], $0xffff  }
0x2d1: {  	v33 =	vor.u32 $0x15, v3;
	_ =	sdelay $0x3  }
0x2d2: {  	[tilespmem:v54+s25+$0x0] =	vst.idx.msk $0xffff, v2  }
0x2d3: {  	v27 =	vmov v55;
	v55 =	vor.u32 v56, v4;
	v2 =	vld.idx.msk [tilespmem:v33+s12+$0x0], $0xffff  }
0x2d4: {  	v5 =	vor.u32 $0x16, v3;
	_ =	sdelay $0x3  }
0x2d5: {  	[tilespmem:v55+s25+$0x0] =	vst.idx.msk $0xffff, v2  }
0x2d6: {  	v28 =	vmov v56;
	v56 =	vor.u32 v57, v4;
	v2 =	vld.idx.msk [tilespmem:v5+s12+$0x0], $0xffff  }
0x2d7: {  	v6 =	vor.u32 $0x17, v3;
	_ =	sdelay $0x3  }
0x2d8: {  	[tilespmem:v56+s25+$0x0] =	vst.idx.msk $0xffff, v2  }
0x2d9: {  	v29 =	vmov v57;
	v57 =	vor.u32 v58, v4;
	v2 =	vld.idx.msk [tilespmem:v6+s12+$0x0], $0xffff  }
0x2da: {  	v32 =	vor.u32 $0x18, v3;
	_ =	sdelay $0x3  }
0x2db: {  	[tilespmem:v57+s25+$0x0] =	vst.idx.msk $0xffff, v2  }
0x2dc: {  	v30 =	vmov v58;
	v58 =	vor.u32 v59, v4;
	v2 =	vld.idx.msk [tilespmem:v32+s12+$0x0], $0xffff  }
0x2dd: {  	v33 =	vor.u32 $0x19, v3;
	_ =	sdelay $0x3  }
0x2de: {  	[tilespmem:v58+s25+$0x0] =	vst.idx.msk $0xffff, v2  }
0x2df: {  	v31 =	vmov v59;
	v59 =	vor.u32 v60, v4;
	v2 =	vld.idx.msk [tilespmem:v33+s12+$0x0], $0xffff  }
0x2e0: {  	v5 =	vor.u32 $0x1A, v3;
	_ =	sdelay $0x3  }
0x2e1: {  	[tilespmem:v59+s25+$0x0] =	vst.idx.msk $0xffff, v2  }
0x2e2: {  	v32 =	vmov v60;
	v60 =	vor.u32 v61, v4;
	v2 =	vld.idx.msk [tilespmem:v5+s12+$0x0], $0xffff  }
0x2e3: {  	v6 =	vor.u32 $0x1B, v3;
	_ =	sdelay $0x3  }
0x2e4: {  	[tilespmem:v60+s25+$0x0] =	vst.idx.msk $0xffff, v2  }
0x2e5: {  	v33 =	vmov v61;
	v61 =	vor.u32 v62, v4;
	v2 =	vld.idx.msk [tilespmem:v6+s12+$0x0], $0xffff  }
0x2e6: {  	v5 =	vor.u32 $0x1C, v3;
	_ =	sdelay $0x3  }
0x2e7: {  	[tilespmem:v61+s25+$0x0] =	vst.idx.msk $0xffff, v2  }
0x2e8: {  	v6 =	vmov v1;
	v1 =	vmov v62;
	v62 =	vor.u32 v63, v4;
	v2 =	vld.idx.msk [tilespmem:v5+s12+$0x0], $0xffff  }
0x2e9: {  	v5 =	vor.u32 $0x1D, v3;
	_ =	sdelay $0x3  }
0x2ea: {  	[tilespmem:v62+s25+$0x0] =	vst.idx.msk $0xffff, v2  }
0x2eb: {  	v63 =	vor.u32 v7, v4;
	v2 =	vld.idx.msk [tilespmem:v5+s12+$0x0], $0xffff  }
0x2ec: {  	v5 =	vor.u32 $0x1E, v3;
	_ =	sdelay $0x3  }
0x2ed: {  	[tilespmem:v63+s25+$0x0] =	vst.idx.msk $0xffff, v2  }
0x2ee: {  	v2 =	vor.u32 v8, v4;
	v5 =	vld.idx.msk [tilespmem:v5+s12+$0x0], $0xffff  }
0x2ef: {  	v3 =	vor.u32 $0x1F, v3;
	_ =	sdelay $0x3  }
0x2f0: {  	[tilespmem:v2+s25+$0x0] =	vst.idx.msk $0xffff, v5  }
0x2f1: {  	v5 =	vld.idx.msk [tilespmem:v3+s12+$0x0], $0xffff;
	v3 =	vor.u32 v9, v4;
	_ =	sdelay $0x4  }
0x2f2: {  	[tilespmem:v3+s25+$0x0] =	vst.idx.msk $0xffff, v5  }
0x2f3: {  	_ =	swait.ge [sflag:s26], $0x400  }
0x2f4: {  	[sflag:s26] =	ssyncset.done $0x0  }
0x2f5: {  	[sflag:s26] =	ssyncadd.s32 $0xFFFFFC00  }
0x2f6: {  	_ =	swait.ge [sflag:s26], $0x400  }
0x2f7: {  	[sflag:s26] =	ssyncset.done $0x0  }
0x2f8: {  	[sflag:s26] =	ssyncadd.s32 $0xFFFFFC00  }
0x2f9: {  	_ =	swait.ge [sflag:s26], $0x400  }
0x2fa: {  	[sflag:s26] =	ssyncset.done $0x0  }
0x2fb: {  	[sflag:s26] =	ssyncadd.s32 $0xFFFFFC00  }
0x2fc: {  	_ =	swait.ge [sflag:s26], $0x400  }
0x2fd: {  	[sflag:s26] =	ssyncset.done $0x0  }
0x2fe: {  	[sflag:s26] =	ssyncadd.s32 $0xFFFFFC00  }
0x2ff: {  	_ =	swait.ge [sflag:s26], $0x400  }
0x300: {  	[sflag:s26] =	ssyncset.done $0x0  }
0x301: {  	[sflag:s26] =	ssyncadd.s32 $0xFFFFFC00  }
0x302: {  	_ =	swait.ge [sflag:s26], $0x400  }
0x303: {  	[sflag:s26] =	ssyncset.done $0x0  }
0x304: {  	[sflag:s26] =	ssyncadd.s32 $0xFFFFFC00  }
0x305: {  	_ =	swait.ge [sflag:s26], $0x400  }
0x306: {  	[sflag:s26] =	ssyncset.done $0x0  }
0x307: {  	[sflag:s26] =	ssyncadd.s32 $0xFFFFFC00  }
0x308: {  	_ =	swait.ge [sflag:s26], $0x400  }
0x309: {  	[sflag:s26] =	ssyncset.done $0x0  }
0x30a: {  	[sflag:s26] =	ssyncadd.s32 $0xFFFFFC00  }
0x30b: {  	_ =	swait.ge [sflag:s26], $0x400  }
0x30c: {  	[sflag:s26] =	ssyncset.done $0x0  }
0x30d: {  	[sflag:s26] =	ssyncadd.s32 $0xFFFFFC00  }
0x30e: {  	_ =	swait.ge [sflag:s26], $0x400  }
0x30f: {  	[sflag:s26] =	ssyncset.done $0x0  }
0x310: {  	[sflag:s26] =	ssyncadd.s32 $0xFFFFFC00  }
0x311: {  	_ =	swait.ge [sflag:s26], $0x400  }
0x312: {  	[sflag:s26] =	ssyncset.done $0x0  }
0x313: {  	[sflag:s26] =	ssyncadd.s32 $0xFFFFFC00  }
0x314: {  	_ =	swait.ge [sflag:s26], $0x400  }
0x315: {  	[sflag:s26] =	ssyncset.done $0x0  }
0x316: {  	[sflag:s26] =	ssyncadd.s32 $0xFFFFFC00  }
0x317: {  	_ =	swait.ge [sflag:s26], $0x400  }
0x318: {  	[sflag:s26] =	ssyncset.done $0x0  }
0x319: {  	[sflag:s26] =	ssyncadd.s32 $0xFFFFFC00  }
0x31a: {  	_ =	swait.ge [sflag:s26], $0x400  }
0x31b: {  	[sflag:s26] =	ssyncset.done $0x0  }
0x31c: {  	[sflag:s26] =	ssyncadd.s32 $0xFFFFFC00  }
0x31d: {  	_ =	swait.ge [sflag:s26], $0x400  }
0x31e: {  	[sflag:s26] =	ssyncset.done $0x0  }
0x31f: {  	[sflag:s26] =	ssyncadd.s32 $0xFFFFFC00  }
0x320: {  	_ =	swait.ge [sflag:s26], $0x400  }
0x321: {  	[sflag:s26] =	ssyncset.done $0x0  }
0x322: {  	[sflag:s26] =	ssyncadd.s32 $0xFFFFFC00  }
0x323: {  	v4 =	vld [tilespmem:s0+$0xFFFFFFF0];
	_ =	sdelay $0x4  }
0x324: {  	v4 =	vand.u32 $0x7, v4  }
0x325: {  	v4 =	vshll.u32 v4, $0x7  }
0x326: {  	v4 =	vor.u32 v6, v4;
	_ =	sdelay $0x4  }
0x327: {  	v5 =	vld.idx.msk [tilespmem:v4+s29+$0x0], $0xffff  }
0x328: {  	v0 =	vmov v6;
	v6 =	vor.u32 $0x1, v4;
	_ =	sdelay $0x3  }
0x329: {  	[tilespmem:v34+s28+$0x0] =	vst.idx.msk $0xffff, v5  }
0x32a: {  	v5 =	vld.idx.msk [tilespmem:v6+s29+$0x0], $0xffff  }
0x32b: {  	v34 =	vor.u32 $0x2, v4;
	_ =	sdelay $0x3  }
0x32c: {  	[tilespmem:v35+s28+$0x0] =	vst.idx.msk $0xffff, v5  }
0x32d: {  	v5 =	vld.idx.msk [tilespmem:v34+s29+$0x0], $0xffff  }
0x32e: {  	v35 =	vor.u32 $0x3, v4;
	_ =	sdelay $0x3  }
0x32f: {  	[tilespmem:v36+s28+$0x0] =	vst.idx.msk $0xffff, v5  }
0x330: {  	v5 =	vld.idx.msk [tilespmem:v35+s29+$0x0], $0xffff  }
0x331: {  	v36 =	vor.u32 $0x4, v4;
	_ =	sdelay $0x3  }
0x332: {  	[tilespmem:v37+s28+$0x0] =	vst.idx.msk $0xffff, v5  }
0x333: {  	v5 =	vld.idx.msk [tilespmem:v36+s29+$0x0], $0xffff  }
0x334: {  	v37 =	vor.u32 $0x5, v4;
	_ =	sdelay $0x3  }
0x335: {  	[tilespmem:v38+s28+$0x0] =	vst.idx.msk $0xffff, v5  }
0x336: {  	v5 =	vld.idx.msk [tilespmem:v37+s29+$0x0], $0xffff  }
0x337: {  	v38 =	vor.u32 $0x6, v4;
	_ =	sdelay $0x3  }
0x338: {  	[tilespmem:v39+s28+$0x0] =	vst.idx.msk $0xffff, v5  }
0x339: {  	v5 =	vld.idx.msk [tilespmem:v38+s29+$0x0], $0xffff  }
0x33a: {  	v39 =	vor.u32 $0x7, v4;
	_ =	sdelay $0x3  }
0x33b: {  	[tilespmem:v40+s28+$0x0] =	vst.idx.msk $0xffff, v5  }
0x33c: {  	v5 =	vld.idx.msk [tilespmem:v39+s29+$0x0], $0xffff  }
0x33d: {  	v40 =	vor.u32 $0x8, v4;
	_ =	sdelay $0x3  }
0x33e: {  	[tilespmem:v41+s28+$0x0] =	vst.idx.msk $0xffff, v5  }
0x33f: {  	v5 =	vld.idx.msk [tilespmem:v40+s29+$0x0], $0xffff  }
0x340: {  	v41 =	vor.u32 $0x9, v4;
	_ =	sdelay $0x3  }
0x341: {  	[tilespmem:v42+s28+$0x0] =	vst.idx.msk $0xffff, v5  }
0x342: {  	v5 =	vld.idx.msk [tilespmem:v41+s29+$0x0], $0xffff  }
0x343: {  	v42 =	vor.u32 $0xA, v4;
	_ =	sdelay $0x3  }
0x344: {  	[tilespmem:v43+s28+$0x0] =	vst.idx.msk $0xffff, v5  }
0x345: {  	v5 =	vld.idx.msk [tilespmem:v42+s29+$0x0], $0xffff  }
0x346: {  	v43 =	vor.u32 $0xB, v4;
	_ =	sdelay $0x3  }
0x347: {  	[tilespmem:v44+s28+$0x0] =	vst.idx.msk $0xffff, v5  }
0x348: {  	v5 =	vld.idx.msk [tilespmem:v43+s29+$0x0], $0xffff  }
0x349: {  	v44 =	vor.u32 $0xC, v4;
	_ =	sdelay $0x3  }
0x34a: {  	[tilespmem:v45+s28+$0x0] =	vst.idx.msk $0xffff, v5  }
0x34b: {  	v5 =	vld.idx.msk [tilespmem:v44+s29+$0x0], $0xffff  }
0x34c: {  	v45 =	vor.u32 $0xD, v4;
	_ =	sdelay $0x3  }
0x34d: {  	[tilespmem:v46+s28+$0x0] =	vst.idx.msk $0xffff, v5  }
0x34e: {  	v5 =	vld.idx.msk [tilespmem:v45+s29+$0x0], $0xffff  }
0x34f: {  	v46 =	vor.u32 $0xE, v4;
	_ =	sdelay $0x3  }
0x350: {  	[tilespmem:v47+s28+$0x0] =	vst.idx.msk $0xffff, v5  }
0x351: {  	v5 =	vld.idx.msk [tilespmem:v46+s29+$0x0], $0xffff  }
0x352: {  	v47 =	vor.u32 $0xF, v4;
	_ =	sdelay $0x3  }
0x353: {  	[tilespmem:v48+s28+$0x0] =	vst.idx.msk $0xffff, v5  }
0x354: {  	v5 =	vld.idx.msk [tilespmem:v47+s29+$0x0], $0xffff  }
0x355: {  	v48 =	vor.u32 $0x10, v4;
	_ =	sdelay $0x3  }
0x356: {  	[tilespmem:v49+s28+$0x0] =	vst.idx.msk $0xffff, v5  }
0x357: {  	v5 =	vld.idx.msk [tilespmem:v48+s29+$0x0], $0xffff  }
0x358: {  	v49 =	vor.u32 $0x11, v4;
	_ =	sdelay $0x3  }
0x359: {  	[tilespmem:v50+s28+$0x0] =	vst.idx.msk $0xffff, v5  }
0x35a: {  	v5 =	vld.idx.msk [tilespmem:v49+s29+$0x0], $0xffff  }
0x35b: {  	v50 =	vor.u32 $0x12, v4;
	_ =	sdelay $0x3  }
0x35c: {  	[tilespmem:v51+s28+$0x0] =	vst.idx.msk $0xffff, v5  }
0x35d: {  	v5 =	vld.idx.msk [tilespmem:v50+s29+$0x0], $0xffff  }
0x35e: {  	v51 =	vor.u32 $0x13, v4;
	_ =	sdelay $0x3  }
0x35f: {  	[tilespmem:v52+s28+$0x0] =	vst.idx.msk $0xffff, v5  }
0x360: {  	v5 =	vld.idx.msk [tilespmem:v51+s29+$0x0], $0xffff  }
0x361: {  	v52 =	vor.u32 $0x14, v4;
	_ =	sdelay $0x3  }
0x362: {  	[tilespmem:v53+s28+$0x0] =	vst.idx.msk $0xffff, v5  }
0x363: {  	v5 =	vld.idx.msk [tilespmem:v52+s29+$0x0], $0xffff  }
0x364: {  	v53 =	vor.u32 $0x15, v4;
	_ =	sdelay $0x3  }
0x365: {  	[tilespmem:v54+s28+$0x0] =	vst.idx.msk $0xffff, v5  }
0x366: {  	v5 =	vld.idx.msk [tilespmem:v53+s29+$0x0], $0xffff  }
0x367: {  	v54 =	vor.u32 $0x16, v4;
	_ =	sdelay $0x3  }
0x368: {  	[tilespmem:v55+s28+$0x0] =	vst.idx.msk $0xffff, v5  }
0x369: {  	v5 =	vld.idx.msk [tilespmem:v54+s29+$0x0], $0xffff  }
0x36a: {  	v55 =	vor.u32 $0x17, v4;
	_ =	sdelay $0x3  }
0x36b: {  	[tilespmem:v56+s28+$0x0] =	vst.idx.msk $0xffff, v5  }
0x36c: {  	v5 =	vld.idx.msk [tilespmem:v55+s29+$0x0], $0xffff  }
0x36d: {  	v56 =	vor.u32 $0x18, v4;
	_ =	sdelay $0x3  }
0x36e: {  	[tilespmem:v57+s28+$0x0] =	vst.idx.msk $0xffff, v5  }
0x36f: {  	v5 =	vld.idx.msk [tilespmem:v56+s29+$0x0], $0xffff  }
0x370: {  	v57 =	vor.u32 $0x19, v4;
	_ =	sdelay $0x3  }
0x371: {  	[tilespmem:v58+s28+$0x0] =	vst.idx.msk $0xffff, v5  }
0x372: {  	v5 =	vld.idx.msk [tilespmem:v57+s29+$0x0], $0xffff  }
0x373: {  	v58 =	vor.u32 $0x1A, v4;
	_ =	sdelay $0x3  }
0x374: {  	[tilespmem:v59+s28+$0x0] =	vst.idx.msk $0xffff, v5  }
0x375: {  	v5 =	vld.idx.msk [tilespmem:v58+s29+$0x0], $0xffff  }
0x376: {  	v59 =	vor.u32 $0x1B, v4;
	_ =	sdelay $0x3  }
0x377: {  	[tilespmem:v60+s28+$0x0] =	vst.idx.msk $0xffff, v5  }
0x378: {  	v5 =	vld.idx.msk [tilespmem:v59+s29+$0x0], $0xffff  }
0x379: {  	v60 =	vor.u32 $0x1C, v4;
	_ =	sdelay $0x3  }
0x37a: {  	[tilespmem:v61+s28+$0x0] =	vst.idx.msk $0xffff, v5  }
0x37b: {  	v5 =	vld.idx.msk [tilespmem:v60+s29+$0x0], $0xffff  }
0x37c: {  	v61 =	vor.u32 $0x1D, v4;
	_ =	sdelay $0x3  }
0x37d: {  	[tilespmem:v62+s28+$0x0] =	vst.idx.msk $0xffff, v5  }
0x37e: {  	v5 =	vld.idx.msk [tilespmem:v61+s29+$0x0], $0xffff  }
0x37f: {  	v62 =	vor.u32 $0x1E, v4;
	_ =	sdelay $0x3  }
0x380: {  	[tilespmem:v63+s28+$0x0] =	vst.idx.msk $0xffff, v5  }
0x381: {  	v5 =	vld.idx.msk [tilespmem:v62+s29+$0x0], $0xffff  }
0x382: {  	v4 =	vor.u32 $0x1F, v4;
	_ =	sdelay $0x3  }
0x383: {  	[tilespmem:v2+s28+$0x0] =	vst.idx.msk $0xffff, v5  }
0x384: {  	p0 =	seq.s32 s11, $0x1E0;
	v2 =	vld.idx.msk [tilespmem:v4+s29+$0x0], $0xffff  }
.Ltmp4:
0x385: {  	_ = 	snop;
	(pc) =	sbr.rel @p0 .LBB2_4-.Ltmp4, $2  }
0x386: {  	_ =	sdelay $0x2  }
0x387: {  	[tilespmem:v3+s28+$0x0] =	vst.idx.msk $0xffff, v2  }
0x388: {  	v2 =	vld [tilespmem:s1+$0x10];
	_ =	sdelay $0x4  }
0x389: {  	v2 =	vshrl.u32 v2, $0x3  }
0x38a: {  	v2 =	vshll.u32 v2, $0x7  }
0x38b: {  	(v2sf) =	vpush v2, $0x0;
	_ =	sdelay $0x1  }
0x38c: {  	(v2sf) =	vpush v2, $0x1;
	_ =	sdelay $0x4  }
0x38d: {  	(v2sf) =	vpush v2, $0x2;
	_ =	sdelay $0x1  }
0x38e: {  	(v2sf) =	vpush v2, $0x3;
	_ =	sdelay $0x5  }
0x38f: {  	s6 =	spop (v2sf);
	(v2sf) =	vpush v2, $0x4  }
0x390: {  	s6 =	sand.u32 $0x1FFFFF80, s6  }
0x391: {  	s8 =	spop (v2sf);
	(v2sf) =	vpush v2, $0x5;
	s6 =	sadd.s32 s3, s6  }
0x392: {  	[tilespmem:s12], [sflag:$0x1] =	stream.linear.gather [hbm4b:s6+s2], $0x400, $0x38;
	[tilespmem:$0x18400] =	vst v63  }
0x393: {  	s6 =	sand.u32 $0x1FFFFF80, s8  }
0x394: {  	s7 =	simm.s32 $0x800;
	s6 =	sadd.s32 s3, s6  }
0x395: {  	[tilespmem:s7], [sflag:$0x1] =	stream.linear.gather [hbm4b:s6+s2], $0x400, $0x38;
	[tilespmem:$0x18400] =	vst v63  }
0x396: {  	s7 =	spop (v2sf);
	(v2sf) =	vpush v2, $0x6;
	_ =	sdelay $0x1  }
0x397: {  	s6 =	sand.u32 $0x1FFFFF80, s7;
	s7 =	spop (v2sf);
	(v2sf) =	vpush v2, $0x7;
	_ =	sdelay $0x2  }
0x398: {  	s8 =	simm.s32 $0xC00;
	s6 =	sadd.s32 s3, s6  }
0x399: {  	[tilespmem:s8], [sflag:$0x1] =	stream.linear.gather [hbm4b:s6+s2], $0x400, $0x38;
	[tilespmem:$0x18400] =	vst v63  }
0x39a: {  	s6 =	sand.u32 $0x1FFFFF80, s7  }
0x39b: {  	s8 =	simm.s32 $0x1000;
	s6 =	sadd.s32 s3, s6;
	s7 =	spop (v2sf);
	(v2sf) =	vpush v2, $0x8  }
0x39c: {  	[tilespmem:s8], [sflag:$0x1] =	stream.linear.gather [hbm4b:s6+s2], $0x400, $0x38;
	[tilespmem:$0x18400] =	vst v63  }
0x39d: {  	s6 =	sand.u32 $0x1FFFFF80, s7;
	s7 =	spop (v2sf);
	(v2sf) =	vpush v2, $0x9;
	_ =	sdelay $0x1  }
0x39e: {  	s8 =	simm.s32 $0x1400;
	s6 =	sadd.s32 s3, s6  }
0x39f: {  	[tilespmem:s8], [sflag:$0x1] =	stream.linear.gather [hbm4b:s6+s2], $0x400, $0x38;
	[tilespmem:$0x18400] =	vst v63  }
0x3a0: {  	s6 =	sand.u32 $0x1FFFFF80, s7  }
0x3a1: {  	s8 =	simm.s32 $0x1800;
	s6 =	sadd.s32 s3, s6;
	s7 =	spop (v2sf);
	(v2sf) =	vpush v2, $0xA  }
0x3a2: {  	[tilespmem:s8], [sflag:$0x1] =	stream.linear.gather [hbm4b:s6+s2], $0x400, $0x38;
	[tilespmem:$0x18400] =	vst v63  }
0x3a3: {  	s6 =	sand.u32 $0x1FFFFF80, s7;
	s7 =	spop (v2sf);
	(v2sf) =	vpush v2, $0xB;
	_ =	sdelay $0x2  }
0x3a4: {  	s8 =	simm.s32 $0x1C00;
	s6 =	sadd.s32 s3, s6  }
0x3a5: {  	[tilespmem:s8], [sflag:$0x1] =	stream.linear.gather [hbm4b:s6+s2], $0x400, $0x38;
	[tilespmem:$0x18400] =	vst v63  }
0x3a6: {  	s6 =	sand.u32 $0x1FFFFF80, s7  }
0x3a7: {  	s8 =	simm.s32 $0x2000;
	s6 =	sadd.s32 s3, s6;
	s7 =	spop (v2sf);
	(v2sf) =	vpush v2, $0xC  }
0x3a8: {  	[tilespmem:s8], [sflag:$0x1] =	stream.linear.gather [hbm4b:s6+s2], $0x400, $0x38;
	[tilespmem:$0x18400] =	vst v63  }
0x3a9: {  	s6 =	sand.u32 $0x1FFFFF80, s7;
	s7 =	spop (v2sf);
	(v2sf) =	vpush v2, $0xD;
	_ =	sdelay $0x1  }
0x3aa: {  	s8 =	simm.s32 $0x2400;
	s6 =	sadd.s32 s3, s6  }
0x3ab: {  	[tilespmem:s8], [sflag:$0x1] =	stream.linear.gather [hbm4b:s6+s2], $0x400, $0x38;
	[tilespmem:$0x18400] =	vst v63  }
0x3ac: {  	s6 =	sand.u32 $0x1FFFFF80, s7  }
0x3ad: {  	s8 =	simm.s32 $0x2800;
	s6 =	sadd.s32 s3, s6;
	s7 =	spop (v2sf);
	(v2sf) =	vpush v2, $0xE  }
0x3ae: {  	[tilespmem:s8], [sflag:$0x1] =	stream.linear.gather [hbm4b:s6+s2], $0x400, $0x38;
	[tilespmem:$0x18400] =	vst v63  }
0x3af: {  	s6 =	sand.u32 $0x1FFFFF80, s7;
	s7 =	spop (v2sf);
	(v2sf) =	vpush v2, $0xF  }
0x3b0: {  	s8 =	simm.s32 $0x2C00;
	s6 =	sadd.s32 s3, s6  }
0x3b1: {  	[tilespmem:s8], [sflag:$0x1] =	stream.linear.gather [hbm4b:s6+s2], $0x400, $0x38;
	[tilespmem:$0x18400] =	vst v63  }
0x3b2: {  	s6 =	sand.u32 $0x1FFFFF80, s7  }
0x3b3: {  	s8 =	simm.s32 $0x3000;
	s6 =	sadd.s32 s3, s6  }
0x3b4: {  	[tilespmem:s8], [sflag:$0x1] =	stream.linear.gather [hbm4b:s6+s2], $0x400, $0x38;
	[tilespmem:$0x18400] =	vst v63  }
0x3b5: {  	s7 =	spop (v2sf)  }
0x3b6: {  	s6 =	sand.u32 $0x1FFFFF80, s7  }
0x3b7: {  	s8 =	simm.s32 $0x3400;
	s7 =	spop (v2sf);
	s6 =	sadd.s32 s3, s6  }
0x3b8: {  	[tilespmem:s8], [sflag:$0x1] =	stream.linear.gather [hbm4b:s6+s2], $0x400, $0x38;
	[tilespmem:$0x18400] =	vst v63  }
0x3b9: {  	s6 =	sand.u32 $0x1FFFFF80, s7  }
0x3ba: {  	s8 =	simm.s32 $0x3800;
	s6 =	sadd.s32 s3, s6  }
0x3bb: {  	[tilespmem:s8], [sflag:$0x1] =	stream.linear.gather [hbm4b:s6+s2], $0x400, $0x38;
	[tilespmem:$0x18400] =	vst v63  }
0x3bc: {  	s7 =	spop (v2sf)  }
0x3bd: {  	s6 =	sand.u32 $0x1FFFFF80, s7  }
0x3be: {  	s8 =	simm.s32 $0x3C00;
	s7 =	spop (v2sf);
	s6 =	sadd.s32 s3, s6  }
0x3bf: {  	[tilespmem:s8], [sflag:$0x1] =	stream.linear.gather [hbm4b:s6+s2], $0x400, $0x38;
	[tilespmem:$0x18400] =	vst v63  }
0x3c0: {  	s6 =	sand.u32 $0x1FFFFF80, s7  }
0x3c1: {  	s8 =	simm.s32 $0x4000;
	s6 =	sadd.s32 s3, s6  }
0x3c2: {  	[tilespmem:s8], [sflag:$0x1] =	stream.linear.gather [hbm4b:s6+s2], $0x400, $0x38;
	[tilespmem:$0x18400] =	vst v63  }
0x3c3: {  	v2 =	vld [tilespmem:s0+$0x10];
	_ =	sdelay $0x4  }
0x3c4: {  	v2 =	vshrl.u32 v2, $0x3  }
0x3c5: {  	v2 =	vshll.u32 v2, $0x7  }
0x3c6: {  	(v2sf) =	vpush v2, $0x0;
	_ =	sdelay $0x1  }
0x3c7: {  	(v2sf) =	vpush v2, $0x1;
	_ =	sdelay $0x2  }
0x3c8: {  	(v2sf) =	vpush v2, $0x2;
	_ =	sdelay $0x2  }
0x3c9: {  	(v2sf) =	vpush v2, $0x3;
	_ =	sdelay $0x6  }
0x3ca: {  	s8 =	spop (v2sf);
	(v2sf) =	vpush v2, $0x4;
	_ =	sdelay $0x1  }
0x3cb: {  	s6 =	sand.u32 $0x1FFFFF80, s8;
	s7 =	spop (v2sf);
	(v2sf) =	vpush v2, $0x5  }
0x3cc: {  	s6 =	sadd.s32 s4, s6  }
0x3cd: {  	[tilespmem:s29], [sflag:$0x3] =	stream.linear.gather [hbm4b:s6+s2], $0x400, $0x38;
	[tilespmem:$0x18400] =	vst v63  }
0x3ce: {  	s6 =	sand.u32 $0x1FFFFF80, s7;
	s7 =	spop (v2sf);
	(v2sf) =	vpush v2, $0x6  }
0x3cf: {  	s8 =	simm.s32 $0x8800;
	s6 =	sadd.s32 s4, s6  }
0x3d0: {  	[tilespmem:s8], [sflag:$0x3] =	stream.linear.gather [hbm4b:s6+s2], $0x400, $0x38;
	[tilespmem:$0x18400] =	vst v63  }
0x3d1: {  	s6 =	sand.u32 $0x1FFFFF80, s7;
	s7 =	spop (v2sf);
	(v2sf) =	vpush v2, $0x7;
	_ =	sdelay $0x3  }
0x3d2: {  	s8 =	simm.s32 $0x8C00;
	s6 =	sadd.s32 s4, s6  }
0x3d3: {  	[tilespmem:s8], [sflag:$0x3] =	stream.linear.gather [hbm4b:s6+s2], $0x400, $0x38;
	[tilespmem:$0x18400] =	vst v63  }
0x3d4: {  	s6 =	sand.u32 $0x1FFFFF80, s7  }
0x3d5: {  	s8 =	simm.s32 $0x9000;
	s6 =	sadd.s32 s4, s6;
	s7 =	spop (v2sf);
	(v2sf) =	vpush v2, $0x8  }
0x3d6: {  	[tilespmem:s8], [sflag:$0x3] =	stream.linear.gather [hbm4b:s6+s2], $0x400, $0x38;
	[tilespmem:$0x18400] =	vst v63  }
0x3d7: {  	s6 =	sand.u32 $0x1FFFFF80, s7;
	s7 =	spop (v2sf);
	(v2sf) =	vpush v2, $0x9  }
0x3d8: {  	s8 =	simm.s32 $0x9400;
	s6 =	sadd.s32 s4, s6  }
0x3d9: {  	[tilespmem:s8], [sflag:$0x3] =	stream.linear.gather [hbm4b:s6+s2], $0x400, $0x38;
	[tilespmem:$0x18400] =	vst v63  }
0x3da: {  	s6 =	sand.u32 $0x1FFFFF80, s7;
	s7 =	spop (v2sf);
	(v2sf) =	vpush v2, $0xA  }
0x3db: {  	s8 =	simm.s32 $0x9800;
	s6 =	sadd.s32 s4, s6  }
0x3dc: {  	[tilespmem:s8], [sflag:$0x3] =	stream.linear.gather [hbm4b:s6+s2], $0x400, $0x38;
	[tilespmem:$0x18400] =	vst v63  }
0x3dd: {  	s6 =	sand.u32 $0x1FFFFF80, s7;
	s7 =	spop (v2sf);
	(v2sf) =	vpush v2, $0xB;
	_ =	sdelay $0x3  }
0x3de: {  	s8 =	simm.s32 $0x9C00;
	s6 =	sadd.s32 s4, s6  }
0x3df: {  	[tilespmem:s8], [sflag:$0x3] =	stream.linear.gather [hbm4b:s6+s2], $0x400, $0x38;
	[tilespmem:$0x18400] =	vst v63  }
0x3e0: {  	s6 =	sand.u32 $0x1FFFFF80, s7  }
0x3e1: {  	s8 =	simm.s32 $0xA000;
	s6 =	sadd.s32 s4, s6;
	s7 =	spop (v2sf);
	(v2sf) =	vpush v2, $0xC  }
0x3e2: {  	[tilespmem:s8], [sflag:$0x3] =	stream.linear.gather [hbm4b:s6+s2], $0x400, $0x38;
	[tilespmem:$0x18400] =	vst v63  }
0x3e3: {  	s6 =	sand.u32 $0x1FFFFF80, s7;
	s7 =	spop (v2sf);
	(v2sf) =	vpush v2, $0xD  }
0x3e4: {  	s8 =	simm.s32 $0xA400;
	s6 =	sadd.s32 s4, s6  }
0x3e5: {  	[tilespmem:s8], [sflag:$0x3] =	stream.linear.gather [hbm4b:s6+s2], $0x400, $0x38;
	[tilespmem:$0x18400] =	vst v63  }
0x3e6: {  	s6 =	sand.u32 $0x1FFFFF80, s7;
	s7 =	spop (v2sf);
	(v2sf) =	vpush v2, $0xE  }
0x3e7: {  	s8 =	simm.s32 $0xA800;
	s6 =	sadd.s32 s4, s6  }
0x3e8: {  	[tilespmem:s8], [sflag:$0x3] =	stream.linear.gather [hbm4b:s6+s2], $0x400, $0x38;
	[tilespmem:$0x18400] =	vst v63  }
0x3e9: {  	s6 =	sand.u32 $0x1FFFFF80, s7;
	s7 =	spop (v2sf);
	(v2sf) =	vpush v2, $0xF;
	_ =	sdelay $0x1  }
0x3ea: {  	s8 =	simm.s32 $0xAC00;
	s6 =	sadd.s32 s4, s6  }
0x3eb: {  	[tilespmem:s8], [sflag:$0x3] =	stream.linear.gather [hbm4b:s6+s2], $0x400, $0x38;
	[tilespmem:$0x18400] =	vst v63  }
0x3ec: {  	s6 =	sand.u32 $0x1FFFFF80, s7  }
0x3ed: {  	s8 =	simm.s32 $0xB000;
	s6 =	sadd.s32 s4, s6  }
0x3ee: {  	[tilespmem:s8], [sflag:$0x3] =	stream.linear.gather [hbm4b:s6+s2], $0x400, $0x38;
	[tilespmem:$0x18400] =	vst v63  }
0x3ef: {  	s7 =	spop (v2sf)  }
0x3f0: {  	s6 =	sand.u32 $0x1FFFFF80, s7  }
0x3f1: {  	s8 =	simm.s32 $0xB400;
	s7 =	spop (v2sf);
	s6 =	sadd.s32 s4, s6  }
0x3f2: {  	[tilespmem:s8], [sflag:$0x3] =	stream.linear.gather [hbm4b:s6+s2], $0x400, $0x38;
	[tilespmem:$0x18400] =	vst v63  }
0x3f3: {  	s6 =	sand.u32 $0x1FFFFF80, s7  }
0x3f4: {  	s8 =	simm.s32 $0xB800;
	s7 =	spop (v2sf);
	s6 =	sadd.s32 s4, s6  }
0x3f5: {  	[tilespmem:s8], [sflag:$0x3] =	stream.linear.gather [hbm4b:s6+s2], $0x400, $0x38;
	[tilespmem:$0x18400] =	vst v63  }
0x3f6: {  	s6 =	sand.u32 $0x1FFFFF80, s7;
	s8 =	simm.s32 $0xBC00  }
.Ltmp5:
0x3f7: {  	s7 =	spop (v2sf);
	s6 =	sadd.s32 s4, s6;
	(pc) =	sbr.rel .LBB2_4-.Ltmp5, $4  }
0x3f8: {  	[tilespmem:s8], [sflag:$0x3] =	stream.linear.gather [hbm4b:s6+s2], $0x400, $0x38;
	[tilespmem:$0x18400] =	vst v63  }
0x3f9: {  	s6 =	sand.u32 $0x1FFFFF80, s7  }
0x3fa: {  	s8 =	simm.s32 $0xC000;
	s7 =	simm.s32 $0x4800;
	s6 =	sadd.s32 s4, s6  }
0x3fb: {  	[tilespmem:s8], [sflag:$0x3] =	stream.linear.gather [hbm4b:s6+s2], $0x400, $0x38;
	[tilespmem:$0x18400] =	vst v63  }
.LBB2_6:
0x3fc: {  	_ =	sfence.sel $0x180000  }
0x3fd: {  	[bflag:$0x0] =	sbarrier.arrive $0xFFFF  }
0x3fe: {  	_ =	strace $0x90000047  }
0x3ff: {  	s0 =	stileid.u32;
	[bflag:$0x2] =	sbarrier.arrive $0xFFFF  }
0x400: {  	p0 =	sne.s32 s0, $0x0;
	s0 =	rddreg [dreg:$0x3]  }
0x401: {  	s0 =	sadd.s32 @!p0 $0x100000, s0  }
0x402: {  	[sflag:s0] =	ssyncadd.tile.s32 @!p0 $0x1;
	_ =	shalt  }
.Lfunc_end2:
_tile_overlayer_lowered:
.L_overlay_start_2:
0x403: {  	(tag) =	ssettag $0x2  }
0x404: {  	s0 =	rddreg [dreg:$0x0];
	s2 =	stileid.u32  }
0x405: {  	s1 =	rddreg [dreg:$0x1];
	p0 =	sne.s32 s2, $0x0  }
0x406: {  	s3 =	rddreg [dreg:$0x2];
	[bflag:$0x3] =	sbarrier.arrive $0xFFFF;
	s2 =	simm.s32 @!p0 $0x1C05  }
0x407: {  	[timem:s3], [sflag:s2] =	dma.local @!p0 [hbm:s0], s1  }
0x408: {  	s0 =	simm.s32 @!p0 $0x5  }
0x409: {  	_ =	swait.ge @!p0 [sflag:s0], s1  }
0x40a: {  	s1 =	ssub.s32 @!p0 $0x0, s1;
	[sflag:s0] =	ssyncset.done @!p0 $0x0  }
0x40b: {  	[sflag:s0] =	ssyncadd.s32 @!p0 s1  }
0x40c: {  	[bflag:$0x3] =	sbarrier.arrive $0xFFFF  }
0x40d: {  	_ =	shalt  }

</sc_bundles>
